<compile_context>
chip_gen: v7x
topology: tpu7x:2x2x1
jax: 0.10.2.dev20260603
libtpu: 0.0.44.dev20260713+nightly
codegen_flags: <defaults>
</compile_context>

<pallas_src>
import functools

import jax
import jax.numpy as jnp
import numpy as np
from jax import lax
from jax.experimental import pallas as pl
from jax.experimental.pallas import tpu as pltpu
from jax.experimental.pallas import tpu_sc as plsc

F = 26
D = 16
FD = 3846
V = F * FD
B = 4096
P = F * (F - 1) // 2
PPAD = 328
CROSSP = PPAD * D
EPS = 1e-5
S = 1.0 / float(np.sqrt(1.0 + EPS))

NC, NS = 2, 16
NW = NC * NS
BCHUNK = 512
NCHUNK = B // BCHUNK
SUBR = BCHUNK // 128
PGRPS = NW // NCHUNK
PB = PPAD // 8
KMAX = (PB + PGRPS - 1) // PGRPS
ROWS_PER_W = B // NW

_IU, _JU = np.triu_indices(F, k=1)
_OFF = (np.arange(F, dtype=np.int64) * FD).astype(np.int32)


@functools.cache
def _make_sc_gather_cross():
  mesh = plsc.VectorSubcoreMesh(core_axis_name="c", subcore_axis_name="s",
                                num_cores=NC, num_subcores=NS)

  @functools.partial(
      pl.kernel,
      out_type=[
          jax.ShapeDtypeStruct((B // 8, PB, 8, 128), jnp.float32),
          jax.ShapeDtypeStruct((B,), jnp.float32),
      ],
      mesh=mesh,
      compiler_params=pltpu.CompilerParams(use_tc_tiling_on_sc=False),
      scratch_types=[
          pltpu.VMEM((8, SUBR, 128), jnp.int32),
          pltpu.VMEM((8, SUBR, 128), jnp.int32),
          pltpu.VMEM((BCHUNK, D), jnp.float32),
          pltpu.VMEM((BCHUNK, D), jnp.float32),
          pltpu.VMEM((BCHUNK // 8, 8, 8 * D), jnp.float32),
          pltpu.VMEM((ROWS_PER_W,), jnp.int32),
          pltpu.VMEM((ROWS_PER_W,), jnp.float32),
          pltpu.VMEM((ROWS_PER_W,), jnp.float32),
          pltpu.SemaphoreType.DMA,
          pltpu.SemaphoreType.DMA,
          pltpu.SemaphoreType.DMA,
      ],
  )
  def _sc_gather_cross(ffm, idxa, idxb, lidx_hbm, lin_tab, cross_out, lin_out,
                       idxa_v, idxb_v, rowsa_v, rowsb_v, prod_v,
                       lidx_v, lrow_v, lsum_v, sema, semb, seml):
      wid = lax.axis_index("s") * NC + lax.axis_index("c")

      cchunk = lax.rem(wid, NCHUNK)
      pgrp = lax.div(wid, NCHUNK)
      row0 = cchunk * BCHUNK

      def pair_step(k, carry):
          pb = pgrp + PGRPS * k

          @pl.when(pb < PB)
          def _():
              pltpu.sync_copy(
                  idxa.at[pl.ds(pb * 8, 8), pl.ds(cchunk * SUBR, SUBR), :],
                  idxa_v)
              pltpu.sync_copy(
                  idxb.at[pl.ds(pb * 8, 8), pl.ds(cchunk * SUBR, SUBR), :],
                  idxb_v)
              for q in range(8):
                  waits = []
                  for h in range(SUBR):
                      waits.append(pltpu.async_copy(
                          ffm.at[idxa_v.at[q, h]],
                          rowsa_v.at[pl.ds(h * 128, 128), :], sema))
                      waits.append(pltpu.async_copy(
                          ffm.at[idxb_v.at[q, h]],
                          rowsb_v.at[pl.ds(h * 128, 128), :], semb))
                  for w in waits:
                      w.wait()

                  @plsc.parallel_loop(0, BCHUNK, unroll=8)
                  def _mul(r):
                      rt = lax.shift_right_logical(r, 3)
                      rr = lax.bitwise_and(r, 7)
                      prod_v[rt, rr, pl.ds(q * D, D)] = \
                          rowsa_v[r, :] * rowsb_v[r, :]

              pltpu.sync_copy(
                  prod_v,
                  cross_out.at[pl.ds(cchunk * (BCHUNK // 8), BCHUNK // 8),
                               pb, :, :])

          return carry

      lax.fori_loop(0, KMAX, pair_step, 0)

      lbase = wid * ROWS_PER_W
      for k8 in range(8):
          lsum_v[pl.ds(k8 * 16, 16)] = jnp.zeros((16,), jnp.float32)

      def lin_step(g, carry):
          pltpu.sync_copy(lidx_hbm.at[g, wid, :], lidx_v)
          pltpu.async_copy(lin_tab.at[lidx_v], lrow_v, seml).wait()
          for k8 in range(8):
              sl = pl.ds(k8 * 16, 16)
              lsum_v[sl] = lsum_v[sl] + lrow_v[sl]
          return carry

      lax.fori_loop(0, F, lin_step, 0)
      pltpu.sync_copy(lsum_v, lin_out.at[pl.ds(lbase, ROWS_PER_W)])

  return _sc_gather_cross


VP = 100000


def _tc_transpose_body(x_ref, o_ref):
    o_ref[0] = lax.dot_general(
        x_ref[0], jnp.eye(D, dtype=jnp.float32),
        dimension_numbers=(((0,), (0,)), ((), ())),
        preferred_element_type=jnp.float32)


_VBLK = 2048
_tc_transpose = pl.pallas_call(
    _tc_transpose_body,
    grid=(F, (VP + _VBLK - 1) // _VBLK),
    in_specs=[pl.BlockSpec((1, D, _VBLK), lambda f, v: (f, 0, v))],
    out_specs=pl.BlockSpec((1, _VBLK, D), lambda f, v: (f, v, 0)),
    out_shape=jax.ShapeDtypeStruct((F, VP, D), jnp.float32),
)


def _tc_idx_body(xta_ref, sela_ref, selb_ref, sell_ref,
                 ca_ref, cb_ref, cl_ref, idxa_ref, idxb_ref, lidx_ref):
    for k in range(8):
        xa = xta_ref[:, pl.ds(k * 128, 128)]
        half = jnp.float32(0.5)
        idxa_ref[:, k, :] = (jnp.dot(
            sela_ref[...], xa, precision=lax.Precision.HIGHEST,
            preferred_element_type=jnp.float32) + half).astype(jnp.int32) \
            + ca_ref[...]
        idxb_ref[:, k, :] = (jnp.dot(
            selb_ref[...], xa, precision=lax.Precision.HIGHEST,
            preferred_element_type=jnp.float32) + half).astype(jnp.int32) \
            + cb_ref[...]
        lidx_ref[:, k, :] = (jnp.dot(
            sell_ref[...], xa, precision=lax.Precision.HIGHEST,
            preferred_element_type=jnp.float32) + half).astype(jnp.int32) \
            + cl_ref[...]


_tc_idx = pl.pallas_call(
    _tc_idx_body,
    grid=(4,),
    in_specs=[
        pl.BlockSpec((F, 1024), lambda w: (0, w)),
        pl.BlockSpec((PPAD, F), lambda w: (0, 0)),
        pl.BlockSpec((PPAD, F), lambda w: (0, 0)),
        pl.BlockSpec((F, F), lambda w: (0, 0)),
        pl.BlockSpec((PPAD, 128), lambda w: (0, 0)),
        pl.BlockSpec((PPAD, 128), lambda w: (0, 0)),
        pl.BlockSpec((F, 128), lambda w: (0, 0)),
    ],
    out_specs=[
        pl.BlockSpec((PPAD, 8, 128), lambda w: (0, w, 0)),
        pl.BlockSpec((PPAD, 8, 128), lambda w: (0, w, 0)),
        pl.BlockSpec((F, 8, 128), lambda w: (0, w, 0)),
    ],
    out_shape=[
        jax.ShapeDtypeStruct((PPAD, NW, 128), jnp.int32),
        jax.ShapeDtypeStruct((PPAD, NW, 128), jnp.int32),
        jax.ShapeDtypeStruct((F, NW, ROWS_PER_W), jnp.int32),
    ],
)


def _tc_mlp_body(cross_ref, lin_ref, w1_ref, b1_ref, w2_ref, b2_ref, w3_ref,
                 cb_ref, out_ref):
    t = jnp.zeros((_BM, 64), jnp.float32)
    for ct in range(PB):
        s2 = cross_ref[:, ct, :, :].reshape(_BM // 8 * 8, 128)
        t = t + jnp.dot(s2, w1_ref[ct], preferred_element_type=jnp.float32)
    h1 = jnp.maximum(t * (S * S) + b1_ref[...] * S, 0.0)
    h2 = jnp.dot(h1, w2_ref[...], preferred_element_type=jnp.float32) * S \
        + b2_ref[...] * S
    h2 = jnp.maximum(h2, 0.0)
    o3 = jnp.sum(h2 * w3_ref[...], axis=1)
    out_ref[...] = jax.nn.sigmoid(lin_ref[...] + o3 + cb_ref[0])


_BM = 512
_tc_mlp = pl.pallas_call(
    _tc_mlp_body,
    grid=(B // _BM,),
    in_specs=[
        pl.BlockSpec((_BM // 8, PB, 8, 128), lambda i: (i, 0, 0, 0)),
        pl.BlockSpec((_BM,), lambda i: (i,)),
        pl.BlockSpec((PB, 128, 64), lambda i: (0, 0, 0)),
        pl.BlockSpec((1, 64), lambda i: (0, 0)),
        pl.BlockSpec((64, 32), lambda i: (0, 0)),
        pl.BlockSpec((1, 32), lambda i: (0, 0)),
        pl.BlockSpec((1, 32), lambda i: (0, 0)),
        pl.BlockSpec(memory_space=pltpu.SMEM),
    ],
    out_specs=pl.BlockSpec((_BM,), lambda i: (i,)),
    out_shape=jax.ShapeDtypeStruct((B,), jnp.float32),
)


_iu_pad = np.concatenate([_IU, _IU[:PPAD - P]])
_ju_pad = np.concatenate([_JU, _JU[:PPAD - P]])
_SEL_A = np.zeros((PPAD, F), dtype=np.float32)
_SEL_A[np.arange(PPAD), _iu_pad] = 1.0
_SEL_B = np.zeros((PPAD, F), dtype=np.float32)
_SEL_B[np.arange(PPAD), _ju_pad] = 1.0
_SEL_L = np.eye(F, dtype=np.float32)
_CA = np.broadcast_to(
    (_ju_pad.astype(np.int64) * 100000 + _iu_pad * FD).astype(np.int32)
    [:, None], (PPAD, 128)).copy()
_CB = np.broadcast_to(
    (_iu_pad.astype(np.int64) * 100000 + _ju_pad * FD).astype(np.int32)
    [:, None], (PPAD, 128)).copy()
_CL = np.broadcast_to(_OFF[:, None], (F, 128)).copy()


def kernel(x, ffm_emb, lin_emb, lin_bias, W1, b1, W2, b2, W3, b3):
    x32 = x.astype(jnp.int32)
    xta = x32.T.astype(jnp.float32)
    idxa, idxb, lidx = _tc_idx(xta, jnp.asarray(_SEL_A), jnp.asarray(_SEL_B),
                               jnp.asarray(_SEL_L), jnp.asarray(_CA),
                               jnp.asarray(_CB), jnp.asarray(_CL))
    ffm_flat = _tc_transpose(jnp.transpose(ffm_emb, (0, 2, 1))).reshape(
        F * VP, D)
    lin_flat = lin_emb.reshape(V)

    cross4, lin = _make_sc_gather_cross()(ffm_flat, idxa, idxb, lidx, lin_flat)

    w1p = jnp.pad(W1, ((0, CROSSP - P * D), (0, 0))).reshape(PB, 128, 64)
    cb = (lin_bias + b3).reshape(1).astype(jnp.float32)
    return _tc_mlp(cross4, lin, w1p, b1.reshape(1, 64), W2, b2.reshape(1, 32),
                   W3.reshape(1, 32), cb)

# --- scband reference (transcript-rebuilt; emitter-appended) ---
"""Pipeline reference for scband-field-aware-neural-factorization-machine-model-flax-69913477644648 (READ-ONLY COPY).

The authoritative reference and input builder live on the scoring server;
editing this copy changes nothing except your own understanding.
"""

import jax, jax.numpy as jnp
import numpy as np

F = 26
D = 16
FIELD_DIMS = np.full(F, 3846, dtype=np.int64)
V = int(FIELD_DIMS.sum())  # 99996
OFFSETS = np.concatenate([[0], np.cumsum(FIELD_DIMS)[:-1]]).astype(np.int64)
B = 4096
CROSS_DIM = F * (F - 1) // 2 * D  # 5200
MLP_DIMS = (64, 32)
EPS = 1e-5


def setup_inputs(seed: int = 0) -> dict:
    key = jax.random.key(seed)
    ks = jax.random.split(key, 10)
    x = jax.random.randint(ks[0], (B, F), 0, 3846, dtype=jnp.int64)
    ffm_emb = jax.random.normal(ks[1], (F, V, D), dtype=jnp.float32) * 0.01
    lin_emb = jax.random.normal(ks[2], (V, 1), dtype=jnp.float32) * 0.01
    lin_bias = jnp.zeros((1,), dtype=jnp.float32)
    W1 = jax.random.normal(ks[3], (CROSS_DIM, MLP_DIMS[0]), dtype=jnp.float32) * (1.0 / np.sqrt(CROSS_DIM))
    b1 = jnp.zeros((MLP_DIMS[0],), dtype=jnp.float32)
    W2 = jax.random.normal(ks[4], (MLP_DIMS[0], MLP_DIMS[1]), dtype=jnp.float32) * (1.0 / np.sqrt(MLP_DIMS[0]))
    b2 = jnp.zeros((MLP_DIMS[1],), dtype=jnp.float32)
    W3 = jax.random.normal(ks[5], (MLP_DIMS[1], 1), dtype=jnp.float32) * (1.0 / np.sqrt(MLP_DIMS[1]))
    b3 = jnp.zeros((1,), dtype=jnp.float32)
    return {"x": x, "ffm_emb": ffm_emb, "lin_emb": lin_emb, "lin_bias": lin_bias,
            "W1": W1, "b1": b1, "W2": W2, "b2": b2, "W3": W3, "b3": b3}


def _bn_eval(h):
    # BatchNorm in eval mode with init stats (mean=0, var=1, gamma=1, beta=0)
    return h / jnp.sqrt(1.0 + EPS)


def reference(x, ffm_emb, lin_emb, lin_bias, W1, b1, W2, b2, W3, b3):
    offsets = jnp.asarray(OFFSETS)
    xo = x + offsets[None, :]  # [B, F]
    # Field-aware FM: each field f has its own table; look up all F field indices in each
    xs = jnp.take(ffm_emb, xo, axis=1)  # [F, B, F, D]
    i_idx, j_idx = np.triu_indices(F, k=1)  # 325 pairs, same order as nested loop i<j
    a = xs[j_idx, :, i_idx, :]  # [325, B, D] = embeddings[j][:, i]
    b = xs[i_idx, :, j_idx, :]  # [325, B, D] = embeddings[i][:, j]
    cross = (a * b).transpose(1, 0, 2).reshape(-1, CROSS_DIM)  # [B, 5200]
    # BatchNorm + Dropout (eval mode: dropout off)
    cross = _bn_eval(cross)
    # Linear part
    lin = jnp.take(lin_emb, xo, axis=0).sum(axis=1) + lin_bias  # [B, 1]
    # MLP
    h = cross @ W1 + b1
    h = jax.nn.relu(_bn_eval(h))
    h = h @ W2 + b2
    h = jax.nn.relu(_bn_eval(h))
    out = h @ W3 + b3  # [B, 1]
    y = lin + out
    return jax.nn.sigmoid(jnp.squeeze(y, axis=1))

if __name__ == "__main__":
    import jax
    _d = setup_inputs()
    print(jax.jit(kernel)(*tuple(_d.values())))

</pallas_src>

<mosaic_0001>
#map = affine_map<(d0, d1) -> (0, 0)>
#map1 = affine_map<(d0, d1) -> (0, 0, 0)>
#map2 = affine_map<(d0, d1) -> (0)>
#map3 = affine_map<(d0, d1) -> (0, 0, 0, 0)>
module attributes {stable_mosaic.version = 14 : i64} {
  func.func @_sc_gather_cross(%arg0: i32, %arg1: i32, %arg2: memref<2600000x16xf32, #tpu.memory_space<hbm>>, %arg3: memref<328x32x128xi32, #tpu.memory_space<hbm>>, %arg4: memref<328x32x128xi32, #tpu.memory_space<hbm>>, %arg5: memref<26x32x128xi32, #tpu.memory_space<hbm>>, %arg6: memref<99996xf32, #tpu.memory_space<hbm>>, %arg7: memref<512x41x8x128xf32, #tpu.memory_space<hbm>>, %arg8: memref<4096xf32, #tpu.memory_space<hbm>>, %arg9: memref<8x4x128xi32, #tpu.memory_space<vmem>>, %arg10: memref<8x4x128xi32, #tpu.memory_space<vmem>>, %arg11: memref<512x16xf32, #tpu.memory_space<vmem>>, %arg12: memref<512x16xf32, #tpu.memory_space<vmem>>, %arg13: memref<64x8x128xf32, #tpu.memory_space<vmem>>, %arg14: memref<128xi32, #tpu.memory_space<vmem>>, %arg15: memref<128xf32, #tpu.memory_space<vmem>>, %arg16: memref<128xf32, #tpu.memory_space<vmem>>, %arg17: memref<!tpu.dma_semaphore, #tpu.memory_space<semaphore_mem>>, %arg18: memref<!tpu.dma_semaphore, #tpu.memory_space<semaphore_mem>>, %arg19: memref<!tpu.dma_semaphore, #tpu.memory_space<semaphore_mem>>) attributes {dimension_semantics = [#tpu.dimension_semantics<core_parallel>, #tpu.dimension_semantics<subcore_parallel>], iteration_bounds = array<i64: 2, 16>, scalar_prefetch = 0 : i64, scratch_operands = 11 : i64, tpu.core_type = #tpu.core_type<sc_vector_subcore>, window_params = [{transform_indices = #map}, {transform_indices = #map1}, {transform_indices = #map1}, {transform_indices = #map1}, {transform_indices = #map2}, {transform_indices = #map3}, {transform_indices = #map2}]} {
    %mul3A = arith.constant 2 : i32
    %mul3A_0 = arith.muli %arg1, %mul3A : i32
    %add3A = arith.addi %mul3A_0, %arg0 : i32
    %rem3A = arith.constant 8 : i32
    %rem3A_1 = arith.remsi %add3A, %rem3A : i32
    %div3A = arith.constant 8 : i32
    %div3A_2 = arith.divsi %add3A, %div3A : i32
    %mul3A_3 = arith.constant 512 : i32
    %mul3A_4 = arith.muli %rem3A_1, %mul3A_3 : i32
    %scan3A = arith.constant 0 : i32
    %scan3A_5 = arith.constant 0 : i32
    %scan3A_6 = arith.constant 11 : i32
    %scan3A_7 = arith.addi %scan3A_5, %scan3A_6 : i32
    %scan3A_8 = arith.constant 1 : i32
    scf.for %scan3A_64 = %scan3A_5 to %scan3A_7 step %scan3A_8  : i32 {
      %mul3A_65 = arith.constant 4 : i32
      %mul3A_66 = arith.muli %mul3A_65, %scan3A_64 : i32
      %add3A_67 = arith.addi %div3A_2, %mul3A_66 : i32
      %lt3A = arith.constant 41 : i32
      %lt3A_68 = arith.cmpi slt, %add3A_67, %lt3A : i32
      %convert_element_type3A = arith.extui %lt3A_68 : i1 to i32
      %cond3A = arith.constant 0 : i32
      %cond3A_69 = arith.cmpi ne, %convert_element_type3A, %cond3A : i32
      scf.if %cond3A_69 {
        %mul3A_70 = arith.constant 8 : i32
        %mul3A_71 = arith.muli %add3A_67, %mul3A_70 : i32
        %mul3A_72 = arith.constant 4 : i32
        %mul3A_73 = arith.muli %rem3A_1, %mul3A_72 : i32
        "tpu.region"() ({
          %run_scoped3A = tpu.sem_alloc : memref<!tpu.dma_semaphore, #tpu.memory_space<semaphore_mem>>
          %dma_start3A_1509 = arith.constant 0 : i32
          %dma_start3A_1510 = tpu.memref_slice %arg3[%mul3A_71, %mul3A_73, %dma_start3A_1509] : memref<328x32x128xi32, #tpu.memory_space<hbm>> -> memref<8x4x128xi32, #tpu.memory_space<hbm>>
          %dma_start3A_1511 = arith.constant 0 : i32
          %dma_start3A_1512 = tpu.memref_slice %arg3[%mul3A_71, %mul3A_73, %dma_start3A_1511] : memref<328x32x128xi32, #tpu.memory_space<hbm>> -> memref<8x4x128xi32, #tpu.memory_space<hbm>>
          tpu.enqueue_dma source(%dma_start3A_1512 : memref<8x4x128xi32, #tpu.memory_space<hbm>>) target(%arg9 : memref<8x4x128xi32, #tpu.memory_space<vmem>>) target_semaphore(%run_scoped3A : memref<!tpu.dma_semaphore, #tpu.memory_space<semaphore_mem>>)
          %dma_wait3A_1513 = arith.constant 0 : i32
          %dma_wait3A_1514 = tpu.memref_slice %arg3[%mul3A_71, %mul3A_73, %dma_wait3A_1513] : memref<328x32x128xi32, #tpu.memory_space<hbm>> -> memref<8x4x128xi32, #tpu.memory_space<hbm>>
          %dma_wait3A_1515 = arith.constant 0 : i32
          %dma_wait3A_1516 = tpu.memref_slice %arg3[%mul3A_71, %mul3A_73, %dma_wait3A_1515] : memref<328x32x128xi32, #tpu.memory_space<hbm>> -> memref<8x4x128xi32, #tpu.memory_space<hbm>>
          tpu.wait_dma2 semaphore(%run_scoped3A : memref<!tpu.dma_semaphore, #tpu.memory_space<semaphore_mem>>) src(%dma_wait3A_1516 : memref<8x4x128xi32, #tpu.memory_space<hbm>>) dst(%arg9 : memref<8x4x128xi32, #tpu.memory_space<vmem>>)
          tpu.yield
        }) : () -> ()
        %mul3A_74 = arith.constant 8 : i32
        %mul3A_75 = arith.muli %add3A_67, %mul3A_74 : i32
        %mul3A_76 = arith.constant 4 : i32
        %mul3A_77 = arith.muli %rem3A_1, %mul3A_76 : i32
        "tpu.region"() ({
          %run_scoped3A = tpu.sem_alloc : memref<!tpu.dma_semaphore, #tpu.memory_space<semaphore_mem>>
          %dma_start3A_1509 = arith.constant 0 : i32
          %dma_start3A_1510 = tpu.memref_slice %arg4[%mul3A_75, %mul3A_77, %dma_start3A_1509] : memref<328x32x128xi32, #tpu.memory_space<hbm>> -> memref<8x4x128xi32, #tpu.memory_space<hbm>>
          %dma_start3A_1511 = arith.constant 0 : i32
          %dma_start3A_1512 = tpu.memref_slice %arg4[%mul3A_75, %mul3A_77, %dma_start3A_1511] : memref<328x32x128xi32, #tpu.memory_space<hbm>> -> memref<8x4x128xi32, #tpu.memory_space<hbm>>
          tpu.enqueue_dma source(%dma_start3A_1512 : memref<8x4x128xi32, #tpu.memory_space<hbm>>) target(%arg10 : memref<8x4x128xi32, #tpu.memory_space<vmem>>) target_semaphore(%run_scoped3A : memref<!tpu.dma_semaphore, #tpu.memory_space<semaphore_mem>>)
          %dma_wait3A_1513 = arith.constant 0 : i32
          %dma_wait3A_1514 = tpu.memref_slice %arg4[%mul3A_75, %mul3A_77, %dma_wait3A_1513] : memref<328x32x128xi32, #tpu.memory_space<hbm>> -> memref<8x4x128xi32, #tpu.memory_space<hbm>>
          %dma_wait3A_1515 = arith.constant 0 : i32
          %dma_wait3A_1516 = tpu.memref_slice %arg4[%mul3A_75, %mul3A_77, %dma_wait3A_1515] : memref<328x32x128xi32, #tpu.memory_space<hbm>> -> memref<8x4x128xi32, #tpu.memory_space<hbm>>
          tpu.wait_dma2 semaphore(%run_scoped3A : memref<!tpu.dma_semaphore, #tpu.memory_space<semaphore_mem>>) src(%dma_wait3A_1516 : memref<8x4x128xi32, #tpu.memory_space<hbm>>) dst(%arg10 : memref<8x4x128xi32, #tpu.memory_space<vmem>>)
          tpu.yield
        }) : () -> ()
        %dma_start3A = arith.constant 0 : i32
        %dma_start3A_78 = arith.constant 0 : i32
        %dma_start3A_79 = arith.constant 0 : i32
        %dma_start3A_80 = arith.constant 0 : i32
        %dma_start3A_81 = tpu.memref_slice %arg11[%dma_start3A_79, %dma_start3A_80] : memref<512x16xf32, #tpu.memory_space<vmem>> -> memref<128x16xf32, #tpu.memory_space<vmem>>
        %dma_start3A_82 = arith.constant 0 : i32
        %dma_start3A_83 = tpu.memref_slice %arg9[%dma_start3A, %dma_start3A_78, %dma_start3A_82] : memref<8x4x128xi32, #tpu.memory_space<vmem>> -> memref<1x1x128xi32, #tpu.memory_space<vmem>>
        %dma_start3A_84 = tpu.memref_squeeze %dma_start3A_83 : memref<1x1x128xi32, #tpu.memory_space<vmem>> -> memref<128xi32, #tpu.memory_space<vmem>>
        %dma_start3A_85 = arith.constant 0 : i32
        %dma_start3A_86 = arith.constant 0 : i32
        %dma_start3A_87 = tpu.memref_slice %arg2[%dma_start3A_85, %dma_start3A_86] : memref<2600000x16xf32, #tpu.memory_space<hbm>> -> memref<2600000x16xf32, #tpu.memory_space<hbm>>
        tpu.enqueue_indirect_dma source(%dma_start3A_87 : memref<2600000x16xf32, #tpu.memory_space<hbm>>) target(%dma_start3A_81 : memref<128x16xf32, #tpu.memory_space<vmem>>) offsets(%dma_start3A_84 : memref<128xi32, #tpu.memory_space<vmem>>) semaphore(%arg17 : memref<!tpu.dma_semaphore, #tpu.memory_space<semaphore_mem>>)
        %dma_start3A_88 = arith.constant 0 : i32
        %dma_start3A_89 = arith.constant 0 : i32
        %dma_start3A_90 = arith.constant 0 : i32
        %dma_start3A_91 = arith.constant 0 : i32
        %dma_start3A_92 = tpu.memref_slice %arg12[%dma_start3A_90, %dma_start3A_91] : memref<512x16xf32, #tpu.memory_space<vmem>> -> memref<128x16xf32, #tpu.memory_space<vmem>>
        %dma_start3A_93 = arith.constant 0 : i32
        %dma_start3A_94 = tpu.memref_slice %arg10[%dma_start3A_88, %dma_start3A_89, %dma_start3A_93] : memref<8x4x128xi32, #tpu.memory_space<vmem>> -> memref<1x1x128xi32, #tpu.memory_space<vmem>>
        %dma_start3A_95 = tpu.memref_squeeze %dma_start3A_94 : memref<1x1x128xi32, #tpu.memory_space<vmem>> -> memref<128xi32, #tpu.memory_space<vmem>>
        %dma_start3A_96 = arith.constant 0 : i32
        %dma_start3A_97 = arith.constant 0 : i32
        %dma_start3A_98 = tpu.memref_slice %arg2[%dma_start3A_96, %dma_start3A_97] : memref<2600000x16xf32, #tpu.memory_space<hbm>> -> memref<2600000x16xf32, #tpu.memory_space<hbm>>
        tpu.enqueue_indirect_dma source(%dma_start3A_98 : memref<2600000x16xf32, #tpu.memory_space<hbm>>) target(%dma_start3A_92 : memref<128x16xf32, #tpu.memory_space<vmem>>) offsets(%dma_start3A_95 : memref<128xi32, #tpu.memory_space<vmem>>) semaphore(%arg18 : memref<!tpu.dma_semaphore, #tpu.memory_space<semaphore_mem>>)
        %dma_start3A_99 = arith.constant 0 : i32
        %dma_start3A_100 = arith.constant 1 : i32
        %dma_start3A_101 = arith.constant 128 : i32
        %dma_start3A_102 = arith.constant 0 : i32
        %dma_start3A_103 = tpu.memref_slice %arg11[%dma_start3A_101, %dma_start3A_102] : memref<512x16xf32, #tpu.memory_space<vmem>> -> memref<128x16xf32, #tpu.memory_space<vmem>>
        %dma_start3A_104 = arith.constant 0 : i32
        %dma_start3A_105 = tpu.memref_slice %arg9[%dma_start3A_99, %dma_start3A_100, %dma_start3A_104] : memref<8x4x128xi32, #tpu.memory_space<vmem>> -> memref<1x1x128xi32, #tpu.memory_space<vmem>>
        %dma_start3A_106 = tpu.memref_squeeze %dma_start3A_105 : memref<1x1x128xi32, #tpu.memory_space<vmem>> -> memref<128xi32, #tpu.memory_space<vmem>>
        %dma_start3A_107 = arith.constant 0 : i32
        %dma_start3A_108 = arith.constant 0 : i32
        %dma_start3A_109 = tpu.memref_slice %arg2[%dma_start3A_107, %dma_start3A_108] : memref<2600000x16xf32, #tpu.memory_space<hbm>> -> memref<2600000x16xf32, #tpu.memory_space<hbm>>
        tpu.enqueue_indirect_dma source(%dma_start3A_109 : memref<2600000x16xf32, #tpu.memory_space<hbm>>) target(%dma_start3A_103 : memref<128x16xf32, #tpu.memory_space<vmem>>) offsets(%dma_start3A_106 : memref<128xi32, #tpu.memory_space<vmem>>) semaphore(%arg17 : memref<!tpu.dma_semaphore, #tpu.memory_space<semaphore_mem>>)
        %dma_start3A_110 = arith.constant 0 : i32
        %dma_start3A_111 = arith.constant 1 : i32
        %dma_start3A_112 = arith.constant 128 : i32
        %dma_start3A_113 = arith.constant 0 : i32
        %dma_start3A_114 = tpu.memref_slice %arg12[%dma_start3A_112, %dma_start3A_113] : memref<512x16xf32, #tpu.memory_space<vmem>> -> memref<128x16xf32, #tpu.memory_space<vmem>>
        %dma_start3A_115 = arith.constant 0 : i32
        %dma_start3A_116 = tpu.memref_slice %arg10[%dma_start3A_110, %dma_start3A_111, %dma_start3A_115] : memref<8x4x128xi32, #tpu.memory_space<vmem>> -> memref<1x1x128xi32, #tpu.memory_space<vmem>>
        %dma_start3A_117 = tpu.memref_squeeze %dma_start3A_116 : memref<1x1x128xi32, #tpu.memory_space<vmem>> -> memref<128xi32, #tpu.memory_space<vmem>>
        %dma_start3A_118 = arith.constant 0 : i32
        %dma_start3A_119 = arith.constant 0 : i32
        %dma_start3A_120 = tpu.memref_slice %arg2[%dma_start3A_118, %dma_start3A_119] : memref<2600000x16xf32, #tpu.memory_space<hbm>> -> memref<2600000x16xf32, #tpu.memory_space<hbm>>
        tpu.enqueue_indirect_dma source(%dma_start3A_120 : memref<2600000x16xf32, #tpu.memory_space<hbm>>) target(%dma_start3A_114 : memref<128x16xf32, #tpu.memory_space<vmem>>) offsets(%dma_start3A_117 : memref<128xi32, #tpu.memory_space<vmem>>) semaphore(%arg18 : memref<!tpu.dma_semaphore, #tpu.memory_space<semaphore_mem>>)
        %dma_start3A_121 = arith.constant 0 : i32
        %dma_start3A_122 = arith.constant 2 : i32
        %dma_start3A_123 = arith.constant 256 : i32
        %dma_start3A_124 = arith.constant 0 : i32
        %dma_start3A_125 = tpu.memref_slice %arg11[%dma_start3A_123, %dma_start3A_124] : memref<512x16xf32, #tpu.memory_space<vmem>> -> memref<128x16xf32, #tpu.memory_space<vmem>>
        %dma_start3A_126 = arith.constant 0 : i32
        %dma_start3A_127 = tpu.memref_slice %arg9[%dma_start3A_121, %dma_start3A_122, %dma_start3A_126] : memref<8x4x128xi32, #tpu.memory_space<vmem>> -> memref<1x1x128xi32, #tpu.memory_space<vmem>>
        %dma_start3A_128 = tpu.memref_squeeze %dma_start3A_127 : memref<1x1x128xi32, #tpu.memory_space<vmem>> -> memref<128xi32, #tpu.memory_space<vmem>>
        %dma_start3A_129 = arith.constant 0 : i32
        %dma_start3A_130 = arith.constant 0 : i32
        %dma_start3A_131 = tpu.memref_slice %arg2[%dma_start3A_129, %dma_start3A_130] : memref<2600000x16xf32, #tpu.memory_space<hbm>> -> memref<2600000x16xf32, #tpu.memory_space<hbm>>
        tpu.enqueue_indirect_dma source(%dma_start3A_131 : memref<2600000x16xf32, #tpu.memory_space<hbm>>) target(%dma_start3A_125 : memref<128x16xf32, #tpu.memory_space<vmem>>) offsets(%dma_start3A_128 : memref<128xi32, #tpu.memory_space<vmem>>) semaphore(%arg17 : memref<!tpu.dma_semaphore, #tpu.memory_space<semaphore_mem>>)
        %dma_start3A_132 = arith.constant 0 : i32
        %dma_start3A_133 = arith.constant 2 : i32
        %dma_start3A_134 = arith.constant 256 : i32
        %dma_start3A_135 = arith.constant 0 : i32
        %dma_start3A_136 = tpu.memref_slice %arg12[%dma_start3A_134, %dma_start3A_135] : memref<512x16xf32, #tpu.memory_space<vmem>> -> memref<128x16xf32, #tpu.memory_space<vmem>>
        %dma_start3A_137 = arith.constant 0 : i32
        %dma_start3A_138 = tpu.memref_slice %arg10[%dma_start3A_132, %dma_start3A_133, %dma_start3A_137] : memref<8x4x128xi32, #tpu.memory_space<vmem>> -> memref<1x1x128xi32, #tpu.memory_space<vmem>>
        %dma_start3A_139 = tpu.memref_squeeze %dma_start3A_138 : memref<1x1x128xi32, #tpu.memory_space<vmem>> -> memref<128xi32, #tpu.memory_space<vmem>>
        %dma_start3A_140 = arith.constant 0 : i32
        %dma_start3A_141 = arith.constant 0 : i32
        %dma_start3A_142 = tpu.memref_slice %arg2[%dma_start3A_140, %dma_start3A_141] : memref<2600000x16xf32, #tpu.memory_space<hbm>> -> memref<2600000x16xf32, #tpu.memory_space<hbm>>
        tpu.enqueue_indirect_dma source(%dma_start3A_142 : memref<2600000x16xf32, #tpu.memory_space<hbm>>) target(%dma_start3A_136 : memref<128x16xf32, #tpu.memory_space<vmem>>) offsets(%dma_start3A_139 : memref<128xi32, #tpu.memory_space<vmem>>) semaphore(%arg18 : memref<!tpu.dma_semaphore, #tpu.memory_space<semaphore_mem>>)
        %dma_start3A_143 = arith.constant 0 : i32
        %dma_start3A_144 = arith.constant 3 : i32
        %dma_start3A_145 = arith.constant 384 : i32
        %dma_start3A_146 = arith.constant 0 : i32
        %dma_start3A_147 = tpu.memref_slice %arg11[%dma_start3A_145, %dma_start3A_146] : memref<512x16xf32, #tpu.memory_space<vmem>> -> memref<128x16xf32, #tpu.memory_space<vmem>>
        %dma_start3A_148 = arith.constant 0 : i32
        %dma_start3A_149 = tpu.memref_slice %arg9[%dma_start3A_143, %dma_start3A_144, %dma_start3A_148] : memref<8x4x128xi32, #tpu.memory_space<vmem>> -> memref<1x1x128xi32, #tpu.memory_space<vmem>>
        %dma_start3A_150 = tpu.memref_squeeze %dma_start3A_149 : memref<1x1x128xi32, #tpu.memory_space<vmem>> -> memref<128xi32, #tpu.memory_space<vmem>>
        %dma_start3A_151 = arith.constant 0 : i32
        %dma_start3A_152 = arith.constant 0 : i32
        %dma_start3A_153 = tpu.memref_slice %arg2[%dma_start3A_151, %dma_start3A_152] : memref<2600000x16xf32, #tpu.memory_space<hbm>> -> memref<2600000x16xf32, #tpu.memory_space<hbm>>
        tpu.enqueue_indirect_dma source(%dma_start3A_153 : memref<2600000x16xf32, #tpu.memory_space<hbm>>) target(%dma_start3A_147 : memref<128x16xf32, #tpu.memory_space<vmem>>) offsets(%dma_start3A_150 : memref<128xi32, #tpu.memory_space<vmem>>) semaphore(%arg17 : memref<!tpu.dma_semaphore, #tpu.memory_space<semaphore_mem>>)
        %dma_start3A_154 = arith.constant 0 : i32
        %dma_start3A_155 = arith.constant 3 : i32
        %dma_start3A_156 = arith.constant 384 : i32
        %dma_start3A_157 = arith.constant 0 : i32
        %dma_start3A_158 = tpu.memref_slice %arg12[%dma_start3A_156, %dma_start3A_157] : memref<512x16xf32, #tpu.memory_space<vmem>> -> memref<128x16xf32, #tpu.memory_space<vmem>>
        %dma_start3A_159 = arith.constant 0 : i32
        %dma_start3A_160 = tpu.memref_slice %arg10[%dma_start3A_154, %dma_start3A_155, %dma_start3A_159] : memref<8x4x128xi32, #tpu.memory_space<vmem>> -> memref<1x1x128xi32, #tpu.memory_space<vmem>>
        %dma_start3A_161 = tpu.memref_squeeze %dma_start3A_160 : memref<1x1x128xi32, #tpu.memory_space<vmem>> -> memref<128xi32, #tpu.memory_space<vmem>>
        %dma_start3A_162 = arith.constant 0 : i32
        %dma_start3A_163 = arith.constant 0 : i32
        %dma_start3A_164 = tpu.memref_slice %arg2[%dma_start3A_162, %dma_start3A_163] : memref<2600000x16xf32, #tpu.memory_space<hbm>> -> memref<2600000x16xf32, #tpu.memory_space<hbm>>
        tpu.enqueue_indirect_dma source(%dma_start3A_164 : memref<2600000x16xf32, #tpu.memory_space<hbm>>) target(%dma_start3A_158 : memref<128x16xf32, #tpu.memory_space<vmem>>) offsets(%dma_start3A_161 : memref<128xi32, #tpu.memory_space<vmem>>) semaphore(%arg18 : memref<!tpu.dma_semaphore, #tpu.memory_space<semaphore_mem>>)
        %dma_wait3A = arith.constant 0 : i32
        %dma_wait3A_165 = arith.constant 0 : i32
        %dma_wait3A_166 = arith.constant 0 : i32
        %dma_wait3A_167 = arith.constant 0 : i32
        %dma_wait3A_168 = tpu.memref_slice %arg11[%dma_wait3A_166, %dma_wait3A_167] : memref<512x16xf32, #tpu.memory_space<vmem>> -> memref<128x16xf32, #tpu.memory_space<vmem>>
        %dma_wait3A_169 = arith.constant 0 : i32
        %dma_wait3A_170 = tpu.memref_slice %arg9[%dma_wait3A, %dma_wait3A_165, %dma_wait3A_169] : memref<8x4x128xi32, #tpu.memory_space<vmem>> -> memref<1x1x128xi32, #tpu.memory_space<vmem>>
        %dma_wait3A_171 = tpu.memref_squeeze %dma_wait3A_170 : memref<1x1x128xi32, #tpu.memory_space<vmem>> -> memref<128xi32, #tpu.memory_space<vmem>>
        %dma_wait3A_172 = arith.constant 0 : i32
        %dma_wait3A_173 = arith.constant 0 : i32
        %dma_wait3A_174 = tpu.memref_slice %arg2[%dma_wait3A_172, %dma_wait3A_173] : memref<2600000x16xf32, #tpu.memory_space<hbm>> -> memref<2600000x16xf32, #tpu.memory_space<hbm>>
        tpu.wait_indirect_dma semaphore(%arg17 : memref<!tpu.dma_semaphore, #tpu.memory_space<semaphore_mem>>) src(%dma_wait3A_174 : memref<2600000x16xf32, #tpu.memory_space<hbm>>) dst(%dma_wait3A_168 : memref<128x16xf32, #tpu.memory_space<vmem>>)
        %dma_wait3A_175 = arith.constant 0 : i32
        %dma_wait3A_176 = arith.constant 0 : i32
        %dma_wait3A_177 = arith.constant 0 : i32
        %dma_wait3A_178 = arith.constant 0 : i32
        %dma_wait3A_179 = tpu.memref_slice %arg12[%dma_wait3A_177, %dma_wait3A_178] : memref<512x16xf32, #tpu.memory_space<vmem>> -> memref<128x16xf32, #tpu.memory_space<vmem>>
        %dma_wait3A_180 = arith.constant 0 : i32
        %dma_wait3A_181 = tpu.memref_slice %arg10[%dma_wait3A_175, %dma_wait3A_176, %dma_wait3A_180] : memref<8x4x128xi32, #tpu.memory_space<vmem>> -> memref<1x1x128xi32, #tpu.memory_space<vmem>>
        %dma_wait3A_182 = tpu.memref_squeeze %dma_wait3A_181 : memref<1x1x128xi32, #tpu.memory_space<vmem>> -> memref<128xi32, #tpu.memory_space<vmem>>
        %dma_wait3A_183 = arith.constant 0 : i32
        %dma_wait3A_184 = arith.constant 0 : i32
        %dma_wait3A_185 = tpu.memref_slice %arg2[%dma_wait3A_183, %dma_wait3A_184] : memref<2600000x16xf32, #tpu.memory_space<hbm>> -> memref<2600000x16xf32, #tpu.memory_space<hbm>>
        tpu.wait_indirect_dma semaphore(%arg18 : memref<!tpu.dma_semaphore, #tpu.memory_space<semaphore_mem>>) src(%dma_wait3A_185 : memref<2600000x16xf32, #tpu.memory_space<hbm>>) dst(%dma_wait3A_179 : memref<128x16xf32, #tpu.memory_space<vmem>>)
        %dma_wait3A_186 = arith.constant 0 : i32
        %dma_wait3A_187 = arith.constant 1 : i32
        %dma_wait3A_188 = arith.constant 128 : i32
        %dma_wait3A_189 = arith.constant 0 : i32
        %dma_wait3A_190 = tpu.memref_slice %arg11[%dma_wait3A_188, %dma_wait3A_189] : memref<512x16xf32, #tpu.memory_space<vmem>> -> memref<128x16xf32, #tpu.memory_space<vmem>>
        %dma_wait3A_191 = arith.constant 0 : i32
        %dma_wait3A_192 = tpu.memref_slice %arg9[%dma_wait3A_186, %dma_wait3A_187, %dma_wait3A_191] : memref<8x4x128xi32, #tpu.memory_space<vmem>> -> memref<1x1x128xi32, #tpu.memory_space<vmem>>
        %dma_wait3A_193 = tpu.memref_squeeze %dma_wait3A_192 : memref<1x1x128xi32, #tpu.memory_space<vmem>> -> memref<128xi32, #tpu.memory_space<vmem>>
        %dma_wait3A_194 = arith.constant 0 : i32
        %dma_wait3A_195 = arith.constant 0 : i32
        %dma_wait3A_196 = tpu.memref_slice %arg2[%dma_wait3A_194, %dma_wait3A_195] : memref<2600000x16xf32, #tpu.memory_space<hbm>> -> memref<2600000x16xf32, #tpu.memory_space<hbm>>
        tpu.wait_indirect_dma semaphore(%arg17 : memref<!tpu.dma_semaphore, #tpu.memory_space<semaphore_mem>>) src(%dma_wait3A_196 : memref<2600000x16xf32, #tpu.memory_space<hbm>>) dst(%dma_wait3A_190 : memref<128x16xf32, #tpu.memory_space<vmem>>)
        %dma_wait3A_197 = arith.constant 0 : i32
        %dma_wait3A_198 = arith.constant 1 : i32
        %dma_wait3A_199 = arith.constant 128 : i32
        %dma_wait3A_200 = arith.constant 0 : i32
        %dma_wait3A_201 = tpu.memref_slice %arg12[%dma_wait3A_199, %dma_wait3A_200] : memref<512x16xf32, #tpu.memory_space<vmem>> -> memref<128x16xf32, #tpu.memory_space<vmem>>
        %dma_wait3A_202 = arith.constant 0 : i32
        %dma_wait3A_203 = tpu.memref_slice %arg10[%dma_wait3A_197, %dma_wait3A_198, %dma_wait3A_202] : memref<8x4x128xi32, #tpu.memory_space<vmem>> -> memref<1x1x128xi32, #tpu.memory_space<vmem>>
        %dma_wait3A_204 = tpu.memref_squeeze %dma_wait3A_203 : memref<1x1x128xi32, #tpu.memory_space<vmem>> -> memref<128xi32, #tpu.memory_space<vmem>>
        %dma_wait3A_205 = arith.constant 0 : i32
        %dma_wait3A_206 = arith.constant 0 : i32
        %dma_wait3A_207 = tpu.memref_slice %arg2[%dma_wait3A_205, %dma_wait3A_206] : memref<2600000x16xf32, #tpu.memory_space<hbm>> -> memref<2600000x16xf32, #tpu.memory_space<hbm>>
        tpu.wait_indirect_dma semaphore(%arg18 : memref<!tpu.dma_semaphore, #tpu.memory_space<semaphore_mem>>) src(%dma_wait3A_207 : memref<2600000x16xf32, #tpu.memory_space<hbm>>) dst(%dma_wait3A_201 : memref<128x16xf32, #tpu.memory_space<vmem>>)
        %dma_wait3A_208 = arith.constant 0 : i32
        %dma_wait3A_209 = arith.constant 2 : i32
        %dma_wait3A_210 = arith.constant 256 : i32
        %dma_wait3A_211 = arith.constant 0 : i32
        %dma_wait3A_212 = tpu.memref_slice %arg11[%dma_wait3A_210, %dma_wait3A_211] : memref<512x16xf32, #tpu.memory_space<vmem>> -> memref<128x16xf32, #tpu.memory_space<vmem>>
        %dma_wait3A_213 = arith.constant 0 : i32
        %dma_wait3A_214 = tpu.memref_slice %arg9[%dma_wait3A_208, %dma_wait3A_209, %dma_wait3A_213] : memref<8x4x128xi32, #tpu.memory_space<vmem>> -> memref<1x1x128xi32, #tpu.memory_space<vmem>>
        %dma_wait3A_215 = tpu.memref_squeeze %dma_wait3A_214 : memref<1x1x128xi32, #tpu.memory_space<vmem>> -> memref<128xi32, #tpu.memory_space<vmem>>
        %dma_wait3A_216 = arith.constant 0 : i32
        %dma_wait3A_217 = arith.constant 0 : i32
        %dma_wait3A_218 = tpu.memref_slice %arg2[%dma_wait3A_216, %dma_wait3A_217] : memref<2600000x16xf32, #tpu.memory_space<hbm>> -> memref<2600000x16xf32, #tpu.memory_space<hbm>>
        tpu.wait_indirect_dma semaphore(%arg17 : memref<!tpu.dma_semaphore, #tpu.memory_space<semaphore_mem>>) src(%dma_wait3A_218 : memref<2600000x16xf32, #tpu.memory_space<hbm>>) dst(%dma_wait3A_212 : memref<128x16xf32, #tpu.memory_space<vmem>>)
        %dma_wait3A_219 = arith.constant 0 : i32
        %dma_wait3A_220 = arith.constant 2 : i32
        %dma_wait3A_221 = arith.constant 256 : i32
        %dma_wait3A_222 = arith.constant 0 : i32
        %dma_wait3A_223 = tpu.memref_slice %arg12[%dma_wait3A_221, %dma_wait3A_222] : memref<512x16xf32, #tpu.memory_space<vmem>> -> memref<128x16xf32, #tpu.memory_space<vmem>>
        %dma_wait3A_224 = arith.constant 0 : i32
        %dma_wait3A_225 = tpu.memref_slice %arg10[%dma_wait3A_219, %dma_wait3A_220, %dma_wait3A_224] : memref<8x4x128xi32, #tpu.memory_space<vmem>> -> memref<1x1x128xi32, #tpu.memory_space<vmem>>
        %dma_wait3A_226 = tpu.memref_squeeze %dma_wait3A_225 : memref<1x1x128xi32, #tpu.memory_space<vmem>> -> memref<128xi32, #tpu.memory_space<vmem>>
        %dma_wait3A_227 = arith.constant 0 : i32
        %dma_wait3A_228 = arith.constant 0 : i32
        %dma_wait3A_229 = tpu.memref_slice %arg2[%dma_wait3A_227, %dma_wait3A_228] : memref<2600000x16xf32, #tpu.memory_space<hbm>> -> memref<2600000x16xf32, #tpu.memory_space<hbm>>
        tpu.wait_indirect_dma semaphore(%arg18 : memref<!tpu.dma_semaphore, #tpu.memory_space<semaphore_mem>>) src(%dma_wait3A_229 : memref<2600000x16xf32, #tpu.memory_space<hbm>>) dst(%dma_wait3A_223 : memref<128x16xf32, #tpu.memory_space<vmem>>)
        %dma_wait3A_230 = arith.constant 0 : i32
        %dma_wait3A_231 = arith.constant 3 : i32
        %dma_wait3A_232 = arith.constant 384 : i32
        %dma_wait3A_233 = arith.constant 0 : i32
        %dma_wait3A_234 = tpu.memref_slice %arg11[%dma_wait3A_232, %dma_wait3A_233] : memref<512x16xf32, #tpu.memory_space<vmem>> -> memref<128x16xf32, #tpu.memory_space<vmem>>
        %dma_wait3A_235 = arith.constant 0 : i32
        %dma_wait3A_236 = tpu.memref_slice %arg9[%dma_wait3A_230, %dma_wait3A_231, %dma_wait3A_235] : memref<8x4x128xi32, #tpu.memory_space<vmem>> -> memref<1x1x128xi32, #tpu.memory_space<vmem>>
        %dma_wait3A_237 = tpu.memref_squeeze %dma_wait3A_236 : memref<1x1x128xi32, #tpu.memory_space<vmem>> -> memref<128xi32, #tpu.memory_space<vmem>>
        %dma_wait3A_238 = arith.constant 0 : i32
        %dma_wait3A_239 = arith.constant 0 : i32
        %dma_wait3A_240 = tpu.memref_slice %arg2[%dma_wait3A_238, %dma_wait3A_239] : memref<2600000x16xf32, #tpu.memory_space<hbm>> -> memref<2600000x16xf32, #tpu.memory_space<hbm>>
        tpu.wait_indirect_dma semaphore(%arg17 : memref<!tpu.dma_semaphore, #tpu.memory_space<semaphore_mem>>) src(%dma_wait3A_240 : memref<2600000x16xf32, #tpu.memory_space<hbm>>) dst(%dma_wait3A_234 : memref<128x16xf32, #tpu.memory_space<vmem>>)
        %dma_wait3A_241 = arith.constant 0 : i32
        %dma_wait3A_242 = arith.constant 3 : i32
        %dma_wait3A_243 = arith.constant 384 : i32
        %dma_wait3A_244 = arith.constant 0 : i32
        %dma_wait3A_245 = tpu.memref_slice %arg12[%dma_wait3A_243, %dma_wait3A_244] : memref<512x16xf32, #tpu.memory_space<vmem>> -> memref<128x16xf32, #tpu.memory_space<vmem>>
        %dma_wait3A_246 = arith.constant 0 : i32
        %dma_wait3A_247 = tpu.memref_slice %arg10[%dma_wait3A_241, %dma_wait3A_242, %dma_wait3A_246] : memref<8x4x128xi32, #tpu.memory_space<vmem>> -> memref<1x1x128xi32, #tpu.memory_space<vmem>>
        %dma_wait3A_248 = tpu.memref_squeeze %dma_wait3A_247 : memref<1x1x128xi32, #tpu.memory_space<vmem>> -> memref<128xi32, #tpu.memory_space<vmem>>
        %dma_wait3A_249 = arith.constant 0 : i32
        %dma_wait3A_250 = arith.constant 0 : i32
        %dma_wait3A_251 = tpu.memref_slice %arg2[%dma_wait3A_249, %dma_wait3A_250] : memref<2600000x16xf32, #tpu.memory_space<hbm>> -> memref<2600000x16xf32, #tpu.memory_space<hbm>>
        tpu.wait_indirect_dma semaphore(%arg18 : memref<!tpu.dma_semaphore, #tpu.memory_space<semaphore_mem>>) src(%dma_wait3A_251 : memref<2600000x16xf32, #tpu.memory_space<hbm>>) dst(%dma_wait3A_245 : memref<128x16xf32, #tpu.memory_space<vmem>>)
        %parallel_loop3A = arith.constant 0 : i32
        %parallel_loop3A_252 = arith.constant 512 : i32
        %parallel_loop3A_253 = arith.constant 1 : i32
        scf.for %parallel_loop3A_1509 = %parallel_loop3A to %parallel_loop3A_252 step %parallel_loop3A_253  : i32 {
          %parallel_loop3A_1510 = arith.constant 3 : i32
          %parallel_loop3A_1511 = arith.shrui %parallel_loop3A_1509, %parallel_loop3A_1510 : i32
          %parallel_loop3A_1512 = arith.constant 7 : i32
          %parallel_loop3A_1513 = arith.andi %parallel_loop3A_1509, %parallel_loop3A_1512 : i32
          %parallel_loop3A_1514 = arith.index_cast %parallel_loop3A_1509 : i32 to index
          %parallel_loop3A_1515 = arith.constant 0 : index
          %parallel_loop3A_1516 = tpu.vector_load %arg11[%parallel_loop3A_1514, %parallel_loop3A_1515] {strides = array<i32>} : memref<512x16xf32, #tpu.memory_space<vmem>>, vector<1x16xf32>,
          %parallel_loop3A_1517 = vector.shape_cast %parallel_loop3A_1516 : vector<1x16xf32> to vector<16xf32>
          %parallel_loop3A_1518 = arith.index_cast %parallel_loop3A_1509 : i32 to index
          %parallel_loop3A_1519 = arith.constant 0 : index
          %parallel_loop3A_1520 = tpu.vector_load %arg12[%parallel_loop3A_1518, %parallel_loop3A_1519] {strides = array<i32>} : memref<512x16xf32, #tpu.memory_space<vmem>>, vector<1x16xf32>,
          %parallel_loop3A_1521 = vector.shape_cast %parallel_loop3A_1520 : vector<1x16xf32> to vector<16xf32>
          %parallel_loop3A_1522 = arith.mulf %parallel_loop3A_1517, %parallel_loop3A_1521 : vector<16xf32>
          %parallel_loop3A_1523 = arith.index_cast %parallel_loop3A_1511 : i32 to index
          %parallel_loop3A_1524 = arith.index_cast %parallel_loop3A_1513 : i32 to index
          %parallel_loop3A_1525 = arith.constant 0 : index
          %parallel_loop3A_1526 = tpu.vector_load %arg13[%parallel_loop3A_1523, %parallel_loop3A_1524, %parallel_loop3A_1525] {strides = array<i32>} : memref<64x8x128xf32, #tpu.memory_space<vmem>>, vector<1x1x16xf32>,
          %parallel_loop3A_1527 = vector.shape_cast %parallel_loop3A_1526 : vector<1x1x16xf32> to vector<16xf32>
          %parallel_loop3A_1528 = vector.shape_cast %parallel_loop3A_1522 : vector<16xf32> to vector<1x1x16xf32>
          tpu.vector_store %arg13[%parallel_loop3A_1523, %parallel_loop3A_1524, %parallel_loop3A_1525], %parallel_loop3A_1528 {strides = array<i32>} : memref<64x8x128xf32, #tpu.memory_space<vmem>>, vector<1x1x16xf32>,
        } {sc.loop_unroll_factor = 8 : i64, sc.parallel_access}
        %dma_start3A_254 = arith.constant 1 : i32
        %dma_start3A_255 = arith.constant 0 : i32
        %dma_start3A_256 = arith.constant 0 : i32
        %dma_start3A_257 = arith.constant 0 : i32
        %dma_start3A_258 = tpu.memref_slice %arg11[%dma_start3A_256, %dma_start3A_257] : memref<512x16xf32, #tpu.memory_space<vmem>> -> memref<128x16xf32, #tpu.memory_space<vmem>>
        %dma_start3A_259 = arith.constant 0 : i32
        %dma_start3A_260 = tpu.memref_slice %arg9[%dma_start3A_254, %dma_start3A_255, %dma_start3A_259] : memref<8x4x128xi32, #tpu.memory_space<vmem>> -> memref<1x1x128xi32, #tpu.memory_space<vmem>>
        %dma_start3A_261 = tpu.memref_squeeze %dma_start3A_260 : memref<1x1x128xi32, #tpu.memory_space<vmem>> -> memref<128xi32, #tpu.memory_space<vmem>>
        %dma_start3A_262 = arith.constant 0 : i32
        %dma_start3A_263 = arith.constant 0 : i32
        %dma_start3A_264 = tpu.memref_slice %arg2[%dma_start3A_262, %dma_start3A_263] : memref<2600000x16xf32, #tpu.memory_space<hbm>> -> memref<2600000x16xf32, #tpu.memory_space<hbm>>
        tpu.enqueue_indirect_dma source(%dma_start3A_264 : memref<2600000x16xf32, #tpu.memory_space<hbm>>) target(%dma_start3A_258 : memref<128x16xf32, #tpu.memory_space<vmem>>) offsets(%dma_start3A_261 : memref<128xi32, #tpu.memory_space<vmem>>) semaphore(%arg17 : memref<!tpu.dma_semaphore, #tpu.memory_space<semaphore_mem>>)
        %dma_start3A_265 = arith.constant 1 : i32
        %dma_start3A_266 = arith.constant 0 : i32
        %dma_start3A_267 = arith.constant 0 : i32
        %dma_start3A_268 = arith.constant 0 : i32
        %dma_start3A_269 = tpu.memref_slice %arg12[%dma_start3A_267, %dma_start3A_268] : memref<512x16xf32, #tpu.memory_space<vmem>> -> memref<128x16xf32, #tpu.memory_space<vmem>>
        %dma_start3A_270 = arith.constant 0 : i32
        %dma_start3A_271 = tpu.memref_slice %arg10[%dma_start3A_265, %dma_start3A_266, %dma_start3A_270] : memref<8x4x128xi32, #tpu.memory_space<vmem>> -> memref<1x1x128xi32, #tpu.memory_space<vmem>>
        %dma_start3A_272 = tpu.memref_squeeze %dma_start3A_271 : memref<1x1x128xi32, #tpu.memory_space<vmem>> -> memref<128xi32, #tpu.memory_space<vmem>>
        %dma_start3A_273 = arith.constant 0 : i32
        %dma_start3A_274 = arith.constant 0 : i32
        %dma_start3A_275 = tpu.memref_slice %arg2[%dma_start3A_273, %dma_start3A_274] : memref<2600000x16xf32, #tpu.memory_space<hbm>> -> memref<2600000x16xf32, #tpu.memory_space<hbm>>
        tpu.enqueue_indirect_dma source(%dma_start3A_275 : memref<2600000x16xf32, #tpu.memory_space<hbm>>) target(%dma_start3A_269 : memref<128x16xf32, #tpu.memory_space<vmem>>) offsets(%dma_start3A_272 : memref<128xi32, #tpu.memory_space<vmem>>) semaphore(%arg18 : memref<!tpu.dma_semaphore, #tpu.memory_space<semaphore_mem>>)
        %dma_start3A_276 = arith.constant 1 : i32
        %dma_start3A_277 = arith.constant 1 : i32
        %dma_start3A_278 = arith.constant 128 : i32
        %dma_start3A_279 = arith.constant 0 : i32
        %dma_start3A_280 = tpu.memref_slice %arg11[%dma_start3A_278, %dma_start3A_279] : memref<512x16xf32, #tpu.memory_space<vmem>> -> memref<128x16xf32, #tpu.memory_space<vmem>>
        %dma_start3A_281 = arith.constant 0 : i32
        %dma_start3A_282 = tpu.memref_slice %arg9[%dma_start3A_276, %dma_start3A_277, %dma_start3A_281] : memref<8x4x128xi32, #tpu.memory_space<vmem>> -> memref<1x1x128xi32, #tpu.memory_space<vmem>>
        %dma_start3A_283 = tpu.memref_squeeze %dma_start3A_282 : memref<1x1x128xi32, #tpu.memory_space<vmem>> -> memref<128xi32, #tpu.memory_space<vmem>>
        %dma_start3A_284 = arith.constant 0 : i32
        %dma_start3A_285 = arith.constant 0 : i32
        %dma_start3A_286 = tpu.memref_slice %arg2[%dma_start3A_284, %dma_start3A_285] : memref<2600000x16xf32, #tpu.memory_space<hbm>> -> memref<2600000x16xf32, #tpu.memory_space<hbm>>
        tpu.enqueue_indirect_dma source(%dma_start3A_286 : memref<2600000x16xf32, #tpu.memory_space<hbm>>) target(%dma_start3A_280 : memref<128x16xf32, #tpu.memory_space<vmem>>) offsets(%dma_start3A_283 : memref<128xi32, #tpu.memory_space<vmem>>) semaphore(%arg17 : memref<!tpu.dma_semaphore, #tpu.memory_space<semaphore_mem>>)
        %dma_start3A_287 = arith.constant 1 : i32
        %dma_start3A_288 = arith.constant 1 : i32
        %dma_start3A_289 = arith.constant 128 : i32
        %dma_start3A_290 = arith.constant 0 : i32
        %dma_start3A_291 = tpu.memref_slice %arg12[%dma_start3A_289, %dma_start3A_290] : memref<512x16xf32, #tpu.memory_space<vmem>> -> memref<128x16xf32, #tpu.memory_space<vmem>>
        %dma_start3A_292 = arith.constant 0 : i32
        %dma_start3A_293 = tpu.memref_slice %arg10[%dma_start3A_287, %dma_start3A_288, %dma_start3A_292] : memref<8x4x128xi32, #tpu.memory_space<vmem>> -> memref<1x1x128xi32, #tpu.memory_space<vmem>>
        %dma_start3A_294 = tpu.memref_squeeze %dma_start3A_293 : memref<1x1x128xi32, #tpu.memory_space<vmem>> -> memref<128xi32, #tpu.memory_space<vmem>>
        %dma_start3A_295 = arith.constant 0 : i32
        %dma_start3A_296 = arith.constant 0 : i32
        %dma_start3A_297 = tpu.memref_slice %arg2[%dma_start3A_295, %dma_start3A_296] : memref<2600000x16xf32, #tpu.memory_space<hbm>> -> memref<2600000x16xf32, #tpu.memory_space<hbm>>
        tpu.enqueue_indirect_dma source(%dma_start3A_297 : memref<2600000x16xf32, #tpu.memory_space<hbm>>) target(%dma_start3A_291 : memref<128x16xf32, #tpu.memory_space<vmem>>) offsets(%dma_start3A_294 : memref<128xi32, #tpu.memory_space<vmem>>) semaphore(%arg18 : memref<!tpu.dma_semaphore, #tpu.memory_space<semaphore_mem>>)
        %dma_start3A_298 = arith.constant 1 : i32
        %dma_start3A_299 = arith.constant 2 : i32
        %dma_start3A_300 = arith.constant 256 : i32
        %dma_start3A_301 = arith.constant 0 : i32
        %dma_start3A_302 = tpu.memref_slice %arg11[%dma_start3A_300, %dma_start3A_301] : memref<512x16xf32, #tpu.memory_space<vmem>> -> memref<128x16xf32, #tpu.memory_space<vmem>>
        %dma_start3A_303 = arith.constant 0 : i32
        %dma_start3A_304 = tpu.memref_slice %arg9[%dma_start3A_298, %dma_start3A_299, %dma_start3A_303] : memref<8x4x128xi32, #tpu.memory_space<vmem>> -> memref<1x1x128xi32, #tpu.memory_space<vmem>>
        %dma_start3A_305 = tpu.memref_squeeze %dma_start3A_304 : memref<1x1x128xi32, #tpu.memory_space<vmem>> -> memref<128xi32, #tpu.memory_space<vmem>>
        %dma_start3A_306 = arith.constant 0 : i32
        %dma_start3A_307 = arith.constant 0 : i32
        %dma_start3A_308 = tpu.memref_slice %arg2[%dma_start3A_306, %dma_start3A_307] : memref<2600000x16xf32, #tpu.memory_space<hbm>> -> memref<2600000x16xf32, #tpu.memory_space<hbm>>
        tpu.enqueue_indirect_dma source(%dma_start3A_308 : memref<2600000x16xf32, #tpu.memory_space<hbm>>) target(%dma_start3A_302 : memref<128x16xf32, #tpu.memory_space<vmem>>) offsets(%dma_start3A_305 : memref<128xi32, #tpu.memory_space<vmem>>) semaphore(%arg17 : memref<!tpu.dma_semaphore, #tpu.memory_space<semaphore_mem>>)
        %dma_start3A_309 = arith.constant 1 : i32
        %dma_start3A_310 = arith.constant 2 : i32
        %dma_start3A_311 = arith.constant 256 : i32
        %dma_start3A_312 = arith.constant 0 : i32
        %dma_start3A_313 = tpu.memref_slice %arg12[%dma_start3A_311, %dma_start3A_312] : memref<512x16xf32, #tpu.memory_space<vmem>> -> memref<128x16xf32, #tpu.memory_space<vmem>>
        %dma_start3A_314 = arith.constant 0 : i32
        %dma_start3A_315 = tpu.memref_slice %arg10[%dma_start3A_309, %dma_start3A_310, %dma_start3A_314] : memref<8x4x128xi32, #tpu.memory_space<vmem>> -> memref<1x1x128xi32, #tpu.memory_space<vmem>>
        %dma_start3A_316 = tpu.memref_squeeze %dma_start3A_315 : memref<1x1x128xi32, #tpu.memory_space<vmem>> -> memref<128xi32, #tpu.memory_space<vmem>>
        %dma_start3A_317 = arith.constant 0 : i32
        %dma_start3A_318 = arith.constant 0 : i32
        %dma_start3A_319 = tpu.memref_slice %arg2[%dma_start3A_317, %dma_start3A_318] : memref<2600000x16xf32, #tpu.memory_space<hbm>> -> memref<2600000x16xf32, #tpu.memory_space<hbm>>
        tpu.enqueue_indirect_dma source(%dma_start3A_319 : memref<2600000x16xf32, #tpu.memory_space<hbm>>) target(%dma_start3A_313 : memref<128x16xf32, #tpu.memory_space<vmem>>) offsets(%dma_start3A_316 : memref<128xi32, #tpu.memory_space<vmem>>) semaphore(%arg18 : memref<!tpu.dma_semaphore, #tpu.memory_space<semaphore_mem>>)
        %dma_start3A_320 = arith.constant 1 : i32
        %dma_start3A_321 = arith.constant 3 : i32
        %dma_start3A_322 = arith.constant 384 : i32
        %dma_start3A_323 = arith.constant 0 : i32
        %dma_start3A_324 = tpu.memref_slice %arg11[%dma_start3A_322, %dma_start3A_323] : memref<512x16xf32, #tpu.memory_space<vmem>> -> memref<128x16xf32, #tpu.memory_space<vmem>>
        %dma_start3A_325 = arith.constant 0 : i32
        %dma_start3A_326 = tpu.memref_slice %arg9[%dma_start3A_320, %dma_start3A_321, %dma_start3A_325] : memref<8x4x128xi32, #tpu.memory_space<vmem>> -> memref<1x1x128xi32, #tpu.memory_space<vmem>>
        %dma_start3A_327 = tpu.memref_squeeze %dma_start3A_326 : memref<1x1x128xi32, #tpu.memory_space<vmem>> -> memref<128xi32, #tpu.memory_space<vmem>>
        %dma_start3A_328 = arith.constant 0 : i32
        %dma_start3A_329 = arith.constant 0 : i32
        %dma_start3A_330 = tpu.memref_slice %arg2[%dma_start3A_328, %dma_start3A_329] : memref<2600000x16xf32, #tpu.memory_space<hbm>> -> memref<2600000x16xf32, #tpu.memory_space<hbm>>
        tpu.enqueue_indirect_dma source(%dma_start3A_330 : memref<2600000x16xf32, #tpu.memory_space<hbm>>) target(%dma_start3A_324 : memref<128x16xf32, #tpu.memory_space<vmem>>) offsets(%dma_start3A_327 : memref<128xi32, #tpu.memory_space<vmem>>) semaphore(%arg17 : memref<!tpu.dma_semaphore, #tpu.memory_space<semaphore_mem>>)
        %dma_start3A_331 = arith.constant 1 : i32
        %dma_start3A_332 = arith.constant 3 : i32
        %dma_start3A_333 = arith.constant 384 : i32
        %dma_start3A_334 = arith.constant 0 : i32
        %dma_start3A_335 = tpu.memref_slice %arg12[%dma_start3A_333, %dma_start3A_334] : memref<512x16xf32, #tpu.memory_space<vmem>> -> memref<128x16xf32, #tpu.memory_space<vmem>>
        %dma_start3A_336 = arith.constant 0 : i32
        %dma_start3A_337 = tpu.memref_slice %arg10[%dma_start3A_331, %dma_start3A_332, %dma_start3A_336] : memref<8x4x128xi32, #tpu.memory_space<vmem>> -> memref<1x1x128xi32, #tpu.memory_space<vmem>>
        %dma_start3A_338 = tpu.memref_squeeze %dma_start3A_337 : memref<1x1x128xi32, #tpu.memory_space<vmem>> -> memref<128xi32, #tpu.memory_space<vmem>>
        %dma_start3A_339 = arith.constant 0 : i32
        %dma_start3A_340 = arith.constant 0 : i32
        %dma_start3A_341 = tpu.memref_slice %arg2[%dma_start3A_339, %dma_start3A_340] : memref<2600000x16xf32, #tpu.memory_space<hbm>> -> memref<2600000x16xf32, #tpu.memory_space<hbm>>
        tpu.enqueue_indirect_dma source(%dma_start3A_341 : memref<2600000x16xf32, #tpu.memory_space<hbm>>) target(%dma_start3A_335 : memref<128x16xf32, #tpu.memory_space<vmem>>) offsets(%dma_start3A_338 : memref<128xi32, #tpu.memory_space<vmem>>) semaphore(%arg18 : memref<!tpu.dma_semaphore, #tpu.memory_space<semaphore_mem>>)
        %dma_wait3A_342 = arith.constant 1 : i32
        %dma_wait3A_343 = arith.constant 0 : i32
        %dma_wait3A_344 = arith.constant 0 : i32
        %dma_wait3A_345 = arith.constant 0 : i32
        %dma_wait3A_346 = tpu.memref_slice %arg11[%dma_wait3A_344, %dma_wait3A_345] : memref<512x16xf32, #tpu.memory_space<vmem>> -> memref<128x16xf32, #tpu.memory_space<vmem>>
        %dma_wait3A_347 = arith.constant 0 : i32
        %dma_wait3A_348 = tpu.memref_slice %arg9[%dma_wait3A_342, %dma_wait3A_343, %dma_wait3A_347] : memref<8x4x128xi32, #tpu.memory_space<vmem>> -> memref<1x1x128xi32, #tpu.memory_space<vmem>>
        %dma_wait3A_349 = tpu.memref_squeeze %dma_wait3A_348 : memref<1x1x128xi32, #tpu.memory_space<vmem>> -> memref<128xi32, #tpu.memory_space<vmem>>
        %dma_wait3A_350 = arith.constant 0 : i32
        %dma_wait3A_351 = arith.constant 0 : i32
        %dma_wait3A_352 = tpu.memref_slice %arg2[%dma_wait3A_350, %dma_wait3A_351] : memref<2600000x16xf32, #tpu.memory_space<hbm>> -> memref<2600000x16xf32, #tpu.memory_space<hbm>>
        tpu.wait_indirect_dma semaphore(%arg17 : memref<!tpu.dma_semaphore, #tpu.memory_space<semaphore_mem>>) src(%dma_wait3A_352 : memref<2600000x16xf32, #tpu.memory_space<hbm>>) dst(%dma_wait3A_346 : memref<128x16xf32, #tpu.memory_space<vmem>>)
        %dma_wait3A_353 = arith.constant 1 : i32
        %dma_wait3A_354 = arith.constant 0 : i32
        %dma_wait3A_355 = arith.constant 0 : i32
        %dma_wait3A_356 = arith.constant 0 : i32
        %dma_wait3A_357 = tpu.memref_slice %arg12[%dma_wait3A_355, %dma_wait3A_356] : memref<512x16xf32, #tpu.memory_space<vmem>> -> memref<128x16xf32, #tpu.memory_space<vmem>>
        %dma_wait3A_358 = arith.constant 0 : i32
        %dma_wait3A_359 = tpu.memref_slice %arg10[%dma_wait3A_353, %dma_wait3A_354, %dma_wait3A_358] : memref<8x4x128xi32, #tpu.memory_space<vmem>> -> memref<1x1x128xi32, #tpu.memory_space<vmem>>
        %dma_wait3A_360 = tpu.memref_squeeze %dma_wait3A_359 : memref<1x1x128xi32, #tpu.memory_space<vmem>> -> memref<128xi32, #tpu.memory_space<vmem>>
        %dma_wait3A_361 = arith.constant 0 : i32
        %dma_wait3A_362 = arith.constant 0 : i32
        %dma_wait3A_363 = tpu.memref_slice %arg2[%dma_wait3A_361, %dma_wait3A_362] : memref<2600000x16xf32, #tpu.memory_space<hbm>> -> memref<2600000x16xf32, #tpu.memory_space<hbm>>
        tpu.wait_indirect_dma semaphore(%arg18 : memref<!tpu.dma_semaphore, #tpu.memory_space<semaphore_mem>>) src(%dma_wait3A_363 : memref<2600000x16xf32, #tpu.memory_space<hbm>>) dst(%dma_wait3A_357 : memref<128x16xf32, #tpu.memory_space<vmem>>)
        %dma_wait3A_364 = arith.constant 1 : i32
        %dma_wait3A_365 = arith.constant 1 : i32
        %dma_wait3A_366 = arith.constant 128 : i32
        %dma_wait3A_367 = arith.constant 0 : i32
        %dma_wait3A_368 = tpu.memref_slice %arg11[%dma_wait3A_366, %dma_wait3A_367] : memref<512x16xf32, #tpu.memory_space<vmem>> -> memref<128x16xf32, #tpu.memory_space<vmem>>
        %dma_wait3A_369 = arith.constant 0 : i32
        %dma_wait3A_370 = tpu.memref_slice %arg9[%dma_wait3A_364, %dma_wait3A_365, %dma_wait3A_369] : memref<8x4x128xi32, #tpu.memory_space<vmem>> -> memref<1x1x128xi32, #tpu.memory_space<vmem>>
        %dma_wait3A_371 = tpu.memref_squeeze %dma_wait3A_370 : memref<1x1x128xi32, #tpu.memory_space<vmem>> -> memref<128xi32, #tpu.memory_space<vmem>>
        %dma_wait3A_372 = arith.constant 0 : i32
        %dma_wait3A_373 = arith.constant 0 : i32
        %dma_wait3A_374 = tpu.memref_slice %arg2[%dma_wait3A_372, %dma_wait3A_373] : memref<2600000x16xf32, #tpu.memory_space<hbm>> -> memref<2600000x16xf32, #tpu.memory_space<hbm>>
        tpu.wait_indirect_dma semaphore(%arg17 : memref<!tpu.dma_semaphore, #tpu.memory_space<semaphore_mem>>) src(%dma_wait3A_374 : memref<2600000x16xf32, #tpu.memory_space<hbm>>) dst(%dma_wait3A_368 : memref<128x16xf32, #tpu.memory_space<vmem>>)
        %dma_wait3A_375 = arith.constant 1 : i32
        %dma_wait3A_376 = arith.constant 1 : i32
        %dma_wait3A_377 = arith.constant 128 : i32
        %dma_wait3A_378 = arith.constant 0 : i32
        %dma_wait3A_379 = tpu.memref_slice %arg12[%dma_wait3A_377, %dma_wait3A_378] : memref<512x16xf32, #tpu.memory_space<vmem>> -> memref<128x16xf32, #tpu.memory_space<vmem>>
        %dma_wait3A_380 = arith.constant 0 : i32
        %dma_wait3A_381 = tpu.memref_slice %arg10[%dma_wait3A_375, %dma_wait3A_376, %dma_wait3A_380] : memref<8x4x128xi32, #tpu.memory_space<vmem>> -> memref<1x1x128xi32, #tpu.memory_space<vmem>>
        %dma_wait3A_382 = tpu.memref_squeeze %dma_wait3A_381 : memref<1x1x128xi32, #tpu.memory_space<vmem>> -> memref<128xi32, #tpu.memory_space<vmem>>
        %dma_wait3A_383 = arith.constant 0 : i32
        %dma_wait3A_384 = arith.constant 0 : i32
        %dma_wait3A_385 = tpu.memref_slice %arg2[%dma_wait3A_383, %dma_wait3A_384] : memref<2600000x16xf32, #tpu.memory_space<hbm>> -> memref<2600000x16xf32, #tpu.memory_space<hbm>>
        tpu.wait_indirect_dma semaphore(%arg18 : memref<!tpu.dma_semaphore, #tpu.memory_space<semaphore_mem>>) src(%dma_wait3A_385 : memref<2600000x16xf32, #tpu.memory_space<hbm>>) dst(%dma_wait3A_379 : memref<128x16xf32, #tpu.memory_space<vmem>>)
        %dma_wait3A_386 = arith.constant 1 : i32
        %dma_wait3A_387 = arith.constant 2 : i32
        %dma_wait3A_388 = arith.constant 256 : i32
        %dma_wait3A_389 = arith.constant 0 : i32
        %dma_wait3A_390 = tpu.memref_slice %arg11[%dma_wait3A_388, %dma_wait3A_389] : memref<512x16xf32, #tpu.memory_space<vmem>> -> memref<128x16xf32, #tpu.memory_space<vmem>>
        %dma_wait3A_391 = arith.constant 0 : i32
        %dma_wait3A_392 = tpu.memref_slice %arg9[%dma_wait3A_386, %dma_wait3A_387, %dma_wait3A_391] : memref<8x4x128xi32, #tpu.memory_space<vmem>> -> memref<1x1x128xi32, #tpu.memory_space<vmem>>
        %dma_wait3A_393 = tpu.memref_squeeze %dma_wait3A_392 : memref<1x1x128xi32, #tpu.memory_space<vmem>> -> memref<128xi32, #tpu.memory_space<vmem>>
        %dma_wait3A_394 = arith.constant 0 : i32
        %dma_wait3A_395 = arith.constant 0 : i32
        %dma_wait3A_396 = tpu.memref_slice %arg2[%dma_wait3A_394, %dma_wait3A_395] : memref<2600000x16xf32, #tpu.memory_space<hbm>> -> memref<2600000x16xf32, #tpu.memory_space<hbm>>
        tpu.wait_indirect_dma semaphore(%arg17 : memref<!tpu.dma_semaphore, #tpu.memory_space<semaphore_mem>>) src(%dma_wait3A_396 : memref<2600000x16xf32, #tpu.memory_space<hbm>>) dst(%dma_wait3A_390 : memref<128x16xf32, #tpu.memory_space<vmem>>)
        %dma_wait3A_397 = arith.constant 1 : i32
        %dma_wait3A_398 = arith.constant 2 : i32
        %dma_wait3A_399 = arith.constant 256 : i32
        %dma_wait3A_400 = arith.constant 0 : i32
        %dma_wait3A_401 = tpu.memref_slice %arg12[%dma_wait3A_399, %dma_wait3A_400] : memref<512x16xf32, #tpu.memory_space<vmem>> -> memref<128x16xf32, #tpu.memory_space<vmem>>
        %dma_wait3A_402 = arith.constant 0 : i32
        %dma_wait3A_403 = tpu.memref_slice %arg10[%dma_wait3A_397, %dma_wait3A_398, %dma_wait3A_402] : memref<8x4x128xi32, #tpu.memory_space<vmem>> -> memref<1x1x128xi32, #tpu.memory_space<vmem>>
        %dma_wait3A_404 = tpu.memref_squeeze %dma_wait3A_403 : memref<1x1x128xi32, #tpu.memory_space<vmem>> -> memref<128xi32, #tpu.memory_space<vmem>>
        %dma_wait3A_405 = arith.constant 0 : i32
        %dma_wait3A_406 = arith.constant 0 : i32
        %dma_wait3A_407 = tpu.memref_slice %arg2[%dma_wait3A_405, %dma_wait3A_406] : memref<2600000x16xf32, #tpu.memory_space<hbm>> -> memref<2600000x16xf32, #tpu.memory_space<hbm>>
        tpu.wait_indirect_dma semaphore(%arg18 : memref<!tpu.dma_semaphore, #tpu.memory_space<semaphore_mem>>) src(%dma_wait3A_407 : memref<2600000x16xf32, #tpu.memory_space<hbm>>) dst(%dma_wait3A_401 : memref<128x16xf32, #tpu.memory_space<vmem>>)
        %dma_wait3A_408 = arith.constant 1 : i32
        %dma_wait3A_409 = arith.constant 3 : i32
        %dma_wait3A_410 = arith.constant 384 : i32
        %dma_wait3A_411 = arith.constant 0 : i32
        %dma_wait3A_412 = tpu.memref_slice %arg11[%dma_wait3A_410, %dma_wait3A_411] : memref<512x16xf32, #tpu.memory_space<vmem>> -> memref<128x16xf32, #tpu.memory_space<vmem>>
        %dma_wait3A_413 = arith.constant 0 : i32
        %dma_wait3A_414 = tpu.memref_slice %arg9[%dma_wait3A_408, %dma_wait3A_409, %dma_wait3A_413] : memref<8x4x128xi32, #tpu.memory_space<vmem>> -> memref<1x1x128xi32, #tpu.memory_space<vmem>>
        %dma_wait3A_415 = tpu.memref_squeeze %dma_wait3A_414 : memref<1x1x128xi32, #tpu.memory_space<vmem>> -> memref<128xi32, #tpu.memory_space<vmem>>
        %dma_wait3A_416 = arith.constant 0 : i32
        %dma_wait3A_417 = arith.constant 0 : i32
        %dma_wait3A_418 = tpu.memref_slice %arg2[%dma_wait3A_416, %dma_wait3A_417] : memref<2600000x16xf32, #tpu.memory_space<hbm>> -> memref<2600000x16xf32, #tpu.memory_space<hbm>>
        tpu.wait_indirect_dma semaphore(%arg17 : memref<!tpu.dma_semaphore, #tpu.memory_space<semaphore_mem>>) src(%dma_wait3A_418 : memref<2600000x16xf32, #tpu.memory_space<hbm>>) dst(%dma_wait3A_412 : memref<128x16xf32, #tpu.memory_space<vmem>>)
        %dma_wait3A_419 = arith.constant 1 : i32
        %dma_wait3A_420 = arith.constant 3 : i32
        %dma_wait3A_421 = arith.constant 384 : i32
        %dma_wait3A_422 = arith.constant 0 : i32
        %dma_wait3A_423 = tpu.memref_slice %arg12[%dma_wait3A_421, %dma_wait3A_422] : memref<512x16xf32, #tpu.memory_space<vmem>> -> memref<128x16xf32, #tpu.memory_space<vmem>>
        %dma_wait3A_424 = arith.constant 0 : i32
        %dma_wait3A_425 = tpu.memref_slice %arg10[%dma_wait3A_419, %dma_wait3A_420, %dma_wait3A_424] : memref<8x4x128xi32, #tpu.memory_space<vmem>> -> memref<1x1x128xi32, #tpu.memory_space<vmem>>
        %dma_wait3A_426 = tpu.memref_squeeze %dma_wait3A_425 : memref<1x1x128xi32, #tpu.memory_space<vmem>> -> memref<128xi32, #tpu.memory_space<vmem>>
        %dma_wait3A_427 = arith.constant 0 : i32
        %dma_wait3A_428 = arith.constant 0 : i32
        %dma_wait3A_429 = tpu.memref_slice %arg2[%dma_wait3A_427, %dma_wait3A_428] : memref<2600000x16xf32, #tpu.memory_space<hbm>> -> memref<2600000x16xf32, #tpu.memory_space<hbm>>
        tpu.wait_indirect_dma semaphore(%arg18 : memref<!tpu.dma_semaphore, #tpu.memory_space<semaphore_mem>>) src(%dma_wait3A_429 : memref<2600000x16xf32, #tpu.memory_space<hbm>>) dst(%dma_wait3A_423 : memref<128x16xf32, #tpu.memory_space<vmem>>)
        %parallel_loop3A_430 = arith.constant 0 : i32
        %parallel_loop3A_431 = arith.constant 512 : i32
        %parallel_loop3A_432 = arith.constant 1 : i32
        scf.for %parallel_loop3A_1509 = %parallel_loop3A_430 to %parallel_loop3A_431 step %parallel_loop3A_432  : i32 {
          %parallel_loop3A_1510 = arith.constant 3 : i32
          %parallel_loop3A_1511 = arith.shrui %parallel_loop3A_1509, %parallel_loop3A_1510 : i32
          %parallel_loop3A_1512 = arith.constant 7 : i32
          %parallel_loop3A_1513 = arith.andi %parallel_loop3A_1509, %parallel_loop3A_1512 : i32
          %parallel_loop3A_1514 = arith.index_cast %parallel_loop3A_1509 : i32 to index
          %parallel_loop3A_1515 = arith.constant 0 : index
          %parallel_loop3A_1516 = tpu.vector_load %arg11[%parallel_loop3A_1514, %parallel_loop3A_1515] {strides = array<i32>} : memref<512x16xf32, #tpu.memory_space<vmem>>, vector<1x16xf32>,
          %parallel_loop3A_1517 = vector.shape_cast %parallel_loop3A_1516 : vector<1x16xf32> to vector<16xf32>
          %parallel_loop3A_1518 = arith.index_cast %parallel_loop3A_1509 : i32 to index
          %parallel_loop3A_1519 = arith.constant 0 : index
          %parallel_loop3A_1520 = tpu.vector_load %arg12[%parallel_loop3A_1518, %parallel_loop3A_1519] {strides = array<i32>} : memref<512x16xf32, #tpu.memory_space<vmem>>, vector<1x16xf32>,
          %parallel_loop3A_1521 = vector.shape_cast %parallel_loop3A_1520 : vector<1x16xf32> to vector<16xf32>
          %parallel_loop3A_1522 = arith.mulf %parallel_loop3A_1517, %parallel_loop3A_1521 : vector<16xf32>
          %parallel_loop3A_1523 = arith.index_cast %parallel_loop3A_1511 : i32 to index
          %parallel_loop3A_1524 = arith.index_cast %parallel_loop3A_1513 : i32 to index
          %parallel_loop3A_1525 = arith.constant 16 : index
          %parallel_loop3A_1526 = tpu.vector_load %arg13[%parallel_loop3A_1523, %parallel_loop3A_1524, %parallel_loop3A_1525] {strides = array<i32>} : memref<64x8x128xf32, #tpu.memory_space<vmem>>, vector<1x1x16xf32>,
          %parallel_loop3A_1527 = vector.shape_cast %parallel_loop3A_1526 : vector<1x1x16xf32> to vector<16xf32>
          %parallel_loop3A_1528 = vector.shape_cast %parallel_loop3A_1522 : vector<16xf32> to vector<1x1x16xf32>
          tpu.vector_store %arg13[%parallel_loop3A_1523, %parallel_loop3A_1524, %parallel_loop3A_1525], %parallel_loop3A_1528 {strides = array<i32>} : memref<64x8x128xf32, #tpu.memory_space<vmem>>, vector<1x1x16xf32>,
        } {sc.loop_unroll_factor = 8 : i64, sc.parallel_access}
        %dma_start3A_433 = arith.constant 2 : i32
        %dma_start3A_434 = arith.constant 0 : i32
        %dma_start3A_435 = arith.constant 0 : i32
        %dma_start3A_436 = arith.constant 0 : i32
        %dma_start3A_437 = tpu.memref_slice %arg11[%dma_start3A_435, %dma_start3A_436] : memref<512x16xf32, #tpu.memory_space<vmem>> -> memref<128x16xf32, #tpu.memory_space<vmem>>
        %dma_start3A_438 = arith.constant 0 : i32
        %dma_start3A_439 = tpu.memref_slice %arg9[%dma_start3A_433, %dma_start3A_434, %dma_start3A_438] : memref<8x4x128xi32, #tpu.memory_space<vmem>> -> memref<1x1x128xi32, #tpu.memory_space<vmem>>
        %dma_start3A_440 = tpu.memref_squeeze %dma_start3A_439 : memref<1x1x128xi32, #tpu.memory_space<vmem>> -> memref<128xi32, #tpu.memory_space<vmem>>
        %dma_start3A_441 = arith.constant 0 : i32
        %dma_start3A_442 = arith.constant 0 : i32
        %dma_start3A_443 = tpu.memref_slice %arg2[%dma_start3A_441, %dma_start3A_442] : memref<2600000x16xf32, #tpu.memory_space<hbm>> -> memref<2600000x16xf32, #tpu.memory_space<hbm>>
        tpu.enqueue_indirect_dma source(%dma_start3A_443 : memref<2600000x16xf32, #tpu.memory_space<hbm>>) target(%dma_start3A_437 : memref<128x16xf32, #tpu.memory_space<vmem>>) offsets(%dma_start3A_440 : memref<128xi32, #tpu.memory_space<vmem>>) semaphore(%arg17 : memref<!tpu.dma_semaphore, #tpu.memory_space<semaphore_mem>>)
        %dma_start3A_444 = arith.constant 2 : i32
        %dma_start3A_445 = arith.constant 0 : i32
        %dma_start3A_446 = arith.constant 0 : i32
        %dma_start3A_447 = arith.constant 0 : i32
        %dma_start3A_448 = tpu.memref_slice %arg12[%dma_start3A_446, %dma_start3A_447] : memref<512x16xf32, #tpu.memory_space<vmem>> -> memref<128x16xf32, #tpu.memory_space<vmem>>
        %dma_start3A_449 = arith.constant 0 : i32
        %dma_start3A_450 = tpu.memref_slice %arg10[%dma_start3A_444, %dma_start3A_445, %dma_start3A_449] : memref<8x4x128xi32, #tpu.memory_space<vmem>> -> memref<1x1x128xi32, #tpu.memory_space<vmem>>
        %dma_start3A_451 = tpu.memref_squeeze %dma_start3A_450 : memref<1x1x128xi32, #tpu.memory_space<vmem>> -> memref<128xi32, #tpu.memory_space<vmem>>
        %dma_start3A_452 = arith.constant 0 : i32
        %dma_start3A_453 = arith.constant 0 : i32
        %dma_start3A_454 = tpu.memref_slice %arg2[%dma_start3A_452, %dma_start3A_453] : memref<2600000x16xf32, #tpu.memory_space<hbm>> -> memref<2600000x16xf32, #tpu.memory_space<hbm>>
        tpu.enqueue_indirect_dma source(%dma_start3A_454 : memref<2600000x16xf32, #tpu.memory_space<hbm>>) target(%dma_start3A_448 : memref<128x16xf32, #tpu.memory_space<vmem>>) offsets(%dma_start3A_451 : memref<128xi32, #tpu.memory_space<vmem>>) semaphore(%arg18 : memref<!tpu.dma_semaphore, #tpu.memory_space<semaphore_mem>>)
        %dma_start3A_455 = arith.constant 2 : i32
        %dma_start3A_456 = arith.constant 1 : i32
        %dma_start3A_457 = arith.constant 128 : i32
        %dma_start3A_458 = arith.constant 0 : i32
        %dma_start3A_459 = tpu.memref_slice %arg11[%dma_start3A_457, %dma_start3A_458] : memref<512x16xf32, #tpu.memory_space<vmem>> -> memref<128x16xf32, #tpu.memory_space<vmem>>
        %dma_start3A_460 = arith.constant 0 : i32
        %dma_start3A_461 = tpu.memref_slice %arg9[%dma_start3A_455, %dma_start3A_456, %dma_start3A_460] : memref<8x4x128xi32, #tpu.memory_space<vmem>> -> memref<1x1x128xi32, #tpu.memory_space<vmem>>
        %dma_start3A_462 = tpu.memref_squeeze %dma_start3A_461 : memref<1x1x128xi32, #tpu.memory_space<vmem>> -> memref<128xi32, #tpu.memory_space<vmem>>
        %dma_start3A_463 = arith.constant 0 : i32
        %dma_start3A_464 = arith.constant 0 : i32
        %dma_start3A_465 = tpu.memref_slice %arg2[%dma_start3A_463, %dma_start3A_464] : memref<2600000x16xf32, #tpu.memory_space<hbm>> -> memref<2600000x16xf32, #tpu.memory_space<hbm>>
        tpu.enqueue_indirect_dma source(%dma_start3A_465 : memref<2600000x16xf32, #tpu.memory_space<hbm>>) target(%dma_start3A_459 : memref<128x16xf32, #tpu.memory_space<vmem>>) offsets(%dma_start3A_462 : memref<128xi32, #tpu.memory_space<vmem>>) semaphore(%arg17 : memref<!tpu.dma_semaphore, #tpu.memory_space<semaphore_mem>>)
        %dma_start3A_466 = arith.constant 2 : i32
        %dma_start3A_467 = arith.constant 1 : i32
        %dma_start3A_468 = arith.constant 128 : i32
        %dma_start3A_469 = arith.constant 0 : i32
        %dma_start3A_470 = tpu.memref_slice %arg12[%dma_start3A_468, %dma_start3A_469] : memref<512x16xf32, #tpu.memory_space<vmem>> -> memref<128x16xf32, #tpu.memory_space<vmem>>
        %dma_start3A_471 = arith.constant 0 : i32
        %dma_start3A_472 = tpu.memref_slice %arg10[%dma_start3A_466, %dma_start3A_467, %dma_start3A_471] : memref<8x4x128xi32, #tpu.memory_space<vmem>> -> memref<1x1x128xi32, #tpu.memory_space<vmem>>
        %dma_start3A_473 = tpu.memref_squeeze %dma_start3A_472 : memref<1x1x128xi32, #tpu.memory_space<vmem>> -> memref<128xi32, #tpu.memory_space<vmem>>
        %dma_start3A_474 = arith.constant 0 : i32
        %dma_start3A_475 = arith.constant 0 : i32
        %dma_start3A_476 = tpu.memref_slice %arg2[%dma_start3A_474, %dma_start3A_475] : memref<2600000x16xf32, #tpu.memory_space<hbm>> -> memref<2600000x16xf32, #tpu.memory_space<hbm>>
        tpu.enqueue_indirect_dma source(%dma_start3A_476 : memref<2600000x16xf32, #tpu.memory_space<hbm>>) target(%dma_start3A_470 : memref<128x16xf32, #tpu.memory_space<vmem>>) offsets(%dma_start3A_473 : memref<128xi32, #tpu.memory_space<vmem>>) semaphore(%arg18 : memref<!tpu.dma_semaphore, #tpu.memory_space<semaphore_mem>>)
        %dma_start3A_477 = arith.constant 2 : i32
        %dma_start3A_478 = arith.constant 2 : i32
        %dma_start3A_479 = arith.constant 256 : i32
        %dma_start3A_480 = arith.constant 0 : i32
        %dma_start3A_481 = tpu.memref_slice %arg11[%dma_start3A_479, %dma_start3A_480] : memref<512x16xf32, #tpu.memory_space<vmem>> -> memref<128x16xf32, #tpu.memory_space<vmem>>
        %dma_start3A_482 = arith.constant 0 : i32
        %dma_start3A_483 = tpu.memref_slice %arg9[%dma_start3A_477, %dma_start3A_478, %dma_start3A_482] : memref<8x4x128xi32, #tpu.memory_space<vmem>> -> memref<1x1x128xi32, #tpu.memory_space<vmem>>
        %dma_start3A_484 = tpu.memref_squeeze %dma_start3A_483 : memref<1x1x128xi32, #tpu.memory_space<vmem>> -> memref<128xi32, #tpu.memory_space<vmem>>
        %dma_start3A_485 = arith.constant 0 : i32
        %dma_start3A_486 = arith.constant 0 : i32
        %dma_start3A_487 = tpu.memref_slice %arg2[%dma_start3A_485, %dma_start3A_486] : memref<2600000x16xf32, #tpu.memory_space<hbm>> -> memref<2600000x16xf32, #tpu.memory_space<hbm>>
        tpu.enqueue_indirect_dma source(%dma_start3A_487 : memref<2600000x16xf32, #tpu.memory_space<hbm>>) target(%dma_start3A_481 : memref<128x16xf32, #tpu.memory_space<vmem>>) offsets(%dma_start3A_484 : memref<128xi32, #tpu.memory_space<vmem>>) semaphore(%arg17 : memref<!tpu.dma_semaphore, #tpu.memory_space<semaphore_mem>>)
        %dma_start3A_488 = arith.constant 2 : i32
        %dma_start3A_489 = arith.constant 2 : i32
        %dma_start3A_490 = arith.constant 256 : i32
        %dma_start3A_491 = arith.constant 0 : i32
        %dma_start3A_492 = tpu.memref_slice %arg12[%dma_start3A_490, %dma_start3A_491] : memref<512x16xf32, #tpu.memory_space<vmem>> -> memref<128x16xf32, #tpu.memory_space<vmem>>
        %dma_start3A_493 = arith.constant 0 : i32
        %dma_start3A_494 = tpu.memref_slice %arg10[%dma_start3A_488, %dma_start3A_489, %dma_start3A_493] : memref<8x4x128xi32, #tpu.memory_space<vmem>> -> memref<1x1x128xi32, #tpu.memory_space<vmem>>
        %dma_start3A_495 = tpu.memref_squeeze %dma_start3A_494 : memref<1x1x128xi32, #tpu.memory_space<vmem>> -> memref<128xi32, #tpu.memory_space<vmem>>
        %dma_start3A_496 = arith.constant 0 : i32
        %dma_start3A_497 = arith.constant 0 : i32
        %dma_start3A_498 = tpu.memref_slice %arg2[%dma_start3A_496, %dma_start3A_497] : memref<2600000x16xf32, #tpu.memory_space<hbm>> -> memref<2600000x16xf32, #tpu.memory_space<hbm>>
        tpu.enqueue_indirect_dma source(%dma_start3A_498 : memref<2600000x16xf32, #tpu.memory_space<hbm>>) target(%dma_start3A_492 : memref<128x16xf32, #tpu.memory_space<vmem>>) offsets(%dma_start3A_495 : memref<128xi32, #tpu.memory_space<vmem>>) semaphore(%arg18 : memref<!tpu.dma_semaphore, #tpu.memory_space<semaphore_mem>>)
        %dma_start3A_499 = arith.constant 2 : i32
        %dma_start3A_500 = arith.constant 3 : i32
        %dma_start3A_501 = arith.constant 384 : i32
        %dma_start3A_502 = arith.constant 0 : i32
        %dma_start3A_503 = tpu.memref_slice %arg11[%dma_start3A_501, %dma_start3A_502] : memref<512x16xf32, #tpu.memory_space<vmem>> -> memref<128x16xf32, #tpu.memory_space<vmem>>
        %dma_start3A_504 = arith.constant 0 : i32
        %dma_start3A_505 = tpu.memref_slice %arg9[%dma_start3A_499, %dma_start3A_500, %dma_start3A_504] : memref<8x4x128xi32, #tpu.memory_space<vmem>> -> memref<1x1x128xi32, #tpu.memory_space<vmem>>
        %dma_start3A_506 = tpu.memref_squeeze %dma_start3A_505 : memref<1x1x128xi32, #tpu.memory_space<vmem>> -> memref<128xi32, #tpu.memory_space<vmem>>
        %dma_start3A_507 = arith.constant 0 : i32
        %dma_start3A_508 = arith.constant 0 : i32
        %dma_start3A_509 = tpu.memref_slice %arg2[%dma_start3A_507, %dma_start3A_508] : memref<2600000x16xf32, #tpu.memory_space<hbm>> -> memref<2600000x16xf32, #tpu.memory_space<hbm>>
        tpu.enqueue_indirect_dma source(%dma_start3A_509 : memref<2600000x16xf32, #tpu.memory_space<hbm>>) target(%dma_start3A_503 : memref<128x16xf32, #tpu.memory_space<vmem>>) offsets(%dma_start3A_506 : memref<128xi32, #tpu.memory_space<vmem>>) semaphore(%arg17 : memref<!tpu.dma_semaphore, #tpu.memory_space<semaphore_mem>>)
        %dma_start3A_510 = arith.constant 2 : i32
        %dma_start3A_511 = arith.constant 3 : i32
        %dma_start3A_512 = arith.constant 384 : i32
        %dma_start3A_513 = arith.constant 0 : i32
        %dma_start3A_514 = tpu.memref_slice %arg12[%dma_start3A_512, %dma_start3A_513] : memref<512x16xf32, #tpu.memory_space<vmem>> -> memref<128x16xf32, #tpu.memory_space<vmem>>
        %dma_start3A_515 = arith.constant 0 : i32
        %dma_start3A_516 = tpu.memref_slice %arg10[%dma_start3A_510, %dma_start3A_511, %dma_start3A_515] : memref<8x4x128xi32, #tpu.memory_space<vmem>> -> memref<1x1x128xi32, #tpu.memory_space<vmem>>
        %dma_start3A_517 = tpu.memref_squeeze %dma_start3A_516 : memref<1x1x128xi32, #tpu.memory_space<vmem>> -> memref<128xi32, #tpu.memory_space<vmem>>
        %dma_start3A_518 = arith.constant 0 : i32
        %dma_start3A_519 = arith.constant 0 : i32
        %dma_start3A_520 = tpu.memref_slice %arg2[%dma_start3A_518, %dma_start3A_519] : memref<2600000x16xf32, #tpu.memory_space<hbm>> -> memref<2600000x16xf32, #tpu.memory_space<hbm>>
        tpu.enqueue_indirect_dma source(%dma_start3A_520 : memref<2600000x16xf32, #tpu.memory_space<hbm>>) target(%dma_start3A_514 : memref<128x16xf32, #tpu.memory_space<vmem>>) offsets(%dma_start3A_517 : memref<128xi32, #tpu.memory_space<vmem>>) semaphore(%arg18 : memref<!tpu.dma_semaphore, #tpu.memory_space<semaphore_mem>>)
        %dma_wait3A_521 = arith.constant 2 : i32
        %dma_wait3A_522 = arith.constant 0 : i32
        %dma_wait3A_523 = arith.constant 0 : i32
        %dma_wait3A_524 = arith.constant 0 : i32
        %dma_wait3A_525 = tpu.memref_slice %arg11[%dma_wait3A_523, %dma_wait3A_524] : memref<512x16xf32, #tpu.memory_space<vmem>> -> memref<128x16xf32, #tpu.memory_space<vmem>>
        %dma_wait3A_526 = arith.constant 0 : i32
        %dma_wait3A_527 = tpu.memref_slice %arg9[%dma_wait3A_521, %dma_wait3A_522, %dma_wait3A_526] : memref<8x4x128xi32, #tpu.memory_space<vmem>> -> memref<1x1x128xi32, #tpu.memory_space<vmem>>
        %dma_wait3A_528 = tpu.memref_squeeze %dma_wait3A_527 : memref<1x1x128xi32, #tpu.memory_space<vmem>> -> memref<128xi32, #tpu.memory_space<vmem>>
        %dma_wait3A_529 = arith.constant 0 : i32
        %dma_wait3A_530 = arith.constant 0 : i32
        %dma_wait3A_531 = tpu.memref_slice %arg2[%dma_wait3A_529, %dma_wait3A_530] : memref<2600000x16xf32, #tpu.memory_space<hbm>> -> memref<2600000x16xf32, #tpu.memory_space<hbm>>
        tpu.wait_indirect_dma semaphore(%arg17 : memref<!tpu.dma_semaphore, #tpu.memory_space<semaphore_mem>>) src(%dma_wait3A_531 : memref<2600000x16xf32, #tpu.memory_space<hbm>>) dst(%dma_wait3A_525 : memref<128x16xf32, #tpu.memory_space<vmem>>)
        %dma_wait3A_532 = arith.constant 2 : i32
        %dma_wait3A_533 = arith.constant 0 : i32
        %dma_wait3A_534 = arith.constant 0 : i32
        %dma_wait3A_535 = arith.constant 0 : i32
        %dma_wait3A_536 = tpu.memref_slice %arg12[%dma_wait3A_534, %dma_wait3A_535] : memref<512x16xf32, #tpu.memory_space<vmem>> -> memref<128x16xf32, #tpu.memory_space<vmem>>
        %dma_wait3A_537 = arith.constant 0 : i32
        %dma_wait3A_538 = tpu.memref_slice %arg10[%dma_wait3A_532, %dma_wait3A_533, %dma_wait3A_537] : memref<8x4x128xi32, #tpu.memory_space<vmem>> -> memref<1x1x128xi32, #tpu.memory_space<vmem>>
        %dma_wait3A_539 = tpu.memref_squeeze %dma_wait3A_538 : memref<1x1x128xi32, #tpu.memory_space<vmem>> -> memref<128xi32, #tpu.memory_space<vmem>>
        %dma_wait3A_540 = arith.constant 0 : i32
        %dma_wait3A_541 = arith.constant 0 : i32
        %dma_wait3A_542 = tpu.memref_slice %arg2[%dma_wait3A_540, %dma_wait3A_541] : memref<2600000x16xf32, #tpu.memory_space<hbm>> -> memref<2600000x16xf32, #tpu.memory_space<hbm>>
        tpu.wait_indirect_dma semaphore(%arg18 : memref<!tpu.dma_semaphore, #tpu.memory_space<semaphore_mem>>) src(%dma_wait3A_542 : memref<2600000x16xf32, #tpu.memory_space<hbm>>) dst(%dma_wait3A_536 : memref<128x16xf32, #tpu.memory_space<vmem>>)
        %dma_wait3A_543 = arith.constant 2 : i32
        %dma_wait3A_544 = arith.constant 1 : i32
        %dma_wait3A_545 = arith.constant 128 : i32
        %dma_wait3A_546 = arith.constant 0 : i32
        %dma_wait3A_547 = tpu.memref_slice %arg11[%dma_wait3A_545, %dma_wait3A_546] : memref<512x16xf32, #tpu.memory_space<vmem>> -> memref<128x16xf32, #tpu.memory_space<vmem>>
        %dma_wait3A_548 = arith.constant 0 : i32
        %dma_wait3A_549 = tpu.memref_slice %arg9[%dma_wait3A_543, %dma_wait3A_544, %dma_wait3A_548] : memref<8x4x128xi32, #tpu.memory_space<vmem>> -> memref<1x1x128xi32, #tpu.memory_space<vmem>>
        %dma_wait3A_550 = tpu.memref_squeeze %dma_wait3A_549 : memref<1x1x128xi32, #tpu.memory_space<vmem>> -> memref<128xi32, #tpu.memory_space<vmem>>
        %dma_wait3A_551 = arith.constant 0 : i32
        %dma_wait3A_552 = arith.constant 0 : i32
        %dma_wait3A_553 = tpu.memref_slice %arg2[%dma_wait3A_551, %dma_wait3A_552] : memref<2600000x16xf32, #tpu.memory_space<hbm>> -> memref<2600000x16xf32, #tpu.memory_space<hbm>>
        tpu.wait_indirect_dma semaphore(%arg17 : memref<!tpu.dma_semaphore, #tpu.memory_space<semaphore_mem>>) src(%dma_wait3A_553 : memref<2600000x16xf32, #tpu.memory_space<hbm>>) dst(%dma_wait3A_547 : memref<128x16xf32, #tpu.memory_space<vmem>>)
        %dma_wait3A_554 = arith.constant 2 : i32
        %dma_wait3A_555 = arith.constant 1 : i32
        %dma_wait3A_556 = arith.constant 128 : i32
        %dma_wait3A_557 = arith.constant 0 : i32
        %dma_wait3A_558 = tpu.memref_slice %arg12[%dma_wait3A_556, %dma_wait3A_557] : memref<512x16xf32, #tpu.memory_space<vmem>> -> memref<128x16xf32, #tpu.memory_space<vmem>>
        %dma_wait3A_559 = arith.constant 0 : i32
        %dma_wait3A_560 = tpu.memref_slice %arg10[%dma_wait3A_554, %dma_wait3A_555, %dma_wait3A_559] : memref<8x4x128xi32, #tpu.memory_space<vmem>> -> memref<1x1x128xi32, #tpu.memory_space<vmem>>
        %dma_wait3A_561 = tpu.memref_squeeze %dma_wait3A_560 : memref<1x1x128xi32, #tpu.memory_space<vmem>> -> memref<128xi32, #tpu.memory_space<vmem>>
        %dma_wait3A_562 = arith.constant 0 : i32
        %dma_wait3A_563 = arith.constant 0 : i32
        %dma_wait3A_564 = tpu.memref_slice %arg2[%dma_wait3A_562, %dma_wait3A_563] : memref<2600000x16xf32, #tpu.memory_space<hbm>> -> memref<2600000x16xf32, #tpu.memory_space<hbm>>
        tpu.wait_indirect_dma semaphore(%arg18 : memref<!tpu.dma_semaphore, #tpu.memory_space<semaphore_mem>>) src(%dma_wait3A_564 : memref<2600000x16xf32, #tpu.memory_space<hbm>>) dst(%dma_wait3A_558 : memref<128x16xf32, #tpu.memory_space<vmem>>)
        %dma_wait3A_565 = arith.constant 2 : i32
        %dma_wait3A_566 = arith.constant 2 : i32
        %dma_wait3A_567 = arith.constant 256 : i32
        %dma_wait3A_568 = arith.constant 0 : i32
        %dma_wait3A_569 = tpu.memref_slice %arg11[%dma_wait3A_567, %dma_wait3A_568] : memref<512x16xf32, #tpu.memory_space<vmem>> -> memref<128x16xf32, #tpu.memory_space<vmem>>
        %dma_wait3A_570 = arith.constant 0 : i32
        %dma_wait3A_571 = tpu.memref_slice %arg9[%dma_wait3A_565, %dma_wait3A_566, %dma_wait3A_570] : memref<8x4x128xi32, #tpu.memory_space<vmem>> -> memref<1x1x128xi32, #tpu.memory_space<vmem>>
        %dma_wait3A_572 = tpu.memref_squeeze %dma_wait3A_571 : memref<1x1x128xi32, #tpu.memory_space<vmem>> -> memref<128xi32, #tpu.memory_space<vmem>>
        %dma_wait3A_573 = arith.constant 0 : i32
        %dma_wait3A_574 = arith.constant 0 : i32
        %dma_wait3A_575 = tpu.memref_slice %arg2[%dma_wait3A_573, %dma_wait3A_574] : memref<2600000x16xf32, #tpu.memory_space<hbm>> -> memref<2600000x16xf32, #tpu.memory_space<hbm>>
        tpu.wait_indirect_dma semaphore(%arg17 : memref<!tpu.dma_semaphore, #tpu.memory_space<semaphore_mem>>) src(%dma_wait3A_575 : memref<2600000x16xf32, #tpu.memory_space<hbm>>) dst(%dma_wait3A_569 : memref<128x16xf32, #tpu.memory_space<vmem>>)
        %dma_wait3A_576 = arith.constant 2 : i32
        %dma_wait3A_577 = arith.constant 2 : i32
        %dma_wait3A_578 = arith.constant 256 : i32
        %dma_wait3A_579 = arith.constant 0 : i32
        %dma_wait3A_580 = tpu.memref_slice %arg12[%dma_wait3A_578, %dma_wait3A_579] : memref<512x16xf32, #tpu.memory_space<vmem>> -> memref<128x16xf32, #tpu.memory_space<vmem>>
        %dma_wait3A_581 = arith.constant 0 : i32
        %dma_wait3A_582 = tpu.memref_slice %arg10[%dma_wait3A_576, %dma_wait3A_577, %dma_wait3A_581] : memref<8x4x128xi32, #tpu.memory_space<vmem>> -> memref<1x1x128xi32, #tpu.memory_space<vmem>>
        %dma_wait3A_583 = tpu.memref_squeeze %dma_wait3A_582 : memref<1x1x128xi32, #tpu.memory_space<vmem>> -> memref<128xi32, #tpu.memory_space<vmem>>
        %dma_wait3A_584 = arith.constant 0 : i32
        %dma_wait3A_585 = arith.constant 0 : i32
        %dma_wait3A_586 = tpu.memref_slice %arg2[%dma_wait3A_584, %dma_wait3A_585] : memref<2600000x16xf32, #tpu.memory_space<hbm>> -> memref<2600000x16xf32, #tpu.memory_space<hbm>>
        tpu.wait_indirect_dma semaphore(%arg18 : memref<!tpu.dma_semaphore, #tpu.memory_space<semaphore_mem>>) src(%dma_wait3A_586 : memref<2600000x16xf32, #tpu.memory_space<hbm>>) dst(%dma_wait3A_580 : memref<128x16xf32, #tpu.memory_space<vmem>>)
        %dma_wait3A_587 = arith.constant 2 : i32
        %dma_wait3A_588 = arith.constant 3 : i32
        %dma_wait3A_589 = arith.constant 384 : i32
        %dma_wait3A_590 = arith.constant 0 : i32
        %dma_wait3A_591 = tpu.memref_slice %arg11[%dma_wait3A_589, %dma_wait3A_590] : memref<512x16xf32, #tpu.memory_space<vmem>> -> memref<128x16xf32, #tpu.memory_space<vmem>>
        %dma_wait3A_592 = arith.constant 0 : i32
        %dma_wait3A_593 = tpu.memref_slice %arg9[%dma_wait3A_587, %dma_wait3A_588, %dma_wait3A_592] : memref<8x4x128xi32, #tpu.memory_space<vmem>> -> memref<1x1x128xi32, #tpu.memory_space<vmem>>
        %dma_wait3A_594 = tpu.memref_squeeze %dma_wait3A_593 : memref<1x1x128xi32, #tpu.memory_space<vmem>> -> memref<128xi32, #tpu.memory_space<vmem>>
        %dma_wait3A_595 = arith.constant 0 : i32
        %dma_wait3A_596 = arith.constant 0 : i32
        %dma_wait3A_597 = tpu.memref_slice %arg2[%dma_wait3A_595, %dma_wait3A_596] : memref<2600000x16xf32, #tpu.memory_space<hbm>> -> memref<2600000x16xf32, #tpu.memory_space<hbm>>
        tpu.wait_indirect_dma semaphore(%arg17 : memref<!tpu.dma_semaphore, #tpu.memory_space<semaphore_mem>>) src(%dma_wait3A_597 : memref<2600000x16xf32, #tpu.memory_space<hbm>>) dst(%dma_wait3A_591 : memref<128x16xf32, #tpu.memory_space<vmem>>)
        %dma_wait3A_598 = arith.constant 2 : i32
        %dma_wait3A_599 = arith.constant 3 : i32
        %dma_wait3A_600 = arith.constant 384 : i32
        %dma_wait3A_601 = arith.constant 0 : i32
        %dma_wait3A_602 = tpu.memref_slice %arg12[%dma_wait3A_600, %dma_wait3A_601] : memref<512x16xf32, #tpu.memory_space<vmem>> -> memref<128x16xf32, #tpu.memory_space<vmem>>
        %dma_wait3A_603 = arith.constant 0 : i32
        %dma_wait3A_604 = tpu.memref_slice %arg10[%dma_wait3A_598, %dma_wait3A_599, %dma_wait3A_603] : memref<8x4x128xi32, #tpu.memory_space<vmem>> -> memref<1x1x128xi32, #tpu.memory_space<vmem>>
        %dma_wait3A_605 = tpu.memref_squeeze %dma_wait3A_604 : memref<1x1x128xi32, #tpu.memory_space<vmem>> -> memref<128xi32, #tpu.memory_space<vmem>>
        %dma_wait3A_606 = arith.constant 0 : i32
        %dma_wait3A_607 = arith.constant 0 : i32
        %dma_wait3A_608 = tpu.memref_slice %arg2[%dma_wait3A_606, %dma_wait3A_607] : memref<2600000x16xf32, #tpu.memory_space<hbm>> -> memref<2600000x16xf32, #tpu.memory_space<hbm>>
        tpu.wait_indirect_dma semaphore(%arg18 : memref<!tpu.dma_semaphore, #tpu.memory_space<semaphore_mem>>) src(%dma_wait3A_608 : memref<2600000x16xf32, #tpu.memory_space<hbm>>) dst(%dma_wait3A_602 : memref<128x16xf32, #tpu.memory_space<vmem>>)
        %parallel_loop3A_609 = arith.constant 0 : i32
        %parallel_loop3A_610 = arith.constant 512 : i32
        %parallel_loop3A_611 = arith.constant 1 : i32
        scf.for %parallel_loop3A_1509 = %parallel_loop3A_609 to %parallel_loop3A_610 step %parallel_loop3A_611  : i32 {
          %parallel_loop3A_1510 = arith.constant 3 : i32
          %parallel_loop3A_1511 = arith.shrui %parallel_loop3A_1509, %parallel_loop3A_1510 : i32
          %parallel_loop3A_1512 = arith.constant 7 : i32
          %parallel_loop3A_1513 = arith.andi %parallel_loop3A_1509, %parallel_loop3A_1512 : i32
          %parallel_loop3A_1514 = arith.index_cast %parallel_loop3A_1509 : i32 to index
          %parallel_loop3A_1515 = arith.constant 0 : index
          %parallel_loop3A_1516 = tpu.vector_load %arg11[%parallel_loop3A_1514, %parallel_loop3A_1515] {strides = array<i32>} : memref<512x16xf32, #tpu.memory_space<vmem>>, vector<1x16xf32>,
          %parallel_loop3A_1517 = vector.shape_cast %parallel_loop3A_1516 : vector<1x16xf32> to vector<16xf32>
          %parallel_loop3A_1518 = arith.index_cast %parallel_loop3A_1509 : i32 to index
          %parallel_loop3A_1519 = arith.constant 0 : index
          %parallel_loop3A_1520 = tpu.vector_load %arg12[%parallel_loop3A_1518, %parallel_loop3A_1519] {strides = array<i32>} : memref<512x16xf32, #tpu.memory_space<vmem>>, vector<1x16xf32>,
          %parallel_loop3A_1521 = vector.shape_cast %parallel_loop3A_1520 : vector<1x16xf32> to vector<16xf32>
          %parallel_loop3A_1522 = arith.mulf %parallel_loop3A_1517, %parallel_loop3A_1521 : vector<16xf32>
          %parallel_loop3A_1523 = arith.index_cast %parallel_loop3A_1511 : i32 to index
          %parallel_loop3A_1524 = arith.index_cast %parallel_loop3A_1513 : i32 to index
          %parallel_loop3A_1525 = arith.constant 32 : index
          %parallel_loop3A_1526 = tpu.vector_load %arg13[%parallel_loop3A_1523, %parallel_loop3A_1524, %parallel_loop3A_1525] {strides = array<i32>} : memref<64x8x128xf32, #tpu.memory_space<vmem>>, vector<1x1x16xf32>,
          %parallel_loop3A_1527 = vector.shape_cast %parallel_loop3A_1526 : vector<1x1x16xf32> to vector<16xf32>
          %parallel_loop3A_1528 = vector.shape_cast %parallel_loop3A_1522 : vector<16xf32> to vector<1x1x16xf32>
          tpu.vector_store %arg13[%parallel_loop3A_1523, %parallel_loop3A_1524, %parallel_loop3A_1525], %parallel_loop3A_1528 {strides = array<i32>} : memref<64x8x128xf32, #tpu.memory_space<vmem>>, vector<1x1x16xf32>,
        } {sc.loop_unroll_factor = 8 : i64, sc.parallel_access}
        %dma_start3A_612 = arith.constant 3 : i32
        %dma_start3A_613 = arith.constant 0 : i32
        %dma_start3A_614 = arith.constant 0 : i32
        %dma_start3A_615 = arith.constant 0 : i32
        %dma_start3A_616 = tpu.memref_slice %arg11[%dma_start3A_614, %dma_start3A_615] : memref<512x16xf32, #tpu.memory_space<vmem>> -> memref<128x16xf32, #tpu.memory_space<vmem>>
        %dma_start3A_617 = arith.constant 0 : i32
        %dma_start3A_618 = tpu.memref_slice %arg9[%dma_start3A_612, %dma_start3A_613, %dma_start3A_617] : memref<8x4x128xi32, #tpu.memory_space<vmem>> -> memref<1x1x128xi32, #tpu.memory_space<vmem>>
        %dma_start3A_619 = tpu.memref_squeeze %dma_start3A_618 : memref<1x1x128xi32, #tpu.memory_space<vmem>> -> memref<128xi32, #tpu.memory_space<vmem>>
        %dma_start3A_620 = arith.constant 0 : i32
        %dma_start3A_621 = arith.constant 0 : i32
        %dma_start3A_622 = tpu.memref_slice %arg2[%dma_start3A_620, %dma_start3A_621] : memref<2600000x16xf32, #tpu.memory_space<hbm>> -> memref<2600000x16xf32, #tpu.memory_space<hbm>>
        tpu.enqueue_indirect_dma source(%dma_start3A_622 : memref<2600000x16xf32, #tpu.memory_space<hbm>>) target(%dma_start3A_616 : memref<128x16xf32, #tpu.memory_space<vmem>>) offsets(%dma_start3A_619 : memref<128xi32, #tpu.memory_space<vmem>>) semaphore(%arg17 : memref<!tpu.dma_semaphore, #tpu.memory_space<semaphore_mem>>)
        %dma_start3A_623 = arith.constant 3 : i32
        %dma_start3A_624 = arith.constant 0 : i32
        %dma_start3A_625 = arith.constant 0 : i32
        %dma_start3A_626 = arith.constant 0 : i32
        %dma_start3A_627 = tpu.memref_slice %arg12[%dma_start3A_625, %dma_start3A_626] : memref<512x16xf32, #tpu.memory_space<vmem>> -> memref<128x16xf32, #tpu.memory_space<vmem>>
        %dma_start3A_628 = arith.constant 0 : i32
        %dma_start3A_629 = tpu.memref_slice %arg10[%dma_start3A_623, %dma_start3A_624, %dma_start3A_628] : memref<8x4x128xi32, #tpu.memory_space<vmem>> -> memref<1x1x128xi32, #tpu.memory_space<vmem>>
        %dma_start3A_630 = tpu.memref_squeeze %dma_start3A_629 : memref<1x1x128xi32, #tpu.memory_space<vmem>> -> memref<128xi32, #tpu.memory_space<vmem>>
        %dma_start3A_631 = arith.constant 0 : i32
        %dma_start3A_632 = arith.constant 0 : i32
        %dma_start3A_633 = tpu.memref_slice %arg2[%dma_start3A_631, %dma_start3A_632] : memref<2600000x16xf32, #tpu.memory_space<hbm>> -> memref<2600000x16xf32, #tpu.memory_space<hbm>>
        tpu.enqueue_indirect_dma source(%dma_start3A_633 : memref<2600000x16xf32, #tpu.memory_space<hbm>>) target(%dma_start3A_627 : memref<128x16xf32, #tpu.memory_space<vmem>>) offsets(%dma_start3A_630 : memref<128xi32, #tpu.memory_space<vmem>>) semaphore(%arg18 : memref<!tpu.dma_semaphore, #tpu.memory_space<semaphore_mem>>)
        %dma_start3A_634 = arith.constant 3 : i32
        %dma_start3A_635 = arith.constant 1 : i32
        %dma_start3A_636 = arith.constant 128 : i32
        %dma_start3A_637 = arith.constant 0 : i32
        %dma_start3A_638 = tpu.memref_slice %arg11[%dma_start3A_636, %dma_start3A_637] : memref<512x16xf32, #tpu.memory_space<vmem>> -> memref<128x16xf32, #tpu.memory_space<vmem>>
        %dma_start3A_639 = arith.constant 0 : i32
        %dma_start3A_640 = tpu.memref_slice %arg9[%dma_start3A_634, %dma_start3A_635, %dma_start3A_639] : memref<8x4x128xi32, #tpu.memory_space<vmem>> -> memref<1x1x128xi32, #tpu.memory_space<vmem>>
        %dma_start3A_641 = tpu.memref_squeeze %dma_start3A_640 : memref<1x1x128xi32, #tpu.memory_space<vmem>> -> memref<128xi32, #tpu.memory_space<vmem>>
        %dma_start3A_642 = arith.constant 0 : i32
        %dma_start3A_643 = arith.constant 0 : i32
        %dma_start3A_644 = tpu.memref_slice %arg2[%dma_start3A_642, %dma_start3A_643] : memref<2600000x16xf32, #tpu.memory_space<hbm>> -> memref<2600000x16xf32, #tpu.memory_space<hbm>>
        tpu.enqueue_indirect_dma source(%dma_start3A_644 : memref<2600000x16xf32, #tpu.memory_space<hbm>>) target(%dma_start3A_638 : memref<128x16xf32, #tpu.memory_space<vmem>>) offsets(%dma_start3A_641 : memref<128xi32, #tpu.memory_space<vmem>>) semaphore(%arg17 : memref<!tpu.dma_semaphore, #tpu.memory_space<semaphore_mem>>)
        %dma_start3A_645 = arith.constant 3 : i32
        %dma_start3A_646 = arith.constant 1 : i32
        %dma_start3A_647 = arith.constant 128 : i32
        %dma_start3A_648 = arith.constant 0 : i32
        %dma_start3A_649 = tpu.memref_slice %arg12[%dma_start3A_647, %dma_start3A_648] : memref<512x16xf32, #tpu.memory_space<vmem>> -> memref<128x16xf32, #tpu.memory_space<vmem>>
        %dma_start3A_650 = arith.constant 0 : i32
        %dma_start3A_651 = tpu.memref_slice %arg10[%dma_start3A_645, %dma_start3A_646, %dma_start3A_650] : memref<8x4x128xi32, #tpu.memory_space<vmem>> -> memref<1x1x128xi32, #tpu.memory_space<vmem>>
        %dma_start3A_652 = tpu.memref_squeeze %dma_start3A_651 : memref<1x1x128xi32, #tpu.memory_space<vmem>> -> memref<128xi32, #tpu.memory_space<vmem>>
        %dma_start3A_653 = arith.constant 0 : i32
        %dma_start3A_654 = arith.constant 0 : i32
        %dma_start3A_655 = tpu.memref_slice %arg2[%dma_start3A_653, %dma_start3A_654] : memref<2600000x16xf32, #tpu.memory_space<hbm>> -> memref<2600000x16xf32, #tpu.memory_space<hbm>>
        tpu.enqueue_indirect_dma source(%dma_start3A_655 : memref<2600000x16xf32, #tpu.memory_space<hbm>>) target(%dma_start3A_649 : memref<128x16xf32, #tpu.memory_space<vmem>>) offsets(%dma_start3A_652 : memref<128xi32, #tpu.memory_space<vmem>>) semaphore(%arg18 : memref<!tpu.dma_semaphore, #tpu.memory_space<semaphore_mem>>)
        %dma_start3A_656 = arith.constant 3 : i32
        %dma_start3A_657 = arith.constant 2 : i32
        %dma_start3A_658 = arith.constant 256 : i32
        %dma_start3A_659 = arith.constant 0 : i32
        %dma_start3A_660 = tpu.memref_slice %arg11[%dma_start3A_658, %dma_start3A_659] : memref<512x16xf32, #tpu.memory_space<vmem>> -> memref<128x16xf32, #tpu.memory_space<vmem>>
        %dma_start3A_661 = arith.constant 0 : i32
        %dma_start3A_662 = tpu.memref_slice %arg9[%dma_start3A_656, %dma_start3A_657, %dma_start3A_661] : memref<8x4x128xi32, #tpu.memory_space<vmem>> -> memref<1x1x128xi32, #tpu.memory_space<vmem>>
        %dma_start3A_663 = tpu.memref_squeeze %dma_start3A_662 : memref<1x1x128xi32, #tpu.memory_space<vmem>> -> memref<128xi32, #tpu.memory_space<vmem>>
        %dma_start3A_664 = arith.constant 0 : i32
        %dma_start3A_665 = arith.constant 0 : i32
        %dma_start3A_666 = tpu.memref_slice %arg2[%dma_start3A_664, %dma_start3A_665] : memref<2600000x16xf32, #tpu.memory_space<hbm>> -> memref<2600000x16xf32, #tpu.memory_space<hbm>>
        tpu.enqueue_indirect_dma source(%dma_start3A_666 : memref<2600000x16xf32, #tpu.memory_space<hbm>>) target(%dma_start3A_660 : memref<128x16xf32, #tpu.memory_space<vmem>>) offsets(%dma_start3A_663 : memref<128xi32, #tpu.memory_space<vmem>>) semaphore(%arg17 : memref<!tpu.dma_semaphore, #tpu.memory_space<semaphore_mem>>)
        %dma_start3A_667 = arith.constant 3 : i32
        %dma_start3A_668 = arith.constant 2 : i32
        %dma_start3A_669 = arith.constant 256 : i32
        %dma_start3A_670 = arith.constant 0 : i32
        %dma_start3A_671 = tpu.memref_slice %arg12[%dma_start3A_669, %dma_start3A_670] : memref<512x16xf32, #tpu.memory_space<vmem>> -> memref<128x16xf32, #tpu.memory_space<vmem>>
        %dma_start3A_672 = arith.constant 0 : i32
        %dma_start3A_673 = tpu.memref_slice %arg10[%dma_start3A_667, %dma_start3A_668, %dma_start3A_672] : memref<8x4x128xi32, #tpu.memory_space<vmem>> -> memref<1x1x128xi32, #tpu.memory_space<vmem>>
        %dma_start3A_674 = tpu.memref_squeeze %dma_start3A_673 : memref<1x1x128xi32, #tpu.memory_space<vmem>> -> memref<128xi32, #tpu.memory_space<vmem>>
        %dma_start3A_675 = arith.constant 0 : i32
        %dma_start3A_676 = arith.constant 0 : i32
        %dma_start3A_677 = tpu.memref_slice %arg2[%dma_start3A_675, %dma_start3A_676] : memref<2600000x16xf32, #tpu.memory_space<hbm>> -> memref<2600000x16xf32, #tpu.memory_space<hbm>>
        tpu.enqueue_indirect_dma source(%dma_start3A_677 : memref<2600000x16xf32, #tpu.memory_space<hbm>>) target(%dma_start3A_671 : memref<128x16xf32, #tpu.memory_space<vmem>>) offsets(%dma_start3A_674 : memref<128xi32, #tpu.memory_space<vmem>>) semaphore(%arg18 : memref<!tpu.dma_semaphore, #tpu.memory_space<semaphore_mem>>)
        %dma_start3A_678 = arith.constant 3 : i32
        %dma_start3A_679 = arith.constant 3 : i32
        %dma_start3A_680 = arith.constant 384 : i32
        %dma_start3A_681 = arith.constant 0 : i32
        %dma_start3A_682 = tpu.memref_slice %arg11[%dma_start3A_680, %dma_start3A_681] : memref<512x16xf32, #tpu.memory_space<vmem>> -> memref<128x16xf32, #tpu.memory_space<vmem>>
        %dma_start3A_683 = arith.constant 0 : i32
        %dma_start3A_684 = tpu.memref_slice %arg9[%dma_start3A_678, %dma_start3A_679, %dma_start3A_683] : memref<8x4x128xi32, #tpu.memory_space<vmem>> -> memref<1x1x128xi32, #tpu.memory_space<vmem>>
        %dma_start3A_685 = tpu.memref_squeeze %dma_start3A_684 : memref<1x1x128xi32, #tpu.memory_space<vmem>> -> memref<128xi32, #tpu.memory_space<vmem>>
        %dma_start3A_686 = arith.constant 0 : i32
        %dma_start3A_687 = arith.constant 0 : i32
        %dma_start3A_688 = tpu.memref_slice %arg2[%dma_start3A_686, %dma_start3A_687] : memref<2600000x16xf32, #tpu.memory_space<hbm>> -> memref<2600000x16xf32, #tpu.memory_space<hbm>>
        tpu.enqueue_indirect_dma source(%dma_start3A_688 : memref<2600000x16xf32, #tpu.memory_space<hbm>>) target(%dma_start3A_682 : memref<128x16xf32, #tpu.memory_space<vmem>>) offsets(%dma_start3A_685 : memref<128xi32, #tpu.memory_space<vmem>>) semaphore(%arg17 : memref<!tpu.dma_semaphore, #tpu.memory_space<semaphore_mem>>)
        %dma_start3A_689 = arith.constant 3 : i32
        %dma_start3A_690 = arith.constant 3 : i32
        %dma_start3A_691 = arith.constant 384 : i32
        %dma_start3A_692 = arith.constant 0 : i32
        %dma_start3A_693 = tpu.memref_slice %arg12[%dma_start3A_691, %dma_start3A_692] : memref<512x16xf32, #tpu.memory_space<vmem>> -> memref<128x16xf32, #tpu.memory_space<vmem>>
        %dma_start3A_694 = arith.constant 0 : i32
        %dma_start3A_695 = tpu.memref_slice %arg10[%dma_start3A_689, %dma_start3A_690, %dma_start3A_694] : memref<8x4x128xi32, #tpu.memory_space<vmem>> -> memref<1x1x128xi32, #tpu.memory_space<vmem>>
        %dma_start3A_696 = tpu.memref_squeeze %dma_start3A_695 : memref<1x1x128xi32, #tpu.memory_space<vmem>> -> memref<128xi32, #tpu.memory_space<vmem>>
        %dma_start3A_697 = arith.constant 0 : i32
        %dma_start3A_698 = arith.constant 0 : i32
        %dma_start3A_699 = tpu.memref_slice %arg2[%dma_start3A_697, %dma_start3A_698] : memref<2600000x16xf32, #tpu.memory_space<hbm>> -> memref<2600000x16xf32, #tpu.memory_space<hbm>>
        tpu.enqueue_indirect_dma source(%dma_start3A_699 : memref<2600000x16xf32, #tpu.memory_space<hbm>>) target(%dma_start3A_693 : memref<128x16xf32, #tpu.memory_space<vmem>>) offsets(%dma_start3A_696 : memref<128xi32, #tpu.memory_space<vmem>>) semaphore(%arg18 : memref<!tpu.dma_semaphore, #tpu.memory_space<semaphore_mem>>)
        %dma_wait3A_700 = arith.constant 3 : i32
        %dma_wait3A_701 = arith.constant 0 : i32
        %dma_wait3A_702 = arith.constant 0 : i32
        %dma_wait3A_703 = arith.constant 0 : i32
        %dma_wait3A_704 = tpu.memref_slice %arg11[%dma_wait3A_702, %dma_wait3A_703] : memref<512x16xf32, #tpu.memory_space<vmem>> -> memref<128x16xf32, #tpu.memory_space<vmem>>
        %dma_wait3A_705 = arith.constant 0 : i32
        %dma_wait3A_706 = tpu.memref_slice %arg9[%dma_wait3A_700, %dma_wait3A_701, %dma_wait3A_705] : memref<8x4x128xi32, #tpu.memory_space<vmem>> -> memref<1x1x128xi32, #tpu.memory_space<vmem>>
        %dma_wait3A_707 = tpu.memref_squeeze %dma_wait3A_706 : memref<1x1x128xi32, #tpu.memory_space<vmem>> -> memref<128xi32, #tpu.memory_space<vmem>>
        %dma_wait3A_708 = arith.constant 0 : i32
        %dma_wait3A_709 = arith.constant 0 : i32
        %dma_wait3A_710 = tpu.memref_slice %arg2[%dma_wait3A_708, %dma_wait3A_709] : memref<2600000x16xf32, #tpu.memory_space<hbm>> -> memref<2600000x16xf32, #tpu.memory_space<hbm>>
        tpu.wait_indirect_dma semaphore(%arg17 : memref<!tpu.dma_semaphore, #tpu.memory_space<semaphore_mem>>) src(%dma_wait3A_710 : memref<2600000x16xf32, #tpu.memory_space<hbm>>) dst(%dma_wait3A_704 : memref<128x16xf32, #tpu.memory_space<vmem>>)
        %dma_wait3A_711 = arith.constant 3 : i32
        %dma_wait3A_712 = arith.constant 0 : i32
        %dma_wait3A_713 = arith.constant 0 : i32
        %dma_wait3A_714 = arith.constant 0 : i32
        %dma_wait3A_715 = tpu.memref_slice %arg12[%dma_wait3A_713, %dma_wait3A_714] : memref<512x16xf32, #tpu.memory_space<vmem>> -> memref<128x16xf32, #tpu.memory_space<vmem>>
        %dma_wait3A_716 = arith.constant 0 : i32
        %dma_wait3A_717 = tpu.memref_slice %arg10[%dma_wait3A_711, %dma_wait3A_712, %dma_wait3A_716] : memref<8x4x128xi32, #tpu.memory_space<vmem>> -> memref<1x1x128xi32, #tpu.memory_space<vmem>>
        %dma_wait3A_718 = tpu.memref_squeeze %dma_wait3A_717 : memref<1x1x128xi32, #tpu.memory_space<vmem>> -> memref<128xi32, #tpu.memory_space<vmem>>
        %dma_wait3A_719 = arith.constant 0 : i32
        %dma_wait3A_720 = arith.constant 0 : i32
        %dma_wait3A_721 = tpu.memref_slice %arg2[%dma_wait3A_719, %dma_wait3A_720] : memref<2600000x16xf32, #tpu.memory_space<hbm>> -> memref<2600000x16xf32, #tpu.memory_space<hbm>>
        tpu.wait_indirect_dma semaphore(%arg18 : memref<!tpu.dma_semaphore, #tpu.memory_space<semaphore_mem>>) src(%dma_wait3A_721 : memref<2600000x16xf32, #tpu.memory_space<hbm>>) dst(%dma_wait3A_715 : memref<128x16xf32, #tpu.memory_space<vmem>>)
        %dma_wait3A_722 = arith.constant 3 : i32
        %dma_wait3A_723 = arith.constant 1 : i32
        %dma_wait3A_724 = arith.constant 128 : i32
        %dma_wait3A_725 = arith.constant 0 : i32
        %dma_wait3A_726 = tpu.memref_slice %arg11[%dma_wait3A_724, %dma_wait3A_725] : memref<512x16xf32, #tpu.memory_space<vmem>> -> memref<128x16xf32, #tpu.memory_space<vmem>>
        %dma_wait3A_727 = arith.constant 0 : i32
        %dma_wait3A_728 = tpu.memref_slice %arg9[%dma_wait3A_722, %dma_wait3A_723, %dma_wait3A_727] : memref<8x4x128xi32, #tpu.memory_space<vmem>> -> memref<1x1x128xi32, #tpu.memory_space<vmem>>
        %dma_wait3A_729 = tpu.memref_squeeze %dma_wait3A_728 : memref<1x1x128xi32, #tpu.memory_space<vmem>> -> memref<128xi32, #tpu.memory_space<vmem>>
        %dma_wait3A_730 = arith.constant 0 : i32
        %dma_wait3A_731 = arith.constant 0 : i32
        %dma_wait3A_732 = tpu.memref_slice %arg2[%dma_wait3A_730, %dma_wait3A_731] : memref<2600000x16xf32, #tpu.memory_space<hbm>> -> memref<2600000x16xf32, #tpu.memory_space<hbm>>
        tpu.wait_indirect_dma semaphore(%arg17 : memref<!tpu.dma_semaphore, #tpu.memory_space<semaphore_mem>>) src(%dma_wait3A_732 : memref<2600000x16xf32, #tpu.memory_space<hbm>>) dst(%dma_wait3A_726 : memref<128x16xf32, #tpu.memory_space<vmem>>)
        %dma_wait3A_733 = arith.constant 3 : i32
        %dma_wait3A_734 = arith.constant 1 : i32
        %dma_wait3A_735 = arith.constant 128 : i32
        %dma_wait3A_736 = arith.constant 0 : i32
        %dma_wait3A_737 = tpu.memref_slice %arg12[%dma_wait3A_735, %dma_wait3A_736] : memref<512x16xf32, #tpu.memory_space<vmem>> -> memref<128x16xf32, #tpu.memory_space<vmem>>
        %dma_wait3A_738 = arith.constant 0 : i32
        %dma_wait3A_739 = tpu.memref_slice %arg10[%dma_wait3A_733, %dma_wait3A_734, %dma_wait3A_738] : memref<8x4x128xi32, #tpu.memory_space<vmem>> -> memref<1x1x128xi32, #tpu.memory_space<vmem>>
        %dma_wait3A_740 = tpu.memref_squeeze %dma_wait3A_739 : memref<1x1x128xi32, #tpu.memory_space<vmem>> -> memref<128xi32, #tpu.memory_space<vmem>>
        %dma_wait3A_741 = arith.constant 0 : i32
        %dma_wait3A_742 = arith.constant 0 : i32
        %dma_wait3A_743 = tpu.memref_slice %arg2[%dma_wait3A_741, %dma_wait3A_742] : memref<2600000x16xf32, #tpu.memory_space<hbm>> -> memref<2600000x16xf32, #tpu.memory_space<hbm>>
        tpu.wait_indirect_dma semaphore(%arg18 : memref<!tpu.dma_semaphore, #tpu.memory_space<semaphore_mem>>) src(%dma_wait3A_743 : memref<2600000x16xf32, #tpu.memory_space<hbm>>) dst(%dma_wait3A_737 : memref<128x16xf32, #tpu.memory_space<vmem>>)
        %dma_wait3A_744 = arith.constant 3 : i32
        %dma_wait3A_745 = arith.constant 2 : i32
        %dma_wait3A_746 = arith.constant 256 : i32
        %dma_wait3A_747 = arith.constant 0 : i32
        %dma_wait3A_748 = tpu.memref_slice %arg11[%dma_wait3A_746, %dma_wait3A_747] : memref<512x16xf32, #tpu.memory_space<vmem>> -> memref<128x16xf32, #tpu.memory_space<vmem>>
        %dma_wait3A_749 = arith.constant 0 : i32
        %dma_wait3A_750 = tpu.memref_slice %arg9[%dma_wait3A_744, %dma_wait3A_745, %dma_wait3A_749] : memref<8x4x128xi32, #tpu.memory_space<vmem>> -> memref<1x1x128xi32, #tpu.memory_space<vmem>>
        %dma_wait3A_751 = tpu.memref_squeeze %dma_wait3A_750 : memref<1x1x128xi32, #tpu.memory_space<vmem>> -> memref<128xi32, #tpu.memory_space<vmem>>
        %dma_wait3A_752 = arith.constant 0 : i32
        %dma_wait3A_753 = arith.constant 0 : i32
        %dma_wait3A_754 = tpu.memref_slice %arg2[%dma_wait3A_752, %dma_wait3A_753] : memref<2600000x16xf32, #tpu.memory_space<hbm>> -> memref<2600000x16xf32, #tpu.memory_space<hbm>>
        tpu.wait_indirect_dma semaphore(%arg17 : memref<!tpu.dma_semaphore, #tpu.memory_space<semaphore_mem>>) src(%dma_wait3A_754 : memref<2600000x16xf32, #tpu.memory_space<hbm>>) dst(%dma_wait3A_748 : memref<128x16xf32, #tpu.memory_space<vmem>>)
        %dma_wait3A_755 = arith.constant 3 : i32
        %dma_wait3A_756 = arith.constant 2 : i32
        %dma_wait3A_757 = arith.constant 256 : i32
        %dma_wait3A_758 = arith.constant 0 : i32
        %dma_wait3A_759 = tpu.memref_slice %arg12[%dma_wait3A_757, %dma_wait3A_758] : memref<512x16xf32, #tpu.memory_space<vmem>> -> memref<128x16xf32, #tpu.memory_space<vmem>>
        %dma_wait3A_760 = arith.constant 0 : i32
        %dma_wait3A_761 = tpu.memref_slice %arg10[%dma_wait3A_755, %dma_wait3A_756, %dma_wait3A_760] : memref<8x4x128xi32, #tpu.memory_space<vmem>> -> memref<1x1x128xi32, #tpu.memory_space<vmem>>
        %dma_wait3A_762 = tpu.memref_squeeze %dma_wait3A_761 : memref<1x1x128xi32, #tpu.memory_space<vmem>> -> memref<128xi32, #tpu.memory_space<vmem>>
        %dma_wait3A_763 = arith.constant 0 : i32
        %dma_wait3A_764 = arith.constant 0 : i32
        %dma_wait3A_765 = tpu.memref_slice %arg2[%dma_wait3A_763, %dma_wait3A_764] : memref<2600000x16xf32, #tpu.memory_space<hbm>> -> memref<2600000x16xf32, #tpu.memory_space<hbm>>
        tpu.wait_indirect_dma semaphore(%arg18 : memref<!tpu.dma_semaphore, #tpu.memory_space<semaphore_mem>>) src(%dma_wait3A_765 : memref<2600000x16xf32, #tpu.memory_space<hbm>>) dst(%dma_wait3A_759 : memref<128x16xf32, #tpu.memory_space<vmem>>)
        %dma_wait3A_766 = arith.constant 3 : i32
        %dma_wait3A_767 = arith.constant 3 : i32
        %dma_wait3A_768 = arith.constant 384 : i32
        %dma_wait3A_769 = arith.constant 0 : i32
        %dma_wait3A_770 = tpu.memref_slice %arg11[%dma_wait3A_768, %dma_wait3A_769] : memref<512x16xf32, #tpu.memory_space<vmem>> -> memref<128x16xf32, #tpu.memory_space<vmem>>
        %dma_wait3A_771 = arith.constant 0 : i32
        %dma_wait3A_772 = tpu.memref_slice %arg9[%dma_wait3A_766, %dma_wait3A_767, %dma_wait3A_771] : memref<8x4x128xi32, #tpu.memory_space<vmem>> -> memref<1x1x128xi32, #tpu.memory_space<vmem>>
        %dma_wait3A_773 = tpu.memref_squeeze %dma_wait3A_772 : memref<1x1x128xi32, #tpu.memory_space<vmem>> -> memref<128xi32, #tpu.memory_space<vmem>>
        %dma_wait3A_774 = arith.constant 0 : i32
        %dma_wait3A_775 = arith.constant 0 : i32
        %dma_wait3A_776 = tpu.memref_slice %arg2[%dma_wait3A_774, %dma_wait3A_775] : memref<2600000x16xf32, #tpu.memory_space<hbm>> -> memref<2600000x16xf32, #tpu.memory_space<hbm>>
        tpu.wait_indirect_dma semaphore(%arg17 : memref<!tpu.dma_semaphore, #tpu.memory_space<semaphore_mem>>) src(%dma_wait3A_776 : memref<2600000x16xf32, #tpu.memory_space<hbm>>) dst(%dma_wait3A_770 : memref<128x16xf32, #tpu.memory_space<vmem>>)
        %dma_wait3A_777 = arith.constant 3 : i32
        %dma_wait3A_778 = arith.constant 3 : i32
        %dma_wait3A_779 = arith.constant 384 : i32
        %dma_wait3A_780 = arith.constant 0 : i32
        %dma_wait3A_781 = tpu.memref_slice %arg12[%dma_wait3A_779, %dma_wait3A_780] : memref<512x16xf32, #tpu.memory_space<vmem>> -> memref<128x16xf32, #tpu.memory_space<vmem>>
        %dma_wait3A_782 = arith.constant 0 : i32
        %dma_wait3A_783 = tpu.memref_slice %arg10[%dma_wait3A_777, %dma_wait3A_778, %dma_wait3A_782] : memref<8x4x128xi32, #tpu.memory_space<vmem>> -> memref<1x1x128xi32, #tpu.memory_space<vmem>>
        %dma_wait3A_784 = tpu.memref_squeeze %dma_wait3A_783 : memref<1x1x128xi32, #tpu.memory_space<vmem>> -> memref<128xi32, #tpu.memory_space<vmem>>
        %dma_wait3A_785 = arith.constant 0 : i32
        %dma_wait3A_786 = arith.constant 0 : i32
        %dma_wait3A_787 = tpu.memref_slice %arg2[%dma_wait3A_785, %dma_wait3A_786] : memref<2600000x16xf32, #tpu.memory_space<hbm>> -> memref<2600000x16xf32, #tpu.memory_space<hbm>>
        tpu.wait_indirect_dma semaphore(%arg18 : memref<!tpu.dma_semaphore, #tpu.memory_space<semaphore_mem>>) src(%dma_wait3A_787 : memref<2600000x16xf32, #tpu.memory_space<hbm>>) dst(%dma_wait3A_781 : memref<128x16xf32, #tpu.memory_space<vmem>>)
        %parallel_loop3A_788 = arith.constant 0 : i32
        %parallel_loop3A_789 = arith.constant 512 : i32
        %parallel_loop3A_790 = arith.constant 1 : i32
        scf.for %parallel_loop3A_1509 = %parallel_loop3A_788 to %parallel_loop3A_789 step %parallel_loop3A_790  : i32 {
          %parallel_loop3A_1510 = arith.constant 3 : i32
          %parallel_loop3A_1511 = arith.shrui %parallel_loop3A_1509, %parallel_loop3A_1510 : i32
          %parallel_loop3A_1512 = arith.constant 7 : i32
          %parallel_loop3A_1513 = arith.andi %parallel_loop3A_1509, %parallel_loop3A_1512 : i32
          %parallel_loop3A_1514 = arith.index_cast %parallel_loop3A_1509 : i32 to index
          %parallel_loop3A_1515 = arith.constant 0 : index
          %parallel_loop3A_1516 = tpu.vector_load %arg11[%parallel_loop3A_1514, %parallel_loop3A_1515] {strides = array<i32>} : memref<512x16xf32, #tpu.memory_space<vmem>>, vector<1x16xf32>,
          %parallel_loop3A_1517 = vector.shape_cast %parallel_loop3A_1516 : vector<1x16xf32> to vector<16xf32>
          %parallel_loop3A_1518 = arith.index_cast %parallel_loop3A_1509 : i32 to index
          %parallel_loop3A_1519 = arith.constant 0 : index
          %parallel_loop3A_1520 = tpu.vector_load %arg12[%parallel_loop3A_1518, %parallel_loop3A_1519] {strides = array<i32>} : memref<512x16xf32, #tpu.memory_space<vmem>>, vector<1x16xf32>,
          %parallel_loop3A_1521 = vector.shape_cast %parallel_loop3A_1520 : vector<1x16xf32> to vector<16xf32>
          %parallel_loop3A_1522 = arith.mulf %parallel_loop3A_1517, %parallel_loop3A_1521 : vector<16xf32>
          %parallel_loop3A_1523 = arith.index_cast %parallel_loop3A_1511 : i32 to index
          %parallel_loop3A_1524 = arith.index_cast %parallel_loop3A_1513 : i32 to index
          %parallel_loop3A_1525 = arith.constant 48 : index
          %parallel_loop3A_1526 = tpu.vector_load %arg13[%parallel_loop3A_1523, %parallel_loop3A_1524, %parallel_loop3A_1525] {strides = array<i32>} : memref<64x8x128xf32, #tpu.memory_space<vmem>>, vector<1x1x16xf32>,
          %parallel_loop3A_1527 = vector.shape_cast %parallel_loop3A_1526 : vector<1x1x16xf32> to vector<16xf32>
          %parallel_loop3A_1528 = vector.shape_cast %parallel_loop3A_1522 : vector<16xf32> to vector<1x1x16xf32>
          tpu.vector_store %arg13[%parallel_loop3A_1523, %parallel_loop3A_1524, %parallel_loop3A_1525], %parallel_loop3A_1528 {strides = array<i32>} : memref<64x8x128xf32, #tpu.memory_space<vmem>>, vector<1x1x16xf32>,
        } {sc.loop_unroll_factor = 8 : i64, sc.parallel_access}
        %dma_start3A_791 = arith.constant 4 : i32
        %dma_start3A_792 = arith.constant 0 : i32
        %dma_start3A_793 = arith.constant 0 : i32
        %dma_start3A_794 = arith.constant 0 : i32
        %dma_start3A_795 = tpu.memref_slice %arg11[%dma_start3A_793, %dma_start3A_794] : memref<512x16xf32, #tpu.memory_space<vmem>> -> memref<128x16xf32, #tpu.memory_space<vmem>>
        %dma_start3A_796 = arith.constant 0 : i32
        %dma_start3A_797 = tpu.memref_slice %arg9[%dma_start3A_791, %dma_start3A_792, %dma_start3A_796] : memref<8x4x128xi32, #tpu.memory_space<vmem>> -> memref<1x1x128xi32, #tpu.memory_space<vmem>>
        %dma_start3A_798 = tpu.memref_squeeze %dma_start3A_797 : memref<1x1x128xi32, #tpu.memory_space<vmem>> -> memref<128xi32, #tpu.memory_space<vmem>>
        %dma_start3A_799 = arith.constant 0 : i32
        %dma_start3A_800 = arith.constant 0 : i32
        %dma_start3A_801 = tpu.memref_slice %arg2[%dma_start3A_799, %dma_start3A_800] : memref<2600000x16xf32, #tpu.memory_space<hbm>> -> memref<2600000x16xf32, #tpu.memory_space<hbm>>
        tpu.enqueue_indirect_dma source(%dma_start3A_801 : memref<2600000x16xf32, #tpu.memory_space<hbm>>) target(%dma_start3A_795 : memref<128x16xf32, #tpu.memory_space<vmem>>) offsets(%dma_start3A_798 : memref<128xi32, #tpu.memory_space<vmem>>) semaphore(%arg17 : memref<!tpu.dma_semaphore, #tpu.memory_space<semaphore_mem>>)
        %dma_start3A_802 = arith.constant 4 : i32
        %dma_start3A_803 = arith.constant 0 : i32
        %dma_start3A_804 = arith.constant 0 : i32
        %dma_start3A_805 = arith.constant 0 : i32
        %dma_start3A_806 = tpu.memref_slice %arg12[%dma_start3A_804, %dma_start3A_805] : memref<512x16xf32, #tpu.memory_space<vmem>> -> memref<128x16xf32, #tpu.memory_space<vmem>>
        %dma_start3A_807 = arith.constant 0 : i32
        %dma_start3A_808 = tpu.memref_slice %arg10[%dma_start3A_802, %dma_start3A_803, %dma_start3A_807] : memref<8x4x128xi32, #tpu.memory_space<vmem>> -> memref<1x1x128xi32, #tpu.memory_space<vmem>>
        %dma_start3A_809 = tpu.memref_squeeze %dma_start3A_808 : memref<1x1x128xi32, #tpu.memory_space<vmem>> -> memref<128xi32, #tpu.memory_space<vmem>>
        %dma_start3A_810 = arith.constant 0 : i32
        %dma_start3A_811 = arith.constant 0 : i32
        %dma_start3A_812 = tpu.memref_slice %arg2[%dma_start3A_810, %dma_start3A_811] : memref<2600000x16xf32, #tpu.memory_space<hbm>> -> memref<2600000x16xf32, #tpu.memory_space<hbm>>
        tpu.enqueue_indirect_dma source(%dma_start3A_812 : memref<2600000x16xf32, #tpu.memory_space<hbm>>) target(%dma_start3A_806 : memref<128x16xf32, #tpu.memory_space<vmem>>) offsets(%dma_start3A_809 : memref<128xi32, #tpu.memory_space<vmem>>) semaphore(%arg18 : memref<!tpu.dma_semaphore, #tpu.memory_space<semaphore_mem>>)
        %dma_start3A_813 = arith.constant 4 : i32
        %dma_start3A_814 = arith.constant 1 : i32
        %dma_start3A_815 = arith.constant 128 : i32
        %dma_start3A_816 = arith.constant 0 : i32
        %dma_start3A_817 = tpu.memref_slice %arg11[%dma_start3A_815, %dma_start3A_816] : memref<512x16xf32, #tpu.memory_space<vmem>> -> memref<128x16xf32, #tpu.memory_space<vmem>>
        %dma_start3A_818 = arith.constant 0 : i32
        %dma_start3A_819 = tpu.memref_slice %arg9[%dma_start3A_813, %dma_start3A_814, %dma_start3A_818] : memref<8x4x128xi32, #tpu.memory_space<vmem>> -> memref<1x1x128xi32, #tpu.memory_space<vmem>>
        %dma_start3A_820 = tpu.memref_squeeze %dma_start3A_819 : memref<1x1x128xi32, #tpu.memory_space<vmem>> -> memref<128xi32, #tpu.memory_space<vmem>>
        %dma_start3A_821 = arith.constant 0 : i32
        %dma_start3A_822 = arith.constant 0 : i32
        %dma_start3A_823 = tpu.memref_slice %arg2[%dma_start3A_821, %dma_start3A_822] : memref<2600000x16xf32, #tpu.memory_space<hbm>> -> memref<2600000x16xf32, #tpu.memory_space<hbm>>
        tpu.enqueue_indirect_dma source(%dma_start3A_823 : memref<2600000x16xf32, #tpu.memory_space<hbm>>) target(%dma_start3A_817 : memref<128x16xf32, #tpu.memory_space<vmem>>) offsets(%dma_start3A_820 : memref<128xi32, #tpu.memory_space<vmem>>) semaphore(%arg17 : memref<!tpu.dma_semaphore, #tpu.memory_space<semaphore_mem>>)
        %dma_start3A_824 = arith.constant 4 : i32
        %dma_start3A_825 = arith.constant 1 : i32
        %dma_start3A_826 = arith.constant 128 : i32
        %dma_start3A_827 = arith.constant 0 : i32
        %dma_start3A_828 = tpu.memref_slice %arg12[%dma_start3A_826, %dma_start3A_827] : memref<512x16xf32, #tpu.memory_space<vmem>> -> memref<128x16xf32, #tpu.memory_space<vmem>>
        %dma_start3A_829 = arith.constant 0 : i32
        %dma_start3A_830 = tpu.memref_slice %arg10[%dma_start3A_824, %dma_start3A_825, %dma_start3A_829] : memref<8x4x128xi32, #tpu.memory_space<vmem>> -> memref<1x1x128xi32, #tpu.memory_space<vmem>>
        %dma_start3A_831 = tpu.memref_squeeze %dma_start3A_830 : memref<1x1x128xi32, #tpu.memory_space<vmem>> -> memref<128xi32, #tpu.memory_space<vmem>>
        %dma_start3A_832 = arith.constant 0 : i32
        %dma_start3A_833 = arith.constant 0 : i32
        %dma_start3A_834 = tpu.memref_slice %arg2[%dma_start3A_832, %dma_start3A_833] : memref<2600000x16xf32, #tpu.memory_space<hbm>> -> memref<2600000x16xf32, #tpu.memory_space<hbm>>
        tpu.enqueue_indirect_dma source(%dma_start3A_834 : memref<2600000x16xf32, #tpu.memory_space<hbm>>) target(%dma_start3A_828 : memref<128x16xf32, #tpu.memory_space<vmem>>) offsets(%dma_start3A_831 : memref<128xi32, #tpu.memory_space<vmem>>) semaphore(%arg18 : memref<!tpu.dma_semaphore, #tpu.memory_space<semaphore_mem>>)
        %dma_start3A_835 = arith.constant 4 : i32
        %dma_start3A_836 = arith.constant 2 : i32
        %dma_start3A_837 = arith.constant 256 : i32
        %dma_start3A_838 = arith.constant 0 : i32
        %dma_start3A_839 = tpu.memref_slice %arg11[%dma_start3A_837, %dma_start3A_838] : memref<512x16xf32, #tpu.memory_space<vmem>> -> memref<128x16xf32, #tpu.memory_space<vmem>>
        %dma_start3A_840 = arith.constant 0 : i32
        %dma_start3A_841 = tpu.memref_slice %arg9[%dma_start3A_835, %dma_start3A_836, %dma_start3A_840] : memref<8x4x128xi32, #tpu.memory_space<vmem>> -> memref<1x1x128xi32, #tpu.memory_space<vmem>>
        %dma_start3A_842 = tpu.memref_squeeze %dma_start3A_841 : memref<1x1x128xi32, #tpu.memory_space<vmem>> -> memref<128xi32, #tpu.memory_space<vmem>>
        %dma_start3A_843 = arith.constant 0 : i32
        %dma_start3A_844 = arith.constant 0 : i32
        %dma_start3A_845 = tpu.memref_slice %arg2[%dma_start3A_843, %dma_start3A_844] : memref<2600000x16xf32, #tpu.memory_space<hbm>> -> memref<2600000x16xf32, #tpu.memory_space<hbm>>
        tpu.enqueue_indirect_dma source(%dma_start3A_845 : memref<2600000x16xf32, #tpu.memory_space<hbm>>) target(%dma_start3A_839 : memref<128x16xf32, #tpu.memory_space<vmem>>) offsets(%dma_start3A_842 : memref<128xi32, #tpu.memory_space<vmem>>) semaphore(%arg17 : memref<!tpu.dma_semaphore, #tpu.memory_space<semaphore_mem>>)
        %dma_start3A_846 = arith.constant 4 : i32
        %dma_start3A_847 = arith.constant 2 : i32
        %dma_start3A_848 = arith.constant 256 : i32
        %dma_start3A_849 = arith.constant 0 : i32
        %dma_start3A_850 = tpu.memref_slice %arg12[%dma_start3A_848, %dma_start3A_849] : memref<512x16xf32, #tpu.memory_space<vmem>> -> memref<128x16xf32, #tpu.memory_space<vmem>>
        %dma_start3A_851 = arith.constant 0 : i32
        %dma_start3A_852 = tpu.memref_slice %arg10[%dma_start3A_846, %dma_start3A_847, %dma_start3A_851] : memref<8x4x128xi32, #tpu.memory_space<vmem>> -> memref<1x1x128xi32, #tpu.memory_space<vmem>>
        %dma_start3A_853 = tpu.memref_squeeze %dma_start3A_852 : memref<1x1x128xi32, #tpu.memory_space<vmem>> -> memref<128xi32, #tpu.memory_space<vmem>>
        %dma_start3A_854 = arith.constant 0 : i32
        %dma_start3A_855 = arith.constant 0 : i32
        %dma_start3A_856 = tpu.memref_slice %arg2[%dma_start3A_854, %dma_start3A_855] : memref<2600000x16xf32, #tpu.memory_space<hbm>> -> memref<2600000x16xf32, #tpu.memory_space<hbm>>
        tpu.enqueue_indirect_dma source(%dma_start3A_856 : memref<2600000x16xf32, #tpu.memory_space<hbm>>) target(%dma_start3A_850 : memref<128x16xf32, #tpu.memory_space<vmem>>) offsets(%dma_start3A_853 : memref<128xi32, #tpu.memory_space<vmem>>) semaphore(%arg18 : memref<!tpu.dma_semaphore, #tpu.memory_space<semaphore_mem>>)
        %dma_start3A_857 = arith.constant 4 : i32
        %dma_start3A_858 = arith.constant 3 : i32
        %dma_start3A_859 = arith.constant 384 : i32
        %dma_start3A_860 = arith.constant 0 : i32
        %dma_start3A_861 = tpu.memref_slice %arg11[%dma_start3A_859, %dma_start3A_860] : memref<512x16xf32, #tpu.memory_space<vmem>> -> memref<128x16xf32, #tpu.memory_space<vmem>>
        %dma_start3A_862 = arith.constant 0 : i32
        %dma_start3A_863 = tpu.memref_slice %arg9[%dma_start3A_857, %dma_start3A_858, %dma_start3A_862] : memref<8x4x128xi32, #tpu.memory_space<vmem>> -> memref<1x1x128xi32, #tpu.memory_space<vmem>>
        %dma_start3A_864 = tpu.memref_squeeze %dma_start3A_863 : memref<1x1x128xi32, #tpu.memory_space<vmem>> -> memref<128xi32, #tpu.memory_space<vmem>>
        %dma_start3A_865 = arith.constant 0 : i32
        %dma_start3A_866 = arith.constant 0 : i32
        %dma_start3A_867 = tpu.memref_slice %arg2[%dma_start3A_865, %dma_start3A_866] : memref<2600000x16xf32, #tpu.memory_space<hbm>> -> memref<2600000x16xf32, #tpu.memory_space<hbm>>
        tpu.enqueue_indirect_dma source(%dma_start3A_867 : memref<2600000x16xf32, #tpu.memory_space<hbm>>) target(%dma_start3A_861 : memref<128x16xf32, #tpu.memory_space<vmem>>) offsets(%dma_start3A_864 : memref<128xi32, #tpu.memory_space<vmem>>) semaphore(%arg17 : memref<!tpu.dma_semaphore, #tpu.memory_space<semaphore_mem>>)
        %dma_start3A_868 = arith.constant 4 : i32
        %dma_start3A_869 = arith.constant 3 : i32
        %dma_start3A_870 = arith.constant 384 : i32
        %dma_start3A_871 = arith.constant 0 : i32
        %dma_start3A_872 = tpu.memref_slice %arg12[%dma_start3A_870, %dma_start3A_871] : memref<512x16xf32, #tpu.memory_space<vmem>> -> memref<128x16xf32, #tpu.memory_space<vmem>>
        %dma_start3A_873 = arith.constant 0 : i32
        %dma_start3A_874 = tpu.memref_slice %arg10[%dma_start3A_868, %dma_start3A_869, %dma_start3A_873] : memref<8x4x128xi32, #tpu.memory_space<vmem>> -> memref<1x1x128xi32, #tpu.memory_space<vmem>>
        %dma_start3A_875 = tpu.memref_squeeze %dma_start3A_874 : memref<1x1x128xi32, #tpu.memory_space<vmem>> -> memref<128xi32, #tpu.memory_space<vmem>>
        %dma_start3A_876 = arith.constant 0 : i32
        %dma_start3A_877 = arith.constant 0 : i32
        %dma_start3A_878 = tpu.memref_slice %arg2[%dma_start3A_876, %dma_start3A_877] : memref<2600000x16xf32, #tpu.memory_space<hbm>> -> memref<2600000x16xf32, #tpu.memory_space<hbm>>
        tpu.enqueue_indirect_dma source(%dma_start3A_878 : memref<2600000x16xf32, #tpu.memory_space<hbm>>) target(%dma_start3A_872 : memref<128x16xf32, #tpu.memory_space<vmem>>) offsets(%dma_start3A_875 : memref<128xi32, #tpu.memory_space<vmem>>) semaphore(%arg18 : memref<!tpu.dma_semaphore, #tpu.memory_space<semaphore_mem>>)
        %dma_wait3A_879 = arith.constant 4 : i32
        %dma_wait3A_880 = arith.constant 0 : i32
        %dma_wait3A_881 = arith.constant 0 : i32
        %dma_wait3A_882 = arith.constant 0 : i32
        %dma_wait3A_883 = tpu.memref_slice %arg11[%dma_wait3A_881, %dma_wait3A_882] : memref<512x16xf32, #tpu.memory_space<vmem>> -> memref<128x16xf32, #tpu.memory_space<vmem>>
        %dma_wait3A_884 = arith.constant 0 : i32
        %dma_wait3A_885 = tpu.memref_slice %arg9[%dma_wait3A_879, %dma_wait3A_880, %dma_wait3A_884] : memref<8x4x128xi32, #tpu.memory_space<vmem>> -> memref<1x1x128xi32, #tpu.memory_space<vmem>>
        %dma_wait3A_886 = tpu.memref_squeeze %dma_wait3A_885 : memref<1x1x128xi32, #tpu.memory_space<vmem>> -> memref<128xi32, #tpu.memory_space<vmem>>
        %dma_wait3A_887 = arith.constant 0 : i32
        %dma_wait3A_888 = arith.constant 0 : i32
        %dma_wait3A_889 = tpu.memref_slice %arg2[%dma_wait3A_887, %dma_wait3A_888] : memref<2600000x16xf32, #tpu.memory_space<hbm>> -> memref<2600000x16xf32, #tpu.memory_space<hbm>>
        tpu.wait_indirect_dma semaphore(%arg17 : memref<!tpu.dma_semaphore, #tpu.memory_space<semaphore_mem>>) src(%dma_wait3A_889 : memref<2600000x16xf32, #tpu.memory_space<hbm>>) dst(%dma_wait3A_883 : memref<128x16xf32, #tpu.memory_space<vmem>>)
        %dma_wait3A_890 = arith.constant 4 : i32
        %dma_wait3A_891 = arith.constant 0 : i32
        %dma_wait3A_892 = arith.constant 0 : i32
        %dma_wait3A_893 = arith.constant 0 : i32
        %dma_wait3A_894 = tpu.memref_slice %arg12[%dma_wait3A_892, %dma_wait3A_893] : memref<512x16xf32, #tpu.memory_space<vmem>> -> memref<128x16xf32, #tpu.memory_space<vmem>>
        %dma_wait3A_895 = arith.constant 0 : i32
        %dma_wait3A_896 = tpu.memref_slice %arg10[%dma_wait3A_890, %dma_wait3A_891, %dma_wait3A_895] : memref<8x4x128xi32, #tpu.memory_space<vmem>> -> memref<1x1x128xi32, #tpu.memory_space<vmem>>
        %dma_wait3A_897 = tpu.memref_squeeze %dma_wait3A_896 : memref<1x1x128xi32, #tpu.memory_space<vmem>> -> memref<128xi32, #tpu.memory_space<vmem>>
        %dma_wait3A_898 = arith.constant 0 : i32
        %dma_wait3A_899 = arith.constant 0 : i32
        %dma_wait3A_900 = tpu.memref_slice %arg2[%dma_wait3A_898, %dma_wait3A_899] : memref<2600000x16xf32, #tpu.memory_space<hbm>> -> memref<2600000x16xf32, #tpu.memory_space<hbm>>
        tpu.wait_indirect_dma semaphore(%arg18 : memref<!tpu.dma_semaphore, #tpu.memory_space<semaphore_mem>>) src(%dma_wait3A_900 : memref<2600000x16xf32, #tpu.memory_space<hbm>>) dst(%dma_wait3A_894 : memref<128x16xf32, #tpu.memory_space<vmem>>)
        %dma_wait3A_901 = arith.constant 4 : i32
        %dma_wait3A_902 = arith.constant 1 : i32
        %dma_wait3A_903 = arith.constant 128 : i32
        %dma_wait3A_904 = arith.constant 0 : i32
        %dma_wait3A_905 = tpu.memref_slice %arg11[%dma_wait3A_903, %dma_wait3A_904] : memref<512x16xf32, #tpu.memory_space<vmem>> -> memref<128x16xf32, #tpu.memory_space<vmem>>
        %dma_wait3A_906 = arith.constant 0 : i32
        %dma_wait3A_907 = tpu.memref_slice %arg9[%dma_wait3A_901, %dma_wait3A_902, %dma_wait3A_906] : memref<8x4x128xi32, #tpu.memory_space<vmem>> -> memref<1x1x128xi32, #tpu.memory_space<vmem>>
        %dma_wait3A_908 = tpu.memref_squeeze %dma_wait3A_907 : memref<1x1x128xi32, #tpu.memory_space<vmem>> -> memref<128xi32, #tpu.memory_space<vmem>>
        %dma_wait3A_909 = arith.constant 0 : i32
        %dma_wait3A_910 = arith.constant 0 : i32
        %dma_wait3A_911 = tpu.memref_slice %arg2[%dma_wait3A_909, %dma_wait3A_910] : memref<2600000x16xf32, #tpu.memory_space<hbm>> -> memref<2600000x16xf32, #tpu.memory_space<hbm>>
        tpu.wait_indirect_dma semaphore(%arg17 : memref<!tpu.dma_semaphore, #tpu.memory_space<semaphore_mem>>) src(%dma_wait3A_911 : memref<2600000x16xf32, #tpu.memory_space<hbm>>) dst(%dma_wait3A_905 : memref<128x16xf32, #tpu.memory_space<vmem>>)
        %dma_wait3A_912 = arith.constant 4 : i32
        %dma_wait3A_913 = arith.constant 1 : i32
        %dma_wait3A_914 = arith.constant 128 : i32
        %dma_wait3A_915 = arith.constant 0 : i32
        %dma_wait3A_916 = tpu.memref_slice %arg12[%dma_wait3A_914, %dma_wait3A_915] : memref<512x16xf32, #tpu.memory_space<vmem>> -> memref<128x16xf32, #tpu.memory_space<vmem>>
        %dma_wait3A_917 = arith.constant 0 : i32
        %dma_wait3A_918 = tpu.memref_slice %arg10[%dma_wait3A_912, %dma_wait3A_913, %dma_wait3A_917] : memref<8x4x128xi32, #tpu.memory_space<vmem>> -> memref<1x1x128xi32, #tpu.memory_space<vmem>>
        %dma_wait3A_919 = tpu.memref_squeeze %dma_wait3A_918 : memref<1x1x128xi32, #tpu.memory_space<vmem>> -> memref<128xi32, #tpu.memory_space<vmem>>
        %dma_wait3A_920 = arith.constant 0 : i32
        %dma_wait3A_921 = arith.constant 0 : i32
        %dma_wait3A_922 = tpu.memref_slice %arg2[%dma_wait3A_920, %dma_wait3A_921] : memref<2600000x16xf32, #tpu.memory_space<hbm>> -> memref<2600000x16xf32, #tpu.memory_space<hbm>>
        tpu.wait_indirect_dma semaphore(%arg18 : memref<!tpu.dma_semaphore, #tpu.memory_space<semaphore_mem>>) src(%dma_wait3A_922 : memref<2600000x16xf32, #tpu.memory_space<hbm>>) dst(%dma_wait3A_916 : memref<128x16xf32, #tpu.memory_space<vmem>>)
        %dma_wait3A_923 = arith.constant 4 : i32
        %dma_wait3A_924 = arith.constant 2 : i32
        %dma_wait3A_925 = arith.constant 256 : i32
        %dma_wait3A_926 = arith.constant 0 : i32
        %dma_wait3A_927 = tpu.memref_slice %arg11[%dma_wait3A_925, %dma_wait3A_926] : memref<512x16xf32, #tpu.memory_space<vmem>> -> memref<128x16xf32, #tpu.memory_space<vmem>>
        %dma_wait3A_928 = arith.constant 0 : i32
        %dma_wait3A_929 = tpu.memref_slice %arg9[%dma_wait3A_923, %dma_wait3A_924, %dma_wait3A_928] : memref<8x4x128xi32, #tpu.memory_space<vmem>> -> memref<1x1x128xi32, #tpu.memory_space<vmem>>
        %dma_wait3A_930 = tpu.memref_squeeze %dma_wait3A_929 : memref<1x1x128xi32, #tpu.memory_space<vmem>> -> memref<128xi32, #tpu.memory_space<vmem>>
        %dma_wait3A_931 = arith.constant 0 : i32
        %dma_wait3A_932 = arith.constant 0 : i32
        %dma_wait3A_933 = tpu.memref_slice %arg2[%dma_wait3A_931, %dma_wait3A_932] : memref<2600000x16xf32, #tpu.memory_space<hbm>> -> memref<2600000x16xf32, #tpu.memory_space<hbm>>
        tpu.wait_indirect_dma semaphore(%arg17 : memref<!tpu.dma_semaphore, #tpu.memory_space<semaphore_mem>>) src(%dma_wait3A_933 : memref<2600000x16xf32, #tpu.memory_space<hbm>>) dst(%dma_wait3A_927 : memref<128x16xf32, #tpu.memory_space<vmem>>)
        %dma_wait3A_934 = arith.constant 4 : i32
        %dma_wait3A_935 = arith.constant 2 : i32
        %dma_wait3A_936 = arith.constant 256 : i32
        %dma_wait3A_937 = arith.constant 0 : i32
        %dma_wait3A_938 = tpu.memref_slice %arg12[%dma_wait3A_936, %dma_wait3A_937] : memref<512x16xf32, #tpu.memory_space<vmem>> -> memref<128x16xf32, #tpu.memory_space<vmem>>
        %dma_wait3A_939 = arith.constant 0 : i32
        %dma_wait3A_940 = tpu.memref_slice %arg10[%dma_wait3A_934, %dma_wait3A_935, %dma_wait3A_939] : memref<8x4x128xi32, #tpu.memory_space<vmem>> -> memref<1x1x128xi32, #tpu.memory_space<vmem>>
        %dma_wait3A_941 = tpu.memref_squeeze %dma_wait3A_940 : memref<1x1x128xi32, #tpu.memory_space<vmem>> -> memref<128xi32, #tpu.memory_space<vmem>>
        %dma_wait3A_942 = arith.constant 0 : i32
        %dma_wait3A_943 = arith.constant 0 : i32
        %dma_wait3A_944 = tpu.memref_slice %arg2[%dma_wait3A_942, %dma_wait3A_943] : memref<2600000x16xf32, #tpu.memory_space<hbm>> -> memref<2600000x16xf32, #tpu.memory_space<hbm>>
        tpu.wait_indirect_dma semaphore(%arg18 : memref<!tpu.dma_semaphore, #tpu.memory_space<semaphore_mem>>) src(%dma_wait3A_944 : memref<2600000x16xf32, #tpu.memory_space<hbm>>) dst(%dma_wait3A_938 : memref<128x16xf32, #tpu.memory_space<vmem>>)
        %dma_wait3A_945 = arith.constant 4 : i32
        %dma_wait3A_946 = arith.constant 3 : i32
        %dma_wait3A_947 = arith.constant 384 : i32
        %dma_wait3A_948 = arith.constant 0 : i32
        %dma_wait3A_949 = tpu.memref_slice %arg11[%dma_wait3A_947, %dma_wait3A_948] : memref<512x16xf32, #tpu.memory_space<vmem>> -> memref<128x16xf32, #tpu.memory_space<vmem>>
        %dma_wait3A_950 = arith.constant 0 : i32
        %dma_wait3A_951 = tpu.memref_slice %arg9[%dma_wait3A_945, %dma_wait3A_946, %dma_wait3A_950] : memref<8x4x128xi32, #tpu.memory_space<vmem>> -> memref<1x1x128xi32, #tpu.memory_space<vmem>>
        %dma_wait3A_952 = tpu.memref_squeeze %dma_wait3A_951 : memref<1x1x128xi32, #tpu.memory_space<vmem>> -> memref<128xi32, #tpu.memory_space<vmem>>
        %dma_wait3A_953 = arith.constant 0 : i32
        %dma_wait3A_954 = arith.constant 0 : i32
        %dma_wait3A_955 = tpu.memref_slice %arg2[%dma_wait3A_953, %dma_wait3A_954] : memref<2600000x16xf32, #tpu.memory_space<hbm>> -> memref<2600000x16xf32, #tpu.memory_space<hbm>>
        tpu.wait_indirect_dma semaphore(%arg17 : memref<!tpu.dma_semaphore, #tpu.memory_space<semaphore_mem>>) src(%dma_wait3A_955 : memref<2600000x16xf32, #tpu.memory_space<hbm>>) dst(%dma_wait3A_949 : memref<128x16xf32, #tpu.memory_space<vmem>>)
        %dma_wait3A_956 = arith.constant 4 : i32
        %dma_wait3A_957 = arith.constant 3 : i32
        %dma_wait3A_958 = arith.constant 384 : i32
        %dma_wait3A_959 = arith.constant 0 : i32
        %dma_wait3A_960 = tpu.memref_slice %arg12[%dma_wait3A_958, %dma_wait3A_959] : memref<512x16xf32, #tpu.memory_space<vmem>> -> memref<128x16xf32, #tpu.memory_space<vmem>>
        %dma_wait3A_961 = arith.constant 0 : i32
        %dma_wait3A_962 = tpu.memref_slice %arg10[%dma_wait3A_956, %dma_wait3A_957, %dma_wait3A_961] : memref<8x4x128xi32, #tpu.memory_space<vmem>> -> memref<1x1x128xi32, #tpu.memory_space<vmem>>
        %dma_wait3A_963 = tpu.memref_squeeze %dma_wait3A_962 : memref<1x1x128xi32, #tpu.memory_space<vmem>> -> memref<128xi32, #tpu.memory_space<vmem>>
        %dma_wait3A_964 = arith.constant 0 : i32
        %dma_wait3A_965 = arith.constant 0 : i32
        %dma_wait3A_966 = tpu.memref_slice %arg2[%dma_wait3A_964, %dma_wait3A_965] : memref<2600000x16xf32, #tpu.memory_space<hbm>> -> memref<2600000x16xf32, #tpu.memory_space<hbm>>
        tpu.wait_indirect_dma semaphore(%arg18 : memref<!tpu.dma_semaphore, #tpu.memory_space<semaphore_mem>>) src(%dma_wait3A_966 : memref<2600000x16xf32, #tpu.memory_space<hbm>>) dst(%dma_wait3A_960 : memref<128x16xf32, #tpu.memory_space<vmem>>)
        %parallel_loop3A_967 = arith.constant 0 : i32
        %parallel_loop3A_968 = arith.constant 512 : i32
        %parallel_loop3A_969 = arith.constant 1 : i32
        scf.for %parallel_loop3A_1509 = %parallel_loop3A_967 to %parallel_loop3A_968 step %parallel_loop3A_969  : i32 {
          %parallel_loop3A_1510 = arith.constant 3 : i32
          %parallel_loop3A_1511 = arith.shrui %parallel_loop3A_1509, %parallel_loop3A_1510 : i32
          %parallel_loop3A_1512 = arith.constant 7 : i32
          %parallel_loop3A_1513 = arith.andi %parallel_loop3A_1509, %parallel_loop3A_1512 : i32
          %parallel_loop3A_1514 = arith.index_cast %parallel_loop3A_1509 : i32 to index
          %parallel_loop3A_1515 = arith.constant 0 : index
          %parallel_loop3A_1516 = tpu.vector_load %arg11[%parallel_loop3A_1514, %parallel_loop3A_1515] {strides = array<i32>} : memref<512x16xf32, #tpu.memory_space<vmem>>, vector<1x16xf32>,
          %parallel_loop3A_1517 = vector.shape_cast %parallel_loop3A_1516 : vector<1x16xf32> to vector<16xf32>
          %parallel_loop3A_1518 = arith.index_cast %parallel_loop3A_1509 : i32 to index
          %parallel_loop3A_1519 = arith.constant 0 : index
          %parallel_loop3A_1520 = tpu.vector_load %arg12[%parallel_loop3A_1518, %parallel_loop3A_1519] {strides = array<i32>} : memref<512x16xf32, #tpu.memory_space<vmem>>, vector<1x16xf32>,
          %parallel_loop3A_1521 = vector.shape_cast %parallel_loop3A_1520 : vector<1x16xf32> to vector<16xf32>
          %parallel_loop3A_1522 = arith.mulf %parallel_loop3A_1517, %parallel_loop3A_1521 : vector<16xf32>
          %parallel_loop3A_1523 = arith.index_cast %parallel_loop3A_1511 : i32 to index
          %parallel_loop3A_1524 = arith.index_cast %parallel_loop3A_1513 : i32 to index
          %parallel_loop3A_1525 = arith.constant 64 : index
          %parallel_loop3A_1526 = tpu.vector_load %arg13[%parallel_loop3A_1523, %parallel_loop3A_1524, %parallel_loop3A_1525] {strides = array<i32>} : memref<64x8x128xf32, #tpu.memory_space<vmem>>, vector<1x1x16xf32>,
          %parallel_loop3A_1527 = vector.shape_cast %parallel_loop3A_1526 : vector<1x1x16xf32> to vector<16xf32>
          %parallel_loop3A_1528 = vector.shape_cast %parallel_loop3A_1522 : vector<16xf32> to vector<1x1x16xf32>
          tpu.vector_store %arg13[%parallel_loop3A_1523, %parallel_loop3A_1524, %parallel_loop3A_1525], %parallel_loop3A_1528 {strides = array<i32>} : memref<64x8x128xf32, #tpu.memory_space<vmem>>, vector<1x1x16xf32>,
        } {sc.loop_unroll_factor = 8 : i64, sc.parallel_access}
        %dma_start3A_970 = arith.constant 5 : i32
        %dma_start3A_971 = arith.constant 0 : i32
        %dma_start3A_972 = arith.constant 0 : i32
        %dma_start3A_973 = arith.constant 0 : i32
        %dma_start3A_974 = tpu.memref_slice %arg11[%dma_start3A_972, %dma_start3A_973] : memref<512x16xf32, #tpu.memory_space<vmem>> -> memref<128x16xf32, #tpu.memory_space<vmem>>
        %dma_start3A_975 = arith.constant 0 : i32
        %dma_start3A_976 = tpu.memref_slice %arg9[%dma_start3A_970, %dma_start3A_971, %dma_start3A_975] : memref<8x4x128xi32, #tpu.memory_space<vmem>> -> memref<1x1x128xi32, #tpu.memory_space<vmem>>
        %dma_start3A_977 = tpu.memref_squeeze %dma_start3A_976 : memref<1x1x128xi32, #tpu.memory_space<vmem>> -> memref<128xi32, #tpu.memory_space<vmem>>
        %dma_start3A_978 = arith.constant 0 : i32
        %dma_start3A_979 = arith.constant 0 : i32
        %dma_start3A_980 = tpu.memref_slice %arg2[%dma_start3A_978, %dma_start3A_979] : memref<2600000x16xf32, #tpu.memory_space<hbm>> -> memref<2600000x16xf32, #tpu.memory_space<hbm>>
        tpu.enqueue_indirect_dma source(%dma_start3A_980 : memref<2600000x16xf32, #tpu.memory_space<hbm>>) target(%dma_start3A_974 : memref<128x16xf32, #tpu.memory_space<vmem>>) offsets(%dma_start3A_977 : memref<128xi32, #tpu.memory_space<vmem>>) semaphore(%arg17 : memref<!tpu.dma_semaphore, #tpu.memory_space<semaphore_mem>>)
        %dma_start3A_981 = arith.constant 5 : i32
        %dma_start3A_982 = arith.constant 0 : i32
        %dma_start3A_983 = arith.constant 0 : i32
        %dma_start3A_984 = arith.constant 0 : i32
        %dma_start3A_985 = tpu.memref_slice %arg12[%dma_start3A_983, %dma_start3A_984] : memref<512x16xf32, #tpu.memory_space<vmem>> -> memref<128x16xf32, #tpu.memory_space<vmem>>
        %dma_start3A_986 = arith.constant 0 : i32
        %dma_start3A_987 = tpu.memref_slice %arg10[%dma_start3A_981, %dma_start3A_982, %dma_start3A_986] : memref<8x4x128xi32, #tpu.memory_space<vmem>> -> memref<1x1x128xi32, #tpu.memory_space<vmem>>
        %dma_start3A_988 = tpu.memref_squeeze %dma_start3A_987 : memref<1x1x128xi32, #tpu.memory_space<vmem>> -> memref<128xi32, #tpu.memory_space<vmem>>
        %dma_start3A_989 = arith.constant 0 : i32
        %dma_start3A_990 = arith.constant 0 : i32
        %dma_start3A_991 = tpu.memref_slice %arg2[%dma_start3A_989, %dma_start3A_990] : memref<2600000x16xf32, #tpu.memory_space<hbm>> -> memref<2600000x16xf32, #tpu.memory_space<hbm>>
        tpu.enqueue_indirect_dma source(%dma_start3A_991 : memref<2600000x16xf32, #tpu.memory_space<hbm>>) target(%dma_start3A_985 : memref<128x16xf32, #tpu.memory_space<vmem>>) offsets(%dma_start3A_988 : memref<128xi32, #tpu.memory_space<vmem>>) semaphore(%arg18 : memref<!tpu.dma_semaphore, #tpu.memory_space<semaphore_mem>>)
        %dma_start3A_992 = arith.constant 5 : i32
        %dma_start3A_993 = arith.constant 1 : i32
        %dma_start3A_994 = arith.constant 128 : i32
        %dma_start3A_995 = arith.constant 0 : i32
        %dma_start3A_996 = tpu.memref_slice %arg11[%dma_start3A_994, %dma_start3A_995] : memref<512x16xf32, #tpu.memory_space<vmem>> -> memref<128x16xf32, #tpu.memory_space<vmem>>
        %dma_start3A_997 = arith.constant 0 : i32
        %dma_start3A_998 = tpu.memref_slice %arg9[%dma_start3A_992, %dma_start3A_993, %dma_start3A_997] : memref<8x4x128xi32, #tpu.memory_space<vmem>> -> memref<1x1x128xi32, #tpu.memory_space<vmem>>
        %dma_start3A_999 = tpu.memref_squeeze %dma_start3A_998 : memref<1x1x128xi32, #tpu.memory_space<vmem>> -> memref<128xi32, #tpu.memory_space<vmem>>
        %dma_start3A_1000 = arith.constant 0 : i32
        %dma_start3A_1001 = arith.constant 0 : i32
        %dma_start3A_1002 = tpu.memref_slice %arg2[%dma_start3A_1000, %dma_start3A_1001] : memref<2600000x16xf32, #tpu.memory_space<hbm>> -> memref<2600000x16xf32, #tpu.memory_space<hbm>>
        tpu.enqueue_indirect_dma source(%dma_start3A_1002 : memref<2600000x16xf32, #tpu.memory_space<hbm>>) target(%dma_start3A_996 : memref<128x16xf32, #tpu.memory_space<vmem>>) offsets(%dma_start3A_999 : memref<128xi32, #tpu.memory_space<vmem>>) semaphore(%arg17 : memref<!tpu.dma_semaphore, #tpu.memory_space<semaphore_mem>>)
        %dma_start3A_1003 = arith.constant 5 : i32
        %dma_start3A_1004 = arith.constant 1 : i32
        %dma_start3A_1005 = arith.constant 128 : i32
        %dma_start3A_1006 = arith.constant 0 : i32
        %dma_start3A_1007 = tpu.memref_slice %arg12[%dma_start3A_1005, %dma_start3A_1006] : memref<512x16xf32, #tpu.memory_space<vmem>> -> memref<128x16xf32, #tpu.memory_space<vmem>>
        %dma_start3A_1008 = arith.constant 0 : i32
        %dma_start3A_1009 = tpu.memref_slice %arg10[%dma_start3A_1003, %dma_start3A_1004, %dma_start3A_1008] : memref<8x4x128xi32, #tpu.memory_space<vmem>> -> memref<1x1x128xi32, #tpu.memory_space<vmem>>
        %dma_start3A_1010 = tpu.memref_squeeze %dma_start3A_1009 : memref<1x1x128xi32, #tpu.memory_space<vmem>> -> memref<128xi32, #tpu.memory_space<vmem>>
        %dma_start3A_1011 = arith.constant 0 : i32
        %dma_start3A_1012 = arith.constant 0 : i32
        %dma_start3A_1013 = tpu.memref_slice %arg2[%dma_start3A_1011, %dma_start3A_1012] : memref<2600000x16xf32, #tpu.memory_space<hbm>> -> memref<2600000x16xf32, #tpu.memory_space<hbm>>
        tpu.enqueue_indirect_dma source(%dma_start3A_1013 : memref<2600000x16xf32, #tpu.memory_space<hbm>>) target(%dma_start3A_1007 : memref<128x16xf32, #tpu.memory_space<vmem>>) offsets(%dma_start3A_1010 : memref<128xi32, #tpu.memory_space<vmem>>) semaphore(%arg18 : memref<!tpu.dma_semaphore, #tpu.memory_space<semaphore_mem>>)
        %dma_start3A_1014 = arith.constant 5 : i32
        %dma_start3A_1015 = arith.constant 2 : i32
        %dma_start3A_1016 = arith.constant 256 : i32
        %dma_start3A_1017 = arith.constant 0 : i32
        %dma_start3A_1018 = tpu.memref_slice %arg11[%dma_start3A_1016, %dma_start3A_1017] : memref<512x16xf32, #tpu.memory_space<vmem>> -> memref<128x16xf32, #tpu.memory_space<vmem>>
        %dma_start3A_1019 = arith.constant 0 : i32
        %dma_start3A_1020 = tpu.memref_slice %arg9[%dma_start3A_1014, %dma_start3A_1015, %dma_start3A_1019] : memref<8x4x128xi32, #tpu.memory_space<vmem>> -> memref<1x1x128xi32, #tpu.memory_space<vmem>>
        %dma_start3A_1021 = tpu.memref_squeeze %dma_start3A_1020 : memref<1x1x128xi32, #tpu.memory_space<vmem>> -> memref<128xi32, #tpu.memory_space<vmem>>
        %dma_start3A_1022 = arith.constant 0 : i32
        %dma_start3A_1023 = arith.constant 0 : i32
        %dma_start3A_1024 = tpu.memref_slice %arg2[%dma_start3A_1022, %dma_start3A_1023] : memref<2600000x16xf32, #tpu.memory_space<hbm>> -> memref<2600000x16xf32, #tpu.memory_space<hbm>>
        tpu.enqueue_indirect_dma source(%dma_start3A_1024 : memref<2600000x16xf32, #tpu.memory_space<hbm>>) target(%dma_start3A_1018 : memref<128x16xf32, #tpu.memory_space<vmem>>) offsets(%dma_start3A_1021 : memref<128xi32, #tpu.memory_space<vmem>>) semaphore(%arg17 : memref<!tpu.dma_semaphore, #tpu.memory_space<semaphore_mem>>)
        %dma_start3A_1025 = arith.constant 5 : i32
        %dma_start3A_1026 = arith.constant 2 : i32
        %dma_start3A_1027 = arith.constant 256 : i32
        %dma_start3A_1028 = arith.constant 0 : i32
        %dma_start3A_1029 = tpu.memref_slice %arg12[%dma_start3A_1027, %dma_start3A_1028] : memref<512x16xf32, #tpu.memory_space<vmem>> -> memref<128x16xf32, #tpu.memory_space<vmem>>
        %dma_start3A_1030 = arith.constant 0 : i32
        %dma_start3A_1031 = tpu.memref_slice %arg10[%dma_start3A_1025, %dma_start3A_1026, %dma_start3A_1030] : memref<8x4x128xi32, #tpu.memory_space<vmem>> -> memref<1x1x128xi32, #tpu.memory_space<vmem>>
        %dma_start3A_1032 = tpu.memref_squeeze %dma_start3A_1031 : memref<1x1x128xi32, #tpu.memory_space<vmem>> -> memref<128xi32, #tpu.memory_space<vmem>>
        %dma_start3A_1033 = arith.constant 0 : i32
        %dma_start3A_1034 = arith.constant 0 : i32
        %dma_start3A_1035 = tpu.memref_slice %arg2[%dma_start3A_1033, %dma_start3A_1034] : memref<2600000x16xf32, #tpu.memory_space<hbm>> -> memref<2600000x16xf32, #tpu.memory_space<hbm>>
        tpu.enqueue_indirect_dma source(%dma_start3A_1035 : memref<2600000x16xf32, #tpu.memory_space<hbm>>) target(%dma_start3A_1029 : memref<128x16xf32, #tpu.memory_space<vmem>>) offsets(%dma_start3A_1032 : memref<128xi32, #tpu.memory_space<vmem>>) semaphore(%arg18 : memref<!tpu.dma_semaphore, #tpu.memory_space<semaphore_mem>>)
        %dma_start3A_1036 = arith.constant 5 : i32
        %dma_start3A_1037 = arith.constant 3 : i32
        %dma_start3A_1038 = arith.constant 384 : i32
        %dma_start3A_1039 = arith.constant 0 : i32
        %dma_start3A_1040 = tpu.memref_slice %arg11[%dma_start3A_1038, %dma_start3A_1039] : memref<512x16xf32, #tpu.memory_space<vmem>> -> memref<128x16xf32, #tpu.memory_space<vmem>>
        %dma_start3A_1041 = arith.constant 0 : i32
        %dma_start3A_1042 = tpu.memref_slice %arg9[%dma_start3A_1036, %dma_start3A_1037, %dma_start3A_1041] : memref<8x4x128xi32, #tpu.memory_space<vmem>> -> memref<1x1x128xi32, #tpu.memory_space<vmem>>
        %dma_start3A_1043 = tpu.memref_squeeze %dma_start3A_1042 : memref<1x1x128xi32, #tpu.memory_space<vmem>> -> memref<128xi32, #tpu.memory_space<vmem>>
        %dma_start3A_1044 = arith.constant 0 : i32
        %dma_start3A_1045 = arith.constant 0 : i32
        %dma_start3A_1046 = tpu.memref_slice %arg2[%dma_start3A_1044, %dma_start3A_1045] : memref<2600000x16xf32, #tpu.memory_space<hbm>> -> memref<2600000x16xf32, #tpu.memory_space<hbm>>
        tpu.enqueue_indirect_dma source(%dma_start3A_1046 : memref<2600000x16xf32, #tpu.memory_space<hbm>>) target(%dma_start3A_1040 : memref<128x16xf32, #tpu.memory_space<vmem>>) offsets(%dma_start3A_1043 : memref<128xi32, #tpu.memory_space<vmem>>) semaphore(%arg17 : memref<!tpu.dma_semaphore, #tpu.memory_space<semaphore_mem>>)
        %dma_start3A_1047 = arith.constant 5 : i32
        %dma_start3A_1048 = arith.constant 3 : i32
        %dma_start3A_1049 = arith.constant 384 : i32
        %dma_start3A_1050 = arith.constant 0 : i32
        %dma_start3A_1051 = tpu.memref_slice %arg12[%dma_start3A_1049, %dma_start3A_1050] : memref<512x16xf32, #tpu.memory_space<vmem>> -> memref<128x16xf32, #tpu.memory_space<vmem>>
        %dma_start3A_1052 = arith.constant 0 : i32
        %dma_start3A_1053 = tpu.memref_slice %arg10[%dma_start3A_1047, %dma_start3A_1048, %dma_start3A_1052] : memref<8x4x128xi32, #tpu.memory_space<vmem>> -> memref<1x1x128xi32, #tpu.memory_space<vmem>>
        %dma_start3A_1054 = tpu.memref_squeeze %dma_start3A_1053 : memref<1x1x128xi32, #tpu.memory_space<vmem>> -> memref<128xi32, #tpu.memory_space<vmem>>
        %dma_start3A_1055 = arith.constant 0 : i32
        %dma_start3A_1056 = arith.constant 0 : i32
        %dma_start3A_1057 = tpu.memref_slice %arg2[%dma_start3A_1055, %dma_start3A_1056] : memref<2600000x16xf32, #tpu.memory_space<hbm>> -> memref<2600000x16xf32, #tpu.memory_space<hbm>>
        tpu.enqueue_indirect_dma source(%dma_start3A_1057 : memref<2600000x16xf32, #tpu.memory_space<hbm>>) target(%dma_start3A_1051 : memref<128x16xf32, #tpu.memory_space<vmem>>) offsets(%dma_start3A_1054 : memref<128xi32, #tpu.memory_space<vmem>>) semaphore(%arg18 : memref<!tpu.dma_semaphore, #tpu.memory_space<semaphore_mem>>)
        %dma_wait3A_1058 = arith.constant 5 : i32
        %dma_wait3A_1059 = arith.constant 0 : i32
        %dma_wait3A_1060 = arith.constant 0 : i32
        %dma_wait3A_1061 = arith.constant 0 : i32
        %dma_wait3A_1062 = tpu.memref_slice %arg11[%dma_wait3A_1060, %dma_wait3A_1061] : memref<512x16xf32, #tpu.memory_space<vmem>> -> memref<128x16xf32, #tpu.memory_space<vmem>>
        %dma_wait3A_1063 = arith.constant 0 : i32
        %dma_wait3A_1064 = tpu.memref_slice %arg9[%dma_wait3A_1058, %dma_wait3A_1059, %dma_wait3A_1063] : memref<8x4x128xi32, #tpu.memory_space<vmem>> -> memref<1x1x128xi32, #tpu.memory_space<vmem>>
        %dma_wait3A_1065 = tpu.memref_squeeze %dma_wait3A_1064 : memref<1x1x128xi32, #tpu.memory_space<vmem>> -> memref<128xi32, #tpu.memory_space<vmem>>
        %dma_wait3A_1066 = arith.constant 0 : i32
        %dma_wait3A_1067 = arith.constant 0 : i32
        %dma_wait3A_1068 = tpu.memref_slice %arg2[%dma_wait3A_1066, %dma_wait3A_1067] : memref<2600000x16xf32, #tpu.memory_space<hbm>> -> memref<2600000x16xf32, #tpu.memory_space<hbm>>
        tpu.wait_indirect_dma semaphore(%arg17 : memref<!tpu.dma_semaphore, #tpu.memory_space<semaphore_mem>>) src(%dma_wait3A_1068 : memref<2600000x16xf32, #tpu.memory_space<hbm>>) dst(%dma_wait3A_1062 : memref<128x16xf32, #tpu.memory_space<vmem>>)
        %dma_wait3A_1069 = arith.constant 5 : i32
        %dma_wait3A_1070 = arith.constant 0 : i32
        %dma_wait3A_1071 = arith.constant 0 : i32
        %dma_wait3A_1072 = arith.constant 0 : i32
        %dma_wait3A_1073 = tpu.memref_slice %arg12[%dma_wait3A_1071, %dma_wait3A_1072] : memref<512x16xf32, #tpu.memory_space<vmem>> -> memref<128x16xf32, #tpu.memory_space<vmem>>
        %dma_wait3A_1074 = arith.constant 0 : i32
        %dma_wait3A_1075 = tpu.memref_slice %arg10[%dma_wait3A_1069, %dma_wait3A_1070, %dma_wait3A_1074] : memref<8x4x128xi32, #tpu.memory_space<vmem>> -> memref<1x1x128xi32, #tpu.memory_space<vmem>>
        %dma_wait3A_1076 = tpu.memref_squeeze %dma_wait3A_1075 : memref<1x1x128xi32, #tpu.memory_space<vmem>> -> memref<128xi32, #tpu.memory_space<vmem>>
        %dma_wait3A_1077 = arith.constant 0 : i32
        %dma_wait3A_1078 = arith.constant 0 : i32
        %dma_wait3A_1079 = tpu.memref_slice %arg2[%dma_wait3A_1077, %dma_wait3A_1078] : memref<2600000x16xf32, #tpu.memory_space<hbm>> -> memref<2600000x16xf32, #tpu.memory_space<hbm>>
        tpu.wait_indirect_dma semaphore(%arg18 : memref<!tpu.dma_semaphore, #tpu.memory_space<semaphore_mem>>) src(%dma_wait3A_1079 : memref<2600000x16xf32, #tpu.memory_space<hbm>>) dst(%dma_wait3A_1073 : memref<128x16xf32, #tpu.memory_space<vmem>>)
        %dma_wait3A_1080 = arith.constant 5 : i32
        %dma_wait3A_1081 = arith.constant 1 : i32
        %dma_wait3A_1082 = arith.constant 128 : i32
        %dma_wait3A_1083 = arith.constant 0 : i32
        %dma_wait3A_1084 = tpu.memref_slice %arg11[%dma_wait3A_1082, %dma_wait3A_1083] : memref<512x16xf32, #tpu.memory_space<vmem>> -> memref<128x16xf32, #tpu.memory_space<vmem>>
        %dma_wait3A_1085 = arith.constant 0 : i32
        %dma_wait3A_1086 = tpu.memref_slice %arg9[%dma_wait3A_1080, %dma_wait3A_1081, %dma_wait3A_1085] : memref<8x4x128xi32, #tpu.memory_space<vmem>> -> memref<1x1x128xi32, #tpu.memory_space<vmem>>
        %dma_wait3A_1087 = tpu.memref_squeeze %dma_wait3A_1086 : memref<1x1x128xi32, #tpu.memory_space<vmem>> -> memref<128xi32, #tpu.memory_space<vmem>>
        %dma_wait3A_1088 = arith.constant 0 : i32
        %dma_wait3A_1089 = arith.constant 0 : i32
        %dma_wait3A_1090 = tpu.memref_slice %arg2[%dma_wait3A_1088, %dma_wait3A_1089] : memref<2600000x16xf32, #tpu.memory_space<hbm>> -> memref<2600000x16xf32, #tpu.memory_space<hbm>>
        tpu.wait_indirect_dma semaphore(%arg17 : memref<!tpu.dma_semaphore, #tpu.memory_space<semaphore_mem>>) src(%dma_wait3A_1090 : memref<2600000x16xf32, #tpu.memory_space<hbm>>) dst(%dma_wait3A_1084 : memref<128x16xf32, #tpu.memory_space<vmem>>)
        %dma_wait3A_1091 = arith.constant 5 : i32
        %dma_wait3A_1092 = arith.constant 1 : i32
        %dma_wait3A_1093 = arith.constant 128 : i32
        %dma_wait3A_1094 = arith.constant 0 : i32
        %dma_wait3A_1095 = tpu.memref_slice %arg12[%dma_wait3A_1093, %dma_wait3A_1094] : memref<512x16xf32, #tpu.memory_space<vmem>> -> memref<128x16xf32, #tpu.memory_space<vmem>>
        %dma_wait3A_1096 = arith.constant 0 : i32
        %dma_wait3A_1097 = tpu.memref_slice %arg10[%dma_wait3A_1091, %dma_wait3A_1092, %dma_wait3A_1096] : memref<8x4x128xi32, #tpu.memory_space<vmem>> -> memref<1x1x128xi32, #tpu.memory_space<vmem>>
        %dma_wait3A_1098 = tpu.memref_squeeze %dma_wait3A_1097 : memref<1x1x128xi32, #tpu.memory_space<vmem>> -> memref<128xi32, #tpu.memory_space<vmem>>
        %dma_wait3A_1099 = arith.constant 0 : i32
        %dma_wait3A_1100 = arith.constant 0 : i32
        %dma_wait3A_1101 = tpu.memref_slice %arg2[%dma_wait3A_1099, %dma_wait3A_1100] : memref<2600000x16xf32, #tpu.memory_space<hbm>> -> memref<2600000x16xf32, #tpu.memory_space<hbm>>
        tpu.wait_indirect_dma semaphore(%arg18 : memref<!tpu.dma_semaphore, #tpu.memory_space<semaphore_mem>>) src(%dma_wait3A_1101 : memref<2600000x16xf32, #tpu.memory_space<hbm>>) dst(%dma_wait3A_1095 : memref<128x16xf32, #tpu.memory_space<vmem>>)
        %dma_wait3A_1102 = arith.constant 5 : i32
        %dma_wait3A_1103 = arith.constant 2 : i32
        %dma_wait3A_1104 = arith.constant 256 : i32
        %dma_wait3A_1105 = arith.constant 0 : i32
        %dma_wait3A_1106 = tpu.memref_slice %arg11[%dma_wait3A_1104, %dma_wait3A_1105] : memref<512x16xf32, #tpu.memory_space<vmem>> -> memref<128x16xf32, #tpu.memory_space<vmem>>
        %dma_wait3A_1107 = arith.constant 0 : i32
        %dma_wait3A_1108 = tpu.memref_slice %arg9[%dma_wait3A_1102, %dma_wait3A_1103, %dma_wait3A_1107] : memref<8x4x128xi32, #tpu.memory_space<vmem>> -> memref<1x1x128xi32, #tpu.memory_space<vmem>>
        %dma_wait3A_1109 = tpu.memref_squeeze %dma_wait3A_1108 : memref<1x1x128xi32, #tpu.memory_space<vmem>> -> memref<128xi32, #tpu.memory_space<vmem>>
        %dma_wait3A_1110 = arith.constant 0 : i32
        %dma_wait3A_1111 = arith.constant 0 : i32
        %dma_wait3A_1112 = tpu.memref_slice %arg2[%dma_wait3A_1110, %dma_wait3A_1111] : memref<2600000x16xf32, #tpu.memory_space<hbm>> -> memref<2600000x16xf32, #tpu.memory_space<hbm>>
        tpu.wait_indirect_dma semaphore(%arg17 : memref<!tpu.dma_semaphore, #tpu.memory_space<semaphore_mem>>) src(%dma_wait3A_1112 : memref<2600000x16xf32, #tpu.memory_space<hbm>>) dst(%dma_wait3A_1106 : memref<128x16xf32, #tpu.memory_space<vmem>>)
        %dma_wait3A_1113 = arith.constant 5 : i32
        %dma_wait3A_1114 = arith.constant 2 : i32
        %dma_wait3A_1115 = arith.constant 256 : i32
        %dma_wait3A_1116 = arith.constant 0 : i32
        %dma_wait3A_1117 = tpu.memref_slice %arg12[%dma_wait3A_1115, %dma_wait3A_1116] : memref<512x16xf32, #tpu.memory_space<vmem>> -> memref<128x16xf32, #tpu.memory_space<vmem>>
        %dma_wait3A_1118 = arith.constant 0 : i32
        %dma_wait3A_1119 = tpu.memref_slice %arg10[%dma_wait3A_1113, %dma_wait3A_1114, %dma_wait3A_1118] : memref<8x4x128xi32, #tpu.memory_space<vmem>> -> memref<1x1x128xi32, #tpu.memory_space<vmem>>
        %dma_wait3A_1120 = tpu.memref_squeeze %dma_wait3A_1119 : memref<1x1x128xi32, #tpu.memory_space<vmem>> -> memref<128xi32, #tpu.memory_space<vmem>>
        %dma_wait3A_1121 = arith.constant 0 : i32
        %dma_wait3A_1122 = arith.constant 0 : i32
        %dma_wait3A_1123 = tpu.memref_slice %arg2[%dma_wait3A_1121, %dma_wait3A_1122] : memref<2600000x16xf32, #tpu.memory_space<hbm>> -> memref<2600000x16xf32, #tpu.memory_space<hbm>>
        tpu.wait_indirect_dma semaphore(%arg18 : memref<!tpu.dma_semaphore, #tpu.memory_space<semaphore_mem>>) src(%dma_wait3A_1123 : memref<2600000x16xf32, #tpu.memory_space<hbm>>) dst(%dma_wait3A_1117 : memref<128x16xf32, #tpu.memory_space<vmem>>)
        %dma_wait3A_1124 = arith.constant 5 : i32
        %dma_wait3A_1125 = arith.constant 3 : i32
        %dma_wait3A_1126 = arith.constant 384 : i32
        %dma_wait3A_1127 = arith.constant 0 : i32
        %dma_wait3A_1128 = tpu.memref_slice %arg11[%dma_wait3A_1126, %dma_wait3A_1127] : memref<512x16xf32, #tpu.memory_space<vmem>> -> memref<128x16xf32, #tpu.memory_space<vmem>>
        %dma_wait3A_1129 = arith.constant 0 : i32
        %dma_wait3A_1130 = tpu.memref_slice %arg9[%dma_wait3A_1124, %dma_wait3A_1125, %dma_wait3A_1129] : memref<8x4x128xi32, #tpu.memory_space<vmem>> -> memref<1x1x128xi32, #tpu.memory_space<vmem>>
        %dma_wait3A_1131 = tpu.memref_squeeze %dma_wait3A_1130 : memref<1x1x128xi32, #tpu.memory_space<vmem>> -> memref<128xi32, #tpu.memory_space<vmem>>
        %dma_wait3A_1132 = arith.constant 0 : i32
        %dma_wait3A_1133 = arith.constant 0 : i32
        %dma_wait3A_1134 = tpu.memref_slice %arg2[%dma_wait3A_1132, %dma_wait3A_1133] : memref<2600000x16xf32, #tpu.memory_space<hbm>> -> memref<2600000x16xf32, #tpu.memory_space<hbm>>
        tpu.wait_indirect_dma semaphore(%arg17 : memref<!tpu.dma_semaphore, #tpu.memory_space<semaphore_mem>>) src(%dma_wait3A_1134 : memref<2600000x16xf32, #tpu.memory_space<hbm>>) dst(%dma_wait3A_1128 : memref<128x16xf32, #tpu.memory_space<vmem>>)
        %dma_wait3A_1135 = arith.constant 5 : i32
        %dma_wait3A_1136 = arith.constant 3 : i32
        %dma_wait3A_1137 = arith.constant 384 : i32
        %dma_wait3A_1138 = arith.constant 0 : i32
        %dma_wait3A_1139 = tpu.memref_slice %arg12[%dma_wait3A_1137, %dma_wait3A_1138] : memref<512x16xf32, #tpu.memory_space<vmem>> -> memref<128x16xf32, #tpu.memory_space<vmem>>
        %dma_wait3A_1140 = arith.constant 0 : i32
        %dma_wait3A_1141 = tpu.memref_slice %arg10[%dma_wait3A_1135, %dma_wait3A_1136, %dma_wait3A_1140] : memref<8x4x128xi32, #tpu.memory_space<vmem>> -> memref<1x1x128xi32, #tpu.memory_space<vmem>>
        %dma_wait3A_1142 = tpu.memref_squeeze %dma_wait3A_1141 : memref<1x1x128xi32, #tpu.memory_space<vmem>> -> memref<128xi32, #tpu.memory_space<vmem>>
        %dma_wait3A_1143 = arith.constant 0 : i32
        %dma_wait3A_1144 = arith.constant 0 : i32
        %dma_wait3A_1145 = tpu.memref_slice %arg2[%dma_wait3A_1143, %dma_wait3A_1144] : memref<2600000x16xf32, #tpu.memory_space<hbm>> -> memref<2600000x16xf32, #tpu.memory_space<hbm>>
        tpu.wait_indirect_dma semaphore(%arg18 : memref<!tpu.dma_semaphore, #tpu.memory_space<semaphore_mem>>) src(%dma_wait3A_1145 : memref<2600000x16xf32, #tpu.memory_space<hbm>>) dst(%dma_wait3A_1139 : memref<128x16xf32, #tpu.memory_space<vmem>>)
        %parallel_loop3A_1146 = arith.constant 0 : i32
        %parallel_loop3A_1147 = arith.constant 512 : i32
        %parallel_loop3A_1148 = arith.constant 1 : i32
        scf.for %parallel_loop3A_1509 = %parallel_loop3A_1146 to %parallel_loop3A_1147 step %parallel_loop3A_1148  : i32 {
          %parallel_loop3A_1510 = arith.constant 3 : i32
          %parallel_loop3A_1511 = arith.shrui %parallel_loop3A_1509, %parallel_loop3A_1510 : i32
          %parallel_loop3A_1512 = arith.constant 7 : i32
          %parallel_loop3A_1513 = arith.andi %parallel_loop3A_1509, %parallel_loop3A_1512 : i32
          %parallel_loop3A_1514 = arith.index_cast %parallel_loop3A_1509 : i32 to index
          %parallel_loop3A_1515 = arith.constant 0 : index
          %parallel_loop3A_1516 = tpu.vector_load %arg11[%parallel_loop3A_1514, %parallel_loop3A_1515] {strides = array<i32>} : memref<512x16xf32, #tpu.memory_space<vmem>>, vector<1x16xf32>,
          %parallel_loop3A_1517 = vector.shape_cast %parallel_loop3A_1516 : vector<1x16xf32> to vector<16xf32>
          %parallel_loop3A_1518 = arith.index_cast %parallel_loop3A_1509 : i32 to index
          %parallel_loop3A_1519 = arith.constant 0 : index
          %parallel_loop3A_1520 = tpu.vector_load %arg12[%parallel_loop3A_1518, %parallel_loop3A_1519] {strides = array<i32>} : memref<512x16xf32, #tpu.memory_space<vmem>>, vector<1x16xf32>,
          %parallel_loop3A_1521 = vector.shape_cast %parallel_loop3A_1520 : vector<1x16xf32> to vector<16xf32>
          %parallel_loop3A_1522 = arith.mulf %parallel_loop3A_1517, %parallel_loop3A_1521 : vector<16xf32>
          %parallel_loop3A_1523 = arith.index_cast %parallel_loop3A_1511 : i32 to index
          %parallel_loop3A_1524 = arith.index_cast %parallel_loop3A_1513 : i32 to index
          %parallel_loop3A_1525 = arith.constant 80 : index
          %parallel_loop3A_1526 = tpu.vector_load %arg13[%parallel_loop3A_1523, %parallel_loop3A_1524, %parallel_loop3A_1525] {strides = array<i32>} : memref<64x8x128xf32, #tpu.memory_space<vmem>>, vector<1x1x16xf32>,
          %parallel_loop3A_1527 = vector.shape_cast %parallel_loop3A_1526 : vector<1x1x16xf32> to vector<16xf32>
          %parallel_loop3A_1528 = vector.shape_cast %parallel_loop3A_1522 : vector<16xf32> to vector<1x1x16xf32>
          tpu.vector_store %arg13[%parallel_loop3A_1523, %parallel_loop3A_1524, %parallel_loop3A_1525], %parallel_loop3A_1528 {strides = array<i32>} : memref<64x8x128xf32, #tpu.memory_space<vmem>>, vector<1x1x16xf32>,
        } {sc.loop_unroll_factor = 8 : i64, sc.parallel_access}
        %dma_start3A_1149 = arith.constant 6 : i32
        %dma_start3A_1150 = arith.constant 0 : i32
        %dma_start3A_1151 = arith.constant 0 : i32
        %dma_start3A_1152 = arith.constant 0 : i32
        %dma_start3A_1153 = tpu.memref_slice %arg11[%dma_start3A_1151, %dma_start3A_1152] : memref<512x16xf32, #tpu.memory_space<vmem>> -> memref<128x16xf32, #tpu.memory_space<vmem>>
        %dma_start3A_1154 = arith.constant 0 : i32
        %dma_start3A_1155 = tpu.memref_slice %arg9[%dma_start3A_1149, %dma_start3A_1150, %dma_start3A_1154] : memref<8x4x128xi32, #tpu.memory_space<vmem>> -> memref<1x1x128xi32, #tpu.memory_space<vmem>>
        %dma_start3A_1156 = tpu.memref_squeeze %dma_start3A_1155 : memref<1x1x128xi32, #tpu.memory_space<vmem>> -> memref<128xi32, #tpu.memory_space<vmem>>
        %dma_start3A_1157 = arith.constant 0 : i32
        %dma_start3A_1158 = arith.constant 0 : i32
        %dma_start3A_1159 = tpu.memref_slice %arg2[%dma_start3A_1157, %dma_start3A_1158] : memref<2600000x16xf32, #tpu.memory_space<hbm>> -> memref<2600000x16xf32, #tpu.memory_space<hbm>>
        tpu.enqueue_indirect_dma source(%dma_start3A_1159 : memref<2600000x16xf32, #tpu.memory_space<hbm>>) target(%dma_start3A_1153 : memref<128x16xf32, #tpu.memory_space<vmem>>) offsets(%dma_start3A_1156 : memref<128xi32, #tpu.memory_space<vmem>>) semaphore(%arg17 : memref<!tpu.dma_semaphore, #tpu.memory_space<semaphore_mem>>)
        %dma_start3A_1160 = arith.constant 6 : i32
        %dma_start3A_1161 = arith.constant 0 : i32
        %dma_start3A_1162 = arith.constant 0 : i32
        %dma_start3A_1163 = arith.constant 0 : i32
        %dma_start3A_1164 = tpu.memref_slice %arg12[%dma_start3A_1162, %dma_start3A_1163] : memref<512x16xf32, #tpu.memory_space<vmem>> -> memref<128x16xf32, #tpu.memory_space<vmem>>
        %dma_start3A_1165 = arith.constant 0 : i32
        %dma_start3A_1166 = tpu.memref_slice %arg10[%dma_start3A_1160, %dma_start3A_1161, %dma_start3A_1165] : memref<8x4x128xi32, #tpu.memory_space<vmem>> -> memref<1x1x128xi32, #tpu.memory_space<vmem>>
        %dma_start3A_1167 = tpu.memref_squeeze %dma_start3A_1166 : memref<1x1x128xi32, #tpu.memory_space<vmem>> -> memref<128xi32, #tpu.memory_space<vmem>>
        %dma_start3A_1168 = arith.constant 0 : i32
        %dma_start3A_1169 = arith.constant 0 : i32
        %dma_start3A_1170 = tpu.memref_slice %arg2[%dma_start3A_1168, %dma_start3A_1169] : memref<2600000x16xf32, #tpu.memory_space<hbm>> -> memref<2600000x16xf32, #tpu.memory_space<hbm>>
        tpu.enqueue_indirect_dma source(%dma_start3A_1170 : memref<2600000x16xf32, #tpu.memory_space<hbm>>) target(%dma_start3A_1164 : memref<128x16xf32, #tpu.memory_space<vmem>>) offsets(%dma_start3A_1167 : memref<128xi32, #tpu.memory_space<vmem>>) semaphore(%arg18 : memref<!tpu.dma_semaphore, #tpu.memory_space<semaphore_mem>>)
        %dma_start3A_1171 = arith.constant 6 : i32
        %dma_start3A_1172 = arith.constant 1 : i32
        %dma_start3A_1173 = arith.constant 128 : i32
        %dma_start3A_1174 = arith.constant 0 : i32
        %dma_start3A_1175 = tpu.memref_slice %arg11[%dma_start3A_1173, %dma_start3A_1174] : memref<512x16xf32, #tpu.memory_space<vmem>> -> memref<128x16xf32, #tpu.memory_space<vmem>>
        %dma_start3A_1176 = arith.constant 0 : i32
        %dma_start3A_1177 = tpu.memref_slice %arg9[%dma_start3A_1171, %dma_start3A_1172, %dma_start3A_1176] : memref<8x4x128xi32, #tpu.memory_space<vmem>> -> memref<1x1x128xi32, #tpu.memory_space<vmem>>
        %dma_start3A_1178 = tpu.memref_squeeze %dma_start3A_1177 : memref<1x1x128xi32, #tpu.memory_space<vmem>> -> memref<128xi32, #tpu.memory_space<vmem>>
        %dma_start3A_1179 = arith.constant 0 : i32
        %dma_start3A_1180 = arith.constant 0 : i32
        %dma_start3A_1181 = tpu.memref_slice %arg2[%dma_start3A_1179, %dma_start3A_1180] : memref<2600000x16xf32, #tpu.memory_space<hbm>> -> memref<2600000x16xf32, #tpu.memory_space<hbm>>
        tpu.enqueue_indirect_dma source(%dma_start3A_1181 : memref<2600000x16xf32, #tpu.memory_space<hbm>>) target(%dma_start3A_1175 : memref<128x16xf32, #tpu.memory_space<vmem>>) offsets(%dma_start3A_1178 : memref<128xi32, #tpu.memory_space<vmem>>) semaphore(%arg17 : memref<!tpu.dma_semaphore, #tpu.memory_space<semaphore_mem>>)
        %dma_start3A_1182 = arith.constant 6 : i32
        %dma_start3A_1183 = arith.constant 1 : i32
        %dma_start3A_1184 = arith.constant 128 : i32
        %dma_start3A_1185 = arith.constant 0 : i32
        %dma_start3A_1186 = tpu.memref_slice %arg12[%dma_start3A_1184, %dma_start3A_1185] : memref<512x16xf32, #tpu.memory_space<vmem>> -> memref<128x16xf32, #tpu.memory_space<vmem>>
        %dma_start3A_1187 = arith.constant 0 : i32
        %dma_start3A_1188 = tpu.memref_slice %arg10[%dma_start3A_1182, %dma_start3A_1183, %dma_start3A_1187] : memref<8x4x128xi32, #tpu.memory_space<vmem>> -> memref<1x1x128xi32, #tpu.memory_space<vmem>>
        %dma_start3A_1189 = tpu.memref_squeeze %dma_start3A_1188 : memref<1x1x128xi32, #tpu.memory_space<vmem>> -> memref<128xi32, #tpu.memory_space<vmem>>
        %dma_start3A_1190 = arith.constant 0 : i32
        %dma_start3A_1191 = arith.constant 0 : i32
        %dma_start3A_1192 = tpu.memref_slice %arg2[%dma_start3A_1190, %dma_start3A_1191] : memref<2600000x16xf32, #tpu.memory_space<hbm>> -> memref<2600000x16xf32, #tpu.memory_space<hbm>>
        tpu.enqueue_indirect_dma source(%dma_start3A_1192 : memref<2600000x16xf32, #tpu.memory_space<hbm>>) target(%dma_start3A_1186 : memref<128x16xf32, #tpu.memory_space<vmem>>) offsets(%dma_start3A_1189 : memref<128xi32, #tpu.memory_space<vmem>>) semaphore(%arg18 : memref<!tpu.dma_semaphore, #tpu.memory_space<semaphore_mem>>)
        %dma_start3A_1193 = arith.constant 6 : i32
        %dma_start3A_1194 = arith.constant 2 : i32
        %dma_start3A_1195 = arith.constant 256 : i32
        %dma_start3A_1196 = arith.constant 0 : i32
        %dma_start3A_1197 = tpu.memref_slice %arg11[%dma_start3A_1195, %dma_start3A_1196] : memref<512x16xf32, #tpu.memory_space<vmem>> -> memref<128x16xf32, #tpu.memory_space<vmem>>
        %dma_start3A_1198 = arith.constant 0 : i32
        %dma_start3A_1199 = tpu.memref_slice %arg9[%dma_start3A_1193, %dma_start3A_1194, %dma_start3A_1198] : memref<8x4x128xi32, #tpu.memory_space<vmem>> -> memref<1x1x128xi32, #tpu.memory_space<vmem>>
        %dma_start3A_1200 = tpu.memref_squeeze %dma_start3A_1199 : memref<1x1x128xi32, #tpu.memory_space<vmem>> -> memref<128xi32, #tpu.memory_space<vmem>>
        %dma_start3A_1201 = arith.constant 0 : i32
        %dma_start3A_1202 = arith.constant 0 : i32
        %dma_start3A_1203 = tpu.memref_slice %arg2[%dma_start3A_1201, %dma_start3A_1202] : memref<2600000x16xf32, #tpu.memory_space<hbm>> -> memref<2600000x16xf32, #tpu.memory_space<hbm>>
        tpu.enqueue_indirect_dma source(%dma_start3A_1203 : memref<2600000x16xf32, #tpu.memory_space<hbm>>) target(%dma_start3A_1197 : memref<128x16xf32, #tpu.memory_space<vmem>>) offsets(%dma_start3A_1200 : memref<128xi32, #tpu.memory_space<vmem>>) semaphore(%arg17 : memref<!tpu.dma_semaphore, #tpu.memory_space<semaphore_mem>>)
        %dma_start3A_1204 = arith.constant 6 : i32
        %dma_start3A_1205 = arith.constant 2 : i32
        %dma_start3A_1206 = arith.constant 256 : i32
        %dma_start3A_1207 = arith.constant 0 : i32
        %dma_start3A_1208 = tpu.memref_slice %arg12[%dma_start3A_1206, %dma_start3A_1207] : memref<512x16xf32, #tpu.memory_space<vmem>> -> memref<128x16xf32, #tpu.memory_space<vmem>>
        %dma_start3A_1209 = arith.constant 0 : i32
        %dma_start3A_1210 = tpu.memref_slice %arg10[%dma_start3A_1204, %dma_start3A_1205, %dma_start3A_1209] : memref<8x4x128xi32, #tpu.memory_space<vmem>> -> memref<1x1x128xi32, #tpu.memory_space<vmem>>
        %dma_start3A_1211 = tpu.memref_squeeze %dma_start3A_1210 : memref<1x1x128xi32, #tpu.memory_space<vmem>> -> memref<128xi32, #tpu.memory_space<vmem>>
        %dma_start3A_1212 = arith.constant 0 : i32
        %dma_start3A_1213 = arith.constant 0 : i32
        %dma_start3A_1214 = tpu.memref_slice %arg2[%dma_start3A_1212, %dma_start3A_1213] : memref<2600000x16xf32, #tpu.memory_space<hbm>> -> memref<2600000x16xf32, #tpu.memory_space<hbm>>
        tpu.enqueue_indirect_dma source(%dma_start3A_1214 : memref<2600000x16xf32, #tpu.memory_space<hbm>>) target(%dma_start3A_1208 : memref<128x16xf32, #tpu.memory_space<vmem>>) offsets(%dma_start3A_1211 : memref<128xi32, #tpu.memory_space<vmem>>) semaphore(%arg18 : memref<!tpu.dma_semaphore, #tpu.memory_space<semaphore_mem>>)
        %dma_start3A_1215 = arith.constant 6 : i32
        %dma_start3A_1216 = arith.constant 3 : i32
        %dma_start3A_1217 = arith.constant 384 : i32
        %dma_start3A_1218 = arith.constant 0 : i32
        %dma_start3A_1219 = tpu.memref_slice %arg11[%dma_start3A_1217, %dma_start3A_1218] : memref<512x16xf32, #tpu.memory_space<vmem>> -> memref<128x16xf32, #tpu.memory_space<vmem>>
        %dma_start3A_1220 = arith.constant 0 : i32
        %dma_start3A_1221 = tpu.memref_slice %arg9[%dma_start3A_1215, %dma_start3A_1216, %dma_start3A_1220] : memref<8x4x128xi32, #tpu.memory_space<vmem>> -> memref<1x1x128xi32, #tpu.memory_space<vmem>>
        %dma_start3A_1222 = tpu.memref_squeeze %dma_start3A_1221 : memref<1x1x128xi32, #tpu.memory_space<vmem>> -> memref<128xi32, #tpu.memory_space<vmem>>
        %dma_start3A_1223 = arith.constant 0 : i32
        %dma_start3A_1224 = arith.constant 0 : i32
        %dma_start3A_1225 = tpu.memref_slice %arg2[%dma_start3A_1223, %dma_start3A_1224] : memref<2600000x16xf32, #tpu.memory_space<hbm>> -> memref<2600000x16xf32, #tpu.memory_space<hbm>>
        tpu.enqueue_indirect_dma source(%dma_start3A_1225 : memref<2600000x16xf32, #tpu.memory_space<hbm>>) target(%dma_start3A_1219 : memref<128x16xf32, #tpu.memory_space<vmem>>) offsets(%dma_start3A_1222 : memref<128xi32, #tpu.memory_space<vmem>>) semaphore(%arg17 : memref<!tpu.dma_semaphore, #tpu.memory_space<semaphore_mem>>)
        %dma_start3A_1226 = arith.constant 6 : i32
        %dma_start3A_1227 = arith.constant 3 : i32
        %dma_start3A_1228 = arith.constant 384 : i32
        %dma_start3A_1229 = arith.constant 0 : i32
        %dma_start3A_1230 = tpu.memref_slice %arg12[%dma_start3A_1228, %dma_start3A_1229] : memref<512x16xf32, #tpu.memory_space<vmem>> -> memref<128x16xf32, #tpu.memory_space<vmem>>
        %dma_start3A_1231 = arith.constant 0 : i32
        %dma_start3A_1232 = tpu.memref_slice %arg10[%dma_start3A_1226, %dma_start3A_1227, %dma_start3A_1231] : memref<8x4x128xi32, #tpu.memory_space<vmem>> -> memref<1x1x128xi32, #tpu.memory_space<vmem>>
        %dma_start3A_1233 = tpu.memref_squeeze %dma_start3A_1232 : memref<1x1x128xi32, #tpu.memory_space<vmem>> -> memref<128xi32, #tpu.memory_space<vmem>>
        %dma_start3A_1234 = arith.constant 0 : i32
        %dma_start3A_1235 = arith.constant 0 : i32
        %dma_start3A_1236 = tpu.memref_slice %arg2[%dma_start3A_1234, %dma_start3A_1235] : memref<2600000x16xf32, #tpu.memory_space<hbm>> -> memref<2600000x16xf32, #tpu.memory_space<hbm>>
        tpu.enqueue_indirect_dma source(%dma_start3A_1236 : memref<2600000x16xf32, #tpu.memory_space<hbm>>) target(%dma_start3A_1230 : memref<128x16xf32, #tpu.memory_space<vmem>>) offsets(%dma_start3A_1233 : memref<128xi32, #tpu.memory_space<vmem>>) semaphore(%arg18 : memref<!tpu.dma_semaphore, #tpu.memory_space<semaphore_mem>>)
        %dma_wait3A_1237 = arith.constant 6 : i32
        %dma_wait3A_1238 = arith.constant 0 : i32
        %dma_wait3A_1239 = arith.constant 0 : i32
        %dma_wait3A_1240 = arith.constant 0 : i32
        %dma_wait3A_1241 = tpu.memref_slice %arg11[%dma_wait3A_1239, %dma_wait3A_1240] : memref<512x16xf32, #tpu.memory_space<vmem>> -> memref<128x16xf32, #tpu.memory_space<vmem>>
        %dma_wait3A_1242 = arith.constant 0 : i32
        %dma_wait3A_1243 = tpu.memref_slice %arg9[%dma_wait3A_1237, %dma_wait3A_1238, %dma_wait3A_1242] : memref<8x4x128xi32, #tpu.memory_space<vmem>> -> memref<1x1x128xi32, #tpu.memory_space<vmem>>
        %dma_wait3A_1244 = tpu.memref_squeeze %dma_wait3A_1243 : memref<1x1x128xi32, #tpu.memory_space<vmem>> -> memref<128xi32, #tpu.memory_space<vmem>>
        %dma_wait3A_1245 = arith.constant 0 : i32
        %dma_wait3A_1246 = arith.constant 0 : i32
        %dma_wait3A_1247 = tpu.memref_slice %arg2[%dma_wait3A_1245, %dma_wait3A_1246] : memref<2600000x16xf32, #tpu.memory_space<hbm>> -> memref<2600000x16xf32, #tpu.memory_space<hbm>>
        tpu.wait_indirect_dma semaphore(%arg17 : memref<!tpu.dma_semaphore, #tpu.memory_space<semaphore_mem>>) src(%dma_wait3A_1247 : memref<2600000x16xf32, #tpu.memory_space<hbm>>) dst(%dma_wait3A_1241 : memref<128x16xf32, #tpu.memory_space<vmem>>)
        %dma_wait3A_1248 = arith.constant 6 : i32
        %dma_wait3A_1249 = arith.constant 0 : i32
        %dma_wait3A_1250 = arith.constant 0 : i32
        %dma_wait3A_1251 = arith.constant 0 : i32
        %dma_wait3A_1252 = tpu.memref_slice %arg12[%dma_wait3A_1250, %dma_wait3A_1251] : memref<512x16xf32, #tpu.memory_space<vmem>> -> memref<128x16xf32, #tpu.memory_space<vmem>>
        %dma_wait3A_1253 = arith.constant 0 : i32
        %dma_wait3A_1254 = tpu.memref_slice %arg10[%dma_wait3A_1248, %dma_wait3A_1249, %dma_wait3A_1253] : memref<8x4x128xi32, #tpu.memory_space<vmem>> -> memref<1x1x128xi32, #tpu.memory_space<vmem>>
        %dma_wait3A_1255 = tpu.memref_squeeze %dma_wait3A_1254 : memref<1x1x128xi32, #tpu.memory_space<vmem>> -> memref<128xi32, #tpu.memory_space<vmem>>
        %dma_wait3A_1256 = arith.constant 0 : i32
        %dma_wait3A_1257 = arith.constant 0 : i32
        %dma_wait3A_1258 = tpu.memref_slice %arg2[%dma_wait3A_1256, %dma_wait3A_1257] : memref<2600000x16xf32, #tpu.memory_space<hbm>> -> memref<2600000x16xf32, #tpu.memory_space<hbm>>
        tpu.wait_indirect_dma semaphore(%arg18 : memref<!tpu.dma_semaphore, #tpu.memory_space<semaphore_mem>>) src(%dma_wait3A_1258 : memref<2600000x16xf32, #tpu.memory_space<hbm>>) dst(%dma_wait3A_1252 : memref<128x16xf32, #tpu.memory_space<vmem>>)
        %dma_wait3A_1259 = arith.constant 6 : i32
        %dma_wait3A_1260 = arith.constant 1 : i32
        %dma_wait3A_1261 = arith.constant 128 : i32
        %dma_wait3A_1262 = arith.constant 0 : i32
        %dma_wait3A_1263 = tpu.memref_slice %arg11[%dma_wait3A_1261, %dma_wait3A_1262] : memref<512x16xf32, #tpu.memory_space<vmem>> -> memref<128x16xf32, #tpu.memory_space<vmem>>
        %dma_wait3A_1264 = arith.constant 0 : i32
        %dma_wait3A_1265 = tpu.memref_slice %arg9[%dma_wait3A_1259, %dma_wait3A_1260, %dma_wait3A_1264] : memref<8x4x128xi32, #tpu.memory_space<vmem>> -> memref<1x1x128xi32, #tpu.memory_space<vmem>>
        %dma_wait3A_1266 = tpu.memref_squeeze %dma_wait3A_1265 : memref<1x1x128xi32, #tpu.memory_space<vmem>> -> memref<128xi32, #tpu.memory_space<vmem>>
        %dma_wait3A_1267 = arith.constant 0 : i32
        %dma_wait3A_1268 = arith.constant 0 : i32
        %dma_wait3A_1269 = tpu.memref_slice %arg2[%dma_wait3A_1267, %dma_wait3A_1268] : memref<2600000x16xf32, #tpu.memory_space<hbm>> -> memref<2600000x16xf32, #tpu.memory_space<hbm>>
        tpu.wait_indirect_dma semaphore(%arg17 : memref<!tpu.dma_semaphore, #tpu.memory_space<semaphore_mem>>) src(%dma_wait3A_1269 : memref<2600000x16xf32, #tpu.memory_space<hbm>>) dst(%dma_wait3A_1263 : memref<128x16xf32, #tpu.memory_space<vmem>>)
        %dma_wait3A_1270 = arith.constant 6 : i32
        %dma_wait3A_1271 = arith.constant 1 : i32
        %dma_wait3A_1272 = arith.constant 128 : i32
        %dma_wait3A_1273 = arith.constant 0 : i32
        %dma_wait3A_1274 = tpu.memref_slice %arg12[%dma_wait3A_1272, %dma_wait3A_1273] : memref<512x16xf32, #tpu.memory_space<vmem>> -> memref<128x16xf32, #tpu.memory_space<vmem>>
        %dma_wait3A_1275 = arith.constant 0 : i32
        %dma_wait3A_1276 = tpu.memref_slice %arg10[%dma_wait3A_1270, %dma_wait3A_1271, %dma_wait3A_1275] : memref<8x4x128xi32, #tpu.memory_space<vmem>> -> memref<1x1x128xi32, #tpu.memory_space<vmem>>
        %dma_wait3A_1277 = tpu.memref_squeeze %dma_wait3A_1276 : memref<1x1x128xi32, #tpu.memory_space<vmem>> -> memref<128xi32, #tpu.memory_space<vmem>>
        %dma_wait3A_1278 = arith.constant 0 : i32
        %dma_wait3A_1279 = arith.constant 0 : i32
        %dma_wait3A_1280 = tpu.memref_slice %arg2[%dma_wait3A_1278, %dma_wait3A_1279] : memref<2600000x16xf32, #tpu.memory_space<hbm>> -> memref<2600000x16xf32, #tpu.memory_space<hbm>>
        tpu.wait_indirect_dma semaphore(%arg18 : memref<!tpu.dma_semaphore, #tpu.memory_space<semaphore_mem>>) src(%dma_wait3A_1280 : memref<2600000x16xf32, #tpu.memory_space<hbm>>) dst(%dma_wait3A_1274 : memref<128x16xf32, #tpu.memory_space<vmem>>)
        %dma_wait3A_1281 = arith.constant 6 : i32
        %dma_wait3A_1282 = arith.constant 2 : i32
        %dma_wait3A_1283 = arith.constant 256 : i32
        %dma_wait3A_1284 = arith.constant 0 : i32
        %dma_wait3A_1285 = tpu.memref_slice %arg11[%dma_wait3A_1283, %dma_wait3A_1284] : memref<512x16xf32, #tpu.memory_space<vmem>> -> memref<128x16xf32, #tpu.memory_space<vmem>>
        %dma_wait3A_1286 = arith.constant 0 : i32
        %dma_wait3A_1287 = tpu.memref_slice %arg9[%dma_wait3A_1281, %dma_wait3A_1282, %dma_wait3A_1286] : memref<8x4x128xi32, #tpu.memory_space<vmem>> -> memref<1x1x128xi32, #tpu.memory_space<vmem>>
        %dma_wait3A_1288 = tpu.memref_squeeze %dma_wait3A_1287 : memref<1x1x128xi32, #tpu.memory_space<vmem>> -> memref<128xi32, #tpu.memory_space<vmem>>
        %dma_wait3A_1289 = arith.constant 0 : i32
        %dma_wait3A_1290 = arith.constant 0 : i32
        %dma_wait3A_1291 = tpu.memref_slice %arg2[%dma_wait3A_1289, %dma_wait3A_1290] : memref<2600000x16xf32, #tpu.memory_space<hbm>> -> memref<2600000x16xf32, #tpu.memory_space<hbm>>
        tpu.wait_indirect_dma semaphore(%arg17 : memref<!tpu.dma_semaphore, #tpu.memory_space<semaphore_mem>>) src(%dma_wait3A_1291 : memref<2600000x16xf32, #tpu.memory_space<hbm>>) dst(%dma_wait3A_1285 : memref<128x16xf32, #tpu.memory_space<vmem>>)
        %dma_wait3A_1292 = arith.constant 6 : i32
        %dma_wait3A_1293 = arith.constant 2 : i32
        %dma_wait3A_1294 = arith.constant 256 : i32
        %dma_wait3A_1295 = arith.constant 0 : i32
        %dma_wait3A_1296 = tpu.memref_slice %arg12[%dma_wait3A_1294, %dma_wait3A_1295] : memref<512x16xf32, #tpu.memory_space<vmem>> -> memref<128x16xf32, #tpu.memory_space<vmem>>
        %dma_wait3A_1297 = arith.constant 0 : i32
        %dma_wait3A_1298 = tpu.memref_slice %arg10[%dma_wait3A_1292, %dma_wait3A_1293, %dma_wait3A_1297] : memref<8x4x128xi32, #tpu.memory_space<vmem>> -> memref<1x1x128xi32, #tpu.memory_space<vmem>>
        %dma_wait3A_1299 = tpu.memref_squeeze %dma_wait3A_1298 : memref<1x1x128xi32, #tpu.memory_space<vmem>> -> memref<128xi32, #tpu.memory_space<vmem>>
        %dma_wait3A_1300 = arith.constant 0 : i32
        %dma_wait3A_1301 = arith.constant 0 : i32
        %dma_wait3A_1302 = tpu.memref_slice %arg2[%dma_wait3A_1300, %dma_wait3A_1301] : memref<2600000x16xf32, #tpu.memory_space<hbm>> -> memref<2600000x16xf32, #tpu.memory_space<hbm>>
        tpu.wait_indirect_dma semaphore(%arg18 : memref<!tpu.dma_semaphore, #tpu.memory_space<semaphore_mem>>) src(%dma_wait3A_1302 : memref<2600000x16xf32, #tpu.memory_space<hbm>>) dst(%dma_wait3A_1296 : memref<128x16xf32, #tpu.memory_space<vmem>>)
        %dma_wait3A_1303 = arith.constant 6 : i32
        %dma_wait3A_1304 = arith.constant 3 : i32
        %dma_wait3A_1305 = arith.constant 384 : i32
        %dma_wait3A_1306 = arith.constant 0 : i32
        %dma_wait3A_1307 = tpu.memref_slice %arg11[%dma_wait3A_1305, %dma_wait3A_1306] : memref<512x16xf32, #tpu.memory_space<vmem>> -> memref<128x16xf32, #tpu.memory_space<vmem>>
        %dma_wait3A_1308 = arith.constant 0 : i32
        %dma_wait3A_1309 = tpu.memref_slice %arg9[%dma_wait3A_1303, %dma_wait3A_1304, %dma_wait3A_1308] : memref<8x4x128xi32, #tpu.memory_space<vmem>> -> memref<1x1x128xi32, #tpu.memory_space<vmem>>
        %dma_wait3A_1310 = tpu.memref_squeeze %dma_wait3A_1309 : memref<1x1x128xi32, #tpu.memory_space<vmem>> -> memref<128xi32, #tpu.memory_space<vmem>>
        %dma_wait3A_1311 = arith.constant 0 : i32
        %dma_wait3A_1312 = arith.constant 0 : i32
        %dma_wait3A_1313 = tpu.memref_slice %arg2[%dma_wait3A_1311, %dma_wait3A_1312] : memref<2600000x16xf32, #tpu.memory_space<hbm>> -> memref<2600000x16xf32, #tpu.memory_space<hbm>>
        tpu.wait_indirect_dma semaphore(%arg17 : memref<!tpu.dma_semaphore, #tpu.memory_space<semaphore_mem>>) src(%dma_wait3A_1313 : memref<2600000x16xf32, #tpu.memory_space<hbm>>) dst(%dma_wait3A_1307 : memref<128x16xf32, #tpu.memory_space<vmem>>)
        %dma_wait3A_1314 = arith.constant 6 : i32
        %dma_wait3A_1315 = arith.constant 3 : i32
        %dma_wait3A_1316 = arith.constant 384 : i32
        %dma_wait3A_1317 = arith.constant 0 : i32
        %dma_wait3A_1318 = tpu.memref_slice %arg12[%dma_wait3A_1316, %dma_wait3A_1317] : memref<512x16xf32, #tpu.memory_space<vmem>> -> memref<128x16xf32, #tpu.memory_space<vmem>>
        %dma_wait3A_1319 = arith.constant 0 : i32
        %dma_wait3A_1320 = tpu.memref_slice %arg10[%dma_wait3A_1314, %dma_wait3A_1315, %dma_wait3A_1319] : memref<8x4x128xi32, #tpu.memory_space<vmem>> -> memref<1x1x128xi32, #tpu.memory_space<vmem>>
        %dma_wait3A_1321 = tpu.memref_squeeze %dma_wait3A_1320 : memref<1x1x128xi32, #tpu.memory_space<vmem>> -> memref<128xi32, #tpu.memory_space<vmem>>
        %dma_wait3A_1322 = arith.constant 0 : i32
        %dma_wait3A_1323 = arith.constant 0 : i32
        %dma_wait3A_1324 = tpu.memref_slice %arg2[%dma_wait3A_1322, %dma_wait3A_1323] : memref<2600000x16xf32, #tpu.memory_space<hbm>> -> memref<2600000x16xf32, #tpu.memory_space<hbm>>
        tpu.wait_indirect_dma semaphore(%arg18 : memref<!tpu.dma_semaphore, #tpu.memory_space<semaphore_mem>>) src(%dma_wait3A_1324 : memref<2600000x16xf32, #tpu.memory_space<hbm>>) dst(%dma_wait3A_1318 : memref<128x16xf32, #tpu.memory_space<vmem>>)
        %parallel_loop3A_1325 = arith.constant 0 : i32
        %parallel_loop3A_1326 = arith.constant 512 : i32
        %parallel_loop3A_1327 = arith.constant 1 : i32
        scf.for %parallel_loop3A_1509 = %parallel_loop3A_1325 to %parallel_loop3A_1326 step %parallel_loop3A_1327  : i32 {
          %parallel_loop3A_1510 = arith.constant 3 : i32
          %parallel_loop3A_1511 = arith.shrui %parallel_loop3A_1509, %parallel_loop3A_1510 : i32
          %parallel_loop3A_1512 = arith.constant 7 : i32
          %parallel_loop3A_1513 = arith.andi %parallel_loop3A_1509, %parallel_loop3A_1512 : i32
          %parallel_loop3A_1514 = arith.index_cast %parallel_loop3A_1509 : i32 to index
          %parallel_loop3A_1515 = arith.constant 0 : index
          %parallel_loop3A_1516 = tpu.vector_load %arg11[%parallel_loop3A_1514, %parallel_loop3A_1515] {strides = array<i32>} : memref<512x16xf32, #tpu.memory_space<vmem>>, vector<1x16xf32>,
          %parallel_loop3A_1517 = vector.shape_cast %parallel_loop3A_1516 : vector<1x16xf32> to vector<16xf32>
          %parallel_loop3A_1518 = arith.index_cast %parallel_loop3A_1509 : i32 to index
          %parallel_loop3A_1519 = arith.constant 0 : index
          %parallel_loop3A_1520 = tpu.vector_load %arg12[%parallel_loop3A_1518, %parallel_loop3A_1519] {strides = array<i32>} : memref<512x16xf32, #tpu.memory_space<vmem>>, vector<1x16xf32>,
          %parallel_loop3A_1521 = vector.shape_cast %parallel_loop3A_1520 : vector<1x16xf32> to vector<16xf32>
          %parallel_loop3A_1522 = arith.mulf %parallel_loop3A_1517, %parallel_loop3A_1521 : vector<16xf32>
          %parallel_loop3A_1523 = arith.index_cast %parallel_loop3A_1511 : i32 to index
          %parallel_loop3A_1524 = arith.index_cast %parallel_loop3A_1513 : i32 to index
          %parallel_loop3A_1525 = arith.constant 96 : index
          %parallel_loop3A_1526 = tpu.vector_load %arg13[%parallel_loop3A_1523, %parallel_loop3A_1524, %parallel_loop3A_1525] {strides = array<i32>} : memref<64x8x128xf32, #tpu.memory_space<vmem>>, vector<1x1x16xf32>,
          %parallel_loop3A_1527 = vector.shape_cast %parallel_loop3A_1526 : vector<1x1x16xf32> to vector<16xf32>
          %parallel_loop3A_1528 = vector.shape_cast %parallel_loop3A_1522 : vector<16xf32> to vector<1x1x16xf32>
          tpu.vector_store %arg13[%parallel_loop3A_1523, %parallel_loop3A_1524, %parallel_loop3A_1525], %parallel_loop3A_1528 {strides = array<i32>} : memref<64x8x128xf32, #tpu.memory_space<vmem>>, vector<1x1x16xf32>,
        } {sc.loop_unroll_factor = 8 : i64, sc.parallel_access}
        %dma_start3A_1328 = arith.constant 7 : i32
        %dma_start3A_1329 = arith.constant 0 : i32
        %dma_start3A_1330 = arith.constant 0 : i32
        %dma_start3A_1331 = arith.constant 0 : i32
        %dma_start3A_1332 = tpu.memref_slice %arg11[%dma_start3A_1330, %dma_start3A_1331] : memref<512x16xf32, #tpu.memory_space<vmem>> -> memref<128x16xf32, #tpu.memory_space<vmem>>
        %dma_start3A_1333 = arith.constant 0 : i32
        %dma_start3A_1334 = tpu.memref_slice %arg9[%dma_start3A_1328, %dma_start3A_1329, %dma_start3A_1333] : memref<8x4x128xi32, #tpu.memory_space<vmem>> -> memref<1x1x128xi32, #tpu.memory_space<vmem>>
        %dma_start3A_1335 = tpu.memref_squeeze %dma_start3A_1334 : memref<1x1x128xi32, #tpu.memory_space<vmem>> -> memref<128xi32, #tpu.memory_space<vmem>>
        %dma_start3A_1336 = arith.constant 0 : i32
        %dma_start3A_1337 = arith.constant 0 : i32
        %dma_start3A_1338 = tpu.memref_slice %arg2[%dma_start3A_1336, %dma_start3A_1337] : memref<2600000x16xf32, #tpu.memory_space<hbm>> -> memref<2600000x16xf32, #tpu.memory_space<hbm>>
        tpu.enqueue_indirect_dma source(%dma_start3A_1338 : memref<2600000x16xf32, #tpu.memory_space<hbm>>) target(%dma_start3A_1332 : memref<128x16xf32, #tpu.memory_space<vmem>>) offsets(%dma_start3A_1335 : memref<128xi32, #tpu.memory_space<vmem>>) semaphore(%arg17 : memref<!tpu.dma_semaphore, #tpu.memory_space<semaphore_mem>>)
        %dma_start3A_1339 = arith.constant 7 : i32
        %dma_start3A_1340 = arith.constant 0 : i32
        %dma_start3A_1341 = arith.constant 0 : i32
        %dma_start3A_1342 = arith.constant 0 : i32
        %dma_start3A_1343 = tpu.memref_slice %arg12[%dma_start3A_1341, %dma_start3A_1342] : memref<512x16xf32, #tpu.memory_space<vmem>> -> memref<128x16xf32, #tpu.memory_space<vmem>>
        %dma_start3A_1344 = arith.constant 0 : i32
        %dma_start3A_1345 = tpu.memref_slice %arg10[%dma_start3A_1339, %dma_start3A_1340, %dma_start3A_1344] : memref<8x4x128xi32, #tpu.memory_space<vmem>> -> memref<1x1x128xi32, #tpu.memory_space<vmem>>
        %dma_start3A_1346 = tpu.memref_squeeze %dma_start3A_1345 : memref<1x1x128xi32, #tpu.memory_space<vmem>> -> memref<128xi32, #tpu.memory_space<vmem>>
        %dma_start3A_1347 = arith.constant 0 : i32
        %dma_start3A_1348 = arith.constant 0 : i32
        %dma_start3A_1349 = tpu.memref_slice %arg2[%dma_start3A_1347, %dma_start3A_1348] : memref<2600000x16xf32, #tpu.memory_space<hbm>> -> memref<2600000x16xf32, #tpu.memory_space<hbm>>
        tpu.enqueue_indirect_dma source(%dma_start3A_1349 : memref<2600000x16xf32, #tpu.memory_space<hbm>>) target(%dma_start3A_1343 : memref<128x16xf32, #tpu.memory_space<vmem>>) offsets(%dma_start3A_1346 : memref<128xi32, #tpu.memory_space<vmem>>) semaphore(%arg18 : memref<!tpu.dma_semaphore, #tpu.memory_space<semaphore_mem>>)
        %dma_start3A_1350 = arith.constant 7 : i32
        %dma_start3A_1351 = arith.constant 1 : i32
        %dma_start3A_1352 = arith.constant 128 : i32
        %dma_start3A_1353 = arith.constant 0 : i32
        %dma_start3A_1354 = tpu.memref_slice %arg11[%dma_start3A_1352, %dma_start3A_1353] : memref<512x16xf32, #tpu.memory_space<vmem>> -> memref<128x16xf32, #tpu.memory_space<vmem>>
        %dma_start3A_1355 = arith.constant 0 : i32
        %dma_start3A_1356 = tpu.memref_slice %arg9[%dma_start3A_1350, %dma_start3A_1351, %dma_start3A_1355] : memref<8x4x128xi32, #tpu.memory_space<vmem>> -> memref<1x1x128xi32, #tpu.memory_space<vmem>>
        %dma_start3A_1357 = tpu.memref_squeeze %dma_start3A_1356 : memref<1x1x128xi32, #tpu.memory_space<vmem>> -> memref<128xi32, #tpu.memory_space<vmem>>
        %dma_start3A_1358 = arith.constant 0 : i32
        %dma_start3A_1359 = arith.constant 0 : i32
        %dma_start3A_1360 = tpu.memref_slice %arg2[%dma_start3A_1358, %dma_start3A_1359] : memref<2600000x16xf32, #tpu.memory_space<hbm>> -> memref<2600000x16xf32, #tpu.memory_space<hbm>>
        tpu.enqueue_indirect_dma source(%dma_start3A_1360 : memref<2600000x16xf32, #tpu.memory_space<hbm>>) target(%dma_start3A_1354 : memref<128x16xf32, #tpu.memory_space<vmem>>) offsets(%dma_start3A_1357 : memref<128xi32, #tpu.memory_space<vmem>>) semaphore(%arg17 : memref<!tpu.dma_semaphore, #tpu.memory_space<semaphore_mem>>)
        %dma_start3A_1361 = arith.constant 7 : i32
        %dma_start3A_1362 = arith.constant 1 : i32
        %dma_start3A_1363 = arith.constant 128 : i32
        %dma_start3A_1364 = arith.constant 0 : i32
        %dma_start3A_1365 = tpu.memref_slice %arg12[%dma_start3A_1363, %dma_start3A_1364] : memref<512x16xf32, #tpu.memory_space<vmem>> -> memref<128x16xf32, #tpu.memory_space<vmem>>
        %dma_start3A_1366 = arith.constant 0 : i32
        %dma_start3A_1367 = tpu.memref_slice %arg10[%dma_start3A_1361, %dma_start3A_1362, %dma_start3A_1366] : memref<8x4x128xi32, #tpu.memory_space<vmem>> -> memref<1x1x128xi32, #tpu.memory_space<vmem>>
        %dma_start3A_1368 = tpu.memref_squeeze %dma_start3A_1367 : memref<1x1x128xi32, #tpu.memory_space<vmem>> -> memref<128xi32, #tpu.memory_space<vmem>>
        %dma_start3A_1369 = arith.constant 0 : i32
        %dma_start3A_1370 = arith.constant 0 : i32
        %dma_start3A_1371 = tpu.memref_slice %arg2[%dma_start3A_1369, %dma_start3A_1370] : memref<2600000x16xf32, #tpu.memory_space<hbm>> -> memref<2600000x16xf32, #tpu.memory_space<hbm>>
        tpu.enqueue_indirect_dma source(%dma_start3A_1371 : memref<2600000x16xf32, #tpu.memory_space<hbm>>) target(%dma_start3A_1365 : memref<128x16xf32, #tpu.memory_space<vmem>>) offsets(%dma_start3A_1368 : memref<128xi32, #tpu.memory_space<vmem>>) semaphore(%arg18 : memref<!tpu.dma_semaphore, #tpu.memory_space<semaphore_mem>>)
        %dma_start3A_1372 = arith.constant 7 : i32
        %dma_start3A_1373 = arith.constant 2 : i32
        %dma_start3A_1374 = arith.constant 256 : i32
        %dma_start3A_1375 = arith.constant 0 : i32
        %dma_start3A_1376 = tpu.memref_slice %arg11[%dma_start3A_1374, %dma_start3A_1375] : memref<512x16xf32, #tpu.memory_space<vmem>> -> memref<128x16xf32, #tpu.memory_space<vmem>>
        %dma_start3A_1377 = arith.constant 0 : i32
        %dma_start3A_1378 = tpu.memref_slice %arg9[%dma_start3A_1372, %dma_start3A_1373, %dma_start3A_1377] : memref<8x4x128xi32, #tpu.memory_space<vmem>> -> memref<1x1x128xi32, #tpu.memory_space<vmem>>
        %dma_start3A_1379 = tpu.memref_squeeze %dma_start3A_1378 : memref<1x1x128xi32, #tpu.memory_space<vmem>> -> memref<128xi32, #tpu.memory_space<vmem>>
        %dma_start3A_1380 = arith.constant 0 : i32
        %dma_start3A_1381 = arith.constant 0 : i32
        %dma_start3A_1382 = tpu.memref_slice %arg2[%dma_start3A_1380, %dma_start3A_1381] : memref<2600000x16xf32, #tpu.memory_space<hbm>> -> memref<2600000x16xf32, #tpu.memory_space<hbm>>
        tpu.enqueue_indirect_dma source(%dma_start3A_1382 : memref<2600000x16xf32, #tpu.memory_space<hbm>>) target(%dma_start3A_1376 : memref<128x16xf32, #tpu.memory_space<vmem>>) offsets(%dma_start3A_1379 : memref<128xi32, #tpu.memory_space<vmem>>) semaphore(%arg17 : memref<!tpu.dma_semaphore, #tpu.memory_space<semaphore_mem>>)
        %dma_start3A_1383 = arith.constant 7 : i32
        %dma_start3A_1384 = arith.constant 2 : i32
        %dma_start3A_1385 = arith.constant 256 : i32
        %dma_start3A_1386 = arith.constant 0 : i32
        %dma_start3A_1387 = tpu.memref_slice %arg12[%dma_start3A_1385, %dma_start3A_1386] : memref<512x16xf32, #tpu.memory_space<vmem>> -> memref<128x16xf32, #tpu.memory_space<vmem>>
        %dma_start3A_1388 = arith.constant 0 : i32
        %dma_start3A_1389 = tpu.memref_slice %arg10[%dma_start3A_1383, %dma_start3A_1384, %dma_start3A_1388] : memref<8x4x128xi32, #tpu.memory_space<vmem>> -> memref<1x1x128xi32, #tpu.memory_space<vmem>>
        %dma_start3A_1390 = tpu.memref_squeeze %dma_start3A_1389 : memref<1x1x128xi32, #tpu.memory_space<vmem>> -> memref<128xi32, #tpu.memory_space<vmem>>
        %dma_start3A_1391 = arith.constant 0 : i32
        %dma_start3A_1392 = arith.constant 0 : i32
        %dma_start3A_1393 = tpu.memref_slice %arg2[%dma_start3A_1391, %dma_start3A_1392] : memref<2600000x16xf32, #tpu.memory_space<hbm>> -> memref<2600000x16xf32, #tpu.memory_space<hbm>>
        tpu.enqueue_indirect_dma source(%dma_start3A_1393 : memref<2600000x16xf32, #tpu.memory_space<hbm>>) target(%dma_start3A_1387 : memref<128x16xf32, #tpu.memory_space<vmem>>) offsets(%dma_start3A_1390 : memref<128xi32, #tpu.memory_space<vmem>>) semaphore(%arg18 : memref<!tpu.dma_semaphore, #tpu.memory_space<semaphore_mem>>)
        %dma_start3A_1394 = arith.constant 7 : i32
        %dma_start3A_1395 = arith.constant 3 : i32
        %dma_start3A_1396 = arith.constant 384 : i32
        %dma_start3A_1397 = arith.constant 0 : i32
        %dma_start3A_1398 = tpu.memref_slice %arg11[%dma_start3A_1396, %dma_start3A_1397] : memref<512x16xf32, #tpu.memory_space<vmem>> -> memref<128x16xf32, #tpu.memory_space<vmem>>
        %dma_start3A_1399 = arith.constant 0 : i32
        %dma_start3A_1400 = tpu.memref_slice %arg9[%dma_start3A_1394, %dma_start3A_1395, %dma_start3A_1399] : memref<8x4x128xi32, #tpu.memory_space<vmem>> -> memref<1x1x128xi32, #tpu.memory_space<vmem>>
        %dma_start3A_1401 = tpu.memref_squeeze %dma_start3A_1400 : memref<1x1x128xi32, #tpu.memory_space<vmem>> -> memref<128xi32, #tpu.memory_space<vmem>>
        %dma_start3A_1402 = arith.constant 0 : i32
        %dma_start3A_1403 = arith.constant 0 : i32
        %dma_start3A_1404 = tpu.memref_slice %arg2[%dma_start3A_1402, %dma_start3A_1403] : memref<2600000x16xf32, #tpu.memory_space<hbm>> -> memref<2600000x16xf32, #tpu.memory_space<hbm>>
        tpu.enqueue_indirect_dma source(%dma_start3A_1404 : memref<2600000x16xf32, #tpu.memory_space<hbm>>) target(%dma_start3A_1398 : memref<128x16xf32, #tpu.memory_space<vmem>>) offsets(%dma_start3A_1401 : memref<128xi32, #tpu.memory_space<vmem>>) semaphore(%arg17 : memref<!tpu.dma_semaphore, #tpu.memory_space<semaphore_mem>>)
        %dma_start3A_1405 = arith.constant 7 : i32
        %dma_start3A_1406 = arith.constant 3 : i32
        %dma_start3A_1407 = arith.constant 384 : i32
        %dma_start3A_1408 = arith.constant 0 : i32
        %dma_start3A_1409 = tpu.memref_slice %arg12[%dma_start3A_1407, %dma_start3A_1408] : memref<512x16xf32, #tpu.memory_space<vmem>> -> memref<128x16xf32, #tpu.memory_space<vmem>>
        %dma_start3A_1410 = arith.constant 0 : i32
        %dma_start3A_1411 = tpu.memref_slice %arg10[%dma_start3A_1405, %dma_start3A_1406, %dma_start3A_1410] : memref<8x4x128xi32, #tpu.memory_space<vmem>> -> memref<1x1x128xi32, #tpu.memory_space<vmem>>
        %dma_start3A_1412 = tpu.memref_squeeze %dma_start3A_1411 : memref<1x1x128xi32, #tpu.memory_space<vmem>> -> memref<128xi32, #tpu.memory_space<vmem>>
        %dma_start3A_1413 = arith.constant 0 : i32
        %dma_start3A_1414 = arith.constant 0 : i32
        %dma_start3A_1415 = tpu.memref_slice %arg2[%dma_start3A_1413, %dma_start3A_1414] : memref<2600000x16xf32, #tpu.memory_space<hbm>> -> memref<2600000x16xf32, #tpu.memory_space<hbm>>
        tpu.enqueue_indirect_dma source(%dma_start3A_1415 : memref<2600000x16xf32, #tpu.memory_space<hbm>>) target(%dma_start3A_1409 : memref<128x16xf32, #tpu.memory_space<vmem>>) offsets(%dma_start3A_1412 : memref<128xi32, #tpu.memory_space<vmem>>) semaphore(%arg18 : memref<!tpu.dma_semaphore, #tpu.memory_space<semaphore_mem>>)
        %dma_wait3A_1416 = arith.constant 7 : i32
        %dma_wait3A_1417 = arith.constant 0 : i32
        %dma_wait3A_1418 = arith.constant 0 : i32
        %dma_wait3A_1419 = arith.constant 0 : i32
        %dma_wait3A_1420 = tpu.memref_slice %arg11[%dma_wait3A_1418, %dma_wait3A_1419] : memref<512x16xf32, #tpu.memory_space<vmem>> -> memref<128x16xf32, #tpu.memory_space<vmem>>
        %dma_wait3A_1421 = arith.constant 0 : i32
        %dma_wait3A_1422 = tpu.memref_slice %arg9[%dma_wait3A_1416, %dma_wait3A_1417, %dma_wait3A_1421] : memref<8x4x128xi32, #tpu.memory_space<vmem>> -> memref<1x1x128xi32, #tpu.memory_space<vmem>>
        %dma_wait3A_1423 = tpu.memref_squeeze %dma_wait3A_1422 : memref<1x1x128xi32, #tpu.memory_space<vmem>> -> memref<128xi32, #tpu.memory_space<vmem>>
        %dma_wait3A_1424 = arith.constant 0 : i32
        %dma_wait3A_1425 = arith.constant 0 : i32
        %dma_wait3A_1426 = tpu.memref_slice %arg2[%dma_wait3A_1424, %dma_wait3A_1425] : memref<2600000x16xf32, #tpu.memory_space<hbm>> -> memref<2600000x16xf32, #tpu.memory_space<hbm>>
        tpu.wait_indirect_dma semaphore(%arg17 : memref<!tpu.dma_semaphore, #tpu.memory_space<semaphore_mem>>) src(%dma_wait3A_1426 : memref<2600000x16xf32, #tpu.memory_space<hbm>>) dst(%dma_wait3A_1420 : memref<128x16xf32, #tpu.memory_space<vmem>>)
        %dma_wait3A_1427 = arith.constant 7 : i32
        %dma_wait3A_1428 = arith.constant 0 : i32
        %dma_wait3A_1429 = arith.constant 0 : i32
        %dma_wait3A_1430 = arith.constant 0 : i32
        %dma_wait3A_1431 = tpu.memref_slice %arg12[%dma_wait3A_1429, %dma_wait3A_1430] : memref<512x16xf32, #tpu.memory_space<vmem>> -> memref<128x16xf32, #tpu.memory_space<vmem>>
        %dma_wait3A_1432 = arith.constant 0 : i32
        %dma_wait3A_1433 = tpu.memref_slice %arg10[%dma_wait3A_1427, %dma_wait3A_1428, %dma_wait3A_1432] : memref<8x4x128xi32, #tpu.memory_space<vmem>> -> memref<1x1x128xi32, #tpu.memory_space<vmem>>
        %dma_wait3A_1434 = tpu.memref_squeeze %dma_wait3A_1433 : memref<1x1x128xi32, #tpu.memory_space<vmem>> -> memref<128xi32, #tpu.memory_space<vmem>>
        %dma_wait3A_1435 = arith.constant 0 : i32
        %dma_wait3A_1436 = arith.constant 0 : i32
        %dma_wait3A_1437 = tpu.memref_slice %arg2[%dma_wait3A_1435, %dma_wait3A_1436] : memref<2600000x16xf32, #tpu.memory_space<hbm>> -> memref<2600000x16xf32, #tpu.memory_space<hbm>>
        tpu.wait_indirect_dma semaphore(%arg18 : memref<!tpu.dma_semaphore, #tpu.memory_space<semaphore_mem>>) src(%dma_wait3A_1437 : memref<2600000x16xf32, #tpu.memory_space<hbm>>) dst(%dma_wait3A_1431 : memref<128x16xf32, #tpu.memory_space<vmem>>)
        %dma_wait3A_1438 = arith.constant 7 : i32
        %dma_wait3A_1439 = arith.constant 1 : i32
        %dma_wait3A_1440 = arith.constant 128 : i32
        %dma_wait3A_1441 = arith.constant 0 : i32
        %dma_wait3A_1442 = tpu.memref_slice %arg11[%dma_wait3A_1440, %dma_wait3A_1441] : memref<512x16xf32, #tpu.memory_space<vmem>> -> memref<128x16xf32, #tpu.memory_space<vmem>>
        %dma_wait3A_1443 = arith.constant 0 : i32
        %dma_wait3A_1444 = tpu.memref_slice %arg9[%dma_wait3A_1438, %dma_wait3A_1439, %dma_wait3A_1443] : memref<8x4x128xi32, #tpu.memory_space<vmem>> -> memref<1x1x128xi32, #tpu.memory_space<vmem>>
        %dma_wait3A_1445 = tpu.memref_squeeze %dma_wait3A_1444 : memref<1x1x128xi32, #tpu.memory_space<vmem>> -> memref<128xi32, #tpu.memory_space<vmem>>
        %dma_wait3A_1446 = arith.constant 0 : i32
        %dma_wait3A_1447 = arith.constant 0 : i32
        %dma_wait3A_1448 = tpu.memref_slice %arg2[%dma_wait3A_1446, %dma_wait3A_1447] : memref<2600000x16xf32, #tpu.memory_space<hbm>> -> memref<2600000x16xf32, #tpu.memory_space<hbm>>
        tpu.wait_indirect_dma semaphore(%arg17 : memref<!tpu.dma_semaphore, #tpu.memory_space<semaphore_mem>>) src(%dma_wait3A_1448 : memref<2600000x16xf32, #tpu.memory_space<hbm>>) dst(%dma_wait3A_1442 : memref<128x16xf32, #tpu.memory_space<vmem>>)
        %dma_wait3A_1449 = arith.constant 7 : i32
        %dma_wait3A_1450 = arith.constant 1 : i32
        %dma_wait3A_1451 = arith.constant 128 : i32
        %dma_wait3A_1452 = arith.constant 0 : i32
        %dma_wait3A_1453 = tpu.memref_slice %arg12[%dma_wait3A_1451, %dma_wait3A_1452] : memref<512x16xf32, #tpu.memory_space<vmem>> -> memref<128x16xf32, #tpu.memory_space<vmem>>
        %dma_wait3A_1454 = arith.constant 0 : i32
        %dma_wait3A_1455 = tpu.memref_slice %arg10[%dma_wait3A_1449, %dma_wait3A_1450, %dma_wait3A_1454] : memref<8x4x128xi32, #tpu.memory_space<vmem>> -> memref<1x1x128xi32, #tpu.memory_space<vmem>>
        %dma_wait3A_1456 = tpu.memref_squeeze %dma_wait3A_1455 : memref<1x1x128xi32, #tpu.memory_space<vmem>> -> memref<128xi32, #tpu.memory_space<vmem>>
        %dma_wait3A_1457 = arith.constant 0 : i32
        %dma_wait3A_1458 = arith.constant 0 : i32
        %dma_wait3A_1459 = tpu.memref_slice %arg2[%dma_wait3A_1457, %dma_wait3A_1458] : memref<2600000x16xf32, #tpu.memory_space<hbm>> -> memref<2600000x16xf32, #tpu.memory_space<hbm>>
        tpu.wait_indirect_dma semaphore(%arg18 : memref<!tpu.dma_semaphore, #tpu.memory_space<semaphore_mem>>) src(%dma_wait3A_1459 : memref<2600000x16xf32, #tpu.memory_space<hbm>>) dst(%dma_wait3A_1453 : memref<128x16xf32, #tpu.memory_space<vmem>>)
        %dma_wait3A_1460 = arith.constant 7 : i32
        %dma_wait3A_1461 = arith.constant 2 : i32
        %dma_wait3A_1462 = arith.constant 256 : i32
        %dma_wait3A_1463 = arith.constant 0 : i32
        %dma_wait3A_1464 = tpu.memref_slice %arg11[%dma_wait3A_1462, %dma_wait3A_1463] : memref<512x16xf32, #tpu.memory_space<vmem>> -> memref<128x16xf32, #tpu.memory_space<vmem>>
        %dma_wait3A_1465 = arith.constant 0 : i32
        %dma_wait3A_1466 = tpu.memref_slice %arg9[%dma_wait3A_1460, %dma_wait3A_1461, %dma_wait3A_1465] : memref<8x4x128xi32, #tpu.memory_space<vmem>> -> memref<1x1x128xi32, #tpu.memory_space<vmem>>
        %dma_wait3A_1467 = tpu.memref_squeeze %dma_wait3A_1466 : memref<1x1x128xi32, #tpu.memory_space<vmem>> -> memref<128xi32, #tpu.memory_space<vmem>>
        %dma_wait3A_1468 = arith.constant 0 : i32
        %dma_wait3A_1469 = arith.constant 0 : i32
        %dma_wait3A_1470 = tpu.memref_slice %arg2[%dma_wait3A_1468, %dma_wait3A_1469] : memref<2600000x16xf32, #tpu.memory_space<hbm>> -> memref<2600000x16xf32, #tpu.memory_space<hbm>>
        tpu.wait_indirect_dma semaphore(%arg17 : memref<!tpu.dma_semaphore, #tpu.memory_space<semaphore_mem>>) src(%dma_wait3A_1470 : memref<2600000x16xf32, #tpu.memory_space<hbm>>) dst(%dma_wait3A_1464 : memref<128x16xf32, #tpu.memory_space<vmem>>)
        %dma_wait3A_1471 = arith.constant 7 : i32
        %dma_wait3A_1472 = arith.constant 2 : i32
        %dma_wait3A_1473 = arith.constant 256 : i32
        %dma_wait3A_1474 = arith.constant 0 : i32
        %dma_wait3A_1475 = tpu.memref_slice %arg12[%dma_wait3A_1473, %dma_wait3A_1474] : memref<512x16xf32, #tpu.memory_space<vmem>> -> memref<128x16xf32, #tpu.memory_space<vmem>>
        %dma_wait3A_1476 = arith.constant 0 : i32
        %dma_wait3A_1477 = tpu.memref_slice %arg10[%dma_wait3A_1471, %dma_wait3A_1472, %dma_wait3A_1476] : memref<8x4x128xi32, #tpu.memory_space<vmem>> -> memref<1x1x128xi32, #tpu.memory_space<vmem>>
        %dma_wait3A_1478 = tpu.memref_squeeze %dma_wait3A_1477 : memref<1x1x128xi32, #tpu.memory_space<vmem>> -> memref<128xi32, #tpu.memory_space<vmem>>
        %dma_wait3A_1479 = arith.constant 0 : i32
        %dma_wait3A_1480 = arith.constant 0 : i32
        %dma_wait3A_1481 = tpu.memref_slice %arg2[%dma_wait3A_1479, %dma_wait3A_1480] : memref<2600000x16xf32, #tpu.memory_space<hbm>> -> memref<2600000x16xf32, #tpu.memory_space<hbm>>
        tpu.wait_indirect_dma semaphore(%arg18 : memref<!tpu.dma_semaphore, #tpu.memory_space<semaphore_mem>>) src(%dma_wait3A_1481 : memref<2600000x16xf32, #tpu.memory_space<hbm>>) dst(%dma_wait3A_1475 : memref<128x16xf32, #tpu.memory_space<vmem>>)
        %dma_wait3A_1482 = arith.constant 7 : i32
        %dma_wait3A_1483 = arith.constant 3 : i32
        %dma_wait3A_1484 = arith.constant 384 : i32
        %dma_wait3A_1485 = arith.constant 0 : i32
        %dma_wait3A_1486 = tpu.memref_slice %arg11[%dma_wait3A_1484, %dma_wait3A_1485] : memref<512x16xf32, #tpu.memory_space<vmem>> -> memref<128x16xf32, #tpu.memory_space<vmem>>
        %dma_wait3A_1487 = arith.constant 0 : i32
        %dma_wait3A_1488 = tpu.memref_slice %arg9[%dma_wait3A_1482, %dma_wait3A_1483, %dma_wait3A_1487] : memref<8x4x128xi32, #tpu.memory_space<vmem>> -> memref<1x1x128xi32, #tpu.memory_space<vmem>>
        %dma_wait3A_1489 = tpu.memref_squeeze %dma_wait3A_1488 : memref<1x1x128xi32, #tpu.memory_space<vmem>> -> memref<128xi32, #tpu.memory_space<vmem>>
        %dma_wait3A_1490 = arith.constant 0 : i32
        %dma_wait3A_1491 = arith.constant 0 : i32
        %dma_wait3A_1492 = tpu.memref_slice %arg2[%dma_wait3A_1490, %dma_wait3A_1491] : memref<2600000x16xf32, #tpu.memory_space<hbm>> -> memref<2600000x16xf32, #tpu.memory_space<hbm>>
        tpu.wait_indirect_dma semaphore(%arg17 : memref<!tpu.dma_semaphore, #tpu.memory_space<semaphore_mem>>) src(%dma_wait3A_1492 : memref<2600000x16xf32, #tpu.memory_space<hbm>>) dst(%dma_wait3A_1486 : memref<128x16xf32, #tpu.memory_space<vmem>>)
        %dma_wait3A_1493 = arith.constant 7 : i32
        %dma_wait3A_1494 = arith.constant 3 : i32
        %dma_wait3A_1495 = arith.constant 384 : i32
        %dma_wait3A_1496 = arith.constant 0 : i32
        %dma_wait3A_1497 = tpu.memref_slice %arg12[%dma_wait3A_1495, %dma_wait3A_1496] : memref<512x16xf32, #tpu.memory_space<vmem>> -> memref<128x16xf32, #tpu.memory_space<vmem>>
        %dma_wait3A_1498 = arith.constant 0 : i32
        %dma_wait3A_1499 = tpu.memref_slice %arg10[%dma_wait3A_1493, %dma_wait3A_1494, %dma_wait3A_1498] : memref<8x4x128xi32, #tpu.memory_space<vmem>> -> memref<1x1x128xi32, #tpu.memory_space<vmem>>
        %dma_wait3A_1500 = tpu.memref_squeeze %dma_wait3A_1499 : memref<1x1x128xi32, #tpu.memory_space<vmem>> -> memref<128xi32, #tpu.memory_space<vmem>>
        %dma_wait3A_1501 = arith.constant 0 : i32
        %dma_wait3A_1502 = arith.constant 0 : i32
        %dma_wait3A_1503 = tpu.memref_slice %arg2[%dma_wait3A_1501, %dma_wait3A_1502] : memref<2600000x16xf32, #tpu.memory_space<hbm>> -> memref<2600000x16xf32, #tpu.memory_space<hbm>>
        tpu.wait_indirect_dma semaphore(%arg18 : memref<!tpu.dma_semaphore, #tpu.memory_space<semaphore_mem>>) src(%dma_wait3A_1503 : memref<2600000x16xf32, #tpu.memory_space<hbm>>) dst(%dma_wait3A_1497 : memref<128x16xf32, #tpu.memory_space<vmem>>)
        %parallel_loop3A_1504 = arith.constant 0 : i32
        %parallel_loop3A_1505 = arith.constant 512 : i32
        %parallel_loop3A_1506 = arith.constant 1 : i32
        scf.for %parallel_loop3A_1509 = %parallel_loop3A_1504 to %parallel_loop3A_1505 step %parallel_loop3A_1506  : i32 {
          %parallel_loop3A_1510 = arith.constant 3 : i32
          %parallel_loop3A_1511 = arith.shrui %parallel_loop3A_1509, %parallel_loop3A_1510 : i32
          %parallel_loop3A_1512 = arith.constant 7 : i32
          %parallel_loop3A_1513 = arith.andi %parallel_loop3A_1509, %parallel_loop3A_1512 : i32
          %parallel_loop3A_1514 = arith.index_cast %parallel_loop3A_1509 : i32 to index
          %parallel_loop3A_1515 = arith.constant 0 : index
          %parallel_loop3A_1516 = tpu.vector_load %arg11[%parallel_loop3A_1514, %parallel_loop3A_1515] {strides = array<i32>} : memref<512x16xf32, #tpu.memory_space<vmem>>, vector<1x16xf32>,
          %parallel_loop3A_1517 = vector.shape_cast %parallel_loop3A_1516 : vector<1x16xf32> to vector<16xf32>
          %parallel_loop3A_1518 = arith.index_cast %parallel_loop3A_1509 : i32 to index
          %parallel_loop3A_1519 = arith.constant 0 : index
          %parallel_loop3A_1520 = tpu.vector_load %arg12[%parallel_loop3A_1518, %parallel_loop3A_1519] {strides = array<i32>} : memref<512x16xf32, #tpu.memory_space<vmem>>, vector<1x16xf32>,
          %parallel_loop3A_1521 = vector.shape_cast %parallel_loop3A_1520 : vector<1x16xf32> to vector<16xf32>
          %parallel_loop3A_1522 = arith.mulf %parallel_loop3A_1517, %parallel_loop3A_1521 : vector<16xf32>
          %parallel_loop3A_1523 = arith.index_cast %parallel_loop3A_1511 : i32 to index
          %parallel_loop3A_1524 = arith.index_cast %parallel_loop3A_1513 : i32 to index
          %parallel_loop3A_1525 = arith.constant 112 : index
          %parallel_loop3A_1526 = tpu.vector_load %arg13[%parallel_loop3A_1523, %parallel_loop3A_1524, %parallel_loop3A_1525] {strides = array<i32>} : memref<64x8x128xf32, #tpu.memory_space<vmem>>, vector<1x1x16xf32>,
          %parallel_loop3A_1527 = vector.shape_cast %parallel_loop3A_1526 : vector<1x1x16xf32> to vector<16xf32>
          %parallel_loop3A_1528 = vector.shape_cast %parallel_loop3A_1522 : vector<16xf32> to vector<1x1x16xf32>
          tpu.vector_store %arg13[%parallel_loop3A_1523, %parallel_loop3A_1524, %parallel_loop3A_1525], %parallel_loop3A_1528 {strides = array<i32>} : memref<64x8x128xf32, #tpu.memory_space<vmem>>, vector<1x1x16xf32>,
        } {sc.loop_unroll_factor = 8 : i64, sc.parallel_access}
        %mul3A_1507 = arith.constant 64 : i32
        %mul3A_1508 = arith.muli %rem3A_1, %mul3A_1507 : i32
        "tpu.region"() ({
          %run_scoped3A = tpu.sem_alloc : memref<!tpu.dma_semaphore, #tpu.memory_space<semaphore_mem>>
          %dma_start3A_1509 = arith.constant 0 : i32
          %dma_start3A_1510 = arith.constant 0 : i32
          %dma_start3A_1511 = tpu.memref_slice %arg7[%mul3A_1508, %add3A_67, %dma_start3A_1509, %dma_start3A_1510] : memref<512x41x8x128xf32, #tpu.memory_space<hbm>> -> memref<64x1x8x128xf32, #tpu.memory_space<hbm>>
          %dma_start3A_1512 = tpu.memref_squeeze %dma_start3A_1511 : memref<64x1x8x128xf32, #tpu.memory_space<hbm>> -> memref<64x8x128xf32, #tpu.memory_space<hbm>>
          %dma_start3A_1513 = arith.constant 0 : i32
          %dma_start3A_1514 = arith.constant 0 : i32
          %dma_start3A_1515 = tpu.memref_slice %arg7[%mul3A_1508, %add3A_67, %dma_start3A_1513, %dma_start3A_1514] : memref<512x41x8x128xf32, #tpu.memory_space<hbm>> -> memref<64x1x8x128xf32, #tpu.memory_space<hbm>>
          %dma_start3A_1516 = tpu.memref_squeeze %dma_start3A_1515 : memref<64x1x8x128xf32, #tpu.memory_space<hbm>> -> memref<64x8x128xf32, #tpu.memory_space<hbm>>
          tpu.enqueue_dma source(%arg13 : memref<64x8x128xf32, #tpu.memory_space<vmem>>) target(%dma_start3A_1516 : memref<64x8x128xf32, #tpu.memory_space<hbm>>) target_semaphore(%run_scoped3A : memref<!tpu.dma_semaphore, #tpu.memory_space<semaphore_mem>>)
          %dma_wait3A_1517 = arith.constant 0 : i32
          %dma_wait3A_1518 = arith.constant 0 : i32
          %dma_wait3A_1519 = tpu.memref_slice %arg7[%mul3A_1508, %add3A_67, %dma_wait3A_1517, %dma_wait3A_1518] : memref<512x41x8x128xf32, #tpu.memory_space<hbm>> -> memref<64x1x8x128xf32, #tpu.memory_space<hbm>>
          %dma_wait3A_1520 = tpu.memref_squeeze %dma_wait3A_1519 : memref<64x1x8x128xf32, #tpu.memory_space<hbm>> -> memref<64x8x128xf32, #tpu.memory_space<hbm>>
          %dma_wait3A_1521 = arith.constant 0 : i32
          %dma_wait3A_1522 = arith.constant 0 : i32
          %dma_wait3A_1523 = tpu.memref_slice %arg7[%mul3A_1508, %add3A_67, %dma_wait3A_1521, %dma_wait3A_1522] : memref<512x41x8x128xf32, #tpu.memory_space<hbm>> -> memref<64x1x8x128xf32, #tpu.memory_space<hbm>>
          %dma_wait3A_1524 = tpu.memref_squeeze %dma_wait3A_1523 : memref<64x1x8x128xf32, #tpu.memory_space<hbm>> -> memref<64x8x128xf32, #tpu.memory_space<hbm>>
          tpu.wait_dma2 semaphore(%run_scoped3A : memref<!tpu.dma_semaphore, #tpu.memory_space<semaphore_mem>>) src(%arg13 : memref<64x8x128xf32, #tpu.memory_space<vmem>>) dst(%dma_wait3A_1524 : memref<64x8x128xf32, #tpu.memory_space<hbm>>)
          tpu.yield
        }) : () -> ()
      } else {
      }
    }
    %scan3A_9 = arith.constant 11 : i32
    %mul3A_10 = arith.constant 128 : i32
    %mul3A_11 = arith.muli %add3A, %mul3A_10 : i32
    %broadcast_in_dim3A = arith.constant 0.000000e+00 : f32
    %broadcast_in_dim3A_12 = vector.broadcast %broadcast_in_dim3A : f32 to vector<16xf32>
    %swap3A = arith.constant 0 : index
    %swap3A_13 = tpu.vector_load %arg16[%swap3A] {strides = array<i32>} : memref<128xf32, #tpu.memory_space<vmem>>, vector<16xf32>,
    %swap3A_14 = vector.shape_cast %swap3A_13 : vector<16xf32> to vector<16xf32>
    %swap3A_15 = vector.shape_cast %broadcast_in_dim3A_12 : vector<16xf32> to vector<16xf32>
    tpu.vector_store %arg16[%swap3A], %swap3A_15 {strides = array<i32>} : memref<128xf32, #tpu.memory_space<vmem>>, vector<16xf32>,
    %broadcast_in_dim3A_16 = arith.constant 0.000000e+00 : f32
    %broadcast_in_dim3A_17 = vector.broadcast %broadcast_in_dim3A_16 : f32 to vector<16xf32>
    %swap3A_18 = arith.constant 16 : index
    %swap3A_19 = tpu.vector_load %arg16[%swap3A_18] {strides = array<i32>} : memref<128xf32, #tpu.memory_space<vmem>>, vector<16xf32>,
    %swap3A_20 = vector.shape_cast %swap3A_19 : vector<16xf32> to vector<16xf32>
    %swap3A_21 = vector.shape_cast %broadcast_in_dim3A_17 : vector<16xf32> to vector<16xf32>
    tpu.vector_store %arg16[%swap3A_18], %swap3A_21 {strides = array<i32>} : memref<128xf32, #tpu.memory_space<vmem>>, vector<16xf32>,
    %broadcast_in_dim3A_22 = arith.constant 0.000000e+00 : f32
    %broadcast_in_dim3A_23 = vector.broadcast %broadcast_in_dim3A_22 : f32 to vector<16xf32>
    %swap3A_24 = arith.constant 32 : index
    %swap3A_25 = tpu.vector_load %arg16[%swap3A_24] {strides = array<i32>} : memref<128xf32, #tpu.memory_space<vmem>>, vector<16xf32>,
    %swap3A_26 = vector.shape_cast %swap3A_25 : vector<16xf32> to vector<16xf32>
    %swap3A_27 = vector.shape_cast %broadcast_in_dim3A_23 : vector<16xf32> to vector<16xf32>
    tpu.vector_store %arg16[%swap3A_24], %swap3A_27 {strides = array<i32>} : memref<128xf32, #tpu.memory_space<vmem>>, vector<16xf32>,
    %broadcast_in_dim3A_28 = arith.constant 0.000000e+00 : f32
    %broadcast_in_dim3A_29 = vector.broadcast %broadcast_in_dim3A_28 : f32 to vector<16xf32>
    %swap3A_30 = arith.constant 48 : index
    %swap3A_31 = tpu.vector_load %arg16[%swap3A_30] {strides = array<i32>} : memref<128xf32, #tpu.memory_space<vmem>>, vector<16xf32>,
    %swap3A_32 = vector.shape_cast %swap3A_31 : vector<16xf32> to vector<16xf32>
    %swap3A_33 = vector.shape_cast %broadcast_in_dim3A_29 : vector<16xf32> to vector<16xf32>
    tpu.vector_store %arg16[%swap3A_30], %swap3A_33 {strides = array<i32>} : memref<128xf32, #tpu.memory_space<vmem>>, vector<16xf32>,
    %broadcast_in_dim3A_34 = arith.constant 0.000000e+00 : f32
    %broadcast_in_dim3A_35 = vector.broadcast %broadcast_in_dim3A_34 : f32 to vector<16xf32>
    %swap3A_36 = arith.constant 64 : index
    %swap3A_37 = tpu.vector_load %arg16[%swap3A_36] {strides = array<i32>} : memref<128xf32, #tpu.memory_space<vmem>>, vector<16xf32>,
    %swap3A_38 = vector.shape_cast %swap3A_37 : vector<16xf32> to vector<16xf32>
    %swap3A_39 = vector.shape_cast %broadcast_in_dim3A_35 : vector<16xf32> to vector<16xf32>
    tpu.vector_store %arg16[%swap3A_36], %swap3A_39 {strides = array<i32>} : memref<128xf32, #tpu.memory_space<vmem>>, vector<16xf32>,
    %broadcast_in_dim3A_40 = arith.constant 0.000000e+00 : f32
    %broadcast_in_dim3A_41 = vector.broadcast %broadcast_in_dim3A_40 : f32 to vector<16xf32>
    %swap3A_42 = arith.constant 80 : index
    %swap3A_43 = tpu.vector_load %arg16[%swap3A_42] {strides = array<i32>} : memref<128xf32, #tpu.memory_space<vmem>>, vector<16xf32>,
    %swap3A_44 = vector.shape_cast %swap3A_43 : vector<16xf32> to vector<16xf32>
    %swap3A_45 = vector.shape_cast %broadcast_in_dim3A_41 : vector<16xf32> to vector<16xf32>
    tpu.vector_store %arg16[%swap3A_42], %swap3A_45 {strides = array<i32>} : memref<128xf32, #tpu.memory_space<vmem>>, vector<16xf32>,
    %broadcast_in_dim3A_46 = arith.constant 0.000000e+00 : f32
    %broadcast_in_dim3A_47 = vector.broadcast %broadcast_in_dim3A_46 : f32 to vector<16xf32>
    %swap3A_48 = arith.constant 96 : index
    %swap3A_49 = tpu.vector_load %arg16[%swap3A_48] {strides = array<i32>} : memref<128xf32, #tpu.memory_space<vmem>>, vector<16xf32>,
    %swap3A_50 = vector.shape_cast %swap3A_49 : vector<16xf32> to vector<16xf32>
    %swap3A_51 = vector.shape_cast %broadcast_in_dim3A_47 : vector<16xf32> to vector<16xf32>
    tpu.vector_store %arg16[%swap3A_48], %swap3A_51 {strides = array<i32>} : memref<128xf32, #tpu.memory_space<vmem>>, vector<16xf32>,
    %broadcast_in_dim3A_52 = arith.constant 0.000000e+00 : f32
    %broadcast_in_dim3A_53 = vector.broadcast %broadcast_in_dim3A_52 : f32 to vector<16xf32>
    %swap3A_54 = arith.constant 112 : index
    %swap3A_55 = tpu.vector_load %arg16[%swap3A_54] {strides = array<i32>} : memref<128xf32, #tpu.memory_space<vmem>>, vector<16xf32>,
    %swap3A_56 = vector.shape_cast %swap3A_55 : vector<16xf32> to vector<16xf32>
    %swap3A_57 = vector.shape_cast %broadcast_in_dim3A_53 : vector<16xf32> to vector<16xf32>
    tpu.vector_store %arg16[%swap3A_54], %swap3A_57 {strides = array<i32>} : memref<128xf32, #tpu.memory_space<vmem>>, vector<16xf32>,
    %scan3A_58 = arith.constant 0 : i32
    %scan3A_59 = arith.constant 0 : i32
    %scan3A_60 = arith.constant 26 : i32
    %scan3A_61 = arith.addi %scan3A_59, %scan3A_60 : i32
    %scan3A_62 = arith.constant 1 : i32
    scf.for %scan3A_64 = %scan3A_59 to %scan3A_61 step %scan3A_62  : i32 {
      "tpu.region"() ({
        %run_scoped3A = tpu.sem_alloc : memref<!tpu.dma_semaphore, #tpu.memory_space<semaphore_mem>>
        %dma_start3A_154 = arith.constant 0 : i32
        %dma_start3A_155 = tpu.memref_slice %arg5[%scan3A_64, %add3A, %dma_start3A_154] : memref<26x32x128xi32, #tpu.memory_space<hbm>> -> memref<1x1x128xi32, #tpu.memory_space<hbm>>
        %dma_start3A_156 = tpu.memref_squeeze %dma_start3A_155 : memref<1x1x128xi32, #tpu.memory_space<hbm>> -> memref<128xi32, #tpu.memory_space<hbm>>
        %dma_start3A_157 = arith.constant 0 : i32
        %dma_start3A_158 = tpu.memref_slice %arg5[%scan3A_64, %add3A, %dma_start3A_157] : memref<26x32x128xi32, #tpu.memory_space<hbm>> -> memref<1x1x128xi32, #tpu.memory_space<hbm>>
        %dma_start3A_159 = tpu.memref_squeeze %dma_start3A_158 : memref<1x1x128xi32, #tpu.memory_space<hbm>> -> memref<128xi32, #tpu.memory_space<hbm>>
        tpu.enqueue_dma source(%dma_start3A_159 : memref<128xi32, #tpu.memory_space<hbm>>) target(%arg14 : memref<128xi32, #tpu.memory_space<vmem>>) target_semaphore(%run_scoped3A : memref<!tpu.dma_semaphore, #tpu.memory_space<semaphore_mem>>)
        %dma_wait3A_160 = arith.constant 0 : i32
        %dma_wait3A_161 = tpu.memref_slice %arg5[%scan3A_64, %add3A, %dma_wait3A_160] : memref<26x32x128xi32, #tpu.memory_space<hbm>> -> memref<1x1x128xi32, #tpu.memory_space<hbm>>
        %dma_wait3A_162 = tpu.memref_squeeze %dma_wait3A_161 : memref<1x1x128xi32, #tpu.memory_space<hbm>> -> memref<128xi32, #tpu.memory_space<hbm>>
        %dma_wait3A_163 = arith.constant 0 : i32
        %dma_wait3A_164 = tpu.memref_slice %arg5[%scan3A_64, %add3A, %dma_wait3A_163] : memref<26x32x128xi32, #tpu.memory_space<hbm>> -> memref<1x1x128xi32, #tpu.memory_space<hbm>>
        %dma_wait3A_165 = tpu.memref_squeeze %dma_wait3A_164 : memref<1x1x128xi32, #tpu.memory_space<hbm>> -> memref<128xi32, #tpu.memory_space<hbm>>
        tpu.wait_dma2 semaphore(%run_scoped3A : memref<!tpu.dma_semaphore, #tpu.memory_space<semaphore_mem>>) src(%dma_wait3A_165 : memref<128xi32, #tpu.memory_space<hbm>>) dst(%arg14 : memref<128xi32, #tpu.memory_space<vmem>>)
        tpu.yield
      }) : () -> ()
      %dma_start3A = arith.constant 0 : i32
      %dma_start3A_65 = tpu.memref_slice %arg6[%dma_start3A] : memref<99996xf32, #tpu.memory_space<hbm>> -> memref<99996xf32, #tpu.memory_space<hbm>>
      tpu.enqueue_indirect_dma source(%dma_start3A_65 : memref<99996xf32, #tpu.memory_space<hbm>>) target(%arg15 : memref<128xf32, #tpu.memory_space<vmem>>) offsets(%arg14 : memref<128xi32, #tpu.memory_space<vmem>>) semaphore(%arg19 : memref<!tpu.dma_semaphore, #tpu.memory_space<semaphore_mem>>)
      %dma_wait3A = arith.constant 0 : i32
      %dma_wait3A_66 = tpu.memref_slice %arg6[%dma_wait3A] : memref<99996xf32, #tpu.memory_space<hbm>> -> memref<99996xf32, #tpu.memory_space<hbm>>
      tpu.wait_indirect_dma semaphore(%arg19 : memref<!tpu.dma_semaphore, #tpu.memory_space<semaphore_mem>>) src(%dma_wait3A_66 : memref<99996xf32, #tpu.memory_space<hbm>>) dst(%arg15 : memref<128xf32, #tpu.memory_space<vmem>>)
      %get3A = arith.constant 0 : index
      %get3A_67 = tpu.vector_load %arg16[%get3A] {strides = array<i32>} : memref<128xf32, #tpu.memory_space<vmem>>, vector<16xf32>,
      %get3A_68 = vector.shape_cast %get3A_67 : vector<16xf32> to vector<16xf32>
      %get3A_69 = arith.constant 0 : index
      %get3A_70 = tpu.vector_load %arg15[%get3A_69] {strides = array<i32>} : memref<128xf32, #tpu.memory_space<vmem>>, vector<16xf32>,
      %get3A_71 = vector.shape_cast %get3A_70 : vector<16xf32> to vector<16xf32>
      %add3A_72 = arith.addf %get3A_68, %get3A_71 : vector<16xf32>
      %swap3A_73 = arith.constant 0 : index
      %swap3A_74 = tpu.vector_load %arg16[%swap3A_73] {strides = array<i32>} : memref<128xf32, #tpu.memory_space<vmem>>, vector<16xf32>,
      %swap3A_75 = vector.shape_cast %swap3A_74 : vector<16xf32> to vector<16xf32>
      %swap3A_76 = vector.shape_cast %add3A_72 : vector<16xf32> to vector<16xf32>
      tpu.vector_store %arg16[%swap3A_73], %swap3A_76 {strides = array<i32>} : memref<128xf32, #tpu.memory_space<vmem>>, vector<16xf32>,
      %get3A_77 = arith.constant 16 : index
      %get3A_78 = tpu.vector_load %arg16[%get3A_77] {strides = array<i32>} : memref<128xf32, #tpu.memory_space<vmem>>, vector<16xf32>,
      %get3A_79 = vector.shape_cast %get3A_78 : vector<16xf32> to vector<16xf32>
      %get3A_80 = arith.constant 16 : index
      %get3A_81 = tpu.vector_load %arg15[%get3A_80] {strides = array<i32>} : memref<128xf32, #tpu.memory_space<vmem>>, vector<16xf32>,
      %get3A_82 = vector.shape_cast %get3A_81 : vector<16xf32> to vector<16xf32>
      %add3A_83 = arith.addf %get3A_79, %get3A_82 : vector<16xf32>
      %swap3A_84 = arith.constant 16 : index
      %swap3A_85 = tpu.vector_load %arg16[%swap3A_84] {strides = array<i32>} : memref<128xf32, #tpu.memory_space<vmem>>, vector<16xf32>,
      %swap3A_86 = vector.shape_cast %swap3A_85 : vector<16xf32> to vector<16xf32>
      %swap3A_87 = vector.shape_cast %add3A_83 : vector<16xf32> to vector<16xf32>
      tpu.vector_store %arg16[%swap3A_84], %swap3A_87 {strides = array<i32>} : memref<128xf32, #tpu.memory_space<vmem>>, vector<16xf32>,
      %get3A_88 = arith.constant 32 : index
      %get3A_89 = tpu.vector_load %arg16[%get3A_88] {strides = array<i32>} : memref<128xf32, #tpu.memory_space<vmem>>, vector<16xf32>,
      %get3A_90 = vector.shape_cast %get3A_89 : vector<16xf32> to vector<16xf32>
      %get3A_91 = arith.constant 32 : index
      %get3A_92 = tpu.vector_load %arg15[%get3A_91] {strides = array<i32>} : memref<128xf32, #tpu.memory_space<vmem>>, vector<16xf32>,
      %get3A_93 = vector.shape_cast %get3A_92 : vector<16xf32> to vector<16xf32>
      %add3A_94 = arith.addf %get3A_90, %get3A_93 : vector<16xf32>
      %swap3A_95 = arith.constant 32 : index
      %swap3A_96 = tpu.vector_load %arg16[%swap3A_95] {strides = array<i32>} : memref<128xf32, #tpu.memory_space<vmem>>, vector<16xf32>,
      %swap3A_97 = vector.shape_cast %swap3A_96 : vector<16xf32> to vector<16xf32>
      %swap3A_98 = vector.shape_cast %add3A_94 : vector<16xf32> to vector<16xf32>
      tpu.vector_store %arg16[%swap3A_95], %swap3A_98 {strides = array<i32>} : memref<128xf32, #tpu.memory_space<vmem>>, vector<16xf32>,
      %get3A_99 = arith.constant 48 : index
      %get3A_100 = tpu.vector_load %arg16[%get3A_99] {strides = array<i32>} : memref<128xf32, #tpu.memory_space<vmem>>, vector<16xf32>,
      %get3A_101 = vector.shape_cast %get3A_100 : vector<16xf32> to vector<16xf32>
      %get3A_102 = arith.constant 48 : index
      %get3A_103 = tpu.vector_load %arg15[%get3A_102] {strides = array<i32>} : memref<128xf32, #tpu.memory_space<vmem>>, vector<16xf32>,
      %get3A_104 = vector.shape_cast %get3A_103 : vector<16xf32> to vector<16xf32>
      %add3A_105 = arith.addf %get3A_101, %get3A_104 : vector<16xf32>
      %swap3A_106 = arith.constant 48 : index
      %swap3A_107 = tpu.vector_load %arg16[%swap3A_106] {strides = array<i32>} : memref<128xf32, #tpu.memory_space<vmem>>, vector<16xf32>,
      %swap3A_108 = vector.shape_cast %swap3A_107 : vector<16xf32> to vector<16xf32>
      %swap3A_109 = vector.shape_cast %add3A_105 : vector<16xf32> to vector<16xf32>
      tpu.vector_store %arg16[%swap3A_106], %swap3A_109 {strides = array<i32>} : memref<128xf32, #tpu.memory_space<vmem>>, vector<16xf32>,
      %get3A_110 = arith.constant 64 : index
      %get3A_111 = tpu.vector_load %arg16[%get3A_110] {strides = array<i32>} : memref<128xf32, #tpu.memory_space<vmem>>, vector<16xf32>,
      %get3A_112 = vector.shape_cast %get3A_111 : vector<16xf32> to vector<16xf32>
      %get3A_113 = arith.constant 64 : index
      %get3A_114 = tpu.vector_load %arg15[%get3A_113] {strides = array<i32>} : memref<128xf32, #tpu.memory_space<vmem>>, vector<16xf32>,
      %get3A_115 = vector.shape_cast %get3A_114 : vector<16xf32> to vector<16xf32>
      %add3A_116 = arith.addf %get3A_112, %get3A_115 : vector<16xf32>
      %swap3A_117 = arith.constant 64 : index
      %swap3A_118 = tpu.vector_load %arg16[%swap3A_117] {strides = array<i32>} : memref<128xf32, #tpu.memory_space<vmem>>, vector<16xf32>,
      %swap3A_119 = vector.shape_cast %swap3A_118 : vector<16xf32> to vector<16xf32>
      %swap3A_120 = vector.shape_cast %add3A_116 : vector<16xf32> to vector<16xf32>
      tpu.vector_store %arg16[%swap3A_117], %swap3A_120 {strides = array<i32>} : memref<128xf32, #tpu.memory_space<vmem>>, vector<16xf32>,
      %get3A_121 = arith.constant 80 : index
      %get3A_122 = tpu.vector_load %arg16[%get3A_121] {strides = array<i32>} : memref<128xf32, #tpu.memory_space<vmem>>, vector<16xf32>,
      %get3A_123 = vector.shape_cast %get3A_122 : vector<16xf32> to vector<16xf32>
      %get3A_124 = arith.constant 80 : index
      %get3A_125 = tpu.vector_load %arg15[%get3A_124] {strides = array<i32>} : memref<128xf32, #tpu.memory_space<vmem>>, vector<16xf32>,
      %get3A_126 = vector.shape_cast %get3A_125 : vector<16xf32> to vector<16xf32>
      %add3A_127 = arith.addf %get3A_123, %get3A_126 : vector<16xf32>
      %swap3A_128 = arith.constant 80 : index
      %swap3A_129 = tpu.vector_load %arg16[%swap3A_128] {strides = array<i32>} : memref<128xf32, #tpu.memory_space<vmem>>, vector<16xf32>,
      %swap3A_130 = vector.shape_cast %swap3A_129 : vector<16xf32> to vector<16xf32>
      %swap3A_131 = vector.shape_cast %add3A_127 : vector<16xf32> to vector<16xf32>
      tpu.vector_store %arg16[%swap3A_128], %swap3A_131 {strides = array<i32>} : memref<128xf32, #tpu.memory_space<vmem>>, vector<16xf32>,
      %get3A_132 = arith.constant 96 : index
      %get3A_133 = tpu.vector_load %arg16[%get3A_132] {strides = array<i32>} : memref<128xf32, #tpu.memory_space<vmem>>, vector<16xf32>,
      %get3A_134 = vector.shape_cast %get3A_133 : vector<16xf32> to vector<16xf32>
      %get3A_135 = arith.constant 96 : index
      %get3A_136 = tpu.vector_load %arg15[%get3A_135] {strides = array<i32>} : memref<128xf32, #tpu.memory_space<vmem>>, vector<16xf32>,
      %get3A_137 = vector.shape_cast %get3A_136 : vector<16xf32> to vector<16xf32>
      %add3A_138 = arith.addf %get3A_134, %get3A_137 : vector<16xf32>
      %swap3A_139 = arith.constant 96 : index
      %swap3A_140 = tpu.vector_load %arg16[%swap3A_139] {strides = array<i32>} : memref<128xf32, #tpu.memory_space<vmem>>, vector<16xf32>,
      %swap3A_141 = vector.shape_cast %swap3A_140 : vector<16xf32> to vector<16xf32>
      %swap3A_142 = vector.shape_cast %add3A_138 : vector<16xf32> to vector<16xf32>
      tpu.vector_store %arg16[%swap3A_139], %swap3A_142 {strides = array<i32>} : memref<128xf32, #tpu.memory_space<vmem>>, vector<16xf32>,
      %get3A_143 = arith.constant 112 : index
      %get3A_144 = tpu.vector_load %arg16[%get3A_143] {strides = array<i32>} : memref<128xf32, #tpu.memory_space<vmem>>, vector<16xf32>,
      %get3A_145 = vector.shape_cast %get3A_144 : vector<16xf32> to vector<16xf32>
      %get3A_146 = arith.constant 112 : index
      %get3A_147 = tpu.vector_load %arg15[%get3A_146] {strides = array<i32>} : memref<128xf32, #tpu.memory_space<vmem>>, vector<16xf32>,
      %get3A_148 = vector.shape_cast %get3A_147 : vector<16xf32> to vector<16xf32>
      %add3A_149 = arith.addf %get3A_145, %get3A_148 : vector<16xf32>
      %swap3A_150 = arith.constant 112 : index
      %swap3A_151 = tpu.vector_load %arg16[%swap3A_150] {strides = array<i32>} : memref<128xf32, #tpu.memory_space<vmem>>, vector<16xf32>,
      %swap3A_152 = vector.shape_cast %swap3A_151 : vector<16xf32> to vector<16xf32>
      %swap3A_153 = vector.shape_cast %add3A_149 : vector<16xf32> to vector<16xf32>
      tpu.vector_store %arg16[%swap3A_150], %swap3A_153 {strides = array<i32>} : memref<128xf32, #tpu.memory_space<vmem>>, vector<16xf32>,
    }
    %scan3A_63 = arith.constant 26 : i32
    "tpu.region"() ({
      %run_scoped3A = tpu.sem_alloc : memref<!tpu.dma_semaphore, #tpu.memory_space<semaphore_mem>>
      %dma_start3A = tpu.memref_slice %arg8[%mul3A_11] : memref<4096xf32, #tpu.memory_space<hbm>> -> memref<128xf32, #tpu.memory_space<hbm>>
      %dma_start3A_64 = tpu.memref_slice %arg8[%mul3A_11] : memref<4096xf32, #tpu.memory_space<hbm>> -> memref<128xf32, #tpu.memory_space<hbm>>
      tpu.enqueue_dma source(%arg16 : memref<128xf32, #tpu.memory_space<vmem>>) target(%dma_start3A_64 : memref<128xf32, #tpu.memory_space<hbm>>) target_semaphore(%run_scoped3A : memref<!tpu.dma_semaphore, #tpu.memory_space<semaphore_mem>>)
      %dma_wait3A = tpu.memref_slice %arg8[%mul3A_11] : memref<4096xf32, #tpu.memory_space<hbm>> -> memref<128xf32, #tpu.memory_space<hbm>>
      %dma_wait3A_65 = tpu.memref_slice %arg8[%mul3A_11] : memref<4096xf32, #tpu.memory_space<hbm>> -> memref<128xf32, #tpu.memory_space<hbm>>
      tpu.wait_dma2 semaphore(%run_scoped3A : memref<!tpu.dma_semaphore, #tpu.memory_space<semaphore_mem>>) src(%arg16 : memref<128xf32, #tpu.memory_space<vmem>>) dst(%dma_wait3A_65 : memref<128xf32, #tpu.memory_space<hbm>>)
      tpu.yield
    }) : () -> ()
    return
  }
}

module attributes {stable_mosaic.version = 14 : i64} {
  func.func @_tc_transpose_body(%arg0: i32, %arg1: i32, %arg2: memref<1x16x2048xf32, #tpu.memory_space<vmem>>, %arg3: memref<1x2048x16xf32, #tpu.memory_space<vmem>>) attributes {dimension_semantics = [#tpu.dimension_semantics<arbitrary>, #tpu.dimension_semantics<arbitrary>], iteration_bounds = array<i64: 26, 49>, scalar_prefetch = 0 : i64, scratch_operands = 0 : i64, tpu.core_type = #tpu.core_type<tc>, window_params = [{transform_indices = @transform_0, window_bounds = array<i64: 1, 16, 2048>}, {transform_indices = @transform_1, window_bounds = array<i64: 1, 2048, 16>}]} {
    %get3A = arith.constant 0 : index
    %get3A_0 = arith.constant 0 : index
    %get3A_1 = arith.constant 0 : index
    %get3A_2 = vector.load %arg2[%get3A, %get3A_0, %get3A_1] : memref<1x16x2048xf32, #tpu.memory_space<vmem>>, vector<1x16x2048xf32>
    %get3A_3 = vector.shape_cast %get3A_2 : vector<1x16x2048xf32> to vector<16x2048xf32>
    %iota3A = tpu.iota {dimensions = array<i32: 0>} : vector<16x16xi32>
    %iota3A_4 = tpu.iota {dimensions = array<i32: 1>} : vector<16x16xi32>
    %add3A = arith.constant 0 : i32
    %add3A_5 = vector.broadcast %add3A : i32 to vector<16x16xi32>
    %add3A_6 = arith.addi %iota3A, %add3A_5 : vector<16x16xi32>
    %eq3A = arith.cmpi eq, %add3A_6, %iota3A_4 : vector<16x16xi32>
    %convert_element_type3A = arith.extui %eq3A : vector<16x16xi1> to vector<16x16xi32>
    %convert_element_type3A_7 = arith.sitofp %convert_element_type3A : vector<16x16xi32> to vector<16x16xf32>
    %dot_general3A = arith.constant dense<0.000000e+00> : vector<2048x16xf32>
    %dot_general3A_8 = tpu.matmul %get3A_3, %convert_element_type3A_7, %dot_general3A {dimension_numbers = #tpu.dot_dimension_numbers<[0], [0], [1], [1], [0, 1, 1, 1], [], []>, transpose_lhs_hint = false} : vector<16x2048xf32>, vector<16x16xf32>, vector<2048x16xf32> -> vector<2048x16xf32>
    %swap3A = arith.constant 0 : index
    %swap3A_9 = arith.constant 0 : index
    %swap3A_10 = arith.constant 0 : index
    %swap3A_11 = vector.load %arg3[%swap3A, %swap3A_9, %swap3A_10] : memref<1x2048x16xf32, #tpu.memory_space<vmem>>, vector<1x2048x16xf32>
    %swap3A_12 = vector.shape_cast %swap3A_11 : vector<1x2048x16xf32> to vector<2048x16xf32>
    %swap3A_13 = vector.shape_cast %dot_general3A_8 : vector<2048x16xf32> to vector<1x2048x16xf32>
    tpu.vector_store %arg3[%swap3A, %swap3A_9, %swap3A_10], %swap3A_13 {strides = array<i32>} : memref<1x2048x16xf32, #tpu.memory_space<vmem>>, vector<1x2048x16xf32>,
    return
  }
  func.func @transform_0(%arg0: i32, %arg1: i32) -> (i32, i32, i32) {
    %c0_i32 = arith.constant 0 : i32
    %c0_i32_0 = arith.constant 0 : i32
    return %arg0, %c0_i32, %arg1 : i32, i32, i32
  }
  func.func @transform_1(%arg0: i32, %arg1: i32) -> (i32, i32, i32) {
    %c0_i32 = arith.constant 0 : i32
    %c0_i32_0 = arith.constant 0 : i32
    return %arg0, %arg1, %c0_i32 : i32, i32, i32
  }
}

module attributes {stable_mosaic.version = 14 : i64} {
  func.func @_tc_idx_body(%arg0: i32, %arg1: memref<26x1024xf32, #tpu.memory_space<vmem>>, %arg2: memref<328x26xf32, #tpu.memory_space<vmem>>, %arg3: memref<328x26xf32, #tpu.memory_space<vmem>>, %arg4: memref<26x26xf32, #tpu.memory_space<vmem>>, %arg5: memref<328x128xi32, #tpu.memory_space<vmem>>, %arg6: memref<328x128xi32, #tpu.memory_space<vmem>>, %arg7: memref<26x128xi32, #tpu.memory_space<vmem>>, %arg8: memref<328x8x128xi32, #tpu.memory_space<vmem>>, %arg9: memref<328x8x128xi32, #tpu.memory_space<vmem>>, %arg10: memref<26x8x128xi32, #tpu.memory_space<vmem>>) attributes {dimension_semantics = [#tpu.dimension_semantics<arbitrary>], iteration_bounds = array<i64: 4>, scalar_prefetch = 0 : i64, scratch_operands = 0 : i64, tpu.core_type = #tpu.core_type<tc>, window_params = [{transform_indices = @transform_0, window_bounds = array<i64: 26, 1024>}, {pipeline_mode = #tpu.pipeline_mode<synchronous>, transform_indices = @transform_1, window_bounds = array<i64: 328, 26>}, {pipeline_mode = #tpu.pipeline_mode<synchronous>, transform_indices = @transform_2, window_bounds = array<i64: 328, 26>}, {pipeline_mode = #tpu.pipeline_mode<synchronous>, transform_indices = @transform_3, window_bounds = array<i64: 26, 26>}, {pipeline_mode = #tpu.pipeline_mode<synchronous>, transform_indices = @transform_4, window_bounds = array<i64: 328, 128>}, {pipeline_mode = #tpu.pipeline_mode<synchronous>, transform_indices = @transform_5, window_bounds = array<i64: 328, 128>}, {pipeline_mode = #tpu.pipeline_mode<synchronous>, transform_indices = @transform_6, window_bounds = array<i64: 26, 128>}, {transform_indices = @transform_7, window_bounds = array<i64: 328, 8, 128>}, {transform_indices = @transform_8, window_bounds = array<i64: 328, 8, 128>}, {transform_indices = @transform_9, window_bounds = array<i64: 26, 8, 128>}]} {
    %get3A = arith.constant 0 : index
    %get3A_0 = arith.constant 0 : index
    %get3A_1 = vector.load %arg1[%get3A, %get3A_0] : memref<26x1024xf32, #tpu.memory_space<vmem>>, vector<26x128xf32>
    %get3A_2 = arith.constant 0 : index
    %get3A_3 = arith.constant 0 : index
    %get3A_4 = vector.load %arg2[%get3A_2, %get3A_3] : memref<328x26xf32, #tpu.memory_space<vmem>>, vector<328x26xf32>
    %dot_general3A = arith.constant dense<0.000000e+00> : vector<328x128xf32>
    %dot_general3A_5 = tpu.matmul %get3A_4, %get3A_1, %dot_general3A {dimension_numbers = #tpu.dot_dimension_numbers<[1], [0], [0], [1], [0, 0, 1, 1], [], []>, precision = #tpu.contract_precision<fp32>, transpose_lhs_hint = false} : vector<328x26xf32>, vector<26x128xf32>, vector<328x128xf32> -> vector<328x128xf32>
    %add3A = arith.constant 5.000000e-01 : f32
    %add3A_6 = vector.broadcast %add3A : f32 to vector<328x128xf32>
    %add3A_7 = arith.addf %dot_general3A_5, %add3A_6 : vector<328x128xf32>
    %convert_element_type3A = arith.fptosi %add3A_7 : vector<328x128xf32> to vector<328x128xi32>
    %get3A_8 = arith.constant 0 : index
    %get3A_9 = arith.constant 0 : index
    %get3A_10 = vector.load %arg5[%get3A_8, %get3A_9] : memref<328x128xi32, #tpu.memory_space<vmem>>, vector<328x128xi32>
    %add3A_11 = arith.addi %convert_element_type3A, %get3A_10 : vector<328x128xi32>
    %swap3A = arith.constant 0 : index
    %swap3A_12 = arith.constant 0 : index
    %swap3A_13 = arith.constant 0 : index
    %swap3A_14 = vector.load %arg8[%swap3A, %swap3A_12, %swap3A_13] : memref<328x8x128xi32, #tpu.memory_space<vmem>>, vector<328x1x128xi32>
    %swap3A_15 = vector.shape_cast %swap3A_14 : vector<328x1x128xi32> to vector<328x128xi32>
    %swap3A_16 = vector.shape_cast %add3A_11 : vector<328x128xi32> to vector<328x1x128xi32>
    tpu.vector_store %arg8[%swap3A, %swap3A_12, %swap3A_13], %swap3A_16 {strides = array<i32>} : memref<328x8x128xi32, #tpu.memory_space<vmem>>, vector<328x1x128xi32>,
    %get3A_17 = arith.constant 0 : index
    %get3A_18 = arith.constant 0 : index
    %get3A_19 = vector.load %arg3[%get3A_17, %get3A_18] : memref<328x26xf32, #tpu.memory_space<vmem>>, vector<328x26xf32>
    %dot_general3A_20 = arith.constant dense<0.000000e+00> : vector<328x128xf32>
    %dot_general3A_21 = tpu.matmul %get3A_19, %get3A_1, %dot_general3A_20 {dimension_numbers = #tpu.dot_dimension_numbers<[1], [0], [0], [1], [0, 0, 1, 1], [], []>, precision = #tpu.contract_precision<fp32>, transpose_lhs_hint = false} : vector<328x26xf32>, vector<26x128xf32>, vector<328x128xf32> -> vector<328x128xf32>
    %add3A_22 = arith.constant 5.000000e-01 : f32
    %add3A_23 = vector.broadcast %add3A_22 : f32 to vector<328x128xf32>
    %add3A_24 = arith.addf %dot_general3A_21, %add3A_23 : vector<328x128xf32>
    %convert_element_type3A_25 = arith.fptosi %add3A_24 : vector<328x128xf32> to vector<328x128xi32>
    %get3A_26 = arith.constant 0 : index
    %get3A_27 = arith.constant 0 : index
    %get3A_28 = vector.load %arg6[%get3A_26, %get3A_27] : memref<328x128xi32, #tpu.memory_space<vmem>>, vector<328x128xi32>
    %add3A_29 = arith.addi %convert_element_type3A_25, %get3A_28 : vector<328x128xi32>
    %swap3A_30 = arith.constant 0 : index
    %swap3A_31 = arith.constant 0 : index
    %swap3A_32 = arith.constant 0 : index
    %swap3A_33 = vector.load %arg9[%swap3A_30, %swap3A_31, %swap3A_32] : memref<328x8x128xi32, #tpu.memory_space<vmem>>, vector<328x1x128xi32>
    %swap3A_34 = vector.shape_cast %swap3A_33 : vector<328x1x128xi32> to vector<328x128xi32>
    %swap3A_35 = vector.shape_cast %add3A_29 : vector<328x128xi32> to vector<328x1x128xi32>
    tpu.vector_store %arg9[%swap3A_30, %swap3A_31, %swap3A_32], %swap3A_35 {strides = array<i32>} : memref<328x8x128xi32, #tpu.memory_space<vmem>>, vector<328x1x128xi32>,
    %get3A_36 = arith.constant 0 : index
    %get3A_37 = arith.constant 0 : index
    %get3A_38 = vector.load %arg4[%get3A_36, %get3A_37] : memref<26x26xf32, #tpu.memory_space<vmem>>, vector<26x26xf32>
    %dot_general3A_39 = arith.constant dense<0.000000e+00> : vector<26x128xf32>
    %dot_general3A_40 = tpu.matmul %get3A_38, %get3A_1, %dot_general3A_39 {dimension_numbers = #tpu.dot_dimension_numbers<[1], [0], [0], [1], [0, 0, 1, 1], [], []>, precision = #tpu.contract_precision<fp32>, transpose_lhs_hint = false} : vector<26x26xf32>, vector<26x128xf32>, vector<26x128xf32> -> vector<26x128xf32>
    %add3A_41 = arith.constant 5.000000e-01 : f32
    %add3A_42 = vector.broadcast %add3A_41 : f32 to vector<26x128xf32>
    %add3A_43 = arith.addf %dot_general3A_40, %add3A_42 : vector<26x128xf32>
    %convert_element_type3A_44 = arith.fptosi %add3A_43 : vector<26x128xf32> to vector<26x128xi32>
    %get3A_45 = arith.constant 0 : index
    %get3A_46 = arith.constant 0 : index
    %get3A_47 = vector.load %arg7[%get3A_45, %get3A_46] : memref<26x128xi32, #tpu.memory_space<vmem>>, vector<26x128xi32>
    %add3A_48 = arith.addi %convert_element_type3A_44, %get3A_47 : vector<26x128xi32>
    %swap3A_49 = arith.constant 0 : index
    %swap3A_50 = arith.constant 0 : index
    %swap3A_51 = arith.constant 0 : index
    %swap3A_52 = vector.load %arg10[%swap3A_49, %swap3A_50, %swap3A_51] : memref<26x8x128xi32, #tpu.memory_space<vmem>>, vector<26x1x128xi32>
    %swap3A_53 = vector.shape_cast %swap3A_52 : vector<26x1x128xi32> to vector<26x128xi32>
    %swap3A_54 = vector.shape_cast %add3A_48 : vector<26x128xi32> to vector<26x1x128xi32>
    tpu.vector_store %arg10[%swap3A_49, %swap3A_50, %swap3A_51], %swap3A_54 {strides = array<i32>} : memref<26x8x128xi32, #tpu.memory_space<vmem>>, vector<26x1x128xi32>,
    %get3A_55 = arith.constant 0 : index
    %get3A_56 = arith.constant 128 : index
    %get3A_57 = vector.load %arg1[%get3A_55, %get3A_56] : memref<26x1024xf32, #tpu.memory_space<vmem>>, vector<26x128xf32>
    %get3A_58 = arith.constant 0 : index
    %get3A_59 = arith.constant 0 : index
    %get3A_60 = vector.load %arg2[%get3A_58, %get3A_59] : memref<328x26xf32, #tpu.memory_space<vmem>>, vector<328x26xf32>
    %dot_general3A_61 = arith.constant dense<0.000000e+00> : vector<328x128xf32>
    %dot_general3A_62 = tpu.matmul %get3A_60, %get3A_57, %dot_general3A_61 {dimension_numbers = #tpu.dot_dimension_numbers<[1], [0], [0], [1], [0, 0, 1, 1], [], []>, precision = #tpu.contract_precision<fp32>, transpose_lhs_hint = false} : vector<328x26xf32>, vector<26x128xf32>, vector<328x128xf32> -> vector<328x128xf32>
    %add3A_63 = arith.constant 5.000000e-01 : f32
    %add3A_64 = vector.broadcast %add3A_63 : f32 to vector<328x128xf32>
    %add3A_65 = arith.addf %dot_general3A_62, %add3A_64 : vector<328x128xf32>
    %convert_element_type3A_66 = arith.fptosi %add3A_65 : vector<328x128xf32> to vector<328x128xi32>
    %get3A_67 = arith.constant 0 : index
    %get3A_68 = arith.constant 0 : index
    %get3A_69 = vector.load %arg5[%get3A_67, %get3A_68] : memref<328x128xi32, #tpu.memory_space<vmem>>, vector<328x128xi32>
    %add3A_70 = arith.addi %convert_element_type3A_66, %get3A_69 : vector<328x128xi32>
    %swap3A_71 = arith.constant 0 : index
    %swap3A_72 = arith.constant 1 : index
    %swap3A_73 = arith.constant 0 : index
    %swap3A_74 = vector.load %arg8[%swap3A_71, %swap3A_72, %swap3A_73] : memref<328x8x128xi32, #tpu.memory_space<vmem>>, vector<328x1x128xi32>
    %swap3A_75 = vector.shape_cast %swap3A_74 : vector<328x1x128xi32> to vector<328x128xi32>
    %swap3A_76 = vector.shape_cast %add3A_70 : vector<328x128xi32> to vector<328x1x128xi32>
    tpu.vector_store %arg8[%swap3A_71, %swap3A_72, %swap3A_73], %swap3A_76 {strides = array<i32>} : memref<328x8x128xi32, #tpu.memory_space<vmem>>, vector<328x1x128xi32>,
    %get3A_77 = arith.constant 0 : index
    %get3A_78 = arith.constant 0 : index
    %get3A_79 = vector.load %arg3[%get3A_77, %get3A_78] : memref<328x26xf32, #tpu.memory_space<vmem>>, vector<328x26xf32>
    %dot_general3A_80 = arith.constant dense<0.000000e+00> : vector<328x128xf32>
    %dot_general3A_81 = tpu.matmul %get3A_79, %get3A_57, %dot_general3A_80 {dimension_numbers = #tpu.dot_dimension_numbers<[1], [0], [0], [1], [0, 0, 1, 1], [], []>, precision = #tpu.contract_precision<fp32>, transpose_lhs_hint = false} : vector<328x26xf32>, vector<26x128xf32>, vector<328x128xf32> -> vector<328x128xf32>
    %add3A_82 = arith.constant 5.000000e-01 : f32
    %add3A_83 = vector.broadcast %add3A_82 : f32 to vector<328x128xf32>
    %add3A_84 = arith.addf %dot_general3A_81, %add3A_83 : vector<328x128xf32>
    %convert_element_type3A_85 = arith.fptosi %add3A_84 : vector<328x128xf32> to vector<328x128xi32>
    %get3A_86 = arith.constant 0 : index
    %get3A_87 = arith.constant 0 : index
    %get3A_88 = vector.load %arg6[%get3A_86, %get3A_87] : memref<328x128xi32, #tpu.memory_space<vmem>>, vector<328x128xi32>
    %add3A_89 = arith.addi %convert_element_type3A_85, %get3A_88 : vector<328x128xi32>
    %swap3A_90 = arith.constant 0 : index
    %swap3A_91 = arith.constant 1 : index
    %swap3A_92 = arith.constant 0 : index
    %swap3A_93 = vector.load %arg9[%swap3A_90, %swap3A_91, %swap3A_92] : memref<328x8x128xi32, #tpu.memory_space<vmem>>, vector<328x1x128xi32>
    %swap3A_94 = vector.shape_cast %swap3A_93 : vector<328x1x128xi32> to vector<328x128xi32>
    %swap3A_95 = vector.shape_cast %add3A_89 : vector<328x128xi32> to vector<328x1x128xi32>
    tpu.vector_store %arg9[%swap3A_90, %swap3A_91, %swap3A_92], %swap3A_95 {strides = array<i32>} : memref<328x8x128xi32, #tpu.memory_space<vmem>>, vector<328x1x128xi32>,
    %get3A_96 = arith.constant 0 : index
    %get3A_97 = arith.constant 0 : index
    %get3A_98 = vector.load %arg4[%get3A_96, %get3A_97] : memref<26x26xf32, #tpu.memory_space<vmem>>, vector<26x26xf32>
    %dot_general3A_99 = arith.constant dense<0.000000e+00> : vector<26x128xf32>
    %dot_general3A_100 = tpu.matmul %get3A_98, %get3A_57, %dot_general3A_99 {dimension_numbers = #tpu.dot_dimension_numbers<[1], [0], [0], [1], [0, 0, 1, 1], [], []>, precision = #tpu.contract_precision<fp32>, transpose_lhs_hint = false} : vector<26x26xf32>, vector<26x128xf32>, vector<26x128xf32> -> vector<26x128xf32>
    %add3A_101 = arith.constant 5.000000e-01 : f32
    %add3A_102 = vector.broadcast %add3A_101 : f32 to vector<26x128xf32>
    %add3A_103 = arith.addf %dot_general3A_100, %add3A_102 : vector<26x128xf32>
    %convert_element_type3A_104 = arith.fptosi %add3A_103 : vector<26x128xf32> to vector<26x128xi32>
    %get3A_105 = arith.constant 0 : index
    %get3A_106 = arith.constant 0 : index
    %get3A_107 = vector.load %arg7[%get3A_105, %get3A_106] : memref<26x128xi32, #tpu.memory_space<vmem>>, vector<26x128xi32>
    %add3A_108 = arith.addi %convert_element_type3A_104, %get3A_107 : vector<26x128xi32>
    %swap3A_109 = arith.constant 0 : index
    %swap3A_110 = arith.constant 1 : index
    %swap3A_111 = arith.constant 0 : index
    %swap3A_112 = vector.load %arg10[%swap3A_109, %swap3A_110, %swap3A_111] : memref<26x8x128xi32, #tpu.memory_space<vmem>>, vector<26x1x128xi32>
    %swap3A_113 = vector.shape_cast %swap3A_112 : vector<26x1x128xi32> to vector<26x128xi32>
    %swap3A_114 = vector.shape_cast %add3A_108 : vector<26x128xi32> to vector<26x1x128xi32>
    tpu.vector_store %arg10[%swap3A_109, %swap3A_110, %swap3A_111], %swap3A_114 {strides = array<i32>} : memref<26x8x128xi32, #tpu.memory_space<vmem>>, vector<26x1x128xi32>,
    %get3A_115 = arith.constant 0 : index
    %get3A_116 = arith.constant 256 : index
    %get3A_117 = vector.load %arg1[%get3A_115, %get3A_116] : memref<26x1024xf32, #tpu.memory_space<vmem>>, vector<26x128xf32>
    %get3A_118 = arith.constant 0 : index
    %get3A_119 = arith.constant 0 : index
    %get3A_120 = vector.load %arg2[%get3A_118, %get3A_119] : memref<328x26xf32, #tpu.memory_space<vmem>>, vector<328x26xf32>
    %dot_general3A_121 = arith.constant dense<0.000000e+00> : vector<328x128xf32>
    %dot_general3A_122 = tpu.matmul %get3A_120, %get3A_117, %dot_general3A_121 {dimension_numbers = #tpu.dot_dimension_numbers<[1], [0], [0], [1], [0, 0, 1, 1], [], []>, precision = #tpu.contract_precision<fp32>, transpose_lhs_hint = false} : vector<328x26xf32>, vector<26x128xf32>, vector<328x128xf32> -> vector<328x128xf32>
    %add3A_123 = arith.constant 5.000000e-01 : f32
    %add3A_124 = vector.broadcast %add3A_123 : f32 to vector<328x128xf32>
    %add3A_125 = arith.addf %dot_general3A_122, %add3A_124 : vector<328x128xf32>
    %convert_element_type3A_126 = arith.fptosi %add3A_125 : vector<328x128xf32> to vector<328x128xi32>
    %get3A_127 = arith.constant 0 : index
    %get3A_128 = arith.constant 0 : index
    %get3A_129 = vector.load %arg5[%get3A_127, %get3A_128] : memref<328x128xi32, #tpu.memory_space<vmem>>, vector<328x128xi32>
    %add3A_130 = arith.addi %convert_element_type3A_126, %get3A_129 : vector<328x128xi32>
    %swap3A_131 = arith.constant 0 : index
    %swap3A_132 = arith.constant 2 : index
    %swap3A_133 = arith.constant 0 : index
    %swap3A_134 = vector.load %arg8[%swap3A_131, %swap3A_132, %swap3A_133] : memref<328x8x128xi32, #tpu.memory_space<vmem>>, vector<328x1x128xi32>
    %swap3A_135 = vector.shape_cast %swap3A_134 : vector<328x1x128xi32> to vector<328x128xi32>
    %swap3A_136 = vector.shape_cast %add3A_130 : vector<328x128xi32> to vector<328x1x128xi32>
    tpu.vector_store %arg8[%swap3A_131, %swap3A_132, %swap3A_133], %swap3A_136 {strides = array<i32>} : memref<328x8x128xi32, #tpu.memory_space<vmem>>, vector<328x1x128xi32>,
    %get3A_137 = arith.constant 0 : index
    %get3A_138 = arith.constant 0 : index
    %get3A_139 = vector.load %arg3[%get3A_137, %get3A_138] : memref<328x26xf32, #tpu.memory_space<vmem>>, vector<328x26xf32>
    %dot_general3A_140 = arith.constant dense<0.000000e+00> : vector<328x128xf32>
    %dot_general3A_141 = tpu.matmul %get3A_139, %get3A_117, %dot_general3A_140 {dimension_numbers = #tpu.dot_dimension_numbers<[1], [0], [0], [1], [0, 0, 1, 1], [], []>, precision = #tpu.contract_precision<fp32>, transpose_lhs_hint = false} : vector<328x26xf32>, vector<26x128xf32>, vector<328x128xf32> -> vector<328x128xf32>
    %add3A_142 = arith.constant 5.000000e-01 : f32
    %add3A_143 = vector.broadcast %add3A_142 : f32 to vector<328x128xf32>
    %add3A_144 = arith.addf %dot_general3A_141, %add3A_143 : vector<328x128xf32>
    %convert_element_type3A_145 = arith.fptosi %add3A_144 : vector<328x128xf32> to vector<328x128xi32>
    %get3A_146 = arith.constant 0 : index
    %get3A_147 = arith.constant 0 : index
    %get3A_148 = vector.load %arg6[%get3A_146, %get3A_147] : memref<328x128xi32, #tpu.memory_space<vmem>>, vector<328x128xi32>
    %add3A_149 = arith.addi %convert_element_type3A_145, %get3A_148 : vector<328x128xi32>
    %swap3A_150 = arith.constant 0 : index
    %swap3A_151 = arith.constant 2 : index
    %swap3A_152 = arith.constant 0 : index
    %swap3A_153 = vector.load %arg9[%swap3A_150, %swap3A_151, %swap3A_152] : memref<328x8x128xi32, #tpu.memory_space<vmem>>, vector<328x1x128xi32>
    %swap3A_154 = vector.shape_cast %swap3A_153 : vector<328x1x128xi32> to vector<328x128xi32>
    %swap3A_155 = vector.shape_cast %add3A_149 : vector<328x128xi32> to vector<328x1x128xi32>
    tpu.vector_store %arg9[%swap3A_150, %swap3A_151, %swap3A_152], %swap3A_155 {strides = array<i32>} : memref<328x8x128xi32, #tpu.memory_space<vmem>>, vector<328x1x128xi32>,
    %get3A_156 = arith.constant 0 : index
    %get3A_157 = arith.constant 0 : index
    %get3A_158 = vector.load %arg4[%get3A_156, %get3A_157] : memref<26x26xf32, #tpu.memory_space<vmem>>, vector<26x26xf32>
    %dot_general3A_159 = arith.constant dense<0.000000e+00> : vector<26x128xf32>
    %dot_general3A_160 = tpu.matmul %get3A_158, %get3A_117, %dot_general3A_159 {dimension_numbers = #tpu.dot_dimension_numbers<[1], [0], [0], [1], [0, 0, 1, 1], [], []>, precision = #tpu.contract_precision<fp32>, transpose_lhs_hint = false} : vector<26x26xf32>, vector<26x128xf32>, vector<26x128xf32> -> vector<26x128xf32>
    %add3A_161 = arith.constant 5.000000e-01 : f32
    %add3A_162 = vector.broadcast %add3A_161 : f32 to vector<26x128xf32>
    %add3A_163 = arith.addf %dot_general3A_160, %add3A_162 : vector<26x128xf32>
    %convert_element_type3A_164 = arith.fptosi %add3A_163 : vector<26x128xf32> to vector<26x128xi32>
    %get3A_165 = arith.constant 0 : index
    %get3A_166 = arith.constant 0 : index
    %get3A_167 = vector.load %arg7[%get3A_165, %get3A_166] : memref<26x128xi32, #tpu.memory_space<vmem>>, vector<26x128xi32>
    %add3A_168 = arith.addi %convert_element_type3A_164, %get3A_167 : vector<26x128xi32>
    %swap3A_169 = arith.constant 0 : index
    %swap3A_170 = arith.constant 2 : index
    %swap3A_171 = arith.constant 0 : index
    %swap3A_172 = vector.load %arg10[%swap3A_169, %swap3A_170, %swap3A_171] : memref<26x8x128xi32, #tpu.memory_space<vmem>>, vector<26x1x128xi32>
    %swap3A_173 = vector.shape_cast %swap3A_172 : vector<26x1x128xi32> to vector<26x128xi32>
    %swap3A_174 = vector.shape_cast %add3A_168 : vector<26x128xi32> to vector<26x1x128xi32>
    tpu.vector_store %arg10[%swap3A_169, %swap3A_170, %swap3A_171], %swap3A_174 {strides = array<i32>} : memref<26x8x128xi32, #tpu.memory_space<vmem>>, vector<26x1x128xi32>,
    %get3A_175 = arith.constant 0 : index
    %get3A_176 = arith.constant 384 : index
    %get3A_177 = vector.load %arg1[%get3A_175, %get3A_176] : memref<26x1024xf32, #tpu.memory_space<vmem>>, vector<26x128xf32>
    %get3A_178 = arith.constant 0 : index
    %get3A_179 = arith.constant 0 : index
    %get3A_180 = vector.load %arg2[%get3A_178, %get3A_179] : memref<328x26xf32, #tpu.memory_space<vmem>>, vector<328x26xf32>
    %dot_general3A_181 = arith.constant dense<0.000000e+00> : vector<328x128xf32>
    %dot_general3A_182 = tpu.matmul %get3A_180, %get3A_177, %dot_general3A_181 {dimension_numbers = #tpu.dot_dimension_numbers<[1], [0], [0], [1], [0, 0, 1, 1], [], []>, precision = #tpu.contract_precision<fp32>, transpose_lhs_hint = false} : vector<328x26xf32>, vector<26x128xf32>, vector<328x128xf32> -> vector<328x128xf32>
    %add3A_183 = arith.constant 5.000000e-01 : f32
    %add3A_184 = vector.broadcast %add3A_183 : f32 to vector<328x128xf32>
    %add3A_185 = arith.addf %dot_general3A_182, %add3A_184 : vector<328x128xf32>
    %convert_element_type3A_186 = arith.fptosi %add3A_185 : vector<328x128xf32> to vector<328x128xi32>
    %get3A_187 = arith.constant 0 : index
    %get3A_188 = arith.constant 0 : index
    %get3A_189 = vector.load %arg5[%get3A_187, %get3A_188] : memref<328x128xi32, #tpu.memory_space<vmem>>, vector<328x128xi32>
    %add3A_190 = arith.addi %convert_element_type3A_186, %get3A_189 : vector<328x128xi32>
    %swap3A_191 = arith.constant 0 : index
    %swap3A_192 = arith.constant 3 : index
    %swap3A_193 = arith.constant 0 : index
    %swap3A_194 = vector.load %arg8[%swap3A_191, %swap3A_192, %swap3A_193] : memref<328x8x128xi32, #tpu.memory_space<vmem>>, vector<328x1x128xi32>
    %swap3A_195 = vector.shape_cast %swap3A_194 : vector<328x1x128xi32> to vector<328x128xi32>
    %swap3A_196 = vector.shape_cast %add3A_190 : vector<328x128xi32> to vector<328x1x128xi32>
    tpu.vector_store %arg8[%swap3A_191, %swap3A_192, %swap3A_193], %swap3A_196 {strides = array<i32>} : memref<328x8x128xi32, #tpu.memory_space<vmem>>, vector<328x1x128xi32>,
    %get3A_197 = arith.constant 0 : index
    %get3A_198 = arith.constant 0 : index
    %get3A_199 = vector.load %arg3[%get3A_197, %get3A_198] : memref<328x26xf32, #tpu.memory_space<vmem>>, vector<328x26xf32>
    %dot_general3A_200 = arith.constant dense<0.000000e+00> : vector<328x128xf32>
    %dot_general3A_201 = tpu.matmul %get3A_199, %get3A_177, %dot_general3A_200 {dimension_numbers = #tpu.dot_dimension_numbers<[1], [0], [0], [1], [0, 0, 1, 1], [], []>, precision = #tpu.contract_precision<fp32>, transpose_lhs_hint = false} : vector<328x26xf32>, vector<26x128xf32>, vector<328x128xf32> -> vector<328x128xf32>
    %add3A_202 = arith.constant 5.000000e-01 : f32
    %add3A_203 = vector.broadcast %add3A_202 : f32 to vector<328x128xf32>
    %add3A_204 = arith.addf %dot_general3A_201, %add3A_203 : vector<328x128xf32>
    %convert_element_type3A_205 = arith.fptosi %add3A_204 : vector<328x128xf32> to vector<328x128xi32>
    %get3A_206 = arith.constant 0 : index
    %get3A_207 = arith.constant 0 : index
    %get3A_208 = vector.load %arg6[%get3A_206, %get3A_207] : memref<328x128xi32, #tpu.memory_space<vmem>>, vector<328x128xi32>
    %add3A_209 = arith.addi %convert_element_type3A_205, %get3A_208 : vector<328x128xi32>
    %swap3A_210 = arith.constant 0 : index
    %swap3A_211 = arith.constant 3 : index
    %swap3A_212 = arith.constant 0 : index
    %swap3A_213 = vector.load %arg9[%swap3A_210, %swap3A_211, %swap3A_212] : memref<328x8x128xi32, #tpu.memory_space<vmem>>, vector<328x1x128xi32>
    %swap3A_214 = vector.shape_cast %swap3A_213 : vector<328x1x128xi32> to vector<328x128xi32>
    %swap3A_215 = vector.shape_cast %add3A_209 : vector<328x128xi32> to vector<328x1x128xi32>
    tpu.vector_store %arg9[%swap3A_210, %swap3A_211, %swap3A_212], %swap3A_215 {strides = array<i32>} : memref<328x8x128xi32, #tpu.memory_space<vmem>>, vector<328x1x128xi32>,
    %get3A_216 = arith.constant 0 : index
    %get3A_217 = arith.constant 0 : index
    %get3A_218 = vector.load %arg4[%get3A_216, %get3A_217] : memref<26x26xf32, #tpu.memory_space<vmem>>, vector<26x26xf32>
    %dot_general3A_219 = arith.constant dense<0.000000e+00> : vector<26x128xf32>
    %dot_general3A_220 = tpu.matmul %get3A_218, %get3A_177, %dot_general3A_219 {dimension_numbers = #tpu.dot_dimension_numbers<[1], [0], [0], [1], [0, 0, 1, 1], [], []>, precision = #tpu.contract_precision<fp32>, transpose_lhs_hint = false} : vector<26x26xf32>, vector<26x128xf32>, vector<26x128xf32> -> vector<26x128xf32>
    %add3A_221 = arith.constant 5.000000e-01 : f32
    %add3A_222 = vector.broadcast %add3A_221 : f32 to vector<26x128xf32>
    %add3A_223 = arith.addf %dot_general3A_220, %add3A_222 : vector<26x128xf32>
    %convert_element_type3A_224 = arith.fptosi %add3A_223 : vector<26x128xf32> to vector<26x128xi32>
    %get3A_225 = arith.constant 0 : index
    %get3A_226 = arith.constant 0 : index
    %get3A_227 = vector.load %arg7[%get3A_225, %get3A_226] : memref<26x128xi32, #tpu.memory_space<vmem>>, vector<26x128xi32>
    %add3A_228 = arith.addi %convert_element_type3A_224, %get3A_227 : vector<26x128xi32>
    %swap3A_229 = arith.constant 0 : index
    %swap3A_230 = arith.constant 3 : index
    %swap3A_231 = arith.constant 0 : index
    %swap3A_232 = vector.load %arg10[%swap3A_229, %swap3A_230, %swap3A_231] : memref<26x8x128xi32, #tpu.memory_space<vmem>>, vector<26x1x128xi32>
    %swap3A_233 = vector.shape_cast %swap3A_232 : vector<26x1x128xi32> to vector<26x128xi32>
    %swap3A_234 = vector.shape_cast %add3A_228 : vector<26x128xi32> to vector<26x1x128xi32>
    tpu.vector_store %arg10[%swap3A_229, %swap3A_230, %swap3A_231], %swap3A_234 {strides = array<i32>} : memref<26x8x128xi32, #tpu.memory_space<vmem>>, vector<26x1x128xi32>,
    %get3A_235 = arith.constant 0 : index
    %get3A_236 = arith.constant 512 : index
    %get3A_237 = vector.load %arg1[%get3A_235, %get3A_236] : memref<26x1024xf32, #tpu.memory_space<vmem>>, vector<26x128xf32>
    %get3A_238 = arith.constant 0 : index
    %get3A_239 = arith.constant 0 : index
    %get3A_240 = vector.load %arg2[%get3A_238, %get3A_239] : memref<328x26xf32, #tpu.memory_space<vmem>>, vector<328x26xf32>
    %dot_general3A_241 = arith.constant dense<0.000000e+00> : vector<328x128xf32>
    %dot_general3A_242 = tpu.matmul %get3A_240, %get3A_237, %dot_general3A_241 {dimension_numbers = #tpu.dot_dimension_numbers<[1], [0], [0], [1], [0, 0, 1, 1], [], []>, precision = #tpu.contract_precision<fp32>, transpose_lhs_hint = false} : vector<328x26xf32>, vector<26x128xf32>, vector<328x128xf32> -> vector<328x128xf32>
    %add3A_243 = arith.constant 5.000000e-01 : f32
    %add3A_244 = vector.broadcast %add3A_243 : f32 to vector<328x128xf32>
    %add3A_245 = arith.addf %dot_general3A_242, %add3A_244 : vector<328x128xf32>
    %convert_element_type3A_246 = arith.fptosi %add3A_245 : vector<328x128xf32> to vector<328x128xi32>
    %get3A_247 = arith.constant 0 : index
    %get3A_248 = arith.constant 0 : index
    %get3A_249 = vector.load %arg5[%get3A_247, %get3A_248] : memref<328x128xi32, #tpu.memory_space<vmem>>, vector<328x128xi32>
    %add3A_250 = arith.addi %convert_element_type3A_246, %get3A_249 : vector<328x128xi32>
    %swap3A_251 = arith.constant 0 : index
    %swap3A_252 = arith.constant 4 : index
    %swap3A_253 = arith.constant 0 : index
    %swap3A_254 = vector.load %arg8[%swap3A_251, %swap3A_252, %swap3A_253] : memref<328x8x128xi32, #tpu.memory_space<vmem>>, vector<328x1x128xi32>
    %swap3A_255 = vector.shape_cast %swap3A_254 : vector<328x1x128xi32> to vector<328x128xi32>
    %swap3A_256 = vector.shape_cast %add3A_250 : vector<328x128xi32> to vector<328x1x128xi32>
    tpu.vector_store %arg8[%swap3A_251, %swap3A_252, %swap3A_253], %swap3A_256 {strides = array<i32>} : memref<328x8x128xi32, #tpu.memory_space<vmem>>, vector<328x1x128xi32>,
    %get3A_257 = arith.constant 0 : index
    %get3A_258 = arith.constant 0 : index
    %get3A_259 = vector.load %arg3[%get3A_257, %get3A_258] : memref<328x26xf32, #tpu.memory_space<vmem>>, vector<328x26xf32>
    %dot_general3A_260 = arith.constant dense<0.000000e+00> : vector<328x128xf32>
    %dot_general3A_261 = tpu.matmul %get3A_259, %get3A_237, %dot_general3A_260 {dimension_numbers = #tpu.dot_dimension_numbers<[1], [0], [0], [1], [0, 0, 1, 1], [], []>, precision = #tpu.contract_precision<fp32>, transpose_lhs_hint = false} : vector<328x26xf32>, vector<26x128xf32>, vector<328x128xf32> -> vector<328x128xf32>
    %add3A_262 = arith.constant 5.000000e-01 : f32
    %add3A_263 = vector.broadcast %add3A_262 : f32 to vector<328x128xf32>
    %add3A_264 = arith.addf %dot_general3A_261, %add3A_263 : vector<328x128xf32>
    %convert_element_type3A_265 = arith.fptosi %add3A_264 : vector<328x128xf32> to vector<328x128xi32>
    %get3A_266 = arith.constant 0 : index
    %get3A_267 = arith.constant 0 : index
    %get3A_268 = vector.load %arg6[%get3A_266, %get3A_267] : memref<328x128xi32, #tpu.memory_space<vmem>>, vector<328x128xi32>
    %add3A_269 = arith.addi %convert_element_type3A_265, %get3A_268 : vector<328x128xi32>
    %swap3A_270 = arith.constant 0 : index
    %swap3A_271 = arith.constant 4 : index
    %swap3A_272 = arith.constant 0 : index
    %swap3A_273 = vector.load %arg9[%swap3A_270, %swap3A_271, %swap3A_272] : memref<328x8x128xi32, #tpu.memory_space<vmem>>, vector<328x1x128xi32>
    %swap3A_274 = vector.shape_cast %swap3A_273 : vector<328x1x128xi32> to vector<328x128xi32>
    %swap3A_275 = vector.shape_cast %add3A_269 : vector<328x128xi32> to vector<328x1x128xi32>
    tpu.vector_store %arg9[%swap3A_270, %swap3A_271, %swap3A_272], %swap3A_275 {strides = array<i32>} : memref<328x8x128xi32, #tpu.memory_space<vmem>>, vector<328x1x128xi32>,
    %get3A_276 = arith.constant 0 : index
    %get3A_277 = arith.constant 0 : index
    %get3A_278 = vector.load %arg4[%get3A_276, %get3A_277] : memref<26x26xf32, #tpu.memory_space<vmem>>, vector<26x26xf32>
    %dot_general3A_279 = arith.constant dense<0.000000e+00> : vector<26x128xf32>
    %dot_general3A_280 = tpu.matmul %get3A_278, %get3A_237, %dot_general3A_279 {dimension_numbers = #tpu.dot_dimension_numbers<[1], [0], [0], [1], [0, 0, 1, 1], [], []>, precision = #tpu.contract_precision<fp32>, transpose_lhs_hint = false} : vector<26x26xf32>, vector<26x128xf32>, vector<26x128xf32> -> vector<26x128xf32>
    %add3A_281 = arith.constant 5.000000e-01 : f32
    %add3A_282 = vector.broadcast %add3A_281 : f32 to vector<26x128xf32>
    %add3A_283 = arith.addf %dot_general3A_280, %add3A_282 : vector<26x128xf32>
    %convert_element_type3A_284 = arith.fptosi %add3A_283 : vector<26x128xf32> to vector<26x128xi32>
    %get3A_285 = arith.constant 0 : index
    %get3A_286 = arith.constant 0 : index
    %get3A_287 = vector.load %arg7[%get3A_285, %get3A_286] : memref<26x128xi32, #tpu.memory_space<vmem>>, vector<26x128xi32>
    %add3A_288 = arith.addi %convert_element_type3A_284, %get3A_287 : vector<26x128xi32>
    %swap3A_289 = arith.constant 0 : index
    %swap3A_290 = arith.constant 4 : index
    %swap3A_291 = arith.constant 0 : index
    %swap3A_292 = vector.load %arg10[%swap3A_289, %swap3A_290, %swap3A_291] : memref<26x8x128xi32, #tpu.memory_space<vmem>>, vector<26x1x128xi32>
    %swap3A_293 = vector.shape_cast %swap3A_292 : vector<26x1x128xi32> to vector<26x128xi32>
    %swap3A_294 = vector.shape_cast %add3A_288 : vector<26x128xi32> to vector<26x1x128xi32>
    tpu.vector_store %arg10[%swap3A_289, %swap3A_290, %swap3A_291], %swap3A_294 {strides = array<i32>} : memref<26x8x128xi32, #tpu.memory_space<vmem>>, vector<26x1x128xi32>,
    %get3A_295 = arith.constant 0 : index
    %get3A_296 = arith.constant 640 : index
    %get3A_297 = vector.load %arg1[%get3A_295, %get3A_296] : memref<26x1024xf32, #tpu.memory_space<vmem>>, vector<26x128xf32>
    %get3A_298 = arith.constant 0 : index
    %get3A_299 = arith.constant 0 : index
    %get3A_300 = vector.load %arg2[%get3A_298, %get3A_299] : memref<328x26xf32, #tpu.memory_space<vmem>>, vector<328x26xf32>
    %dot_general3A_301 = arith.constant dense<0.000000e+00> : vector<328x128xf32>
    %dot_general3A_302 = tpu.matmul %get3A_300, %get3A_297, %dot_general3A_301 {dimension_numbers = #tpu.dot_dimension_numbers<[1], [0], [0], [1], [0, 0, 1, 1], [], []>, precision = #tpu.contract_precision<fp32>, transpose_lhs_hint = false} : vector<328x26xf32>, vector<26x128xf32>, vector<328x128xf32> -> vector<328x128xf32>
    %add3A_303 = arith.constant 5.000000e-01 : f32
    %add3A_304 = vector.broadcast %add3A_303 : f32 to vector<328x128xf32>
    %add3A_305 = arith.addf %dot_general3A_302, %add3A_304 : vector<328x128xf32>
    %convert_element_type3A_306 = arith.fptosi %add3A_305 : vector<328x128xf32> to vector<328x128xi32>
    %get3A_307 = arith.constant 0 : index
    %get3A_308 = arith.constant 0 : index
    %get3A_309 = vector.load %arg5[%get3A_307, %get3A_308] : memref<328x128xi32, #tpu.memory_space<vmem>>, vector<328x128xi32>
    %add3A_310 = arith.addi %convert_element_type3A_306, %get3A_309 : vector<328x128xi32>
    %swap3A_311 = arith.constant 0 : index
    %swap3A_312 = arith.constant 5 : index
    %swap3A_313 = arith.constant 0 : index
    %swap3A_314 = vector.load %arg8[%swap3A_311, %swap3A_312, %swap3A_313] : memref<328x8x128xi32, #tpu.memory_space<vmem>>, vector<328x1x128xi32>
    %swap3A_315 = vector.shape_cast %swap3A_314 : vector<328x1x128xi32> to vector<328x128xi32>
    %swap3A_316 = vector.shape_cast %add3A_310 : vector<328x128xi32> to vector<328x1x128xi32>
    tpu.vector_store %arg8[%swap3A_311, %swap3A_312, %swap3A_313], %swap3A_316 {strides = array<i32>} : memref<328x8x128xi32, #tpu.memory_space<vmem>>, vector<328x1x128xi32>,
    %get3A_317 = arith.constant 0 : index
    %get3A_318 = arith.constant 0 : index
    %get3A_319 = vector.load %arg3[%get3A_317, %get3A_318] : memref<328x26xf32, #tpu.memory_space<vmem>>, vector<328x26xf32>
    %dot_general3A_320 = arith.constant dense<0.000000e+00> : vector<328x128xf32>
    %dot_general3A_321 = tpu.matmul %get3A_319, %get3A_297, %dot_general3A_320 {dimension_numbers = #tpu.dot_dimension_numbers<[1], [0], [0], [1], [0, 0, 1, 1], [], []>, precision = #tpu.contract_precision<fp32>, transpose_lhs_hint = false} : vector<328x26xf32>, vector<26x128xf32>, vector<328x128xf32> -> vector<328x128xf32>
    %add3A_322 = arith.constant 5.000000e-01 : f32
    %add3A_323 = vector.broadcast %add3A_322 : f32 to vector<328x128xf32>
    %add3A_324 = arith.addf %dot_general3A_321, %add3A_323 : vector<328x128xf32>
    %convert_element_type3A_325 = arith.fptosi %add3A_324 : vector<328x128xf32> to vector<328x128xi32>
    %get3A_326 = arith.constant 0 : index
    %get3A_327 = arith.constant 0 : index
    %get3A_328 = vector.load %arg6[%get3A_326, %get3A_327] : memref<328x128xi32, #tpu.memory_space<vmem>>, vector<328x128xi32>
    %add3A_329 = arith.addi %convert_element_type3A_325, %get3A_328 : vector<328x128xi32>
    %swap3A_330 = arith.constant 0 : index
    %swap3A_331 = arith.constant 5 : index
    %swap3A_332 = arith.constant 0 : index
    %swap3A_333 = vector.load %arg9[%swap3A_330, %swap3A_331, %swap3A_332] : memref<328x8x128xi32, #tpu.memory_space<vmem>>, vector<328x1x128xi32>
    %swap3A_334 = vector.shape_cast %swap3A_333 : vector<328x1x128xi32> to vector<328x128xi32>
    %swap3A_335 = vector.shape_cast %add3A_329 : vector<328x128xi32> to vector<328x1x128xi32>
    tpu.vector_store %arg9[%swap3A_330, %swap3A_331, %swap3A_332], %swap3A_335 {strides = array<i32>} : memref<328x8x128xi32, #tpu.memory_space<vmem>>, vector<328x1x128xi32>,
    %get3A_336 = arith.constant 0 : index
    %get3A_337 = arith.constant 0 : index
    %get3A_338 = vector.load %arg4[%get3A_336, %get3A_337] : memref<26x26xf32, #tpu.memory_space<vmem>>, vector<26x26xf32>
    %dot_general3A_339 = arith.constant dense<0.000000e+00> : vector<26x128xf32>
    %dot_general3A_340 = tpu.matmul %get3A_338, %get3A_297, %dot_general3A_339 {dimension_numbers = #tpu.dot_dimension_numbers<[1], [0], [0], [1], [0, 0, 1, 1], [], []>, precision = #tpu.contract_precision<fp32>, transpose_lhs_hint = false} : vector<26x26xf32>, vector<26x128xf32>, vector<26x128xf32> -> vector<26x128xf32>
    %add3A_341 = arith.constant 5.000000e-01 : f32
    %add3A_342 = vector.broadcast %add3A_341 : f32 to vector<26x128xf32>
    %add3A_343 = arith.addf %dot_general3A_340, %add3A_342 : vector<26x128xf32>
    %convert_element_type3A_344 = arith.fptosi %add3A_343 : vector<26x128xf32> to vector<26x128xi32>
    %get3A_345 = arith.constant 0 : index
    %get3A_346 = arith.constant 0 : index
    %get3A_347 = vector.load %arg7[%get3A_345, %get3A_346] : memref<26x128xi32, #tpu.memory_space<vmem>>, vector<26x128xi32>
    %add3A_348 = arith.addi %convert_element_type3A_344, %get3A_347 : vector<26x128xi32>
    %swap3A_349 = arith.constant 0 : index
    %swap3A_350 = arith.constant 5 : index
    %swap3A_351 = arith.constant 0 : index
    %swap3A_352 = vector.load %arg10[%swap3A_349, %swap3A_350, %swap3A_351] : memref<26x8x128xi32, #tpu.memory_space<vmem>>, vector<26x1x128xi32>
    %swap3A_353 = vector.shape_cast %swap3A_352 : vector<26x1x128xi32> to vector<26x128xi32>
    %swap3A_354 = vector.shape_cast %add3A_348 : vector<26x128xi32> to vector<26x1x128xi32>
    tpu.vector_store %arg10[%swap3A_349, %swap3A_350, %swap3A_351], %swap3A_354 {strides = array<i32>} : memref<26x8x128xi32, #tpu.memory_space<vmem>>, vector<26x1x128xi32>,
    %get3A_355 = arith.constant 0 : index
    %get3A_356 = arith.constant 768 : index
    %get3A_357 = vector.load %arg1[%get3A_355, %get3A_356] : memref<26x1024xf32, #tpu.memory_space<vmem>>, vector<26x128xf32>
    %get3A_358 = arith.constant 0 : index
    %get3A_359 = arith.constant 0 : index
    %get3A_360 = vector.load %arg2[%get3A_358, %get3A_359] : memref<328x26xf32, #tpu.memory_space<vmem>>, vector<328x26xf32>
    %dot_general3A_361 = arith.constant dense<0.000000e+00> : vector<328x128xf32>
    %dot_general3A_362 = tpu.matmul %get3A_360, %get3A_357, %dot_general3A_361 {dimension_numbers = #tpu.dot_dimension_numbers<[1], [0], [0], [1], [0, 0, 1, 1], [], []>, precision = #tpu.contract_precision<fp32>, transpose_lhs_hint = false} : vector<328x26xf32>, vector<26x128xf32>, vector<328x128xf32> -> vector<328x128xf32>
    %add3A_363 = arith.constant 5.000000e-01 : f32
    %add3A_364 = vector.broadcast %add3A_363 : f32 to vector<328x128xf32>
    %add3A_365 = arith.addf %dot_general3A_362, %add3A_364 : vector<328x128xf32>
    %convert_element_type3A_366 = arith.fptosi %add3A_365 : vector<328x128xf32> to vector<328x128xi32>
    %get3A_367 = arith.constant 0 : index
    %get3A_368 = arith.constant 0 : index
    %get3A_369 = vector.load %arg5[%get3A_367, %get3A_368] : memref<328x128xi32, #tpu.memory_space<vmem>>, vector<328x128xi32>
    %add3A_370 = arith.addi %convert_element_type3A_366, %get3A_369 : vector<328x128xi32>
    %swap3A_371 = arith.constant 0 : index
    %swap3A_372 = arith.constant 6 : index
    %swap3A_373 = arith.constant 0 : index
    %swap3A_374 = vector.load %arg8[%swap3A_371, %swap3A_372, %swap3A_373] : memref<328x8x128xi32, #tpu.memory_space<vmem>>, vector<328x1x128xi32>
    %swap3A_375 = vector.shape_cast %swap3A_374 : vector<328x1x128xi32> to vector<328x128xi32>
    %swap3A_376 = vector.shape_cast %add3A_370 : vector<328x128xi32> to vector<328x1x128xi32>
    tpu.vector_store %arg8[%swap3A_371, %swap3A_372, %swap3A_373], %swap3A_376 {strides = array<i32>} : memref<328x8x128xi32, #tpu.memory_space<vmem>>, vector<328x1x128xi32>,
    %get3A_377 = arith.constant 0 : index
    %get3A_378 = arith.constant 0 : index
    %get3A_379 = vector.load %arg3[%get3A_377, %get3A_378] : memref<328x26xf32, #tpu.memory_space<vmem>>, vector<328x26xf32>
    %dot_general3A_380 = arith.constant dense<0.000000e+00> : vector<328x128xf32>
    %dot_general3A_381 = tpu.matmul %get3A_379, %get3A_357, %dot_general3A_380 {dimension_numbers = #tpu.dot_dimension_numbers<[1], [0], [0], [1], [0, 0, 1, 1], [], []>, precision = #tpu.contract_precision<fp32>, transpose_lhs_hint = false} : vector<328x26xf32>, vector<26x128xf32>, vector<328x128xf32> -> vector<328x128xf32>
    %add3A_382 = arith.constant 5.000000e-01 : f32
    %add3A_383 = vector.broadcast %add3A_382 : f32 to vector<328x128xf32>
    %add3A_384 = arith.addf %dot_general3A_381, %add3A_383 : vector<328x128xf32>
    %convert_element_type3A_385 = arith.fptosi %add3A_384 : vector<328x128xf32> to vector<328x128xi32>
    %get3A_386 = arith.constant 0 : index
    %get3A_387 = arith.constant 0 : index
    %get3A_388 = vector.load %arg6[%get3A_386, %get3A_387] : memref<328x128xi32, #tpu.memory_space<vmem>>, vector<328x128xi32>
    %add3A_389 = arith.addi %convert_element_type3A_385, %get3A_388 : vector<328x128xi32>
    %swap3A_390 = arith.constant 0 : index
    %swap3A_391 = arith.constant 6 : index
    %swap3A_392 = arith.constant 0 : index
    %swap3A_393 = vector.load %arg9[%swap3A_390, %swap3A_391, %swap3A_392] : memref<328x8x128xi32, #tpu.memory_space<vmem>>, vector<328x1x128xi32>
    %swap3A_394 = vector.shape_cast %swap3A_393 : vector<328x1x128xi32> to vector<328x128xi32>
    %swap3A_395 = vector.shape_cast %add3A_389 : vector<328x128xi32> to vector<328x1x128xi32>
    tpu.vector_store %arg9[%swap3A_390, %swap3A_391, %swap3A_392], %swap3A_395 {strides = array<i32>} : memref<328x8x128xi32, #tpu.memory_space<vmem>>, vector<328x1x128xi32>,
    %get3A_396 = arith.constant 0 : index
    %get3A_397 = arith.constant 0 : index
    %get3A_398 = vector.load %arg4[%get3A_396, %get3A_397] : memref<26x26xf32, #tpu.memory_space<vmem>>, vector<26x26xf32>
    %dot_general3A_399 = arith.constant dense<0.000000e+00> : vector<26x128xf32>
    %dot_general3A_400 = tpu.matmul %get3A_398, %get3A_357, %dot_general3A_399 {dimension_numbers = #tpu.dot_dimension_numbers<[1], [0], [0], [1], [0, 0, 1, 1], [], []>, precision = #tpu.contract_precision<fp32>, transpose_lhs_hint = false} : vector<26x26xf32>, vector<26x128xf32>, vector<26x128xf32> -> vector<26x128xf32>
    %add3A_401 = arith.constant 5.000000e-01 : f32
    %add3A_402 = vector.broadcast %add3A_401 : f32 to vector<26x128xf32>
    %add3A_403 = arith.addf %dot_general3A_400, %add3A_402 : vector<26x128xf32>
    %convert_element_type3A_404 = arith.fptosi %add3A_403 : vector<26x128xf32> to vector<26x128xi32>
    %get3A_405 = arith.constant 0 : index
    %get3A_406 = arith.constant 0 : index
    %get3A_407 = vector.load %arg7[%get3A_405, %get3A_406] : memref<26x128xi32, #tpu.memory_space<vmem>>, vector<26x128xi32>
    %add3A_408 = arith.addi %convert_element_type3A_404, %get3A_407 : vector<26x128xi32>
    %swap3A_409 = arith.constant 0 : index
    %swap3A_410 = arith.constant 6 : index
    %swap3A_411 = arith.constant 0 : index
    %swap3A_412 = vector.load %arg10[%swap3A_409, %swap3A_410, %swap3A_411] : memref<26x8x128xi32, #tpu.memory_space<vmem>>, vector<26x1x128xi32>
    %swap3A_413 = vector.shape_cast %swap3A_412 : vector<26x1x128xi32> to vector<26x128xi32>
    %swap3A_414 = vector.shape_cast %add3A_408 : vector<26x128xi32> to vector<26x1x128xi32>
    tpu.vector_store %arg10[%swap3A_409, %swap3A_410, %swap3A_411], %swap3A_414 {strides = array<i32>} : memref<26x8x128xi32, #tpu.memory_space<vmem>>, vector<26x1x128xi32>,
    %get3A_415 = arith.constant 0 : index
    %get3A_416 = arith.constant 896 : index
    %get3A_417 = vector.load %arg1[%get3A_415, %get3A_416] : memref<26x1024xf32, #tpu.memory_space<vmem>>, vector<26x128xf32>
    %get3A_418 = arith.constant 0 : index
    %get3A_419 = arith.constant 0 : index
    %get3A_420 = vector.load %arg2[%get3A_418, %get3A_419] : memref<328x26xf32, #tpu.memory_space<vmem>>, vector<328x26xf32>
    %dot_general3A_421 = arith.constant dense<0.000000e+00> : vector<328x128xf32>
    %dot_general3A_422 = tpu.matmul %get3A_420, %get3A_417, %dot_general3A_421 {dimension_numbers = #tpu.dot_dimension_numbers<[1], [0], [0], [1], [0, 0, 1, 1], [], []>, precision = #tpu.contract_precision<fp32>, transpose_lhs_hint = false} : vector<328x26xf32>, vector<26x128xf32>, vector<328x128xf32> -> vector<328x128xf32>
    %add3A_423 = arith.constant 5.000000e-01 : f32
    %add3A_424 = vector.broadcast %add3A_423 : f32 to vector<328x128xf32>
    %add3A_425 = arith.addf %dot_general3A_422, %add3A_424 : vector<328x128xf32>
    %convert_element_type3A_426 = arith.fptosi %add3A_425 : vector<328x128xf32> to vector<328x128xi32>
    %get3A_427 = arith.constant 0 : index
    %get3A_428 = arith.constant 0 : index
    %get3A_429 = vector.load %arg5[%get3A_427, %get3A_428] : memref<328x128xi32, #tpu.memory_space<vmem>>, vector<328x128xi32>
    %add3A_430 = arith.addi %convert_element_type3A_426, %get3A_429 : vector<328x128xi32>
    %swap3A_431 = arith.constant 0 : index
    %swap3A_432 = arith.constant 7 : index
    %swap3A_433 = arith.constant 0 : index
    %swap3A_434 = vector.load %arg8[%swap3A_431, %swap3A_432, %swap3A_433] : memref<328x8x128xi32, #tpu.memory_space<vmem>>, vector<328x1x128xi32>
    %swap3A_435 = vector.shape_cast %swap3A_434 : vector<328x1x128xi32> to vector<328x128xi32>
    %swap3A_436 = vector.shape_cast %add3A_430 : vector<328x128xi32> to vector<328x1x128xi32>
    tpu.vector_store %arg8[%swap3A_431, %swap3A_432, %swap3A_433], %swap3A_436 {strides = array<i32>} : memref<328x8x128xi32, #tpu.memory_space<vmem>>, vector<328x1x128xi32>,
    %get3A_437 = arith.constant 0 : index
    %get3A_438 = arith.constant 0 : index
    %get3A_439 = vector.load %arg3[%get3A_437, %get3A_438] : memref<328x26xf32, #tpu.memory_space<vmem>>, vector<328x26xf32>
    %dot_general3A_440 = arith.constant dense<0.000000e+00> : vector<328x128xf32>
    %dot_general3A_441 = tpu.matmul %get3A_439, %get3A_417, %dot_general3A_440 {dimension_numbers = #tpu.dot_dimension_numbers<[1], [0], [0], [1], [0, 0, 1, 1], [], []>, precision = #tpu.contract_precision<fp32>, transpose_lhs_hint = false} : vector<328x26xf32>, vector<26x128xf32>, vector<328x128xf32> -> vector<328x128xf32>
    %add3A_442 = arith.constant 5.000000e-01 : f32
    %add3A_443 = vector.broadcast %add3A_442 : f32 to vector<328x128xf32>
    %add3A_444 = arith.addf %dot_general3A_441, %add3A_443 : vector<328x128xf32>
    %convert_element_type3A_445 = arith.fptosi %add3A_444 : vector<328x128xf32> to vector<328x128xi32>
    %get3A_446 = arith.constant 0 : index
    %get3A_447 = arith.constant 0 : index
    %get3A_448 = vector.load %arg6[%get3A_446, %get3A_447] : memref<328x128xi32, #tpu.memory_space<vmem>>, vector<328x128xi32>
    %add3A_449 = arith.addi %convert_element_type3A_445, %get3A_448 : vector<328x128xi32>
    %swap3A_450 = arith.constant 0 : index
    %swap3A_451 = arith.constant 7 : index
    %swap3A_452 = arith.constant 0 : index
    %swap3A_453 = vector.load %arg9[%swap3A_450, %swap3A_451, %swap3A_452] : memref<328x8x128xi32, #tpu.memory_space<vmem>>, vector<328x1x128xi32>
    %swap3A_454 = vector.shape_cast %swap3A_453 : vector<328x1x128xi32> to vector<328x128xi32>
    %swap3A_455 = vector.shape_cast %add3A_449 : vector<328x128xi32> to vector<328x1x128xi32>
    tpu.vector_store %arg9[%swap3A_450, %swap3A_451, %swap3A_452], %swap3A_455 {strides = array<i32>} : memref<328x8x128xi32, #tpu.memory_space<vmem>>, vector<328x1x128xi32>,
    %get3A_456 = arith.constant 0 : index
    %get3A_457 = arith.constant 0 : index
    %get3A_458 = vector.load %arg4[%get3A_456, %get3A_457] : memref<26x26xf32, #tpu.memory_space<vmem>>, vector<26x26xf32>
    %dot_general3A_459 = arith.constant dense<0.000000e+00> : vector<26x128xf32>
    %dot_general3A_460 = tpu.matmul %get3A_458, %get3A_417, %dot_general3A_459 {dimension_numbers = #tpu.dot_dimension_numbers<[1], [0], [0], [1], [0, 0, 1, 1], [], []>, precision = #tpu.contract_precision<fp32>, transpose_lhs_hint = false} : vector<26x26xf32>, vector<26x128xf32>, vector<26x128xf32> -> vector<26x128xf32>
    %add3A_461 = arith.constant 5.000000e-01 : f32
    %add3A_462 = vector.broadcast %add3A_461 : f32 to vector<26x128xf32>
    %add3A_463 = arith.addf %dot_general3A_460, %add3A_462 : vector<26x128xf32>
    %convert_element_type3A_464 = arith.fptosi %add3A_463 : vector<26x128xf32> to vector<26x128xi32>
    %get3A_465 = arith.constant 0 : index
    %get3A_466 = arith.constant 0 : index
    %get3A_467 = vector.load %arg7[%get3A_465, %get3A_466] : memref<26x128xi32, #tpu.memory_space<vmem>>, vector<26x128xi32>
    %add3A_468 = arith.addi %convert_element_type3A_464, %get3A_467 : vector<26x128xi32>
    %swap3A_469 = arith.constant 0 : index
    %swap3A_470 = arith.constant 7 : index
    %swap3A_471 = arith.constant 0 : index
    %swap3A_472 = vector.load %arg10[%swap3A_469, %swap3A_470, %swap3A_471] : memref<26x8x128xi32, #tpu.memory_space<vmem>>, vector<26x1x128xi32>
    %swap3A_473 = vector.shape_cast %swap3A_472 : vector<26x1x128xi32> to vector<26x128xi32>
    %swap3A_474 = vector.shape_cast %add3A_468 : vector<26x128xi32> to vector<26x1x128xi32>
    tpu.vector_store %arg10[%swap3A_469, %swap3A_470, %swap3A_471], %swap3A_474 {strides = array<i32>} : memref<26x8x128xi32, #tpu.memory_space<vmem>>, vector<26x1x128xi32>,
    return
  }
  func.func @transform_0(%arg0: i32) -> (i32, i32) {
    %c0_i32 = arith.constant 0 : i32
    %c0_i32_0 = arith.constant 0 : i32
    return %c0_i32, %arg0 : i32, i32
  }
  func.func @transform_1(%arg0: i32) -> (i32, i32) {
    %c0_i32 = arith.constant 0 : i32
    %c0_i32_0 = arith.constant 0 : i32
    %c0_i32_1 = arith.constant 0 : i32
    return %c0_i32, %c0_i32_0 : i32, i32
  }
  func.func @transform_2(%arg0: i32) -> (i32, i32) {
    %c0_i32 = arith.constant 0 : i32
    %c0_i32_0 = arith.constant 0 : i32
    %c0_i32_1 = arith.constant 0 : i32
    return %c0_i32, %c0_i32_0 : i32, i32
  }
  func.func @transform_3(%arg0: i32) -> (i32, i32) {
    %c0_i32 = arith.constant 0 : i32
    %c0_i32_0 = arith.constant 0 : i32
    %c0_i32_1 = arith.constant 0 : i32
    return %c0_i32, %c0_i32_0 : i32, i32
  }
  func.func @transform_4(%arg0: i32) -> (i32, i32) {
    %c0_i32 = arith.constant 0 : i32
    %c0_i32_0 = arith.constant 0 : i32
    %c0_i32_1 = arith.constant 0 : i32
    return %c0_i32, %c0_i32_0 : i32, i32
  }
  func.func @transform_5(%arg0: i32) -> (i32, i32) {
    %c0_i32 = arith.constant 0 : i32
    %c0_i32_0 = arith.constant 0 : i32
    %c0_i32_1 = arith.constant 0 : i32
    return %c0_i32, %c0_i32_0 : i32, i32
  }
  func.func @transform_6(%arg0: i32) -> (i32, i32) {
    %c0_i32 = arith.constant 0 : i32
    %c0_i32_0 = arith.constant 0 : i32
    %c0_i32_1 = arith.constant 0 : i32
    return %c0_i32, %c0_i32_0 : i32, i32
  }
  func.func @transform_7(%arg0: i32) -> (i32, i32, i32) {
    %c0_i32 = arith.constant 0 : i32
    %c0_i32_0 = arith.constant 0 : i32
    %c0_i32_1 = arith.constant 0 : i32
    return %c0_i32, %arg0, %c0_i32_0 : i32, i32, i32
  }
  func.func @transform_8(%arg0: i32) -> (i32, i32, i32) {
    %c0_i32 = arith.constant 0 : i32
    %c0_i32_0 = arith.constant 0 : i32
    %c0_i32_1 = arith.constant 0 : i32
    return %c0_i32, %arg0, %c0_i32_0 : i32, i32, i32
  }
  func.func @transform_9(%arg0: i32) -> (i32, i32, i32) {
    %c0_i32 = arith.constant 0 : i32
    %c0_i32_0 = arith.constant 0 : i32
    %c0_i32_1 = arith.constant 0 : i32
    return %c0_i32, %arg0, %c0_i32_0 : i32, i32, i32
  }
}

module attributes {stable_mosaic.version = 14 : i64} {
  func.func @_tc_mlp_body(%arg0: i32, %arg1: memref<64x41x8x128xf32, #tpu.memory_space<vmem>>, %arg2: memref<512xf32, #tpu.memory_space<vmem>>, %arg3: memref<41x128x64xf32, #tpu.memory_space<vmem>>, %arg4: memref<1x64xf32, #tpu.memory_space<vmem>>, %arg5: memref<64x32xf32, #tpu.memory_space<vmem>>, %arg6: memref<1x32xf32, #tpu.memory_space<vmem>>, %arg7: memref<1x32xf32, #tpu.memory_space<vmem>>, %arg8: memref<1xf32, #tpu.memory_space<smem>>, %arg9: memref<512xf32, #tpu.memory_space<vmem>>) attributes {dimension_semantics = [#tpu.dimension_semantics<arbitrary>], iteration_bounds = array<i64: 8>, scalar_prefetch = 0 : i64, scratch_operands = 0 : i64, tpu.core_type = #tpu.core_type<tc>, window_params = [{transform_indices = @transform_0, window_bounds = array<i64: 64, 41, 8, 128>}, {transform_indices = @transform_1, window_bounds = array<i64: 512>}, {pipeline_mode = #tpu.pipeline_mode<synchronous>, transform_indices = @transform_2, window_bounds = array<i64: 41, 128, 64>}, {pipeline_mode = #tpu.pipeline_mode<synchronous>, transform_indices = @transform_3, window_bounds = array<i64: 1, 64>}, {pipeline_mode = #tpu.pipeline_mode<synchronous>, transform_indices = @transform_4, window_bounds = array<i64: 64, 32>}, {pipeline_mode = #tpu.pipeline_mode<synchronous>, transform_indices = @transform_5, window_bounds = array<i64: 1, 32>}, {pipeline_mode = #tpu.pipeline_mode<synchronous>, transform_indices = @transform_6, window_bounds = array<i64: 1, 32>}, {transform_indices = @transform_7, window_bounds = array<i64: 1>}, {transform_indices = @transform_8, window_bounds = array<i64: 512>}]} {
    %broadcast_in_dim3A = arith.constant 0.000000e+00 : f32
    %broadcast_in_dim3A_0 = vector.broadcast %broadcast_in_dim3A : f32 to vector<512x64xf32>
    %get3A = arith.constant 0 : index
    %get3A_1 = arith.constant 0 : index
    %get3A_2 = arith.constant 0 : index
    %get3A_3 = arith.constant 0 : index
    %get3A_4 = vector.load %arg1[%get3A, %get3A_1, %get3A_2, %get3A_3] : memref<64x41x8x128xf32, #tpu.memory_space<vmem>>, vector<64x1x8x128xf32>
    %get3A_5 = vector.shape_cast %get3A_4 : vector<64x1x8x128xf32> to vector<64x8x128xf32>
    %reshape3A = vector.shape_cast %get3A_5 : vector<64x8x128xf32> to vector<512x128xf32>
    %get3A_6 = arith.constant 0 : index
    %get3A_7 = arith.constant 0 : index
    %get3A_8 = arith.constant 0 : index
    %get3A_9 = vector.load %arg3[%get3A_6, %get3A_7, %get3A_8] : memref<41x128x64xf32, #tpu.memory_space<vmem>>, vector<1x128x64xf32>
    %get3A_10 = vector.shape_cast %get3A_9 : vector<1x128x64xf32> to vector<128x64xf32>
    %dot_general3A = arith.constant dense<0.000000e+00> : vector<512x64xf32>
    %dot_general3A_11 = tpu.matmul %reshape3A, %get3A_10, %dot_general3A {dimension_numbers = #tpu.dot_dimension_numbers<[1], [0], [0], [1], [0, 0, 1, 1], [], []>, transpose_lhs_hint = false} : vector<512x128xf32>, vector<128x64xf32>, vector<512x64xf32> -> vector<512x64xf32>
    %add3A = arith.addf %broadcast_in_dim3A_0, %dot_general3A_11 : vector<512x64xf32>
    %get3A_12 = arith.constant 0 : index
    %get3A_13 = arith.constant 1 : index
    %get3A_14 = arith.constant 0 : index
    %get3A_15 = arith.constant 0 : index
    %get3A_16 = vector.load %arg1[%get3A_12, %get3A_13, %get3A_14, %get3A_15] : memref<64x41x8x128xf32, #tpu.memory_space<vmem>>, vector<64x1x8x128xf32>
    %get3A_17 = vector.shape_cast %get3A_16 : vector<64x1x8x128xf32> to vector<64x8x128xf32>
    %reshape3A_18 = vector.shape_cast %get3A_17 : vector<64x8x128xf32> to vector<512x128xf32>
    %get3A_19 = arith.constant 1 : index
    %get3A_20 = arith.constant 0 : index
    %get3A_21 = arith.constant 0 : index
    %get3A_22 = vector.load %arg3[%get3A_19, %get3A_20, %get3A_21] : memref<41x128x64xf32, #tpu.memory_space<vmem>>, vector<1x128x64xf32>
    %get3A_23 = vector.shape_cast %get3A_22 : vector<1x128x64xf32> to vector<128x64xf32>
    %dot_general3A_24 = arith.constant dense<0.000000e+00> : vector<512x64xf32>
    %dot_general3A_25 = tpu.matmul %reshape3A_18, %get3A_23, %dot_general3A_24 {dimension_numbers = #tpu.dot_dimension_numbers<[1], [0], [0], [1], [0, 0, 1, 1], [], []>, transpose_lhs_hint = false} : vector<512x128xf32>, vector<128x64xf32>, vector<512x64xf32> -> vector<512x64xf32>
    %add3A_26 = arith.addf %add3A, %dot_general3A_25 : vector<512x64xf32>
    %get3A_27 = arith.constant 0 : index
    %get3A_28 = arith.constant 2 : index
    %get3A_29 = arith.constant 0 : index
    %get3A_30 = arith.constant 0 : index
    %get3A_31 = vector.load %arg1[%get3A_27, %get3A_28, %get3A_29, %get3A_30] : memref<64x41x8x128xf32, #tpu.memory_space<vmem>>, vector<64x1x8x128xf32>
    %get3A_32 = vector.shape_cast %get3A_31 : vector<64x1x8x128xf32> to vector<64x8x128xf32>
    %reshape3A_33 = vector.shape_cast %get3A_32 : vector<64x8x128xf32> to vector<512x128xf32>
    %get3A_34 = arith.constant 2 : index
    %get3A_35 = arith.constant 0 : index
    %get3A_36 = arith.constant 0 : index
    %get3A_37 = vector.load %arg3[%get3A_34, %get3A_35, %get3A_36] : memref<41x128x64xf32, #tpu.memory_space<vmem>>, vector<1x128x64xf32>
    %get3A_38 = vector.shape_cast %get3A_37 : vector<1x128x64xf32> to vector<128x64xf32>
    %dot_general3A_39 = arith.constant dense<0.000000e+00> : vector<512x64xf32>
    %dot_general3A_40 = tpu.matmul %reshape3A_33, %get3A_38, %dot_general3A_39 {dimension_numbers = #tpu.dot_dimension_numbers<[1], [0], [0], [1], [0, 0, 1, 1], [], []>, transpose_lhs_hint = false} : vector<512x128xf32>, vector<128x64xf32>, vector<512x64xf32> -> vector<512x64xf32>
    %add3A_41 = arith.addf %add3A_26, %dot_general3A_40 : vector<512x64xf32>
    %get3A_42 = arith.constant 0 : index
    %get3A_43 = arith.constant 3 : index
    %get3A_44 = arith.constant 0 : index
    %get3A_45 = arith.constant 0 : index
    %get3A_46 = vector.load %arg1[%get3A_42, %get3A_43, %get3A_44, %get3A_45] : memref<64x41x8x128xf32, #tpu.memory_space<vmem>>, vector<64x1x8x128xf32>
    %get3A_47 = vector.shape_cast %get3A_46 : vector<64x1x8x128xf32> to vector<64x8x128xf32>
    %reshape3A_48 = vector.shape_cast %get3A_47 : vector<64x8x128xf32> to vector<512x128xf32>
    %get3A_49 = arith.constant 3 : index
    %get3A_50 = arith.constant 0 : index
    %get3A_51 = arith.constant 0 : index
    %get3A_52 = vector.load %arg3[%get3A_49, %get3A_50, %get3A_51] : memref<41x128x64xf32, #tpu.memory_space<vmem>>, vector<1x128x64xf32>
    %get3A_53 = vector.shape_cast %get3A_52 : vector<1x128x64xf32> to vector<128x64xf32>
    %dot_general3A_54 = arith.constant dense<0.000000e+00> : vector<512x64xf32>
    %dot_general3A_55 = tpu.matmul %reshape3A_48, %get3A_53, %dot_general3A_54 {dimension_numbers = #tpu.dot_dimension_numbers<[1], [0], [0], [1], [0, 0, 1, 1], [], []>, transpose_lhs_hint = false} : vector<512x128xf32>, vector<128x64xf32>, vector<512x64xf32> -> vector<512x64xf32>
    %add3A_56 = arith.addf %add3A_41, %dot_general3A_55 : vector<512x64xf32>
    %get3A_57 = arith.constant 0 : index
    %get3A_58 = arith.constant 4 : index
    %get3A_59 = arith.constant 0 : index
    %get3A_60 = arith.constant 0 : index
    %get3A_61 = vector.load %arg1[%get3A_57, %get3A_58, %get3A_59, %get3A_60] : memref<64x41x8x128xf32, #tpu.memory_space<vmem>>, vector<64x1x8x128xf32>
    %get3A_62 = vector.shape_cast %get3A_61 : vector<64x1x8x128xf32> to vector<64x8x128xf32>
    %reshape3A_63 = vector.shape_cast %get3A_62 : vector<64x8x128xf32> to vector<512x128xf32>
    %get3A_64 = arith.constant 4 : index
    %get3A_65 = arith.constant 0 : index
    %get3A_66 = arith.constant 0 : index
    %get3A_67 = vector.load %arg3[%get3A_64, %get3A_65, %get3A_66] : memref<41x128x64xf32, #tpu.memory_space<vmem>>, vector<1x128x64xf32>
    %get3A_68 = vector.shape_cast %get3A_67 : vector<1x128x64xf32> to vector<128x64xf32>
    %dot_general3A_69 = arith.constant dense<0.000000e+00> : vector<512x64xf32>
    %dot_general3A_70 = tpu.matmul %reshape3A_63, %get3A_68, %dot_general3A_69 {dimension_numbers = #tpu.dot_dimension_numbers<[1], [0], [0], [1], [0, 0, 1, 1], [], []>, transpose_lhs_hint = false} : vector<512x128xf32>, vector<128x64xf32>, vector<512x64xf32> -> vector<512x64xf32>
    %add3A_71 = arith.addf %add3A_56, %dot_general3A_70 : vector<512x64xf32>
    %get3A_72 = arith.constant 0 : index
    %get3A_73 = arith.constant 5 : index
    %get3A_74 = arith.constant 0 : index
    %get3A_75 = arith.constant 0 : index
    %get3A_76 = vector.load %arg1[%get3A_72, %get3A_73, %get3A_74, %get3A_75] : memref<64x41x8x128xf32, #tpu.memory_space<vmem>>, vector<64x1x8x128xf32>
    %get3A_77 = vector.shape_cast %get3A_76 : vector<64x1x8x128xf32> to vector<64x8x128xf32>
    %reshape3A_78 = vector.shape_cast %get3A_77 : vector<64x8x128xf32> to vector<512x128xf32>
    %get3A_79 = arith.constant 5 : index
    %get3A_80 = arith.constant 0 : index
    %get3A_81 = arith.constant 0 : index
    %get3A_82 = vector.load %arg3[%get3A_79, %get3A_80, %get3A_81] : memref<41x128x64xf32, #tpu.memory_space<vmem>>, vector<1x128x64xf32>
    %get3A_83 = vector.shape_cast %get3A_82 : vector<1x128x64xf32> to vector<128x64xf32>
    %dot_general3A_84 = arith.constant dense<0.000000e+00> : vector<512x64xf32>
    %dot_general3A_85 = tpu.matmul %reshape3A_78, %get3A_83, %dot_general3A_84 {dimension_numbers = #tpu.dot_dimension_numbers<[1], [0], [0], [1], [0, 0, 1, 1], [], []>, transpose_lhs_hint = false} : vector<512x128xf32>, vector<128x64xf32>, vector<512x64xf32> -> vector<512x64xf32>
    %add3A_86 = arith.addf %add3A_71, %dot_general3A_85 : vector<512x64xf32>
    %get3A_87 = arith.constant 0 : index
    %get3A_88 = arith.constant 6 : index
    %get3A_89 = arith.constant 0 : index
    %get3A_90 = arith.constant 0 : index
    %get3A_91 = vector.load %arg1[%get3A_87, %get3A_88, %get3A_89, %get3A_90] : memref<64x41x8x128xf32, #tpu.memory_space<vmem>>, vector<64x1x8x128xf32>
    %get3A_92 = vector.shape_cast %get3A_91 : vector<64x1x8x128xf32> to vector<64x8x128xf32>
    %reshape3A_93 = vector.shape_cast %get3A_92 : vector<64x8x128xf32> to vector<512x128xf32>
    %get3A_94 = arith.constant 6 : index
    %get3A_95 = arith.constant 0 : index
    %get3A_96 = arith.constant 0 : index
    %get3A_97 = vector.load %arg3[%get3A_94, %get3A_95, %get3A_96] : memref<41x128x64xf32, #tpu.memory_space<vmem>>, vector<1x128x64xf32>
    %get3A_98 = vector.shape_cast %get3A_97 : vector<1x128x64xf32> to vector<128x64xf32>
    %dot_general3A_99 = arith.constant dense<0.000000e+00> : vector<512x64xf32>
    %dot_general3A_100 = tpu.matmul %reshape3A_93, %get3A_98, %dot_general3A_99 {dimension_numbers = #tpu.dot_dimension_numbers<[1], [0], [0], [1], [0, 0, 1, 1], [], []>, transpose_lhs_hint = false} : vector<512x128xf32>, vector<128x64xf32>, vector<512x64xf32> -> vector<512x64xf32>
    %add3A_101 = arith.addf %add3A_86, %dot_general3A_100 : vector<512x64xf32>
    %get3A_102 = arith.constant 0 : index
    %get3A_103 = arith.constant 7 : index
    %get3A_104 = arith.constant 0 : index
    %get3A_105 = arith.constant 0 : index
    %get3A_106 = vector.load %arg1[%get3A_102, %get3A_103, %get3A_104, %get3A_105] : memref<64x41x8x128xf32, #tpu.memory_space<vmem>>, vector<64x1x8x128xf32>
    %get3A_107 = vector.shape_cast %get3A_106 : vector<64x1x8x128xf32> to vector<64x8x128xf32>
    %reshape3A_108 = vector.shape_cast %get3A_107 : vector<64x8x128xf32> to vector<512x128xf32>
    %get3A_109 = arith.constant 7 : index
    %get3A_110 = arith.constant 0 : index
    %get3A_111 = arith.constant 0 : index
    %get3A_112 = vector.load %arg3[%get3A_109, %get3A_110, %get3A_111] : memref<41x128x64xf32, #tpu.memory_space<vmem>>, vector<1x128x64xf32>
    %get3A_113 = vector.shape_cast %get3A_112 : vector<1x128x64xf32> to vector<128x64xf32>
    %dot_general3A_114 = arith.constant dense<0.000000e+00> : vector<512x64xf32>
    %dot_general3A_115 = tpu.matmul %reshape3A_108, %get3A_113, %dot_general3A_114 {dimension_numbers = #tpu.dot_dimension_numbers<[1], [0], [0], [1], [0, 0, 1, 1], [], []>, transpose_lhs_hint = false} : vector<512x128xf32>, vector<128x64xf32>, vector<512x64xf32> -> vector<512x64xf32>
    %add3A_116 = arith.addf %add3A_101, %dot_general3A_115 : vector<512x64xf32>
    %get3A_117 = arith.constant 0 : index
    %get3A_118 = arith.constant 8 : index
    %get3A_119 = arith.constant 0 : index
    %get3A_120 = arith.constant 0 : index
    %get3A_121 = vector.load %arg1[%get3A_117, %get3A_118, %get3A_119, %get3A_120] : memref<64x41x8x128xf32, #tpu.memory_space<vmem>>, vector<64x1x8x128xf32>
    %get3A_122 = vector.shape_cast %get3A_121 : vector<64x1x8x128xf32> to vector<64x8x128xf32>
    %reshape3A_123 = vector.shape_cast %get3A_122 : vector<64x8x128xf32> to vector<512x128xf32>
    %get3A_124 = arith.constant 8 : index
    %get3A_125 = arith.constant 0 : index
    %get3A_126 = arith.constant 0 : index
    %get3A_127 = vector.load %arg3[%get3A_124, %get3A_125, %get3A_126] : memref<41x128x64xf32, #tpu.memory_space<vmem>>, vector<1x128x64xf32>
    %get3A_128 = vector.shape_cast %get3A_127 : vector<1x128x64xf32> to vector<128x64xf32>
    %dot_general3A_129 = arith.constant dense<0.000000e+00> : vector<512x64xf32>
    %dot_general3A_130 = tpu.matmul %reshape3A_123, %get3A_128, %dot_general3A_129 {dimension_numbers = #tpu.dot_dimension_numbers<[1], [0], [0], [1], [0, 0, 1, 1], [], []>, transpose_lhs_hint = false} : vector<512x128xf32>, vector<128x64xf32>, vector<512x64xf32> -> vector<512x64xf32>
    %add3A_131 = arith.addf %add3A_116, %dot_general3A_130 : vector<512x64xf32>
    %get3A_132 = arith.constant 0 : index
    %get3A_133 = arith.constant 9 : index
    %get3A_134 = arith.constant 0 : index
    %get3A_135 = arith.constant 0 : index
    %get3A_136 = vector.load %arg1[%get3A_132, %get3A_133, %get3A_134, %get3A_135] : memref<64x41x8x128xf32, #tpu.memory_space<vmem>>, vector<64x1x8x128xf32>
    %get3A_137 = vector.shape_cast %get3A_136 : vector<64x1x8x128xf32> to vector<64x8x128xf32>
    %reshape3A_138 = vector.shape_cast %get3A_137 : vector<64x8x128xf32> to vector<512x128xf32>
    %get3A_139 = arith.constant 9 : index
    %get3A_140 = arith.constant 0 : index
    %get3A_141 = arith.constant 0 : index
    %get3A_142 = vector.load %arg3[%get3A_139, %get3A_140, %get3A_141] : memref<41x128x64xf32, #tpu.memory_space<vmem>>, vector<1x128x64xf32>
    %get3A_143 = vector.shape_cast %get3A_142 : vector<1x128x64xf32> to vector<128x64xf32>
    %dot_general3A_144 = arith.constant dense<0.000000e+00> : vector<512x64xf32>
    %dot_general3A_145 = tpu.matmul %reshape3A_138, %get3A_143, %dot_general3A_144 {dimension_numbers = #tpu.dot_dimension_numbers<[1], [0], [0], [1], [0, 0, 1, 1], [], []>, transpose_lhs_hint = false} : vector<512x128xf32>, vector<128x64xf32>, vector<512x64xf32> -> vector<512x64xf32>
    %add3A_146 = arith.addf %add3A_131, %dot_general3A_145 : vector<512x64xf32>
    %get3A_147 = arith.constant 0 : index
    %get3A_148 = arith.constant 10 : index
    %get3A_149 = arith.constant 0 : index
    %get3A_150 = arith.constant 0 : index
    %get3A_151 = vector.load %arg1[%get3A_147, %get3A_148, %get3A_149, %get3A_150] : memref<64x41x8x128xf32, #tpu.memory_space<vmem>>, vector<64x1x8x128xf32>
    %get3A_152 = vector.shape_cast %get3A_151 : vector<64x1x8x128xf32> to vector<64x8x128xf32>
    %reshape3A_153 = vector.shape_cast %get3A_152 : vector<64x8x128xf32> to vector<512x128xf32>
    %get3A_154 = arith.constant 10 : index
    %get3A_155 = arith.constant 0 : index
    %get3A_156 = arith.constant 0 : index
    %get3A_157 = vector.load %arg3[%get3A_154, %get3A_155, %get3A_156] : memref<41x128x64xf32, #tpu.memory_space<vmem>>, vector<1x128x64xf32>
    %get3A_158 = vector.shape_cast %get3A_157 : vector<1x128x64xf32> to vector<128x64xf32>
    %dot_general3A_159 = arith.constant dense<0.000000e+00> : vector<512x64xf32>
    %dot_general3A_160 = tpu.matmul %reshape3A_153, %get3A_158, %dot_general3A_159 {dimension_numbers = #tpu.dot_dimension_numbers<[1], [0], [0], [1], [0, 0, 1, 1], [], []>, transpose_lhs_hint = false} : vector<512x128xf32>, vector<128x64xf32>, vector<512x64xf32> -> vector<512x64xf32>
    %add3A_161 = arith.addf %add3A_146, %dot_general3A_160 : vector<512x64xf32>
    %get3A_162 = arith.constant 0 : index
    %get3A_163 = arith.constant 11 : index
    %get3A_164 = arith.constant 0 : index
    %get3A_165 = arith.constant 0 : index
    %get3A_166 = vector.load %arg1[%get3A_162, %get3A_163, %get3A_164, %get3A_165] : memref<64x41x8x128xf32, #tpu.memory_space<vmem>>, vector<64x1x8x128xf32>
    %get3A_167 = vector.shape_cast %get3A_166 : vector<64x1x8x128xf32> to vector<64x8x128xf32>
    %reshape3A_168 = vector.shape_cast %get3A_167 : vector<64x8x128xf32> to vector<512x128xf32>
    %get3A_169 = arith.constant 11 : index
    %get3A_170 = arith.constant 0 : index
    %get3A_171 = arith.constant 0 : index
    %get3A_172 = vector.load %arg3[%get3A_169, %get3A_170, %get3A_171] : memref<41x128x64xf32, #tpu.memory_space<vmem>>, vector<1x128x64xf32>
    %get3A_173 = vector.shape_cast %get3A_172 : vector<1x128x64xf32> to vector<128x64xf32>
    %dot_general3A_174 = arith.constant dense<0.000000e+00> : vector<512x64xf32>
    %dot_general3A_175 = tpu.matmul %reshape3A_168, %get3A_173, %dot_general3A_174 {dimension_numbers = #tpu.dot_dimension_numbers<[1], [0], [0], [1], [0, 0, 1, 1], [], []>, transpose_lhs_hint = false} : vector<512x128xf32>, vector<128x64xf32>, vector<512x64xf32> -> vector<512x64xf32>
    %add3A_176 = arith.addf %add3A_161, %dot_general3A_175 : vector<512x64xf32>
    %get3A_177 = arith.constant 0 : index
    %get3A_178 = arith.constant 12 : index
    %get3A_179 = arith.constant 0 : index
    %get3A_180 = arith.constant 0 : index
    %get3A_181 = vector.load %arg1[%get3A_177, %get3A_178, %get3A_179, %get3A_180] : memref<64x41x8x128xf32, #tpu.memory_space<vmem>>, vector<64x1x8x128xf32>
    %get3A_182 = vector.shape_cast %get3A_181 : vector<64x1x8x128xf32> to vector<64x8x128xf32>
    %reshape3A_183 = vector.shape_cast %get3A_182 : vector<64x8x128xf32> to vector<512x128xf32>
    %get3A_184 = arith.constant 12 : index
    %get3A_185 = arith.constant 0 : index
    %get3A_186 = arith.constant 0 : index
    %get3A_187 = vector.load %arg3[%get3A_184, %get3A_185, %get3A_186] : memref<41x128x64xf32, #tpu.memory_space<vmem>>, vector<1x128x64xf32>
    %get3A_188 = vector.shape_cast %get3A_187 : vector<1x128x64xf32> to vector<128x64xf32>
    %dot_general3A_189 = arith.constant dense<0.000000e+00> : vector<512x64xf32>
    %dot_general3A_190 = tpu.matmul %reshape3A_183, %get3A_188, %dot_general3A_189 {dimension_numbers = #tpu.dot_dimension_numbers<[1], [0], [0], [1], [0, 0, 1, 1], [], []>, transpose_lhs_hint = false} : vector<512x128xf32>, vector<128x64xf32>, vector<512x64xf32> -> vector<512x64xf32>
    %add3A_191 = arith.addf %add3A_176, %dot_general3A_190 : vector<512x64xf32>
    %get3A_192 = arith.constant 0 : index
    %get3A_193 = arith.constant 13 : index
    %get3A_194 = arith.constant 0 : index
    %get3A_195 = arith.constant 0 : index
    %get3A_196 = vector.load %arg1[%get3A_192, %get3A_193, %get3A_194, %get3A_195] : memref<64x41x8x128xf32, #tpu.memory_space<vmem>>, vector<64x1x8x128xf32>
    %get3A_197 = vector.shape_cast %get3A_196 : vector<64x1x8x128xf32> to vector<64x8x128xf32>
    %reshape3A_198 = vector.shape_cast %get3A_197 : vector<64x8x128xf32> to vector<512x128xf32>
    %get3A_199 = arith.constant 13 : index
    %get3A_200 = arith.constant 0 : index
    %get3A_201 = arith.constant 0 : index
    %get3A_202 = vector.load %arg3[%get3A_199, %get3A_200, %get3A_201] : memref<41x128x64xf32, #tpu.memory_space<vmem>>, vector<1x128x64xf32>
    %get3A_203 = vector.shape_cast %get3A_202 : vector<1x128x64xf32> to vector<128x64xf32>
    %dot_general3A_204 = arith.constant dense<0.000000e+00> : vector<512x64xf32>
    %dot_general3A_205 = tpu.matmul %reshape3A_198, %get3A_203, %dot_general3A_204 {dimension_numbers = #tpu.dot_dimension_numbers<[1], [0], [0], [1], [0, 0, 1, 1], [], []>, transpose_lhs_hint = false} : vector<512x128xf32>, vector<128x64xf32>, vector<512x64xf32> -> vector<512x64xf32>
    %add3A_206 = arith.addf %add3A_191, %dot_general3A_205 : vector<512x64xf32>
    %get3A_207 = arith.constant 0 : index
    %get3A_208 = arith.constant 14 : index
    %get3A_209 = arith.constant 0 : index
    %get3A_210 = arith.constant 0 : index
    %get3A_211 = vector.load %arg1[%get3A_207, %get3A_208, %get3A_209, %get3A_210] : memref<64x41x8x128xf32, #tpu.memory_space<vmem>>, vector<64x1x8x128xf32>
    %get3A_212 = vector.shape_cast %get3A_211 : vector<64x1x8x128xf32> to vector<64x8x128xf32>
    %reshape3A_213 = vector.shape_cast %get3A_212 : vector<64x8x128xf32> to vector<512x128xf32>
    %get3A_214 = arith.constant 14 : index
    %get3A_215 = arith.constant 0 : index
    %get3A_216 = arith.constant 0 : index
    %get3A_217 = vector.load %arg3[%get3A_214, %get3A_215, %get3A_216] : memref<41x128x64xf32, #tpu.memory_space<vmem>>, vector<1x128x64xf32>
    %get3A_218 = vector.shape_cast %get3A_217 : vector<1x128x64xf32> to vector<128x64xf32>
    %dot_general3A_219 = arith.constant dense<0.000000e+00> : vector<512x64xf32>
    %dot_general3A_220 = tpu.matmul %reshape3A_213, %get3A_218, %dot_general3A_219 {dimension_numbers = #tpu.dot_dimension_numbers<[1], [0], [0], [1], [0, 0, 1, 1], [], []>, transpose_lhs_hint = false} : vector<512x128xf32>, vector<128x64xf32>, vector<512x64xf32> -> vector<512x64xf32>
    %add3A_221 = arith.addf %add3A_206, %dot_general3A_220 : vector<512x64xf32>
    %get3A_222 = arith.constant 0 : index
    %get3A_223 = arith.constant 15 : index
    %get3A_224 = arith.constant 0 : index
    %get3A_225 = arith.constant 0 : index
    %get3A_226 = vector.load %arg1[%get3A_222, %get3A_223, %get3A_224, %get3A_225] : memref<64x41x8x128xf32, #tpu.memory_space<vmem>>, vector<64x1x8x128xf32>
    %get3A_227 = vector.shape_cast %get3A_226 : vector<64x1x8x128xf32> to vector<64x8x128xf32>
    %reshape3A_228 = vector.shape_cast %get3A_227 : vector<64x8x128xf32> to vector<512x128xf32>
    %get3A_229 = arith.constant 15 : index
    %get3A_230 = arith.constant 0 : index
    %get3A_231 = arith.constant 0 : index
    %get3A_232 = vector.load %arg3[%get3A_229, %get3A_230, %get3A_231] : memref<41x128x64xf32, #tpu.memory_space<vmem>>, vector<1x128x64xf32>
    %get3A_233 = vector.shape_cast %get3A_232 : vector<1x128x64xf32> to vector<128x64xf32>
    %dot_general3A_234 = arith.constant dense<0.000000e+00> : vector<512x64xf32>
    %dot_general3A_235 = tpu.matmul %reshape3A_228, %get3A_233, %dot_general3A_234 {dimension_numbers = #tpu.dot_dimension_numbers<[1], [0], [0], [1], [0, 0, 1, 1], [], []>, transpose_lhs_hint = false} : vector<512x128xf32>, vector<128x64xf32>, vector<512x64xf32> -> vector<512x64xf32>
    %add3A_236 = arith.addf %add3A_221, %dot_general3A_235 : vector<512x64xf32>
    %get3A_237 = arith.constant 0 : index
    %get3A_238 = arith.constant 16 : index
    %get3A_239 = arith.constant 0 : index
    %get3A_240 = arith.constant 0 : index
    %get3A_241 = vector.load %arg1[%get3A_237, %get3A_238, %get3A_239, %get3A_240] : memref<64x41x8x128xf32, #tpu.memory_space<vmem>>, vector<64x1x8x128xf32>
    %get3A_242 = vector.shape_cast %get3A_241 : vector<64x1x8x128xf32> to vector<64x8x128xf32>
    %reshape3A_243 = vector.shape_cast %get3A_242 : vector<64x8x128xf32> to vector<512x128xf32>
    %get3A_244 = arith.constant 16 : index
    %get3A_245 = arith.constant 0 : index
    %get3A_246 = arith.constant 0 : index
    %get3A_247 = vector.load %arg3[%get3A_244, %get3A_245, %get3A_246] : memref<41x128x64xf32, #tpu.memory_space<vmem>>, vector<1x128x64xf32>
    %get3A_248 = vector.shape_cast %get3A_247 : vector<1x128x64xf32> to vector<128x64xf32>
    %dot_general3A_249 = arith.constant dense<0.000000e+00> : vector<512x64xf32>
    %dot_general3A_250 = tpu.matmul %reshape3A_243, %get3A_248, %dot_general3A_249 {dimension_numbers = #tpu.dot_dimension_numbers<[1], [0], [0], [1], [0, 0, 1, 1], [], []>, transpose_lhs_hint = false} : vector<512x128xf32>, vector<128x64xf32>, vector<512x64xf32> -> vector<512x64xf32>
    %add3A_251 = arith.addf %add3A_236, %dot_general3A_250 : vector<512x64xf32>
    %get3A_252 = arith.constant 0 : index
    %get3A_253 = arith.constant 17 : index
    %get3A_254 = arith.constant 0 : index
    %get3A_255 = arith.constant 0 : index
    %get3A_256 = vector.load %arg1[%get3A_252, %get3A_253, %get3A_254, %get3A_255] : memref<64x41x8x128xf32, #tpu.memory_space<vmem>>, vector<64x1x8x128xf32>
    %get3A_257 = vector.shape_cast %get3A_256 : vector<64x1x8x128xf32> to vector<64x8x128xf32>
    %reshape3A_258 = vector.shape_cast %get3A_257 : vector<64x8x128xf32> to vector<512x128xf32>
    %get3A_259 = arith.constant 17 : index
    %get3A_260 = arith.constant 0 : index
    %get3A_261 = arith.constant 0 : index
    %get3A_262 = vector.load %arg3[%get3A_259, %get3A_260, %get3A_261] : memref<41x128x64xf32, #tpu.memory_space<vmem>>, vector<1x128x64xf32>
    %get3A_263 = vector.shape_cast %get3A_262 : vector<1x128x64xf32> to vector<128x64xf32>
    %dot_general3A_264 = arith.constant dense<0.000000e+00> : vector<512x64xf32>
    %dot_general3A_265 = tpu.matmul %reshape3A_258, %get3A_263, %dot_general3A_264 {dimension_numbers = #tpu.dot_dimension_numbers<[1], [0], [0], [1], [0, 0, 1, 1], [], []>, transpose_lhs_hint = false} : vector<512x128xf32>, vector<128x64xf32>, vector<512x64xf32> -> vector<512x64xf32>
    %add3A_266 = arith.addf %add3A_251, %dot_general3A_265 : vector<512x64xf32>
    %get3A_267 = arith.constant 0 : index
    %get3A_268 = arith.constant 18 : index
    %get3A_269 = arith.constant 0 : index
    %get3A_270 = arith.constant 0 : index
    %get3A_271 = vector.load %arg1[%get3A_267, %get3A_268, %get3A_269, %get3A_270] : memref<64x41x8x128xf32, #tpu.memory_space<vmem>>, vector<64x1x8x128xf32>
    %get3A_272 = vector.shape_cast %get3A_271 : vector<64x1x8x128xf32> to vector<64x8x128xf32>
    %reshape3A_273 = vector.shape_cast %get3A_272 : vector<64x8x128xf32> to vector<512x128xf32>
    %get3A_274 = arith.constant 18 : index
    %get3A_275 = arith.constant 0 : index
    %get3A_276 = arith.constant 0 : index
    %get3A_277 = vector.load %arg3[%get3A_274, %get3A_275, %get3A_276] : memref<41x128x64xf32, #tpu.memory_space<vmem>>, vector<1x128x64xf32>
    %get3A_278 = vector.shape_cast %get3A_277 : vector<1x128x64xf32> to vector<128x64xf32>
    %dot_general3A_279 = arith.constant dense<0.000000e+00> : vector<512x64xf32>
    %dot_general3A_280 = tpu.matmul %reshape3A_273, %get3A_278, %dot_general3A_279 {dimension_numbers = #tpu.dot_dimension_numbers<[1], [0], [0], [1], [0, 0, 1, 1], [], []>, transpose_lhs_hint = false} : vector<512x128xf32>, vector<128x64xf32>, vector<512x64xf32> -> vector<512x64xf32>
    %add3A_281 = arith.addf %add3A_266, %dot_general3A_280 : vector<512x64xf32>
    %get3A_282 = arith.constant 0 : index
    %get3A_283 = arith.constant 19 : index
    %get3A_284 = arith.constant 0 : index
    %get3A_285 = arith.constant 0 : index
    %get3A_286 = vector.load %arg1[%get3A_282, %get3A_283, %get3A_284, %get3A_285] : memref<64x41x8x128xf32, #tpu.memory_space<vmem>>, vector<64x1x8x128xf32>
    %get3A_287 = vector.shape_cast %get3A_286 : vector<64x1x8x128xf32> to vector<64x8x128xf32>
    %reshape3A_288 = vector.shape_cast %get3A_287 : vector<64x8x128xf32> to vector<512x128xf32>
    %get3A_289 = arith.constant 19 : index
    %get3A_290 = arith.constant 0 : index
    %get3A_291 = arith.constant 0 : index
    %get3A_292 = vector.load %arg3[%get3A_289, %get3A_290, %get3A_291] : memref<41x128x64xf32, #tpu.memory_space<vmem>>, vector<1x128x64xf32>
    %get3A_293 = vector.shape_cast %get3A_292 : vector<1x128x64xf32> to vector<128x64xf32>
    %dot_general3A_294 = arith.constant dense<0.000000e+00> : vector<512x64xf32>
    %dot_general3A_295 = tpu.matmul %reshape3A_288, %get3A_293, %dot_general3A_294 {dimension_numbers = #tpu.dot_dimension_numbers<[1], [0], [0], [1], [0, 0, 1, 1], [], []>, transpose_lhs_hint = false} : vector<512x128xf32>, vector<128x64xf32>, vector<512x64xf32> -> vector<512x64xf32>
    %add3A_296 = arith.addf %add3A_281, %dot_general3A_295 : vector<512x64xf32>
    %get3A_297 = arith.constant 0 : index
    %get3A_298 = arith.constant 20 : index
    %get3A_299 = arith.constant 0 : index
    %get3A_300 = arith.constant 0 : index
    %get3A_301 = vector.load %arg1[%get3A_297, %get3A_298, %get3A_299, %get3A_300] : memref<64x41x8x128xf32, #tpu.memory_space<vmem>>, vector<64x1x8x128xf32>
    %get3A_302 = vector.shape_cast %get3A_301 : vector<64x1x8x128xf32> to vector<64x8x128xf32>
    %reshape3A_303 = vector.shape_cast %get3A_302 : vector<64x8x128xf32> to vector<512x128xf32>
    %get3A_304 = arith.constant 20 : index
    %get3A_305 = arith.constant 0 : index
    %get3A_306 = arith.constant 0 : index
    %get3A_307 = vector.load %arg3[%get3A_304, %get3A_305, %get3A_306] : memref<41x128x64xf32, #tpu.memory_space<vmem>>, vector<1x128x64xf32>
    %get3A_308 = vector.shape_cast %get3A_307 : vector<1x128x64xf32> to vector<128x64xf32>
    %dot_general3A_309 = arith.constant dense<0.000000e+00> : vector<512x64xf32>
    %dot_general3A_310 = tpu.matmul %reshape3A_303, %get3A_308, %dot_general3A_309 {dimension_numbers = #tpu.dot_dimension_numbers<[1], [0], [0], [1], [0, 0, 1, 1], [], []>, transpose_lhs_hint = false} : vector<512x128xf32>, vector<128x64xf32>, vector<512x64xf32> -> vector<512x64xf32>
    %add3A_311 = arith.addf %add3A_296, %dot_general3A_310 : vector<512x64xf32>
    %get3A_312 = arith.constant 0 : index
    %get3A_313 = arith.constant 21 : index
    %get3A_314 = arith.constant 0 : index
    %get3A_315 = arith.constant 0 : index
    %get3A_316 = vector.load %arg1[%get3A_312, %get3A_313, %get3A_314, %get3A_315] : memref<64x41x8x128xf32, #tpu.memory_space<vmem>>, vector<64x1x8x128xf32>
    %get3A_317 = vector.shape_cast %get3A_316 : vector<64x1x8x128xf32> to vector<64x8x128xf32>
    %reshape3A_318 = vector.shape_cast %get3A_317 : vector<64x8x128xf32> to vector<512x128xf32>
    %get3A_319 = arith.constant 21 : index
    %get3A_320 = arith.constant 0 : index
    %get3A_321 = arith.constant 0 : index
    %get3A_322 = vector.load %arg3[%get3A_319, %get3A_320, %get3A_321] : memref<41x128x64xf32, #tpu.memory_space<vmem>>, vector<1x128x64xf32>
    %get3A_323 = vector.shape_cast %get3A_322 : vector<1x128x64xf32> to vector<128x64xf32>
    %dot_general3A_324 = arith.constant dense<0.000000e+00> : vector<512x64xf32>
    %dot_general3A_325 = tpu.matmul %reshape3A_318, %get3A_323, %dot_general3A_324 {dimension_numbers = #tpu.dot_dimension_numbers<[1], [0], [0], [1], [0, 0, 1, 1], [], []>, transpose_lhs_hint = false} : vector<512x128xf32>, vector<128x64xf32>, vector<512x64xf32> -> vector<512x64xf32>
    %add3A_326 = arith.addf %add3A_311, %dot_general3A_325 : vector<512x64xf32>
    %get3A_327 = arith.constant 0 : index
    %get3A_328 = arith.constant 22 : index
    %get3A_329 = arith.constant 0 : index
    %get3A_330 = arith.constant 0 : index
    %get3A_331 = vector.load %arg1[%get3A_327, %get3A_328, %get3A_329, %get3A_330] : memref<64x41x8x128xf32, #tpu.memory_space<vmem>>, vector<64x1x8x128xf32>
    %get3A_332 = vector.shape_cast %get3A_331 : vector<64x1x8x128xf32> to vector<64x8x128xf32>
    %reshape3A_333 = vector.shape_cast %get3A_332 : vector<64x8x128xf32> to vector<512x128xf32>
    %get3A_334 = arith.constant 22 : index
    %get3A_335 = arith.constant 0 : index
    %get3A_336 = arith.constant 0 : index
    %get3A_337 = vector.load %arg3[%get3A_334, %get3A_335, %get3A_336] : memref<41x128x64xf32, #tpu.memory_space<vmem>>, vector<1x128x64xf32>
    %get3A_338 = vector.shape_cast %get3A_337 : vector<1x128x64xf32> to vector<128x64xf32>
    %dot_general3A_339 = arith.constant dense<0.000000e+00> : vector<512x64xf32>
    %dot_general3A_340 = tpu.matmul %reshape3A_333, %get3A_338, %dot_general3A_339 {dimension_numbers = #tpu.dot_dimension_numbers<[1], [0], [0], [1], [0, 0, 1, 1], [], []>, transpose_lhs_hint = false} : vector<512x128xf32>, vector<128x64xf32>, vector<512x64xf32> -> vector<512x64xf32>
    %add3A_341 = arith.addf %add3A_326, %dot_general3A_340 : vector<512x64xf32>
    %get3A_342 = arith.constant 0 : index
    %get3A_343 = arith.constant 23 : index
    %get3A_344 = arith.constant 0 : index
    %get3A_345 = arith.constant 0 : index
    %get3A_346 = vector.load %arg1[%get3A_342, %get3A_343, %get3A_344, %get3A_345] : memref<64x41x8x128xf32, #tpu.memory_space<vmem>>, vector<64x1x8x128xf32>
    %get3A_347 = vector.shape_cast %get3A_346 : vector<64x1x8x128xf32> to vector<64x8x128xf32>
    %reshape3A_348 = vector.shape_cast %get3A_347 : vector<64x8x128xf32> to vector<512x128xf32>
    %get3A_349 = arith.constant 23 : index
    %get3A_350 = arith.constant 0 : index
    %get3A_351 = arith.constant 0 : index
    %get3A_352 = vector.load %arg3[%get3A_349, %get3A_350, %get3A_351] : memref<41x128x64xf32, #tpu.memory_space<vmem>>, vector<1x128x64xf32>
    %get3A_353 = vector.shape_cast %get3A_352 : vector<1x128x64xf32> to vector<128x64xf32>
    %dot_general3A_354 = arith.constant dense<0.000000e+00> : vector<512x64xf32>
    %dot_general3A_355 = tpu.matmul %reshape3A_348, %get3A_353, %dot_general3A_354 {dimension_numbers = #tpu.dot_dimension_numbers<[1], [0], [0], [1], [0, 0, 1, 1], [], []>, transpose_lhs_hint = false} : vector<512x128xf32>, vector<128x64xf32>, vector<512x64xf32> -> vector<512x64xf32>
    %add3A_356 = arith.addf %add3A_341, %dot_general3A_355 : vector<512x64xf32>
    %get3A_357 = arith.constant 0 : index
    %get3A_358 = arith.constant 24 : index
    %get3A_359 = arith.constant 0 : index
    %get3A_360 = arith.constant 0 : index
    %get3A_361 = vector.load %arg1[%get3A_357, %get3A_358, %get3A_359, %get3A_360] : memref<64x41x8x128xf32, #tpu.memory_space<vmem>>, vector<64x1x8x128xf32>
    %get3A_362 = vector.shape_cast %get3A_361 : vector<64x1x8x128xf32> to vector<64x8x128xf32>
    %reshape3A_363 = vector.shape_cast %get3A_362 : vector<64x8x128xf32> to vector<512x128xf32>
    %get3A_364 = arith.constant 24 : index
    %get3A_365 = arith.constant 0 : index
    %get3A_366 = arith.constant 0 : index
    %get3A_367 = vector.load %arg3[%get3A_364, %get3A_365, %get3A_366] : memref<41x128x64xf32, #tpu.memory_space<vmem>>, vector<1x128x64xf32>
    %get3A_368 = vector.shape_cast %get3A_367 : vector<1x128x64xf32> to vector<128x64xf32>
    %dot_general3A_369 = arith.constant dense<0.000000e+00> : vector<512x64xf32>
    %dot_general3A_370 = tpu.matmul %reshape3A_363, %get3A_368, %dot_general3A_369 {dimension_numbers = #tpu.dot_dimension_numbers<[1], [0], [0], [1], [0, 0, 1, 1], [], []>, transpose_lhs_hint = false} : vector<512x128xf32>, vector<128x64xf32>, vector<512x64xf32> -> vector<512x64xf32>
    %add3A_371 = arith.addf %add3A_356, %dot_general3A_370 : vector<512x64xf32>
    %get3A_372 = arith.constant 0 : index
    %get3A_373 = arith.constant 25 : index
    %get3A_374 = arith.constant 0 : index
    %get3A_375 = arith.constant 0 : index
    %get3A_376 = vector.load %arg1[%get3A_372, %get3A_373, %get3A_374, %get3A_375] : memref<64x41x8x128xf32, #tpu.memory_space<vmem>>, vector<64x1x8x128xf32>
    %get3A_377 = vector.shape_cast %get3A_376 : vector<64x1x8x128xf32> to vector<64x8x128xf32>
    %reshape3A_378 = vector.shape_cast %get3A_377 : vector<64x8x128xf32> to vector<512x128xf32>
    %get3A_379 = arith.constant 25 : index
    %get3A_380 = arith.constant 0 : index
    %get3A_381 = arith.constant 0 : index
    %get3A_382 = vector.load %arg3[%get3A_379, %get3A_380, %get3A_381] : memref<41x128x64xf32, #tpu.memory_space<vmem>>, vector<1x128x64xf32>
    %get3A_383 = vector.shape_cast %get3A_382 : vector<1x128x64xf32> to vector<128x64xf32>
    %dot_general3A_384 = arith.constant dense<0.000000e+00> : vector<512x64xf32>
    %dot_general3A_385 = tpu.matmul %reshape3A_378, %get3A_383, %dot_general3A_384 {dimension_numbers = #tpu.dot_dimension_numbers<[1], [0], [0], [1], [0, 0, 1, 1], [], []>, transpose_lhs_hint = false} : vector<512x128xf32>, vector<128x64xf32>, vector<512x64xf32> -> vector<512x64xf32>
    %add3A_386 = arith.addf %add3A_371, %dot_general3A_385 : vector<512x64xf32>
    %get3A_387 = arith.constant 0 : index
    %get3A_388 = arith.constant 26 : index
    %get3A_389 = arith.constant 0 : index
    %get3A_390 = arith.constant 0 : index
    %get3A_391 = vector.load %arg1[%get3A_387, %get3A_388, %get3A_389, %get3A_390] : memref<64x41x8x128xf32, #tpu.memory_space<vmem>>, vector<64x1x8x128xf32>
    %get3A_392 = vector.shape_cast %get3A_391 : vector<64x1x8x128xf32> to vector<64x8x128xf32>
    %reshape3A_393 = vector.shape_cast %get3A_392 : vector<64x8x128xf32> to vector<512x128xf32>
    %get3A_394 = arith.constant 26 : index
    %get3A_395 = arith.constant 0 : index
    %get3A_396 = arith.constant 0 : index
    %get3A_397 = vector.load %arg3[%get3A_394, %get3A_395, %get3A_396] : memref<41x128x64xf32, #tpu.memory_space<vmem>>, vector<1x128x64xf32>
    %get3A_398 = vector.shape_cast %get3A_397 : vector<1x128x64xf32> to vector<128x64xf32>
    %dot_general3A_399 = arith.constant dense<0.000000e+00> : vector<512x64xf32>
    %dot_general3A_400 = tpu.matmul %reshape3A_393, %get3A_398, %dot_general3A_399 {dimension_numbers = #tpu.dot_dimension_numbers<[1], [0], [0], [1], [0, 0, 1, 1], [], []>, transpose_lhs_hint = false} : vector<512x128xf32>, vector<128x64xf32>, vector<512x64xf32> -> vector<512x64xf32>
    %add3A_401 = arith.addf %add3A_386, %dot_general3A_400 : vector<512x64xf32>
    %get3A_402 = arith.constant 0 : index
    %get3A_403 = arith.constant 27 : index
    %get3A_404 = arith.constant 0 : index
    %get3A_405 = arith.constant 0 : index
    %get3A_406 = vector.load %arg1[%get3A_402, %get3A_403, %get3A_404, %get3A_405] : memref<64x41x8x128xf32, #tpu.memory_space<vmem>>, vector<64x1x8x128xf32>
    %get3A_407 = vector.shape_cast %get3A_406 : vector<64x1x8x128xf32> to vector<64x8x128xf32>
    %reshape3A_408 = vector.shape_cast %get3A_407 : vector<64x8x128xf32> to vector<512x128xf32>
    %get3A_409 = arith.constant 27 : index
    %get3A_410 = arith.constant 0 : index
    %get3A_411 = arith.constant 0 : index
    %get3A_412 = vector.load %arg3[%get3A_409, %get3A_410, %get3A_411] : memref<41x128x64xf32, #tpu.memory_space<vmem>>, vector<1x128x64xf32>
    %get3A_413 = vector.shape_cast %get3A_412 : vector<1x128x64xf32> to vector<128x64xf32>
    %dot_general3A_414 = arith.constant dense<0.000000e+00> : vector<512x64xf32>
    %dot_general3A_415 = tpu.matmul %reshape3A_408, %get3A_413, %dot_general3A_414 {dimension_numbers = #tpu.dot_dimension_numbers<[1], [0], [0], [1], [0, 0, 1, 1], [], []>, transpose_lhs_hint = false} : vector<512x128xf32>, vector<128x64xf32>, vector<512x64xf32> -> vector<512x64xf32>
    %add3A_416 = arith.addf %add3A_401, %dot_general3A_415 : vector<512x64xf32>
    %get3A_417 = arith.constant 0 : index
    %get3A_418 = arith.constant 28 : index
    %get3A_419 = arith.constant 0 : index
    %get3A_420 = arith.constant 0 : index
    %get3A_421 = vector.load %arg1[%get3A_417, %get3A_418, %get3A_419, %get3A_420] : memref<64x41x8x128xf32, #tpu.memory_space<vmem>>, vector<64x1x8x128xf32>
    %get3A_422 = vector.shape_cast %get3A_421 : vector<64x1x8x128xf32> to vector<64x8x128xf32>
    %reshape3A_423 = vector.shape_cast %get3A_422 : vector<64x8x128xf32> to vector<512x128xf32>
    %get3A_424 = arith.constant 28 : index
    %get3A_425 = arith.constant 0 : index
    %get3A_426 = arith.constant 0 : index
    %get3A_427 = vector.load %arg3[%get3A_424, %get3A_425, %get3A_426] : memref<41x128x64xf32, #tpu.memory_space<vmem>>, vector<1x128x64xf32>
    %get3A_428 = vector.shape_cast %get3A_427 : vector<1x128x64xf32> to vector<128x64xf32>
    %dot_general3A_429 = arith.constant dense<0.000000e+00> : vector<512x64xf32>
    %dot_general3A_430 = tpu.matmul %reshape3A_423, %get3A_428, %dot_general3A_429 {dimension_numbers = #tpu.dot_dimension_numbers<[1], [0], [0], [1], [0, 0, 1, 1], [], []>, transpose_lhs_hint = false} : vector<512x128xf32>, vector<128x64xf32>, vector<512x64xf32> -> vector<512x64xf32>
    %add3A_431 = arith.addf %add3A_416, %dot_general3A_430 : vector<512x64xf32>
    %get3A_432 = arith.constant 0 : index
    %get3A_433 = arith.constant 29 : index
    %get3A_434 = arith.constant 0 : index
    %get3A_435 = arith.constant 0 : index
    %get3A_436 = vector.load %arg1[%get3A_432, %get3A_433, %get3A_434, %get3A_435] : memref<64x41x8x128xf32, #tpu.memory_space<vmem>>, vector<64x1x8x128xf32>
    %get3A_437 = vector.shape_cast %get3A_436 : vector<64x1x8x128xf32> to vector<64x8x128xf32>
    %reshape3A_438 = vector.shape_cast %get3A_437 : vector<64x8x128xf32> to vector<512x128xf32>
    %get3A_439 = arith.constant 29 : index
    %get3A_440 = arith.constant 0 : index
    %get3A_441 = arith.constant 0 : index
    %get3A_442 = vector.load %arg3[%get3A_439, %get3A_440, %get3A_441] : memref<41x128x64xf32, #tpu.memory_space<vmem>>, vector<1x128x64xf32>
    %get3A_443 = vector.shape_cast %get3A_442 : vector<1x128x64xf32> to vector<128x64xf32>
    %dot_general3A_444 = arith.constant dense<0.000000e+00> : vector<512x64xf32>
    %dot_general3A_445 = tpu.matmul %reshape3A_438, %get3A_443, %dot_general3A_444 {dimension_numbers = #tpu.dot_dimension_numbers<[1], [0], [0], [1], [0, 0, 1, 1], [], []>, transpose_lhs_hint = false} : vector<512x128xf32>, vector<128x64xf32>, vector<512x64xf32> -> vector<512x64xf32>
    %add3A_446 = arith.addf %add3A_431, %dot_general3A_445 : vector<512x64xf32>
    %get3A_447 = arith.constant 0 : index
    %get3A_448 = arith.constant 30 : index
    %get3A_449 = arith.constant 0 : index
    %get3A_450 = arith.constant 0 : index
    %get3A_451 = vector.load %arg1[%get3A_447, %get3A_448, %get3A_449, %get3A_450] : memref<64x41x8x128xf32, #tpu.memory_space<vmem>>, vector<64x1x8x128xf32>
    %get3A_452 = vector.shape_cast %get3A_451 : vector<64x1x8x128xf32> to vector<64x8x128xf32>
    %reshape3A_453 = vector.shape_cast %get3A_452 : vector<64x8x128xf32> to vector<512x128xf32>
    %get3A_454 = arith.constant 30 : index
    %get3A_455 = arith.constant 0 : index
    %get3A_456 = arith.constant 0 : index
    %get3A_457 = vector.load %arg3[%get3A_454, %get3A_455, %get3A_456] : memref<41x128x64xf32, #tpu.memory_space<vmem>>, vector<1x128x64xf32>
    %get3A_458 = vector.shape_cast %get3A_457 : vector<1x128x64xf32> to vector<128x64xf32>
    %dot_general3A_459 = arith.constant dense<0.000000e+00> : vector<512x64xf32>
    %dot_general3A_460 = tpu.matmul %reshape3A_453, %get3A_458, %dot_general3A_459 {dimension_numbers = #tpu.dot_dimension_numbers<[1], [0], [0], [1], [0, 0, 1, 1], [], []>, transpose_lhs_hint = false} : vector<512x128xf32>, vector<128x64xf32>, vector<512x64xf32> -> vector<512x64xf32>
    %add3A_461 = arith.addf %add3A_446, %dot_general3A_460 : vector<512x64xf32>
    %get3A_462 = arith.constant 0 : index
    %get3A_463 = arith.constant 31 : index
    %get3A_464 = arith.constant 0 : index
    %get3A_465 = arith.constant 0 : index
    %get3A_466 = vector.load %arg1[%get3A_462, %get3A_463, %get3A_464, %get3A_465] : memref<64x41x8x128xf32, #tpu.memory_space<vmem>>, vector<64x1x8x128xf32>
    %get3A_467 = vector.shape_cast %get3A_466 : vector<64x1x8x128xf32> to vector<64x8x128xf32>
    %reshape3A_468 = vector.shape_cast %get3A_467 : vector<64x8x128xf32> to vector<512x128xf32>
    %get3A_469 = arith.constant 31 : index
    %get3A_470 = arith.constant 0 : index
    %get3A_471 = arith.constant 0 : index
    %get3A_472 = vector.load %arg3[%get3A_469, %get3A_470, %get3A_471] : memref<41x128x64xf32, #tpu.memory_space<vmem>>, vector<1x128x64xf32>
    %get3A_473 = vector.shape_cast %get3A_472 : vector<1x128x64xf32> to vector<128x64xf32>
    %dot_general3A_474 = arith.constant dense<0.000000e+00> : vector<512x64xf32>
    %dot_general3A_475 = tpu.matmul %reshape3A_468, %get3A_473, %dot_general3A_474 {dimension_numbers = #tpu.dot_dimension_numbers<[1], [0], [0], [1], [0, 0, 1, 1], [], []>, transpose_lhs_hint = false} : vector<512x128xf32>, vector<128x64xf32>, vector<512x64xf32> -> vector<512x64xf32>
    %add3A_476 = arith.addf %add3A_461, %dot_general3A_475 : vector<512x64xf32>
    %get3A_477 = arith.constant 0 : index
    %get3A_478 = arith.constant 32 : index
    %get3A_479 = arith.constant 0 : index
    %get3A_480 = arith.constant 0 : index
    %get3A_481 = vector.load %arg1[%get3A_477, %get3A_478, %get3A_479, %get3A_480] : memref<64x41x8x128xf32, #tpu.memory_space<vmem>>, vector<64x1x8x128xf32>
    %get3A_482 = vector.shape_cast %get3A_481 : vector<64x1x8x128xf32> to vector<64x8x128xf32>
    %reshape3A_483 = vector.shape_cast %get3A_482 : vector<64x8x128xf32> to vector<512x128xf32>
    %get3A_484 = arith.constant 32 : index
    %get3A_485 = arith.constant 0 : index
    %get3A_486 = arith.constant 0 : index
    %get3A_487 = vector.load %arg3[%get3A_484, %get3A_485, %get3A_486] : memref<41x128x64xf32, #tpu.memory_space<vmem>>, vector<1x128x64xf32>
    %get3A_488 = vector.shape_cast %get3A_487 : vector<1x128x64xf32> to vector<128x64xf32>
    %dot_general3A_489 = arith.constant dense<0.000000e+00> : vector<512x64xf32>
    %dot_general3A_490 = tpu.matmul %reshape3A_483, %get3A_488, %dot_general3A_489 {dimension_numbers = #tpu.dot_dimension_numbers<[1], [0], [0], [1], [0, 0, 1, 1], [], []>, transpose_lhs_hint = false} : vector<512x128xf32>, vector<128x64xf32>, vector<512x64xf32> -> vector<512x64xf32>
    %add3A_491 = arith.addf %add3A_476, %dot_general3A_490 : vector<512x64xf32>
    %get3A_492 = arith.constant 0 : index
    %get3A_493 = arith.constant 33 : index
    %get3A_494 = arith.constant 0 : index
    %get3A_495 = arith.constant 0 : index
    %get3A_496 = vector.load %arg1[%get3A_492, %get3A_493, %get3A_494, %get3A_495] : memref<64x41x8x128xf32, #tpu.memory_space<vmem>>, vector<64x1x8x128xf32>
    %get3A_497 = vector.shape_cast %get3A_496 : vector<64x1x8x128xf32> to vector<64x8x128xf32>
    %reshape3A_498 = vector.shape_cast %get3A_497 : vector<64x8x128xf32> to vector<512x128xf32>
    %get3A_499 = arith.constant 33 : index
    %get3A_500 = arith.constant 0 : index
    %get3A_501 = arith.constant 0 : index
    %get3A_502 = vector.load %arg3[%get3A_499, %get3A_500, %get3A_501] : memref<41x128x64xf32, #tpu.memory_space<vmem>>, vector<1x128x64xf32>
    %get3A_503 = vector.shape_cast %get3A_502 : vector<1x128x64xf32> to vector<128x64xf32>
    %dot_general3A_504 = arith.constant dense<0.000000e+00> : vector<512x64xf32>
    %dot_general3A_505 = tpu.matmul %reshape3A_498, %get3A_503, %dot_general3A_504 {dimension_numbers = #tpu.dot_dimension_numbers<[1], [0], [0], [1], [0, 0, 1, 1], [], []>, transpose_lhs_hint = false} : vector<512x128xf32>, vector<128x64xf32>, vector<512x64xf32> -> vector<512x64xf32>
    %add3A_506 = arith.addf %add3A_491, %dot_general3A_505 : vector<512x64xf32>
    %get3A_507 = arith.constant 0 : index
    %get3A_508 = arith.constant 34 : index
    %get3A_509 = arith.constant 0 : index
    %get3A_510 = arith.constant 0 : index
    %get3A_511 = vector.load %arg1[%get3A_507, %get3A_508, %get3A_509, %get3A_510] : memref<64x41x8x128xf32, #tpu.memory_space<vmem>>, vector<64x1x8x128xf32>
    %get3A_512 = vector.shape_cast %get3A_511 : vector<64x1x8x128xf32> to vector<64x8x128xf32>
    %reshape3A_513 = vector.shape_cast %get3A_512 : vector<64x8x128xf32> to vector<512x128xf32>
    %get3A_514 = arith.constant 34 : index
    %get3A_515 = arith.constant 0 : index
    %get3A_516 = arith.constant 0 : index
    %get3A_517 = vector.load %arg3[%get3A_514, %get3A_515, %get3A_516] : memref<41x128x64xf32, #tpu.memory_space<vmem>>, vector<1x128x64xf32>
    %get3A_518 = vector.shape_cast %get3A_517 : vector<1x128x64xf32> to vector<128x64xf32>
    %dot_general3A_519 = arith.constant dense<0.000000e+00> : vector<512x64xf32>
    %dot_general3A_520 = tpu.matmul %reshape3A_513, %get3A_518, %dot_general3A_519 {dimension_numbers = #tpu.dot_dimension_numbers<[1], [0], [0], [1], [0, 0, 1, 1], [], []>, transpose_lhs_hint = false} : vector<512x128xf32>, vector<128x64xf32>, vector<512x64xf32> -> vector<512x64xf32>
    %add3A_521 = arith.addf %add3A_506, %dot_general3A_520 : vector<512x64xf32>
    %get3A_522 = arith.constant 0 : index
    %get3A_523 = arith.constant 35 : index
    %get3A_524 = arith.constant 0 : index
    %get3A_525 = arith.constant 0 : index
    %get3A_526 = vector.load %arg1[%get3A_522, %get3A_523, %get3A_524, %get3A_525] : memref<64x41x8x128xf32, #tpu.memory_space<vmem>>, vector<64x1x8x128xf32>
    %get3A_527 = vector.shape_cast %get3A_526 : vector<64x1x8x128xf32> to vector<64x8x128xf32>
    %reshape3A_528 = vector.shape_cast %get3A_527 : vector<64x8x128xf32> to vector<512x128xf32>
    %get3A_529 = arith.constant 35 : index
    %get3A_530 = arith.constant 0 : index
    %get3A_531 = arith.constant 0 : index
    %get3A_532 = vector.load %arg3[%get3A_529, %get3A_530, %get3A_531] : memref<41x128x64xf32, #tpu.memory_space<vmem>>, vector<1x128x64xf32>
    %get3A_533 = vector.shape_cast %get3A_532 : vector<1x128x64xf32> to vector<128x64xf32>
    %dot_general3A_534 = arith.constant dense<0.000000e+00> : vector<512x64xf32>
    %dot_general3A_535 = tpu.matmul %reshape3A_528, %get3A_533, %dot_general3A_534 {dimension_numbers = #tpu.dot_dimension_numbers<[1], [0], [0], [1], [0, 0, 1, 1], [], []>, transpose_lhs_hint = false} : vector<512x128xf32>, vector<128x64xf32>, vector<512x64xf32> -> vector<512x64xf32>
    %add3A_536 = arith.addf %add3A_521, %dot_general3A_535 : vector<512x64xf32>
    %get3A_537 = arith.constant 0 : index
    %get3A_538 = arith.constant 36 : index
    %get3A_539 = arith.constant 0 : index
    %get3A_540 = arith.constant 0 : index
    %get3A_541 = vector.load %arg1[%get3A_537, %get3A_538, %get3A_539, %get3A_540] : memref<64x41x8x128xf32, #tpu.memory_space<vmem>>, vector<64x1x8x128xf32>
    %get3A_542 = vector.shape_cast %get3A_541 : vector<64x1x8x128xf32> to vector<64x8x128xf32>
    %reshape3A_543 = vector.shape_cast %get3A_542 : vector<64x8x128xf32> to vector<512x128xf32>
    %get3A_544 = arith.constant 36 : index
    %get3A_545 = arith.constant 0 : index
    %get3A_546 = arith.constant 0 : index
    %get3A_547 = vector.load %arg3[%get3A_544, %get3A_545, %get3A_546] : memref<41x128x64xf32, #tpu.memory_space<vmem>>, vector<1x128x64xf32>
    %get3A_548 = vector.shape_cast %get3A_547 : vector<1x128x64xf32> to vector<128x64xf32>
    %dot_general3A_549 = arith.constant dense<0.000000e+00> : vector<512x64xf32>
    %dot_general3A_550 = tpu.matmul %reshape3A_543, %get3A_548, %dot_general3A_549 {dimension_numbers = #tpu.dot_dimension_numbers<[1], [0], [0], [1], [0, 0, 1, 1], [], []>, transpose_lhs_hint = false} : vector<512x128xf32>, vector<128x64xf32>, vector<512x64xf32> -> vector<512x64xf32>
    %add3A_551 = arith.addf %add3A_536, %dot_general3A_550 : vector<512x64xf32>
    %get3A_552 = arith.constant 0 : index
    %get3A_553 = arith.constant 37 : index
    %get3A_554 = arith.constant 0 : index
    %get3A_555 = arith.constant 0 : index
    %get3A_556 = vector.load %arg1[%get3A_552, %get3A_553, %get3A_554, %get3A_555] : memref<64x41x8x128xf32, #tpu.memory_space<vmem>>, vector<64x1x8x128xf32>
    %get3A_557 = vector.shape_cast %get3A_556 : vector<64x1x8x128xf32> to vector<64x8x128xf32>
    %reshape3A_558 = vector.shape_cast %get3A_557 : vector<64x8x128xf32> to vector<512x128xf32>
    %get3A_559 = arith.constant 37 : index
    %get3A_560 = arith.constant 0 : index
    %get3A_561 = arith.constant 0 : index
    %get3A_562 = vector.load %arg3[%get3A_559, %get3A_560, %get3A_561] : memref<41x128x64xf32, #tpu.memory_space<vmem>>, vector<1x128x64xf32>
    %get3A_563 = vector.shape_cast %get3A_562 : vector<1x128x64xf32> to vector<128x64xf32>
    %dot_general3A_564 = arith.constant dense<0.000000e+00> : vector<512x64xf32>
    %dot_general3A_565 = tpu.matmul %reshape3A_558, %get3A_563, %dot_general3A_564 {dimension_numbers = #tpu.dot_dimension_numbers<[1], [0], [0], [1], [0, 0, 1, 1], [], []>, transpose_lhs_hint = false} : vector<512x128xf32>, vector<128x64xf32>, vector<512x64xf32> -> vector<512x64xf32>
    %add3A_566 = arith.addf %add3A_551, %dot_general3A_565 : vector<512x64xf32>
    %get3A_567 = arith.constant 0 : index
    %get3A_568 = arith.constant 38 : index
    %get3A_569 = arith.constant 0 : index
    %get3A_570 = arith.constant 0 : index
    %get3A_571 = vector.load %arg1[%get3A_567, %get3A_568, %get3A_569, %get3A_570] : memref<64x41x8x128xf32, #tpu.memory_space<vmem>>, vector<64x1x8x128xf32>
    %get3A_572 = vector.shape_cast %get3A_571 : vector<64x1x8x128xf32> to vector<64x8x128xf32>
    %reshape3A_573 = vector.shape_cast %get3A_572 : vector<64x8x128xf32> to vector<512x128xf32>
    %get3A_574 = arith.constant 38 : index
    %get3A_575 = arith.constant 0 : index
    %get3A_576 = arith.constant 0 : index
    %get3A_577 = vector.load %arg3[%get3A_574, %get3A_575, %get3A_576] : memref<41x128x64xf32, #tpu.memory_space<vmem>>, vector<1x128x64xf32>
    %get3A_578 = vector.shape_cast %get3A_577 : vector<1x128x64xf32> to vector<128x64xf32>
    %dot_general3A_579 = arith.constant dense<0.000000e+00> : vector<512x64xf32>
    %dot_general3A_580 = tpu.matmul %reshape3A_573, %get3A_578, %dot_general3A_579 {dimension_numbers = #tpu.dot_dimension_numbers<[1], [0], [0], [1], [0, 0, 1, 1], [], []>, transpose_lhs_hint = false} : vector<512x128xf32>, vector<128x64xf32>, vector<512x64xf32> -> vector<512x64xf32>
    %add3A_581 = arith.addf %add3A_566, %dot_general3A_580 : vector<512x64xf32>
    %get3A_582 = arith.constant 0 : index
    %get3A_583 = arith.constant 39 : index
    %get3A_584 = arith.constant 0 : index
    %get3A_585 = arith.constant 0 : index
    %get3A_586 = vector.load %arg1[%get3A_582, %get3A_583, %get3A_584, %get3A_585] : memref<64x41x8x128xf32, #tpu.memory_space<vmem>>, vector<64x1x8x128xf32>
    %get3A_587 = vector.shape_cast %get3A_586 : vector<64x1x8x128xf32> to vector<64x8x128xf32>
    %reshape3A_588 = vector.shape_cast %get3A_587 : vector<64x8x128xf32> to vector<512x128xf32>
    %get3A_589 = arith.constant 39 : index
    %get3A_590 = arith.constant 0 : index
    %get3A_591 = arith.constant 0 : index
    %get3A_592 = vector.load %arg3[%get3A_589, %get3A_590, %get3A_591] : memref<41x128x64xf32, #tpu.memory_space<vmem>>, vector<1x128x64xf32>
    %get3A_593 = vector.shape_cast %get3A_592 : vector<1x128x64xf32> to vector<128x64xf32>
    %dot_general3A_594 = arith.constant dense<0.000000e+00> : vector<512x64xf32>
    %dot_general3A_595 = tpu.matmul %reshape3A_588, %get3A_593, %dot_general3A_594 {dimension_numbers = #tpu.dot_dimension_numbers<[1], [0], [0], [1], [0, 0, 1, 1], [], []>, transpose_lhs_hint = false} : vector<512x128xf32>, vector<128x64xf32>, vector<512x64xf32> -> vector<512x64xf32>
    %add3A_596 = arith.addf %add3A_581, %dot_general3A_595 : vector<512x64xf32>
    %get3A_597 = arith.constant 0 : index
    %get3A_598 = arith.constant 40 : index
    %get3A_599 = arith.constant 0 : index
    %get3A_600 = arith.constant 0 : index
    %get3A_601 = vector.load %arg1[%get3A_597, %get3A_598, %get3A_599, %get3A_600] : memref<64x41x8x128xf32, #tpu.memory_space<vmem>>, vector<64x1x8x128xf32>
    %get3A_602 = vector.shape_cast %get3A_601 : vector<64x1x8x128xf32> to vector<64x8x128xf32>
    %reshape3A_603 = vector.shape_cast %get3A_602 : vector<64x8x128xf32> to vector<512x128xf32>
    %get3A_604 = arith.constant 40 : index
    %get3A_605 = arith.constant 0 : index
    %get3A_606 = arith.constant 0 : index
    %get3A_607 = vector.load %arg3[%get3A_604, %get3A_605, %get3A_606] : memref<41x128x64xf32, #tpu.memory_space<vmem>>, vector<1x128x64xf32>
    %get3A_608 = vector.shape_cast %get3A_607 : vector<1x128x64xf32> to vector<128x64xf32>
    %dot_general3A_609 = arith.constant dense<0.000000e+00> : vector<512x64xf32>
    %dot_general3A_610 = tpu.matmul %reshape3A_603, %get3A_608, %dot_general3A_609 {dimension_numbers = #tpu.dot_dimension_numbers<[1], [0], [0], [1], [0, 0, 1, 1], [], []>, transpose_lhs_hint = false} : vector<512x128xf32>, vector<128x64xf32>, vector<512x64xf32> -> vector<512x64xf32>
    %add3A_611 = arith.addf %add3A_596, %dot_general3A_610 : vector<512x64xf32>
    %mul3A = arith.constant 0.999989986 : f32
    %mul3A_612 = vector.broadcast %mul3A : f32 to vector<512x64xf32>
    %mul3A_613 = arith.mulf %add3A_611, %mul3A_612 : vector<512x64xf32>
    %get3A_614 = arith.constant 0 : index
    %get3A_615 = arith.constant 0 : index
    %get3A_616 = vector.load %arg4[%get3A_614, %get3A_615] : memref<1x64xf32, #tpu.memory_space<vmem>>, vector<1x64xf32>
    %mul3A_617 = arith.constant 0.999994993 : f32
    %mul3A_618 = vector.broadcast %mul3A_617 : f32 to vector<1x64xf32>
    %mul3A_619 = arith.mulf %get3A_616, %mul3A_618 : vector<1x64xf32>
    %add3A_620 = vector.broadcast %mul3A_619 : vector<1x64xf32> to vector<512x64xf32>
    %add3A_621 = arith.addf %mul3A_613, %add3A_620 : vector<512x64xf32>
    %max3A = arith.constant 0.000000e+00 : f32
    %max3A_622 = vector.broadcast %max3A : f32 to vector<512x64xf32>
    %max3A_623 = arith.maximumf %add3A_621, %max3A_622 : vector<512x64xf32>
    %get3A_624 = arith.constant 0 : index
    %get3A_625 = arith.constant 0 : index
    %get3A_626 = vector.load %arg5[%get3A_624, %get3A_625] : memref<64x32xf32, #tpu.memory_space<vmem>>, vector<64x32xf32>
    %dot_general3A_627 = arith.constant dense<0.000000e+00> : vector<512x32xf32>
    %dot_general3A_628 = tpu.matmul %max3A_623, %get3A_626, %dot_general3A_627 {dimension_numbers = #tpu.dot_dimension_numbers<[1], [0], [0], [1], [0, 0, 1, 1], [], []>, transpose_lhs_hint = false} : vector<512x64xf32>, vector<64x32xf32>, vector<512x32xf32> -> vector<512x32xf32>
    %mul3A_629 = arith.constant 0.999994993 : f32
    %mul3A_630 = vector.broadcast %mul3A_629 : f32 to vector<512x32xf32>
    %mul3A_631 = arith.mulf %dot_general3A_628, %mul3A_630 : vector<512x32xf32>
    %get3A_632 = arith.constant 0 : index
    %get3A_633 = arith.constant 0 : index
    %get3A_634 = vector.load %arg6[%get3A_632, %get3A_633] : memref<1x32xf32, #tpu.memory_space<vmem>>, vector<1x32xf32>
    %mul3A_635 = arith.constant 0.999994993 : f32
    %mul3A_636 = vector.broadcast %mul3A_635 : f32 to vector<1x32xf32>
    %mul3A_637 = arith.mulf %get3A_634, %mul3A_636 : vector<1x32xf32>
    %add3A_638 = vector.broadcast %mul3A_637 : vector<1x32xf32> to vector<512x32xf32>
    %add3A_639 = arith.addf %mul3A_631, %add3A_638 : vector<512x32xf32>
    %max3A_640 = arith.constant 0.000000e+00 : f32
    %max3A_641 = vector.broadcast %max3A_640 : f32 to vector<512x32xf32>
    %max3A_642 = arith.maximumf %add3A_639, %max3A_641 : vector<512x32xf32>
    %get3A_643 = arith.constant 0 : index
    %get3A_644 = arith.constant 0 : index
    %get3A_645 = vector.load %arg7[%get3A_643, %get3A_644] : memref<1x32xf32, #tpu.memory_space<vmem>>, vector<1x32xf32>
    %mul3A_646 = vector.broadcast %get3A_645 : vector<1x32xf32> to vector<512x32xf32>
    %mul3A_647 = arith.mulf %max3A_642, %mul3A_646 : vector<512x32xf32>
    %reduce_sum3A = arith.constant dense<0.000000e+00> : vector<512xf32>
    %reduce_sum3A_648 = vector.multi_reduction <add>, %mul3A_647, %reduce_sum3A [1] : vector<512x32xf32> to vector<512xf32>
    %get3A_649 = arith.constant 0 : index
    %get3A_650 = vector.load %arg2[%get3A_649] : memref<512xf32, #tpu.memory_space<vmem>>, vector<512xf32>
    %add3A_651 = arith.addf %get3A_650, %reduce_sum3A_648 : vector<512xf32>
    %get3A_652 = arith.constant 0 : index
    %get3A_653 = memref.load %arg8[%get3A_652] : memref<1xf32, #tpu.memory_space<smem>>
    %add3A_654 = vector.broadcast %get3A_653 : f32 to vector<512xf32>
    %add3A_655 = arith.addf %add3A_651, %add3A_654 : vector<512xf32>
    %logistic3A = arith.negf %add3A_655 : vector<512xf32>
    %logistic3A_656 = math.exp %logistic3A : vector<512xf32>
    %logistic3A_657 = arith.constant 1.000000e+00 : f32
    %logistic3A_658 = vector.broadcast %logistic3A_657 : f32 to vector<512xf32>
    %logistic3A_659 = arith.addf %logistic3A_658, %logistic3A_656 : vector<512xf32>
    %logistic3A_660 = arith.divf %logistic3A_658, %logistic3A_659 : vector<512xf32>
    %swap3A = arith.constant 0 : index
    %swap3A_661 = vector.load %arg9[%swap3A] : memref<512xf32, #tpu.memory_space<vmem>>, vector<512xf32>
    tpu.vector_store %arg9[%swap3A], %logistic3A_660 {strides = array<i32>} : memref<512xf32, #tpu.memory_space<vmem>>, vector<512xf32>,
    return
  }
  func.func @transform_0(%arg0: i32) -> (i32, i32, i32, i32) {
    %c0_i32 = arith.constant 0 : i32
    %c0_i32_0 = arith.constant 0 : i32
    %c0_i32_1 = arith.constant 0 : i32
    %c0_i32_2 = arith.constant 0 : i32
    return %arg0, %c0_i32, %c0_i32_0, %c0_i32_1 : i32, i32, i32, i32
  }
  func.func @transform_1(%arg0: i32) -> i32 {
    %c0_i32 = arith.constant 0 : i32
    return %arg0 : i32
  }
  func.func @transform_2(%arg0: i32) -> (i32, i32, i32) {
    %c0_i32 = arith.constant 0 : i32
    %c0_i32_0 = arith.constant 0 : i32
    %c0_i32_1 = arith.constant 0 : i32
    %c0_i32_2 = arith.constant 0 : i32
    return %c0_i32, %c0_i32_0, %c0_i32_1 : i32, i32, i32
  }
  func.func @transform_3(%arg0: i32) -> (i32, i32) {
    %c0_i32 = arith.constant 0 : i32
    %c0_i32_0 = arith.constant 0 : i32
    %c0_i32_1 = arith.constant 0 : i32
    return %c0_i32, %c0_i32_0 : i32, i32
  }
  func.func @transform_4(%arg0: i32) -> (i32, i32) {
    %c0_i32 = arith.constant 0 : i32
    %c0_i32_0 = arith.constant 0 : i32
    %c0_i32_1 = arith.constant 0 : i32
    return %c0_i32, %c0_i32_0 : i32, i32
  }
  func.func @transform_5(%arg0: i32) -> (i32, i32) {
    %c0_i32 = arith.constant 0 : i32
    %c0_i32_0 = arith.constant 0 : i32
    %c0_i32_1 = arith.constant 0 : i32
    return %c0_i32, %c0_i32_0 : i32, i32
  }
  func.func @transform_6(%arg0: i32) -> (i32, i32) {
    %c0_i32 = arith.constant 0 : i32
    %c0_i32_0 = arith.constant 0 : i32
    %c0_i32_1 = arith.constant 0 : i32
    return %c0_i32, %c0_i32_0 : i32, i32
  }
  func.func @transform_7(%arg0: i32) -> i32 {
    %c0_i32 = arith.constant 0 : i32
    %c0_i32_0 = arith.constant 0 : i32
    return %c0_i32 : i32
  }
  func.func @transform_8(%arg0: i32) -> i32 {
    %c0_i32 = arith.constant 0 : i32
    return %arg0 : i32
  }
}

</mosaic_0001>

<sc_bundles>
// kernel: kernel.6.cloned.1.call-start
scs
__scs_entry_jumppad:
0x0: {  	(pc) =	sbr.rel $0x88, $3  }
0x1: {  	(tag) =	ssettag $0x0;
	lr =	simm.s32 $0x1  }
0x2: {  	[smem:$0x3F97] =	sst lr;
	_ =	strace $0xD0000000  }
0x3: {  	_ = 	snop  }
0x4: {  	_ = 	snop  }
0x5: {  	_ = 	snop  }
0x6: {  	_ = 	snop  }
0x7: {  	_ = 	snop  }
__scs_overlays_trampoline_lowered:
0x8: {  	[smem:$0x3FA6] =	sst s0  }
0x9: {  	[smem:$0x3FA7] =	sst s1  }
0xa: {  	[smem:$0x3FA8] =	sst s2  }
0xb: {  	[smem:$0x3FA9] =	sst s3  }
0xc: {  	[smem:$0x3FAA] =	sst s4  }
0xd: {  	[smem:$0x3FAB] =	sst s5  }
0xe: {  	[smem:$0x3FAC] =	sst s6  }
0xf: {  	[smem:$0x3FAD] =	sst s7  }
0x10: {  	[smem:$0x3FAE] =	sst s8  }
0x11: {  	[smem:$0x3FAF] =	sst s9;
	s0 =	simm.s32 @!p0 $0x0  }
0x12: {  	s1 =	sld [smem:$0x3F95];
	s0 =	simm.s32 @p0 $0x1  }
0x13: {  	[smem:$0x3FB0] =	sst s0;
	s0 =	simm.s32 @!p1 $0x0  }
0x14: {  	s2 =	sld [smem:$0x3F94];
	s0 =	simm.s32 @p1 $0x1  }
0x15: {  	[smem:$0x3FB1] =	sst s0;
	s0 =	simm.s32 @!p2 $0x0  }
0x16: {  	s3 =	sld [smem:$0x3FDB];
	s0 =	simm.s32 @p2 $0x1  }
0x17: {  	s4 =	simm.s32 $0x1BF5;
	[smem:$0x3FB3] =	sst s0  }
0x18: {  	s0 =	sld [smem:$0x3F96];
	_ =	swait.ge [sflag:s4], $0x0  }
0x19: {  	s7 =	sld [smem:$0x3F97]  }
0x1a: {  	s8 =	sadd.s32 $0xFFFFE003, lr  }
0x1b: {  	s9 =	sadd.s32 $0xFFFFFEF7, lr;
	s5 =	simm.s32 $0xFFFFFFFF;
	p2 =	slt.u32 s8, $0xFFFFF086  }
0x1c: {  	p1 =	slt.u32 s9, $0xF7A;
	s5 =	simm.s32 @!p2 $0x0  }
0x1d: {  	s5 =	simm.s32 @p1 $0x1;
	p0 =	seq.s32 s7, s2  }
0x1e: {  	s7 =	smul.u32 @!p0 $0xF7A, s2;
	p2 =	seq.s32 @!p0 s5, $0x0  }
0x1f: {  	s9 =	smul.u32 $0xF7A, s1;
	s8 =	simm.s32 @!p0 $0x1BF5;
	p2 =	por !p2, p0  }
0x20: {  	[sflag:s8] =	ssyncset.s32 @!p0 $0xFFFFF086;
	s6 =	sadd.s32 @!p0 s3, s7;
	s7 =	simm.s32 @!p0 $0x108  }
0x21: {  	s3 =	sadd.s32 s3, s9;
	s6 =	sadd.s32 @!p0 $0x88, s6;
	s7 =	simm.s32 @p2 $0x1082  }
0x22: {  	[simem:s7], [sflag:s8] =	dma.local @!p0 [hbm:s6], $0xF7A  }
0x23: {  	s9 =	sor.u32 $0xD0000000, s2;
	s6 =	simm.s32 $0x108;
	_ =	swait.ge @!p0 [sflag:s8], $0x0  }
0x24: {  	s3 =	sadd.s32 $0x88, s3;
	s6 =	simm.s32 @!p1 $0x1082;
	[sflag:s4] =	ssyncset.s32 $0xFFFFF086  }
0x25: {  	[simem:s6], [sflag:s4] =	dma.local [hbm:s3], $0xF7A  }
0x26: {  	[smem:$0x3F97] =	sst s1;
	(tag) =	ssettag s2;
	_ =	strace s9  }
0x27: {  	s1 =	sld [smem:$0x3FA7]  }
0x28: {  	s2 =	sld [smem:$0x3FA8]  }
0x29: {  	s4 =	sld [smem:$0x3FAA]  }
0x2a: {  	p0 =	seq.s32 s5, $0x0;
	s5 =	sld [smem:$0x3FAB]  }
0x2b: {  	s6 =	sld [smem:$0x3FAC]  }
0x2c: {  	s7 =	sld [smem:$0x3FAD]  }
0x2d: {  	s3 =	simm.s32 $0x108;
	s8 =	sld [smem:$0x3FAE]  }
0x2e: {  	s3 =	simm.s32 @!p0 $0x1082;
	s9 =	sld [smem:$0x3FAF]  }
0x2f: {  	lr =	sadd.s32 s0, s3;
	s0 =	sld [smem:$0x3FA6]  }
0x30: {  	s3 =	sld [smem:$0x3FA9]  }
0x31: {  	[smem:$0x3FB2] =	sst s10  }
0x32: {  	s10 =	sld [smem:$0x3FB0];
	_ =	sdelay $0x3  }
0x33: {  	p0 =	seq.s32 s10, $0x1;
	s10 =	sld [smem:$0x3FB2];
	_ =	sdelay $0x3  }
0x34: {  	[smem:$0x3FB2] =	sst s10  }
0x35: {  	s10 =	sld [smem:$0x3FB1];
	_ =	sdelay $0x3  }
0x36: {  	p1 =	seq.s32 s10, $0x1;
	s10 =	sld [smem:$0x3FB2];
	_ =	sdelay $0x3  }
0x37: {  	[smem:$0x3FB2] =	sst s10  }
0x38: {  	s10 =	sld [smem:$0x3FB3]  }
0x39: {  	_ = 	snop;
	(pc) =	sbr.ind lr, $3  }
0x3a: {  	_ = 	snop  }
0x3b: {  	_ = 	snop  }
0x3c: {  	p2 =	seq.s32 s10, $0x1;
	s10 =	sld [smem:$0x3FB2]  }
0x3d: {  	_ =	shalt  }
0x3e: {  	_ =	shalt  }
0x3f: {  	_ =	shalt  }
0x40: {  	_ =	shalt  }
0x41: {  	_ =	shalt  }
0x42: {  	_ =	shalt  }
0x43: {  	_ =	shalt  }
0x44: {  	_ =	shalt  }
0x45: {  	_ =	shalt  }
0x46: {  	_ =	shalt  }
0x47: {  	_ =	shalt  }
0x48: {  	_ =	shalt  }
0x49: {  	_ =	shalt  }
0x4a: {  	_ =	shalt  }
0x4b: {  	_ =	shalt  }
0x4c: {  	_ =	shalt  }
0x4d: {  	_ =	shalt  }
0x4e: {  	_ =	shalt  }
0x4f: {  	_ =	shalt  }
0x50: {  	_ =	shalt  }
0x51: {  	_ =	shalt  }
0x52: {  	_ =	shalt  }
0x53: {  	_ =	shalt  }
0x54: {  	_ =	shalt  }
0x55: {  	_ =	shalt  }
0x56: {  	_ =	shalt  }
0x57: {  	_ =	shalt  }
0x58: {  	_ =	shalt  }
0x59: {  	_ =	shalt  }
0x5a: {  	_ =	shalt  }
0x5b: {  	_ =	shalt  }
0x5c: {  	_ =	shalt  }
0x5d: {  	_ =	shalt  }
0x5e: {  	_ =	shalt  }
0x5f: {  	_ =	shalt  }
0x60: {  	_ =	shalt  }
0x61: {  	_ =	shalt  }
0x62: {  	_ =	shalt  }
0x63: {  	_ =	shalt  }
0x64: {  	_ =	shalt  }
0x65: {  	_ =	shalt  }
0x66: {  	_ =	shalt  }
0x67: {  	_ =	shalt  }
0x68: {  	_ =	shalt  }
0x69: {  	_ =	shalt  }
0x6a: {  	_ =	shalt  }
0x6b: {  	_ =	shalt  }
0x6c: {  	_ =	shalt  }
0x6d: {  	_ =	shalt  }
0x6e: {  	_ =	shalt  }
0x6f: {  	_ =	shalt  }
0x70: {  	_ =	shalt  }
0x71: {  	_ =	shalt  }
0x72: {  	_ =	shalt  }
0x73: {  	_ =	shalt  }
0x74: {  	_ =	shalt  }
0x75: {  	_ =	shalt  }
0x76: {  	_ =	shalt  }
0x77: {  	_ =	shalt  }
0x78: {  	_ =	shalt  }
0x79: {  	_ =	shalt  }
0x7a: {  	_ =	shalt  }
0x7b: {  	_ =	shalt  }
0x7c: {  	_ =	shalt  }
0x7d: {  	_ =	shalt  }
0x7e: {  	_ =	shalt  }
0x7f: {  	_ =	shalt  }
0x80: {  	_ =	shalt  }
0x81: {  	_ =	shalt  }
0x82: {  	_ =	shalt  }
0x83: {  	_ =	shalt  }
0x84: {  	_ =	shalt  }
0x85: {  	_ =	shalt  }
0x86: {  	_ =	shalt  }
0x87: {  	_ =	shalt  }
.Lfunc_end0:
.L_simem_size_0:
called_computation_lowered:
.L_overlay_start_0:
0x88: {  	s2 =	sld [smem:$0x3FD9]  }
0x89: {  	s3 =	sld [smem:$0x3FFE];
	_ =	sdelay $0x1  }
0x8a: {  	s1 =	srdreg.scid  }
0x8b: {  	s0 =	sand.u32 $0x1, s1  }
0x8c: {  	s17 =	sshll.u32 s0, $0xA;
	s2 =	sadd.s32 s3, s2  }
0x8d: {  	s2 =	sadd.s32 s2, s17  }
0x8e: {  	[smem:$0x3FBE] =	sst s2  }
0x8f: {  	_ = 	snop  }
0x90: {  	s2 =	sld [smem:$0x3FD0];
	(tm) =	ssettm $0x1  }
0x91: {  	s18 =	sld [smem:$0x3FFB];
	_ =	sdelay $0x3  }
0x92: {  	_ =	strace s18  }
0x93: {  	s3 =	sld [smem:$0x3FFC];
	_ =	sdelay $0x3  }
0x94: {  	_ =	strace s3  }
0x95: {  	s3 =	sld [smem:$0x3FFD];
	_ =	sdelay $0x3  }
0x96: {  	_ =	strace s3  }
0x97: {  	_ =	strace $0x8FFFFFFF  }
0x98: {  	s19 =	sld [smem:$0x3FDB];
	_ =	sdelay $0x1  }
0x99: {  	s4 =	simm.s32 $_scs_section_size  }
0x9a: {  	s5 =	simm.s32 $_size__tile_overlayer_lowered;
	s6 =	simm.s32 $_tile_overlayer_lowered  }
0x9b: {  	s22 =	simm.s32 $0x1BFF;
	s21 =	sshll.u32 s6, $0x1;
	s3 =	sadd.s32 s4, s19  }
0x9c: {  	s7 =	simm.s32 $0x0;
	s20 =	sshll.u32 s5, $0x1;
	s5 =	sadd.s32 s21, s3  }
0x9d: {  	[timem:s7], [sflag:s22] =	dma.local [hbm:s5], s20  }
0x9e: {  	_ =	swait.ge [sflag:s22], s20  }
0x9f: {  	s4 =	ssub.s32 $0x0, s20;
	[sflag:s22] =	ssyncset.done $0x0  }
0xa0: {  	[sflag:s22] =	ssyncadd.s32 s4;
	_ =	sdelay $0x1  }
0xa1: {  	s23 =	simm.s32 $0x1B8B  }
0xa2: {  	_ =	swait.ge [sflag:s23], $0x1  }
0xa3: {  	[sflag:s23] =	ssyncset.done $0x0  }
0xa4: {  	s25 =	simm.s32 $0x1B8E;
	s24 =	sld [smem:$0x3FFE];
	[sflag:s23] =	ssyncadd.s32 $0xFFFFFFFF  }
0xa5: {  	s26 =	simm.s32 $execute0_lowered;
	[smem:$0x3FD2] =	sst s25  }
0xa6: {  	s5 =	sshll.u32 s26, $0x1;
	_ =	strace $0x80000046;
	[dreg:$0x1] =	wrdreg $0xFFFFFFFF  }
0xa7: {  	s28 =	simm.s32 $_size_execute0_lowered;
	s3 =	sadd.s32 s3, s5;
	[dreg:$0x0] =	wrdreg $0x0  }
0xa8: {  	s5 =	sshll.u32 s28, $0x1;
	[dreg:$0x2] =	wrdreg s3  }
0xa9: {  	[dreg:$0x3] =	wrdreg s5  }
0xaa: {  	[dreg:$0x4] =	wrdreg $0xC0  }
0xab: {  	_ =	task [dreg:s7], $0x5FFFF  }
0xac: {  	[dreg:$0x1] =	wrdreg $0xFFFFFFFF  }
0xad: {  	[dreg:$0x0] =	wrdreg $0x60  }
0xae: {  	[dreg:$0x2] =	wrdreg s24  }
0xaf: {  	[dreg:$0x3] =	wrdreg s2  }
0xb0: {  	[dreg:$0x4] =	wrdreg $0x9  }
0xb1: {  	_ =	task.clear_ibuf [dreg:s7], $0x5FFFF;
	_ =	strace $0x90000046  }
0xb2: {  	s29 =	simm.s32 $0x9;
	_ =	strace $0x80000048  }
0xb3: {  	_ =	swait.ge [sflag:s29], $0x1  }
0xb4: {  	[sflag:s29] =	ssyncadd.s32 $0xFFFFFFFF  }
0xb5: {  	_ =	strace $0x90000048  }
0xb6: {  	_ =	sfence  }
0xb7: {  	s30 =	sld [smem:$0x0];
	_ =	sdelay $0x2  }
0xb8: {  	s31 =	sshll.u32 s1, $0xD;
	s1 =	sshrl.u32 s1, $0x2  }
0xb9: {  	s3 =	sand.u32 $0x4000, s31;
	s1 =	sadd.s32 s1, s30  }
0xba: {  	s0 =	sor.u32 s3, s0;
	s1 =	sshll.u32 s1, $0x11  }
0xbb: {  	s0 =	sor.u32 s1, s0  }
0xbc: {  	s0 =	sadd.s32 $0x8F2B, s0  }
0xbd: {  	[sflag:s0] =	ssyncadd.remote.s32 $0x1  }
0xbe: {  	_ =	sfence.sel $0xFFFF  }
0xbf: {  	[dreg:$0x0] =	wrdreg $0xFFFFFFFF;
	(pc) =	sbr.abs _section_cstart, $3  }
0xc0: {  	[dreg:$0x1] =	wrdreg $0xFFFFFFFF  }
0xc1: {  	_ =	task.clear_ibuf [dreg:s7], $0x2FFFF;
	_ =	strace $0x9FFFFFFF  }
0xc2: {  	(tm) =	ssettm $0x7FFFFFFF  }
0xc3: {  	_ =	shalt  }
tec
execute0_lowered:
.L_overlay_start_1:
0x0: {  	(tag) =	ssettag $0x1  }
0x1: {  	s0 =	rddreg [dreg:$0x0]  }
0x2: {  	s1 =	rddreg [dreg:$0x1]  }
0x3: {  	s2 =	simm.s32 $0x0;
	s10 =	stileid.u32;
	s5 =	srdreg.scid  }
0x4: {  	s14 =	simm.s32 $0x200;
	s15 =	simm.s32 $0x1000;
	s16 =	simm.s32 $0x5  }
0x5: {  	s17 =	simm.s32 $0x80;
	s18 =	simm.s32 $0x2000;
	s19 =	simm.s32 $0x4000  }
0x6: {  	s20 =	simm.s32 $0x2800;
	s22 =	simm.s32 $0x4800;
	s29 =	simm.s32 $0x3800  }
0x7: {  	s31 =	simm.s32 $0x5800;
	s11 =	simm.s32 $0x400;
	s21 =	simm.s32 $0x4  }
0x8: {  	s28 =	simm.s32 $0x3;
	[smem:$0x7FF] =	sst s2;
	s3 =	sadd.s32 $0x27AEC00, s0  }
0x9: {  	s4 =	sadd.s32 $0x5A00, s0;
	s23 =	sshll.u32 s10, $0x5;
	s6 =	sadd.s32 $0x2EA00, s0  }
0xa: {  	s5 =	sand.u32 $0x1, s5;
	_ =	strace $0x80000047;
	[dreg:$0x3] =	wrdreg s4  }
0xb: {  	s8 =	sshll.u32 s10, $0x1;
	[dreg:$0x4] =	wrdreg s6;
	s4 =	sadd.s32 s23, s0  }
0xc: {  	s6 =	sadd.s32 $0x2800, s0;
	s7 =	ssub.s32 $0x2, s5;
	s0 =	sadd.s32 $0x5AE00, s0  }
0xd: {  	s9 =	sor.u32 s5, s8;
	s8 =	sshrl.u32 s10, $0x2;
	s5 =	sshll.u32 s5, $0x4  }
0xe: {  	s23 =	simm.s32 $0x16000;
	[dreg:$0x5] =	wrdreg s0;
	s24 =	sshrl.u32 s7, $0x1  }
0xf: {  	s25 =	sand.u32 $0x7, s9;
	s9 =	sshll.u32 s9, $0x4;
	s30 =	sadd.s32 s5, s4  }
0x10: {  	s5 =	simm.s32 $0x0;
	s0 =	ssub.s32 s7, s24;
	s26 =	sshll.u32 s25, $0x6  }
0x11: {  	s10 =	smul.u32 $0x290000, s25;
	s1 =	sadd.s32 s1, s9;
	s13 =	sadd.s32 $0x57A00, s30  }
0x12: {  	s24 =	simm.s32 $0x3000;
	s25 =	simm.s32 $0x16080;
	[dreg:$0x6] =	wrdreg s26  }
0x13: {  	[dreg:$0x7] =	wrdreg s1;
	s0 =	smax.u32 s0, $0x1;
	s26 =	simm.s32 $0x5000  }
0x14: {  	v0 =	vimm.f32 $0.0e+00;
	s1 =	simm.s32 $0x2;
	[dreg:$0x8] =	wrdreg s0;
	s0 =	simm.s32 $0x1  }
.LBB2_1:
.Ltmp0:
0x15: {  	(pc) =	sbr.rel .LBB2_2-.Ltmp0, $2  }
0x16: {  	_ =	sdelay $0x2  }
0x17: {  	[dreg:$0x9] =	wrdreg s5;
	s30 =	simm.s32 $0x0  }
.LBB2_20:
0x18: {  	s30 =	sadd.s32 $0x1, s30  }
0x19: {  	p0 =	sne.s32 s30, $0xB  }
.Ltmp1:
0x1a: {  	_ = 	snop;
	(pc) =	sbr.rel @!p0 .LBB2_21-.Ltmp1, $1  }
0x1b: {  	_ =	sdelay $0x3  }
.LBB2_2:
0x1c: {  	s4 =	sshll.u32 s30, $0x2  }
0x1d: {  	s12 =	sor.u32 s8, s4  }
0x1e: {  	p0 =	sgt.u32 s12, $0x28  }
.Ltmp2:
0x1f: {  	_ = 	snop;
	(pc) =	sbr.rel @p0 .LBB2_20-.Ltmp2, $1  }
0x20: {  	_ =	sdelay $0x3  }
0x21: {  	s4 =	sshll.u32 s12, $0xC;
	s5 =	rddreg [dreg:$0x6]  }
0x22: {  	s7 =	rddreg [dreg:$0x3];
	s4 =	sor.u32 s5, s4  }
0x23: {  	s5 =	sadd.s32 s7, s4  }
0x24: {  	[tilespmem:s2], [sflag:$0x5] =	stream.strided.gather [hbm4b:s5+s14], $0x1000, s15, s14, $0x38;
	[tilespmem:$0x16180] =	vst v63  }
0x25: {  	_ =	swait.ge [sflag:s16], $0x1000  }
0x26: {  	[sflag:s16] =	ssyncset.done $0x0;
	s9 =	rddreg [dreg:$0x4]  }
0x27: {  	[sflag:s16] =	ssyncadd.s32 $0xFFFFF000;
	s4 =	sadd.s32 s9, s4  }
0x28: {  	[tilespmem:s15], [sflag:$0x5] =	stream.strided.gather [hbm4b:s4+s14], $0x1000, s15, s14, $0x38;
	[tilespmem:$0x16180] =	vst v63  }
0x29: {  	_ =	swait.ge [sflag:s16], $0x1000  }
0x2a: {  	[sflag:s16] =	ssyncset.done $0x0  }
0x2b: {  	[sflag:s16] =	ssyncadd.s32 $0xFFFFF000  }
0x2c: {  	[tilespmem:s18], [sflag:$0x1] =	stream.indirect.gather [hbm4b:s3+s17], $0x10, s2, s17, $0xb8;
	[tilespmem:$0x16180] =	vst v63  }
0x2d: {  	_ = 	snop  }
0x2e: {  	[tilespmem:s19], [sflag:$0x2] =	stream.indirect.gather [hbm4b:s3+s17], $0x10, s15, s17, $0xb8;
	[tilespmem:$0x16180] =	vst v63  }
0x2f: {  	_ = 	snop  }
0x30: {  	[tilespmem:s20], [sflag:$0x1] =	stream.indirect.gather [hbm4b:s3+s17], $0x10, s17, s17, $0xb8;
	[tilespmem:$0x16180] =	vst v63  }
0x31: {  	s7 =	simm.s32 $0x1080  }
0x32: {  	[tilespmem:s22], [sflag:$0x2] =	stream.indirect.gather [hbm4b:s3+s17], $0x10, s7, s17, $0xb8;
	[tilespmem:$0x16180] =	vst v63  }
0x33: {  	s9 =	simm.s32 $0x100  }
0x34: {  	[tilespmem:s24], [sflag:$0x1] =	stream.indirect.gather [hbm4b:s3+s17], $0x10, s9, s17, $0xb8;
	[tilespmem:$0x16180] =	vst v63  }
0x35: {  	s5 =	simm.s32 $0x1100  }
0x36: {  	[tilespmem:s26], [sflag:$0x2] =	stream.indirect.gather [hbm4b:s3+s17], $0x10, s5, s17, $0xb8;
	[tilespmem:$0x16180] =	vst v63  }
0x37: {  	s7 =	simm.s32 $0x180  }
0x38: {  	[tilespmem:s29], [sflag:$0x1] =	stream.indirect.gather [hbm4b:s3+s17], $0x10, s7, s17, $0xb8;
	[tilespmem:$0x16180] =	vst v63  }
0x39: {  	s9 =	simm.s32 $0x1180  }
0x3a: {  	[tilespmem:s31], [sflag:$0x2] =	stream.indirect.gather [hbm4b:s3+s17], $0x10, s9, s17, $0xb8;
	[tilespmem:$0x16180] =	vst v63  }
0x3b: {  	_ =	swait.ge [sflag:s0], $0x800  }
0x3c: {  	[sflag:s0] =	ssyncset.done $0x0  }
0x3d: {  	[sflag:s0] =	ssyncadd.s32 $0xFFFFF800  }
0x3e: {  	_ =	swait.ge [sflag:s1], $0x800  }
0x3f: {  	[sflag:s1] =	ssyncset.done $0x0  }
0x40: {  	[sflag:s1] =	ssyncadd.s32 $0xFFFFF800  }
0x41: {  	_ =	swait.ge [sflag:s0], $0x800  }
0x42: {  	[sflag:s0] =	ssyncset.done $0x0  }
0x43: {  	[sflag:s0] =	ssyncadd.s32 $0xFFFFF800  }
0x44: {  	_ =	swait.ge [sflag:s1], $0x800  }
0x45: {  	[sflag:s1] =	ssyncset.done $0x0  }
0x46: {  	[sflag:s1] =	ssyncadd.s32 $0xFFFFF800  }
0x47: {  	_ =	swait.ge [sflag:s0], $0x800  }
0x48: {  	[sflag:s0] =	ssyncset.done $0x0  }
0x49: {  	[sflag:s0] =	ssyncadd.s32 $0xFFFFF800  }
0x4a: {  	_ =	swait.ge [sflag:s1], $0x800  }
0x4b: {  	[sflag:s1] =	ssyncset.done $0x0  }
0x4c: {  	[sflag:s1] =	ssyncadd.s32 $0xFFFFF800  }
0x4d: {  	_ =	swait.ge [sflag:s0], $0x800  }
0x4e: {  	[sflag:s0] =	ssyncset.done $0x0  }
0x4f: {  	[sflag:s0] =	ssyncadd.s32 $0xFFFFF800  }
0x50: {  	_ =	swait.ge [sflag:s1], $0x800  }
0x51: {  	[sflag:s1] =	ssyncset.done $0x0  }
0x52: {  	s9 =	simm.s32 $0x2040;
	[sflag:s1] =	ssyncadd.s32 $0xFFFFF800  }
0x53: {  	s4 =	simm.s32 $0x4040;
	v2 =	vld [tilespmem:s9+$0x30]  }
0x54: {  	v3 =	vld [tilespmem:s4+$0x30]  }
0x55: {  	v1 =	vld [tilespmem:s4+$0xFFFFFFC0]  }
0x56: {  	v4 =	vld [tilespmem:s9+$0xFFFFFFD0]  }
0x57: {  	v5 =	vld [tilespmem:s4+$0xFFFFFFD0]  }
0x58: {  	v6 =	vld [tilespmem:s9+$0xFFFFFFE0]  }
0x59: {  	v7 =	vld [tilespmem:s4+$0xFFFFFFE0]  }
0x5a: {  	v8 =	vld [tilespmem:s9+$0xFFFFFFF0]  }
0x5b: {  	v9 =	vld [tilespmem:s4+$0xFFFFFFF0]  }
0x5c: {  	v10 =	vld [tilespmem:s9+$0x0]  }
0x5d: {  	v11 =	vld [tilespmem:s4+$0x0];
	v3 =	vmul.f32 v3, v2  }
0x5e: {  	s5 =	simm.s32 $0x6200;
	v5 =	vmul.f32 v5, v4;
	v2 =	vld [tilespmem:s9+$0x10]  }
0x5f: {  	v6 =	vmul.f32 v7, v6;
	v4 =	vld [tilespmem:s4+$0x10];
	[tilespmem:s5+$0x180] =	vst v3  }
0x60: {  	v7 =	vmul.f32 v9, v8;
	[tilespmem:s5+$0xFFFFFE80] =	vst v5;
	v3 =	vld [tilespmem:s9+$0x20]  }
0x61: {  	[tilespmem:s5+$0xFFFFFF00] =	vst v6;
	v6 =	vld [tilespmem:s4+$0x20]  }
0x62: {  	s7 =	simm.s32 $0x0;
	v5 =	vld [tilespmem:s9+$0xFFFFFFC0];
	[tilespmem:s5+$0xFFFFFF80] =	vst v7;
	v7 =	vmul.f32 v11, v10;
	s9 =	simm.s32 $0x20C0  }
.LBB2_4:
0x63: {  	v8 =	vld [tilespmem:s9+$0x30];
	s4 =	sadd.s32 $0x80, s4  }
0x64: {  	s7 =	sadd.s32 $0x8, s7;
	v9 =	vld [tilespmem:s4+$0x30];
	[tilespmem:s5+$0x0] =	vst v7;
	v2 =	vmul.f32 v4, v2  }
0x65: {  	p0 =	slt.u32 s7, $0x1F8;
	v4 =	vld [tilespmem:s4+$0xFFFFFFC0]  }
0x66: {  	v7 =	vld [tilespmem:s9+$0xFFFFFFD0];
	[tilespmem:s5+$0x80] =	vst v2;
	v2 =	vmul.f32 v6, v3  }
0x67: {  	v3 =	vld [tilespmem:s4+$0xFFFFFFD0];
	v10 =	vmul.f32 v1, v5  }
0x68: {  	v5 =	vld [tilespmem:s9+$0xFFFFFFE0];
	[tilespmem:s5+$0x100] =	vst v2  }
0x69: {  	v2 =	vld [tilespmem:s4+$0xFFFFFFE0];
	v6 =	vmul.f32 v9, v8;
	[tilespmem:s5+$0xFFFFFE00] =	vst v10  }
0x6a: {  	s5 =	sadd.s32 $0x400, s5;
	v8 =	vld [tilespmem:s9+$0xFFFFFFF0];
	v1 =	vmov v4  }
0x6b: {  	v9 =	vld [tilespmem:s4+$0xFFFFFFF0];
	[tilespmem:s5+$0x180] =	vst v6  }
0x6c: {  	v3 =	vmul.f32 v3, v7;
	v7 =	vld [tilespmem:s9+$0x0]  }
0x6d: {  	v10 =	vld [tilespmem:s4+$0x0]  }
.Ltmp3:
0x6e: {  	[tilespmem:s5+$0xFFFFFE80] =	vst v3;
	v3 =	vmul.f32 v2, v5;
	v2 =	vld [tilespmem:s9+$0x10];
	(pc) =	sbr.rel @p0 .LBB2_4-.Ltmp3, $4  }
0x6f: {  	v4 =	vld [tilespmem:s4+$0x10]  }
0x70: {  	[tilespmem:s5+$0xFFFFFF00] =	vst v3;
	v8 =	vmul.f32 v9, v8;
	v3 =	vld [tilespmem:s9+$0x20]  }
0x71: {  	v6 =	vld [tilespmem:s4+$0x20]  }
0x72: {  	v5 =	vld [tilespmem:s9+$0xFFFFFFC0];
	[tilespmem:s5+$0xFFFFFF80] =	vst v8;
	v7 =	vmul.f32 v10, v7;
	s9 =	sadd.s32 $0x80, s9  }
0x73: {  	_ =	sdelay $0x1  }
0x74: {  	v2 =	vmul.f32 v4, v2  }
0x75: {  	[tilespmem:s5+$0x0] =	vst v7;
	v3 =	vmul.f32 v6, v3  }
0x76: {  	[tilespmem:s5+$0x80] =	vst v2;
	v1 =	vmul.f32 v1, v5  }
0x77: {  	[tilespmem:s5+$0x100] =	vst v3  }
0x78: {  	[tilespmem:s5+$0xFFFFFE00] =	vst v1  }
0x79: {  	[tilespmem:s18], [sflag:$0x1] =	stream.indirect.gather [hbm4b:s3+s17], $0x10, s14, s17, $0xb8;
	[tilespmem:$0x16180] =	vst v63  }
0x7a: {  	s4 =	simm.s32 $0x1200  }
0x7b: {  	[tilespmem:s19], [sflag:$0x2] =	stream.indirect.gather [hbm4b:s3+s17], $0x10, s4, s17, $0xb8;
	[tilespmem:$0x16180] =	vst v63  }
0x7c: {  	s5 =	simm.s32 $0x280  }
0x7d: {  	[tilespmem:s20], [sflag:$0x1] =	stream.indirect.gather [hbm4b:s3+s17], $0x10, s5, s17, $0xb8;
	[tilespmem:$0x16180] =	vst v63  }
0x7e: {  	s7 =	simm.s32 $0x1280  }
0x7f: {  	[tilespmem:s22], [sflag:$0x2] =	stream.indirect.gather [hbm4b:s3+s17], $0x10, s7, s17, $0xb8;
	[tilespmem:$0x16180] =	vst v63  }
0x80: {  	s9 =	simm.s32 $0x300  }
0x81: {  	[tilespmem:s24], [sflag:$0x1] =	stream.indirect.gather [hbm4b:s3+s17], $0x10, s9, s17, $0xb8;
	[tilespmem:$0x16180] =	vst v63  }
0x82: {  	s5 =	simm.s32 $0x1300  }
0x83: {  	[tilespmem:s26], [sflag:$0x2] =	stream.indirect.gather [hbm4b:s3+s17], $0x10, s5, s17, $0xb8;
	[tilespmem:$0x16180] =	vst v63  }
0x84: {  	s7 =	simm.s32 $0x380  }
0x85: {  	[tilespmem:s29], [sflag:$0x1] =	stream.indirect.gather [hbm4b:s3+s17], $0x10, s7, s17, $0xb8;
	[tilespmem:$0x16180] =	vst v63  }
0x86: {  	s9 =	simm.s32 $0x1380  }
0x87: {  	[tilespmem:s31], [sflag:$0x2] =	stream.indirect.gather [hbm4b:s3+s17], $0x10, s9, s17, $0xb8;
	[tilespmem:$0x16180] =	vst v63  }
0x88: {  	_ =	swait.ge [sflag:s0], $0x800  }
0x89: {  	[sflag:s0] =	ssyncset.done $0x0  }
0x8a: {  	[sflag:s0] =	ssyncadd.s32 $0xFFFFF800  }
0x8b: {  	_ =	swait.ge [sflag:s1], $0x800  }
0x8c: {  	[sflag:s1] =	ssyncset.done $0x0  }
0x8d: {  	[sflag:s1] =	ssyncadd.s32 $0xFFFFF800  }
0x8e: {  	_ =	swait.ge [sflag:s0], $0x800  }
0x8f: {  	[sflag:s0] =	ssyncset.done $0x0  }
0x90: {  	[sflag:s0] =	ssyncadd.s32 $0xFFFFF800  }
0x91: {  	_ =	swait.ge [sflag:s1], $0x800  }
0x92: {  	[sflag:s1] =	ssyncset.done $0x0  }
0x93: {  	[sflag:s1] =	ssyncadd.s32 $0xFFFFF800  }
0x94: {  	_ =	swait.ge [sflag:s0], $0x800  }
0x95: {  	[sflag:s0] =	ssyncset.done $0x0  }
0x96: {  	[sflag:s0] =	ssyncadd.s32 $0xFFFFF800  }
0x97: {  	_ =	swait.ge [sflag:s1], $0x800  }
0x98: {  	[sflag:s1] =	ssyncset.done $0x0  }
0x99: {  	[sflag:s1] =	ssyncadd.s32 $0xFFFFF800  }
0x9a: {  	_ =	swait.ge [sflag:s0], $0x800  }
0x9b: {  	[sflag:s0] =	ssyncset.done $0x0  }
0x9c: {  	[sflag:s0] =	ssyncadd.s32 $0xFFFFF800  }
0x9d: {  	_ =	swait.ge [sflag:s1], $0x800  }
0x9e: {  	[sflag:s1] =	ssyncset.done $0x0  }
0x9f: {  	s9 =	simm.s32 $0x2040;
	[sflag:s1] =	ssyncadd.s32 $0xFFFFF800  }
0xa0: {  	s4 =	simm.s32 $0x4040;
	v2 =	vld [tilespmem:s9+$0x30]  }
0xa1: {  	v3 =	vld [tilespmem:s4+$0x30]  }
0xa2: {  	v1 =	vld [tilespmem:s4+$0xFFFFFFC0]  }
0xa3: {  	v4 =	vld [tilespmem:s9+$0xFFFFFFD0]  }
0xa4: {  	v5 =	vld [tilespmem:s4+$0xFFFFFFD0]  }
0xa5: {  	v6 =	vld [tilespmem:s9+$0xFFFFFFE0]  }
0xa6: {  	v7 =	vld [tilespmem:s4+$0xFFFFFFE0]  }
0xa7: {  	v8 =	vld [tilespmem:s9+$0xFFFFFFF0]  }
0xa8: {  	v9 =	vld [tilespmem:s4+$0xFFFFFFF0]  }
0xa9: {  	v10 =	vld [tilespmem:s9+$0x0]  }
0xaa: {  	v11 =	vld [tilespmem:s4+$0x0];
	v3 =	vmul.f32 v3, v2  }
0xab: {  	s5 =	simm.s32 $0x6210;
	v5 =	vmul.f32 v5, v4;
	v2 =	vld [tilespmem:s9+$0x10]  }
0xac: {  	v6 =	vmul.f32 v7, v6;
	v4 =	vld [tilespmem:s4+$0x10];
	[tilespmem:s5+$0x180] =	vst v3  }
0xad: {  	v7 =	vmul.f32 v9, v8;
	[tilespmem:s5+$0xFFFFFE80] =	vst v5;
	v3 =	vld [tilespmem:s9+$0x20]  }
0xae: {  	[tilespmem:s5+$0xFFFFFF00] =	vst v6;
	v6 =	vld [tilespmem:s4+$0x20]  }
0xaf: {  	s7 =	simm.s32 $0x0;
	v5 =	vld [tilespmem:s9+$0xFFFFFFC0];
	[tilespmem:s5+$0xFFFFFF80] =	vst v7;
	v7 =	vmul.f32 v11, v10;
	s9 =	simm.s32 $0x20C0  }
.LBB2_6:
0xb0: {  	v8 =	vld [tilespmem:s9+$0x30];
	s4 =	sadd.s32 $0x80, s4  }
0xb1: {  	s7 =	sadd.s32 $0x8, s7;
	v9 =	vld [tilespmem:s4+$0x30];
	[tilespmem:s5+$0x0] =	vst v7;
	v2 =	vmul.f32 v4, v2  }
0xb2: {  	p0 =	slt.u32 s7, $0x1F8;
	v4 =	vld [tilespmem:s4+$0xFFFFFFC0]  }
0xb3: {  	v7 =	vld [tilespmem:s9+$0xFFFFFFD0];
	[tilespmem:s5+$0x80] =	vst v2;
	v2 =	vmul.f32 v6, v3  }
0xb4: {  	v3 =	vld [tilespmem:s4+$0xFFFFFFD0];
	v10 =	vmul.f32 v1, v5  }
0xb5: {  	v5 =	vld [tilespmem:s9+$0xFFFFFFE0];
	[tilespmem:s5+$0x100] =	vst v2  }
0xb6: {  	v2 =	vld [tilespmem:s4+$0xFFFFFFE0];
	v6 =	vmul.f32 v9, v8;
	[tilespmem:s5+$0xFFFFFE00] =	vst v10  }
0xb7: {  	s5 =	sadd.s32 $0x400, s5;
	v8 =	vld [tilespmem:s9+$0xFFFFFFF0];
	v1 =	vmov v4  }
0xb8: {  	v9 =	vld [tilespmem:s4+$0xFFFFFFF0];
	[tilespmem:s5+$0x180] =	vst v6  }
0xb9: {  	v3 =	vmul.f32 v3, v7;
	v7 =	vld [tilespmem:s9+$0x0]  }
0xba: {  	v10 =	vld [tilespmem:s4+$0x0]  }
.Ltmp4:
0xbb: {  	[tilespmem:s5+$0xFFFFFE80] =	vst v3;
	v3 =	vmul.f32 v2, v5;
	v2 =	vld [tilespmem:s9+$0x10];
	(pc) =	sbr.rel @p0 .LBB2_6-.Ltmp4, $4  }
0xbc: {  	v4 =	vld [tilespmem:s4+$0x10]  }
0xbd: {  	[tilespmem:s5+$0xFFFFFF00] =	vst v3;
	v8 =	vmul.f32 v9, v8;
	v3 =	vld [tilespmem:s9+$0x20]  }
0xbe: {  	v6 =	vld [tilespmem:s4+$0x20]  }
0xbf: {  	v5 =	vld [tilespmem:s9+$0xFFFFFFC0];
	[tilespmem:s5+$0xFFFFFF80] =	vst v8;
	v7 =	vmul.f32 v10, v7;
	s9 =	sadd.s32 $0x80, s9  }
0xc0: {  	_ =	sdelay $0x1  }
0xc1: {  	v2 =	vmul.f32 v4, v2  }
0xc2: {  	[tilespmem:s5+$0x0] =	vst v7;
	v3 =	vmul.f32 v6, v3  }
0xc3: {  	[tilespmem:s5+$0x80] =	vst v2;
	v1 =	vmul.f32 v1, v5  }
0xc4: {  	[tilespmem:s5+$0x100] =	vst v3  }
0xc5: {  	[tilespmem:s5+$0xFFFFFE00] =	vst v1  }
0xc6: {  	[tilespmem:s18], [sflag:$0x1] =	stream.indirect.gather [hbm4b:s3+s17], $0x10, s11, s17, $0xb8;
	[tilespmem:$0x16180] =	vst v63  }
0xc7: {  	s4 =	simm.s32 $0x1400  }
0xc8: {  	[tilespmem:s19], [sflag:$0x2] =	stream.indirect.gather [hbm4b:s3+s17], $0x10, s4, s17, $0xb8;
	[tilespmem:$0x16180] =	vst v63  }
0xc9: {  	s5 =	simm.s32 $0x480  }
0xca: {  	[tilespmem:s20], [sflag:$0x1] =	stream.indirect.gather [hbm4b:s3+s17], $0x10, s5, s17, $0xb8;
	[tilespmem:$0x16180] =	vst v63  }
0xcb: {  	s7 =	simm.s32 $0x1480  }
0xcc: {  	[tilespmem:s22], [sflag:$0x2] =	stream.indirect.gather [hbm4b:s3+s17], $0x10, s7, s17, $0xb8;
	[tilespmem:$0x16180] =	vst v63  }
0xcd: {  	s9 =	simm.s32 $0x500  }
0xce: {  	[tilespmem:s24], [sflag:$0x1] =	stream.indirect.gather [hbm4b:s3+s17], $0x10, s9, s17, $0xb8;
	[tilespmem:$0x16180] =	vst v63  }
0xcf: {  	s5 =	simm.s32 $0x1500  }
0xd0: {  	[tilespmem:s26], [sflag:$0x2] =	stream.indirect.gather [hbm4b:s3+s17], $0x10, s5, s17, $0xb8;
	[tilespmem:$0x16180] =	vst v63  }
0xd1: {  	s7 =	simm.s32 $0x580  }
0xd2: {  	[tilespmem:s29], [sflag:$0x1] =	stream.indirect.gather [hbm4b:s3+s17], $0x10, s7, s17, $0xb8;
	[tilespmem:$0x16180] =	vst v63  }
0xd3: {  	s9 =	simm.s32 $0x1580  }
0xd4: {  	[tilespmem:s31], [sflag:$0x2] =	stream.indirect.gather [hbm4b:s3+s17], $0x10, s9, s17, $0xb8;
	[tilespmem:$0x16180] =	vst v63  }
0xd5: {  	_ =	swait.ge [sflag:s0], $0x800  }
0xd6: {  	[sflag:s0] =	ssyncset.done $0x0  }
0xd7: {  	[sflag:s0] =	ssyncadd.s32 $0xFFFFF800  }
0xd8: {  	_ =	swait.ge [sflag:s1], $0x800  }
0xd9: {  	[sflag:s1] =	ssyncset.done $0x0  }
0xda: {  	[sflag:s1] =	ssyncadd.s32 $0xFFFFF800  }
0xdb: {  	_ =	swait.ge [sflag:s0], $0x800  }
0xdc: {  	[sflag:s0] =	ssyncset.done $0x0  }
0xdd: {  	[sflag:s0] =	ssyncadd.s32 $0xFFFFF800  }
0xde: {  	_ =	swait.ge [sflag:s1], $0x800  }
0xdf: {  	[sflag:s1] =	ssyncset.done $0x0  }
0xe0: {  	[sflag:s1] =	ssyncadd.s32 $0xFFFFF800  }
0xe1: {  	_ =	swait.ge [sflag:s0], $0x800  }
0xe2: {  	[sflag:s0] =	ssyncset.done $0x0  }
0xe3: {  	[sflag:s0] =	ssyncadd.s32 $0xFFFFF800  }
0xe4: {  	_ =	swait.ge [sflag:s1], $0x800  }
0xe5: {  	[sflag:s1] =	ssyncset.done $0x0  }
0xe6: {  	[sflag:s1] =	ssyncadd.s32 $0xFFFFF800  }
0xe7: {  	_ =	swait.ge [sflag:s0], $0x800  }
0xe8: {  	[sflag:s0] =	ssyncset.done $0x0  }
0xe9: {  	[sflag:s0] =	ssyncadd.s32 $0xFFFFF800  }
0xea: {  	_ =	swait.ge [sflag:s1], $0x800  }
0xeb: {  	[sflag:s1] =	ssyncset.done $0x0  }
0xec: {  	s9 =	simm.s32 $0x2040;
	[sflag:s1] =	ssyncadd.s32 $0xFFFFF800  }
0xed: {  	s4 =	simm.s32 $0x4040;
	v2 =	vld [tilespmem:s9+$0x30]  }
0xee: {  	v3 =	vld [tilespmem:s4+$0x30]  }
0xef: {  	v1 =	vld [tilespmem:s4+$0xFFFFFFC0]  }
0xf0: {  	v4 =	vld [tilespmem:s9+$0xFFFFFFD0]  }
0xf1: {  	v5 =	vld [tilespmem:s4+$0xFFFFFFD0]  }
0xf2: {  	v6 =	vld [tilespmem:s9+$0xFFFFFFE0]  }
0xf3: {  	v7 =	vld [tilespmem:s4+$0xFFFFFFE0]  }
0xf4: {  	v8 =	vld [tilespmem:s9+$0xFFFFFFF0]  }
0xf5: {  	v9 =	vld [tilespmem:s4+$0xFFFFFFF0]  }
0xf6: {  	v10 =	vld [tilespmem:s9+$0x0]  }
0xf7: {  	v11 =	vld [tilespmem:s4+$0x0];
	v3 =	vmul.f32 v3, v2  }
0xf8: {  	s5 =	simm.s32 $0x6220;
	v5 =	vmul.f32 v5, v4;
	v2 =	vld [tilespmem:s9+$0x10]  }
0xf9: {  	v6 =	vmul.f32 v7, v6;
	v4 =	vld [tilespmem:s4+$0x10];
	[tilespmem:s5+$0x180] =	vst v3  }
0xfa: {  	v7 =	vmul.f32 v9, v8;
	[tilespmem:s5+$0xFFFFFE80] =	vst v5;
	v3 =	vld [tilespmem:s9+$0x20]  }
0xfb: {  	[tilespmem:s5+$0xFFFFFF00] =	vst v6;
	v6 =	vld [tilespmem:s4+$0x20]  }
0xfc: {  	s7 =	simm.s32 $0x0;
	v5 =	vld [tilespmem:s9+$0xFFFFFFC0];
	[tilespmem:s5+$0xFFFFFF80] =	vst v7;
	v7 =	vmul.f32 v11, v10;
	s9 =	simm.s32 $0x20C0  }
.LBB2_8:
0xfd: {  	v8 =	vld [tilespmem:s9+$0x30];
	s4 =	sadd.s32 $0x80, s4  }
0xfe: {  	s7 =	sadd.s32 $0x8, s7;
	v9 =	vld [tilespmem:s4+$0x30];
	[tilespmem:s5+$0x0] =	vst v7;
	v2 =	vmul.f32 v4, v2  }
0xff: {  	p0 =	slt.u32 s7, $0x1F8;
	v4 =	vld [tilespmem:s4+$0xFFFFFFC0]  }
0x100: {  	v7 =	vld [tilespmem:s9+$0xFFFFFFD0];
	[tilespmem:s5+$0x80] =	vst v2;
	v2 =	vmul.f32 v6, v3  }
0x101: {  	v3 =	vld [tilespmem:s4+$0xFFFFFFD0];
	v10 =	vmul.f32 v1, v5  }
0x102: {  	v5 =	vld [tilespmem:s9+$0xFFFFFFE0];
	[tilespmem:s5+$0x100] =	vst v2  }
0x103: {  	v2 =	vld [tilespmem:s4+$0xFFFFFFE0];
	v6 =	vmul.f32 v9, v8;
	[tilespmem:s5+$0xFFFFFE00] =	vst v10  }
0x104: {  	s5 =	sadd.s32 $0x400, s5;
	v8 =	vld [tilespmem:s9+$0xFFFFFFF0];
	v1 =	vmov v4  }
0x105: {  	v9 =	vld [tilespmem:s4+$0xFFFFFFF0];
	[tilespmem:s5+$0x180] =	vst v6  }
0x106: {  	v3 =	vmul.f32 v3, v7;
	v7 =	vld [tilespmem:s9+$0x0]  }
0x107: {  	v10 =	vld [tilespmem:s4+$0x0]  }
.Ltmp5:
0x108: {  	[tilespmem:s5+$0xFFFFFE80] =	vst v3;
	v3 =	vmul.f32 v2, v5;
	v2 =	vld [tilespmem:s9+$0x10];
	(pc) =	sbr.rel @p0 .LBB2_8-.Ltmp5, $4  }
0x109: {  	v4 =	vld [tilespmem:s4+$0x10]  }
0x10a: {  	[tilespmem:s5+$0xFFFFFF00] =	vst v3;
	v8 =	vmul.f32 v9, v8;
	v3 =	vld [tilespmem:s9+$0x20]  }
0x10b: {  	v6 =	vld [tilespmem:s4+$0x20]  }
0x10c: {  	v5 =	vld [tilespmem:s9+$0xFFFFFFC0];
	[tilespmem:s5+$0xFFFFFF80] =	vst v8;
	v7 =	vmul.f32 v10, v7;
	s9 =	sadd.s32 $0x80, s9  }
0x10d: {  	_ =	sdelay $0x1  }
0x10e: {  	v2 =	vmul.f32 v4, v2  }
0x10f: {  	[tilespmem:s5+$0x0] =	vst v7;
	v3 =	vmul.f32 v6, v3  }
0x110: {  	[tilespmem:s5+$0x80] =	vst v2;
	v1 =	vmul.f32 v1, v5  }
0x111: {  	[tilespmem:s5+$0x100] =	vst v3  }
0x112: {  	s4 =	simm.s32 $0x600;
	[tilespmem:s5+$0xFFFFFE00] =	vst v1  }
0x113: {  	[tilespmem:s18], [sflag:$0x1] =	stream.indirect.gather [hbm4b:s3+s17], $0x10, s4, s17, $0xb8;
	[tilespmem:$0x16180] =	vst v63  }
0x114: {  	s9 =	simm.s32 $0x1600  }
0x115: {  	[tilespmem:s19], [sflag:$0x2] =	stream.indirect.gather [hbm4b:s3+s17], $0x10, s9, s17, $0xb8;
	[tilespmem:$0x16180] =	vst v63  }
0x116: {  	s5 =	simm.s32 $0x680  }
0x117: {  	[tilespmem:s20], [sflag:$0x1] =	stream.indirect.gather [hbm4b:s3+s17], $0x10, s5, s17, $0xb8;
	[tilespmem:$0x16180] =	vst v63  }
0x118: {  	s7 =	simm.s32 $0x1680  }
0x119: {  	[tilespmem:s22], [sflag:$0x2] =	stream.indirect.gather [hbm4b:s3+s17], $0x10, s7, s17, $0xb8;
	[tilespmem:$0x16180] =	vst v63  }
0x11a: {  	s9 =	simm.s32 $0x700  }
0x11b: {  	[tilespmem:s24], [sflag:$0x1] =	stream.indirect.gather [hbm4b:s3+s17], $0x10, s9, s17, $0xb8;
	[tilespmem:$0x16180] =	vst v63  }
0x11c: {  	s5 =	simm.s32 $0x1700  }
0x11d: {  	[tilespmem:s26], [sflag:$0x2] =	stream.indirect.gather [hbm4b:s3+s17], $0x10, s5, s17, $0xb8;
	[tilespmem:$0x16180] =	vst v63  }
0x11e: {  	s7 =	simm.s32 $0x780  }
0x11f: {  	[tilespmem:s29], [sflag:$0x1] =	stream.indirect.gather [hbm4b:s3+s17], $0x10, s7, s17, $0xb8;
	[tilespmem:$0x16180] =	vst v63  }
0x120: {  	s9 =	simm.s32 $0x1780  }
0x121: {  	[tilespmem:s31], [sflag:$0x2] =	stream.indirect.gather [hbm4b:s3+s17], $0x10, s9, s17, $0xb8;
	[tilespmem:$0x16180] =	vst v63  }
0x122: {  	_ =	swait.ge [sflag:s0], $0x800  }
0x123: {  	[sflag:s0] =	ssyncset.done $0x0  }
0x124: {  	[sflag:s0] =	ssyncadd.s32 $0xFFFFF800  }
0x125: {  	_ =	swait.ge [sflag:s1], $0x800  }
0x126: {  	[sflag:s1] =	ssyncset.done $0x0  }
0x127: {  	[sflag:s1] =	ssyncadd.s32 $0xFFFFF800  }
0x128: {  	_ =	swait.ge [sflag:s0], $0x800  }
0x129: {  	[sflag:s0] =	ssyncset.done $0x0  }
0x12a: {  	[sflag:s0] =	ssyncadd.s32 $0xFFFFF800  }
0x12b: {  	_ =	swait.ge [sflag:s1], $0x800  }
0x12c: {  	[sflag:s1] =	ssyncset.done $0x0  }
0x12d: {  	[sflag:s1] =	ssyncadd.s32 $0xFFFFF800  }
0x12e: {  	_ =	swait.ge [sflag:s0], $0x800  }
0x12f: {  	[sflag:s0] =	ssyncset.done $0x0  }
0x130: {  	[sflag:s0] =	ssyncadd.s32 $0xFFFFF800  }
0x131: {  	_ =	swait.ge [sflag:s1], $0x800  }
0x132: {  	[sflag:s1] =	ssyncset.done $0x0  }
0x133: {  	[sflag:s1] =	ssyncadd.s32 $0xFFFFF800  }
0x134: {  	_ =	swait.ge [sflag:s0], $0x800  }
0x135: {  	[sflag:s0] =	ssyncset.done $0x0  }
0x136: {  	[sflag:s0] =	ssyncadd.s32 $0xFFFFF800  }
0x137: {  	_ =	swait.ge [sflag:s1], $0x800  }
0x138: {  	[sflag:s1] =	ssyncset.done $0x0  }
0x139: {  	s9 =	simm.s32 $0x2040;
	[sflag:s1] =	ssyncadd.s32 $0xFFFFF800  }
0x13a: {  	s4 =	simm.s32 $0x4040;
	v2 =	vld [tilespmem:s9+$0x30]  }
0x13b: {  	v3 =	vld [tilespmem:s4+$0x30]  }
0x13c: {  	v1 =	vld [tilespmem:s4+$0xFFFFFFC0]  }
0x13d: {  	v4 =	vld [tilespmem:s9+$0xFFFFFFD0]  }
0x13e: {  	v5 =	vld [tilespmem:s4+$0xFFFFFFD0]  }
0x13f: {  	v6 =	vld [tilespmem:s9+$0xFFFFFFE0]  }
0x140: {  	v7 =	vld [tilespmem:s4+$0xFFFFFFE0]  }
0x141: {  	v8 =	vld [tilespmem:s9+$0xFFFFFFF0]  }
0x142: {  	v9 =	vld [tilespmem:s4+$0xFFFFFFF0]  }
0x143: {  	v10 =	vld [tilespmem:s9+$0x0]  }
0x144: {  	v11 =	vld [tilespmem:s4+$0x0];
	v3 =	vmul.f32 v3, v2  }
0x145: {  	s5 =	simm.s32 $0x6230;
	v5 =	vmul.f32 v5, v4;
	v2 =	vld [tilespmem:s9+$0x10]  }
0x146: {  	v6 =	vmul.f32 v7, v6;
	v4 =	vld [tilespmem:s4+$0x10];
	[tilespmem:s5+$0x180] =	vst v3  }
0x147: {  	v7 =	vmul.f32 v9, v8;
	[tilespmem:s5+$0xFFFFFE80] =	vst v5;
	v3 =	vld [tilespmem:s9+$0x20]  }
0x148: {  	[tilespmem:s5+$0xFFFFFF00] =	vst v6;
	v6 =	vld [tilespmem:s4+$0x20]  }
0x149: {  	s7 =	simm.s32 $0x0;
	v5 =	vld [tilespmem:s9+$0xFFFFFFC0];
	[tilespmem:s5+$0xFFFFFF80] =	vst v7;
	v7 =	vmul.f32 v11, v10;
	s9 =	simm.s32 $0x20C0  }
.LBB2_10:
0x14a: {  	v8 =	vld [tilespmem:s9+$0x30];
	s4 =	sadd.s32 $0x80, s4  }
0x14b: {  	s7 =	sadd.s32 $0x8, s7;
	v9 =	vld [tilespmem:s4+$0x30];
	[tilespmem:s5+$0x0] =	vst v7;
	v2 =	vmul.f32 v4, v2  }
0x14c: {  	p0 =	slt.u32 s7, $0x1F8;
	v4 =	vld [tilespmem:s4+$0xFFFFFFC0]  }
0x14d: {  	v7 =	vld [tilespmem:s9+$0xFFFFFFD0];
	[tilespmem:s5+$0x80] =	vst v2;
	v2 =	vmul.f32 v6, v3  }
0x14e: {  	v3 =	vld [tilespmem:s4+$0xFFFFFFD0];
	v10 =	vmul.f32 v1, v5  }
0x14f: {  	v5 =	vld [tilespmem:s9+$0xFFFFFFE0];
	[tilespmem:s5+$0x100] =	vst v2  }
0x150: {  	v2 =	vld [tilespmem:s4+$0xFFFFFFE0];
	v6 =	vmul.f32 v9, v8;
	[tilespmem:s5+$0xFFFFFE00] =	vst v10  }
0x151: {  	s5 =	sadd.s32 $0x400, s5;
	v8 =	vld [tilespmem:s9+$0xFFFFFFF0];
	v1 =	vmov v4  }
0x152: {  	v9 =	vld [tilespmem:s4+$0xFFFFFFF0];
	[tilespmem:s5+$0x180] =	vst v6  }
0x153: {  	v3 =	vmul.f32 v3, v7;
	v7 =	vld [tilespmem:s9+$0x0]  }
0x154: {  	v10 =	vld [tilespmem:s4+$0x0]  }
.Ltmp6:
0x155: {  	[tilespmem:s5+$0xFFFFFE80] =	vst v3;
	v3 =	vmul.f32 v2, v5;
	v2 =	vld [tilespmem:s9+$0x10];
	(pc) =	sbr.rel @p0 .LBB2_10-.Ltmp6, $4  }
0x156: {  	v4 =	vld [tilespmem:s4+$0x10]  }
0x157: {  	[tilespmem:s5+$0xFFFFFF00] =	vst v3;
	v8 =	vmul.f32 v9, v8;
	v3 =	vld [tilespmem:s9+$0x20]  }
0x158: {  	v6 =	vld [tilespmem:s4+$0x20]  }
0x159: {  	v5 =	vld [tilespmem:s9+$0xFFFFFFC0];
	[tilespmem:s5+$0xFFFFFF80] =	vst v8;
	v7 =	vmul.f32 v10, v7;
	s9 =	sadd.s32 $0x80, s9  }
0x15a: {  	_ =	sdelay $0x1  }
0x15b: {  	v2 =	vmul.f32 v4, v2  }
0x15c: {  	[tilespmem:s5+$0x0] =	vst v7;
	v3 =	vmul.f32 v6, v3  }
0x15d: {  	[tilespmem:s5+$0x80] =	vst v2;
	v1 =	vmul.f32 v1, v5  }
0x15e: {  	[tilespmem:s5+$0x100] =	vst v3  }
0x15f: {  	s4 =	simm.s32 $0x800;
	[tilespmem:s5+$0xFFFFFE00] =	vst v1  }
0x160: {  	[tilespmem:s18], [sflag:$0x1] =	stream.indirect.gather [hbm4b:s3+s17], $0x10, s4, s17, $0xb8;
	[tilespmem:$0x16180] =	vst v63  }
0x161: {  	s9 =	simm.s32 $0x1800  }
0x162: {  	[tilespmem:s19], [sflag:$0x2] =	stream.indirect.gather [hbm4b:s3+s17], $0x10, s9, s17, $0xb8;
	[tilespmem:$0x16180] =	vst v63  }
0x163: {  	s5 =	simm.s32 $0x880  }
0x164: {  	[tilespmem:s20], [sflag:$0x1] =	stream.indirect.gather [hbm4b:s3+s17], $0x10, s5, s17, $0xb8;
	[tilespmem:$0x16180] =	vst v63  }
0x165: {  	s7 =	simm.s32 $0x1880  }
0x166: {  	[tilespmem:s22], [sflag:$0x2] =	stream.indirect.gather [hbm4b:s3+s17], $0x10, s7, s17, $0xb8;
	[tilespmem:$0x16180] =	vst v63  }
0x167: {  	s9 =	simm.s32 $0x900  }
0x168: {  	[tilespmem:s24], [sflag:$0x1] =	stream.indirect.gather [hbm4b:s3+s17], $0x10, s9, s17, $0xb8;
	[tilespmem:$0x16180] =	vst v63  }
0x169: {  	s5 =	simm.s32 $0x1900  }
0x16a: {  	[tilespmem:s26], [sflag:$0x2] =	stream.indirect.gather [hbm4b:s3+s17], $0x10, s5, s17, $0xb8;
	[tilespmem:$0x16180] =	vst v63  }
0x16b: {  	s7 =	simm.s32 $0x980  }
0x16c: {  	[tilespmem:s29], [sflag:$0x1] =	stream.indirect.gather [hbm4b:s3+s17], $0x10, s7, s17, $0xb8;
	[tilespmem:$0x16180] =	vst v63  }
0x16d: {  	s9 =	simm.s32 $0x1980  }
0x16e: {  	[tilespmem:s31], [sflag:$0x2] =	stream.indirect.gather [hbm4b:s3+s17], $0x10, s9, s17, $0xb8;
	[tilespmem:$0x16180] =	vst v63  }
0x16f: {  	_ =	swait.ge [sflag:s0], $0x800  }
0x170: {  	[sflag:s0] =	ssyncset.done $0x0  }
0x171: {  	[sflag:s0] =	ssyncadd.s32 $0xFFFFF800  }
0x172: {  	_ =	swait.ge [sflag:s1], $0x800  }
0x173: {  	[sflag:s1] =	ssyncset.done $0x0  }
0x174: {  	[sflag:s1] =	ssyncadd.s32 $0xFFFFF800  }
0x175: {  	_ =	swait.ge [sflag:s0], $0x800  }
0x176: {  	[sflag:s0] =	ssyncset.done $0x0  }
0x177: {  	[sflag:s0] =	ssyncadd.s32 $0xFFFFF800  }
0x178: {  	_ =	swait.ge [sflag:s1], $0x800  }
0x179: {  	[sflag:s1] =	ssyncset.done $0x0  }
0x17a: {  	[sflag:s1] =	ssyncadd.s32 $0xFFFFF800  }
0x17b: {  	_ =	swait.ge [sflag:s0], $0x800  }
0x17c: {  	[sflag:s0] =	ssyncset.done $0x0  }
0x17d: {  	[sflag:s0] =	ssyncadd.s32 $0xFFFFF800  }
0x17e: {  	_ =	swait.ge [sflag:s1], $0x800  }
0x17f: {  	[sflag:s1] =	ssyncset.done $0x0  }
0x180: {  	[sflag:s1] =	ssyncadd.s32 $0xFFFFF800  }
0x181: {  	_ =	swait.ge [sflag:s0], $0x800  }
0x182: {  	[sflag:s0] =	ssyncset.done $0x0  }
0x183: {  	[sflag:s0] =	ssyncadd.s32 $0xFFFFF800  }
0x184: {  	_ =	swait.ge [sflag:s1], $0x800  }
0x185: {  	[sflag:s1] =	ssyncset.done $0x0  }
0x186: {  	s9 =	simm.s32 $0x2040;
	[sflag:s1] =	ssyncadd.s32 $0xFFFFF800  }
0x187: {  	s4 =	simm.s32 $0x4040;
	v2 =	vld [tilespmem:s9+$0x30]  }
0x188: {  	v3 =	vld [tilespmem:s4+$0x30]  }
0x189: {  	v1 =	vld [tilespmem:s4+$0xFFFFFFC0]  }
0x18a: {  	v4 =	vld [tilespmem:s9+$0xFFFFFFD0]  }
0x18b: {  	v5 =	vld [tilespmem:s4+$0xFFFFFFD0]  }
0x18c: {  	v6 =	vld [tilespmem:s9+$0xFFFFFFE0]  }
0x18d: {  	v7 =	vld [tilespmem:s4+$0xFFFFFFE0]  }
0x18e: {  	v8 =	vld [tilespmem:s9+$0xFFFFFFF0]  }
0x18f: {  	v9 =	vld [tilespmem:s4+$0xFFFFFFF0]  }
0x190: {  	v10 =	vld [tilespmem:s9+$0x0]  }
0x191: {  	v11 =	vld [tilespmem:s4+$0x0];
	v3 =	vmul.f32 v3, v2  }
0x192: {  	s5 =	simm.s32 $0x6240;
	v5 =	vmul.f32 v5, v4;
	v2 =	vld [tilespmem:s9+$0x10]  }
0x193: {  	v6 =	vmul.f32 v7, v6;
	v4 =	vld [tilespmem:s4+$0x10];
	[tilespmem:s5+$0x180] =	vst v3  }
0x194: {  	v7 =	vmul.f32 v9, v8;
	[tilespmem:s5+$0xFFFFFE80] =	vst v5;
	v3 =	vld [tilespmem:s9+$0x20]  }
0x195: {  	[tilespmem:s5+$0xFFFFFF00] =	vst v6;
	v6 =	vld [tilespmem:s4+$0x20]  }
0x196: {  	s7 =	simm.s32 $0x0;
	v5 =	vld [tilespmem:s9+$0xFFFFFFC0];
	[tilespmem:s5+$0xFFFFFF80] =	vst v7;
	v7 =	vmul.f32 v11, v10;
	s9 =	simm.s32 $0x20C0  }
.LBB2_12:
0x197: {  	v8 =	vld [tilespmem:s9+$0x30];
	s4 =	sadd.s32 $0x80, s4  }
0x198: {  	s7 =	sadd.s32 $0x8, s7;
	v9 =	vld [tilespmem:s4+$0x30];
	[tilespmem:s5+$0x0] =	vst v7;
	v2 =	vmul.f32 v4, v2  }
0x199: {  	p0 =	slt.u32 s7, $0x1F8;
	v4 =	vld [tilespmem:s4+$0xFFFFFFC0]  }
0x19a: {  	v7 =	vld [tilespmem:s9+$0xFFFFFFD0];
	[tilespmem:s5+$0x80] =	vst v2;
	v2 =	vmul.f32 v6, v3  }
0x19b: {  	v3 =	vld [tilespmem:s4+$0xFFFFFFD0];
	v10 =	vmul.f32 v1, v5  }
0x19c: {  	v5 =	vld [tilespmem:s9+$0xFFFFFFE0];
	[tilespmem:s5+$0x100] =	vst v2  }
0x19d: {  	v2 =	vld [tilespmem:s4+$0xFFFFFFE0];
	v6 =	vmul.f32 v9, v8;
	[tilespmem:s5+$0xFFFFFE00] =	vst v10  }
0x19e: {  	s5 =	sadd.s32 $0x400, s5;
	v8 =	vld [tilespmem:s9+$0xFFFFFFF0];
	v1 =	vmov v4  }
0x19f: {  	v9 =	vld [tilespmem:s4+$0xFFFFFFF0];
	[tilespmem:s5+$0x180] =	vst v6  }
0x1a0: {  	v3 =	vmul.f32 v3, v7;
	v7 =	vld [tilespmem:s9+$0x0]  }
0x1a1: {  	v10 =	vld [tilespmem:s4+$0x0]  }
.Ltmp7:
0x1a2: {  	[tilespmem:s5+$0xFFFFFE80] =	vst v3;
	v3 =	vmul.f32 v2, v5;
	v2 =	vld [tilespmem:s9+$0x10];
	(pc) =	sbr.rel @p0 .LBB2_12-.Ltmp7, $4  }
0x1a3: {  	v4 =	vld [tilespmem:s4+$0x10]  }
0x1a4: {  	[tilespmem:s5+$0xFFFFFF00] =	vst v3;
	v8 =	vmul.f32 v9, v8;
	v3 =	vld [tilespmem:s9+$0x20]  }
0x1a5: {  	v6 =	vld [tilespmem:s4+$0x20]  }
0x1a6: {  	v5 =	vld [tilespmem:s9+$0xFFFFFFC0];
	[tilespmem:s5+$0xFFFFFF80] =	vst v8;
	v7 =	vmul.f32 v10, v7;
	s9 =	sadd.s32 $0x80, s9  }
0x1a7: {  	_ =	sdelay $0x1  }
0x1a8: {  	v2 =	vmul.f32 v4, v2  }
0x1a9: {  	[tilespmem:s5+$0x0] =	vst v7;
	v3 =	vmul.f32 v6, v3  }
0x1aa: {  	[tilespmem:s5+$0x80] =	vst v2;
	v1 =	vmul.f32 v1, v5  }
0x1ab: {  	[tilespmem:s5+$0x100] =	vst v3  }
0x1ac: {  	s4 =	simm.s32 $0xA00;
	[tilespmem:s5+$0xFFFFFE00] =	vst v1  }
0x1ad: {  	[tilespmem:s18], [sflag:$0x1] =	stream.indirect.gather [hbm4b:s3+s17], $0x10, s4, s17, $0xb8;
	[tilespmem:$0x16180] =	vst v63  }
0x1ae: {  	s9 =	simm.s32 $0x1A00  }
0x1af: {  	[tilespmem:s19], [sflag:$0x2] =	stream.indirect.gather [hbm4b:s3+s17], $0x10, s9, s17, $0xb8;
	[tilespmem:$0x16180] =	vst v63  }
0x1b0: {  	s5 =	simm.s32 $0xA80  }
0x1b1: {  	[tilespmem:s20], [sflag:$0x1] =	stream.indirect.gather [hbm4b:s3+s17], $0x10, s5, s17, $0xb8;
	[tilespmem:$0x16180] =	vst v63  }
0x1b2: {  	s7 =	simm.s32 $0x1A80  }
0x1b3: {  	[tilespmem:s22], [sflag:$0x2] =	stream.indirect.gather [hbm4b:s3+s17], $0x10, s7, s17, $0xb8;
	[tilespmem:$0x16180] =	vst v63  }
0x1b4: {  	s9 =	simm.s32 $0xB00  }
0x1b5: {  	[tilespmem:s24], [sflag:$0x1] =	stream.indirect.gather [hbm4b:s3+s17], $0x10, s9, s17, $0xb8;
	[tilespmem:$0x16180] =	vst v63  }
0x1b6: {  	s5 =	simm.s32 $0x1B00  }
0x1b7: {  	[tilespmem:s26], [sflag:$0x2] =	stream.indirect.gather [hbm4b:s3+s17], $0x10, s5, s17, $0xb8;
	[tilespmem:$0x16180] =	vst v63  }
0x1b8: {  	s7 =	simm.s32 $0xB80  }
0x1b9: {  	[tilespmem:s29], [sflag:$0x1] =	stream.indirect.gather [hbm4b:s3+s17], $0x10, s7, s17, $0xb8;
	[tilespmem:$0x16180] =	vst v63  }
0x1ba: {  	s9 =	simm.s32 $0x1B80  }
0x1bb: {  	[tilespmem:s31], [sflag:$0x2] =	stream.indirect.gather [hbm4b:s3+s17], $0x10, s9, s17, $0xb8;
	[tilespmem:$0x16180] =	vst v63  }
0x1bc: {  	_ =	swait.ge [sflag:s0], $0x800  }
0x1bd: {  	[sflag:s0] =	ssyncset.done $0x0  }
0x1be: {  	[sflag:s0] =	ssyncadd.s32 $0xFFFFF800  }
0x1bf: {  	_ =	swait.ge [sflag:s1], $0x800  }
0x1c0: {  	[sflag:s1] =	ssyncset.done $0x0  }
0x1c1: {  	[sflag:s1] =	ssyncadd.s32 $0xFFFFF800  }
0x1c2: {  	_ =	swait.ge [sflag:s0], $0x800  }
0x1c3: {  	[sflag:s0] =	ssyncset.done $0x0  }
0x1c4: {  	[sflag:s0] =	ssyncadd.s32 $0xFFFFF800  }
0x1c5: {  	_ =	swait.ge [sflag:s1], $0x800  }
0x1c6: {  	[sflag:s1] =	ssyncset.done $0x0  }
0x1c7: {  	[sflag:s1] =	ssyncadd.s32 $0xFFFFF800  }
0x1c8: {  	_ =	swait.ge [sflag:s0], $0x800  }
0x1c9: {  	[sflag:s0] =	ssyncset.done $0x0  }
0x1ca: {  	[sflag:s0] =	ssyncadd.s32 $0xFFFFF800  }
0x1cb: {  	_ =	swait.ge [sflag:s1], $0x800  }
0x1cc: {  	[sflag:s1] =	ssyncset.done $0x0  }
0x1cd: {  	[sflag:s1] =	ssyncadd.s32 $0xFFFFF800  }
0x1ce: {  	_ =	swait.ge [sflag:s0], $0x800  }
0x1cf: {  	[sflag:s0] =	ssyncset.done $0x0  }
0x1d0: {  	[sflag:s0] =	ssyncadd.s32 $0xFFFFF800  }
0x1d1: {  	_ =	swait.ge [sflag:s1], $0x800  }
0x1d2: {  	[sflag:s1] =	ssyncset.done $0x0  }
0x1d3: {  	s9 =	simm.s32 $0x2040;
	[sflag:s1] =	ssyncadd.s32 $0xFFFFF800  }
0x1d4: {  	s4 =	simm.s32 $0x4040;
	v2 =	vld [tilespmem:s9+$0x30]  }
0x1d5: {  	v3 =	vld [tilespmem:s4+$0x30]  }
0x1d6: {  	v1 =	vld [tilespmem:s4+$0xFFFFFFC0]  }
0x1d7: {  	v4 =	vld [tilespmem:s9+$0xFFFFFFD0]  }
0x1d8: {  	v5 =	vld [tilespmem:s4+$0xFFFFFFD0]  }
0x1d9: {  	v6 =	vld [tilespmem:s9+$0xFFFFFFE0]  }
0x1da: {  	v7 =	vld [tilespmem:s4+$0xFFFFFFE0]  }
0x1db: {  	v8 =	vld [tilespmem:s9+$0xFFFFFFF0]  }
0x1dc: {  	v9 =	vld [tilespmem:s4+$0xFFFFFFF0]  }
0x1dd: {  	v10 =	vld [tilespmem:s9+$0x0]  }
0x1de: {  	v11 =	vld [tilespmem:s4+$0x0];
	v3 =	vmul.f32 v3, v2  }
0x1df: {  	s5 =	simm.s32 $0x6250;
	v5 =	vmul.f32 v5, v4;
	v2 =	vld [tilespmem:s9+$0x10]  }
0x1e0: {  	v6 =	vmul.f32 v7, v6;
	v4 =	vld [tilespmem:s4+$0x10];
	[tilespmem:s5+$0x180] =	vst v3  }
0x1e1: {  	v7 =	vmul.f32 v9, v8;
	[tilespmem:s5+$0xFFFFFE80] =	vst v5;
	v3 =	vld [tilespmem:s9+$0x20]  }
0x1e2: {  	[tilespmem:s5+$0xFFFFFF00] =	vst v6;
	v6 =	vld [tilespmem:s4+$0x20]  }
0x1e3: {  	s7 =	simm.s32 $0x0;
	v5 =	vld [tilespmem:s9+$0xFFFFFFC0];
	[tilespmem:s5+$0xFFFFFF80] =	vst v7;
	v7 =	vmul.f32 v11, v10;
	s9 =	simm.s32 $0x20C0  }
.LBB2_14:
0x1e4: {  	v8 =	vld [tilespmem:s9+$0x30];
	s4 =	sadd.s32 $0x80, s4  }
0x1e5: {  	s7 =	sadd.s32 $0x8, s7;
	v9 =	vld [tilespmem:s4+$0x30];
	[tilespmem:s5+$0x0] =	vst v7;
	v2 =	vmul.f32 v4, v2  }
0x1e6: {  	p0 =	slt.u32 s7, $0x1F8;
	v4 =	vld [tilespmem:s4+$0xFFFFFFC0]  }
0x1e7: {  	v7 =	vld [tilespmem:s9+$0xFFFFFFD0];
	[tilespmem:s5+$0x80] =	vst v2;
	v2 =	vmul.f32 v6, v3  }
0x1e8: {  	v3 =	vld [tilespmem:s4+$0xFFFFFFD0];
	v10 =	vmul.f32 v1, v5  }
0x1e9: {  	v5 =	vld [tilespmem:s9+$0xFFFFFFE0];
	[tilespmem:s5+$0x100] =	vst v2  }
0x1ea: {  	v2 =	vld [tilespmem:s4+$0xFFFFFFE0];
	v6 =	vmul.f32 v9, v8;
	[tilespmem:s5+$0xFFFFFE00] =	vst v10  }
0x1eb: {  	s5 =	sadd.s32 $0x400, s5;
	v8 =	vld [tilespmem:s9+$0xFFFFFFF0];
	v1 =	vmov v4  }
0x1ec: {  	v9 =	vld [tilespmem:s4+$0xFFFFFFF0];
	[tilespmem:s5+$0x180] =	vst v6  }
0x1ed: {  	v3 =	vmul.f32 v3, v7;
	v7 =	vld [tilespmem:s9+$0x0]  }
0x1ee: {  	v10 =	vld [tilespmem:s4+$0x0]  }
.Ltmp8:
0x1ef: {  	[tilespmem:s5+$0xFFFFFE80] =	vst v3;
	v3 =	vmul.f32 v2, v5;
	v2 =	vld [tilespmem:s9+$0x10];
	(pc) =	sbr.rel @p0 .LBB2_14-.Ltmp8, $4  }
0x1f0: {  	v4 =	vld [tilespmem:s4+$0x10]  }
0x1f1: {  	[tilespmem:s5+$0xFFFFFF00] =	vst v3;
	v8 =	vmul.f32 v9, v8;
	v3 =	vld [tilespmem:s9+$0x20]  }
0x1f2: {  	v6 =	vld [tilespmem:s4+$0x20]  }
0x1f3: {  	v5 =	vld [tilespmem:s9+$0xFFFFFFC0];
	[tilespmem:s5+$0xFFFFFF80] =	vst v8;
	v7 =	vmul.f32 v10, v7;
	s9 =	sadd.s32 $0x80, s9  }
0x1f4: {  	_ =	sdelay $0x1  }
0x1f5: {  	v2 =	vmul.f32 v4, v2  }
0x1f6: {  	[tilespmem:s5+$0x0] =	vst v7;
	v3 =	vmul.f32 v6, v3  }
0x1f7: {  	[tilespmem:s5+$0x80] =	vst v2;
	v1 =	vmul.f32 v1, v5  }
0x1f8: {  	[tilespmem:s5+$0x100] =	vst v3  }
0x1f9: {  	s4 =	simm.s32 $0xC00;
	[tilespmem:s5+$0xFFFFFE00] =	vst v1  }
0x1fa: {  	[tilespmem:s18], [sflag:$0x1] =	stream.indirect.gather [hbm4b:s3+s17], $0x10, s4, s17, $0xb8;
	[tilespmem:$0x16180] =	vst v63  }
0x1fb: {  	s9 =	simm.s32 $0x1C00  }
0x1fc: {  	[tilespmem:s19], [sflag:$0x2] =	stream.indirect.gather [hbm4b:s3+s17], $0x10, s9, s17, $0xb8;
	[tilespmem:$0x16180] =	vst v63  }
0x1fd: {  	s5 =	simm.s32 $0xC80  }
0x1fe: {  	[tilespmem:s20], [sflag:$0x1] =	stream.indirect.gather [hbm4b:s3+s17], $0x10, s5, s17, $0xb8;
	[tilespmem:$0x16180] =	vst v63  }
0x1ff: {  	s7 =	simm.s32 $0x1C80  }
0x200: {  	[tilespmem:s22], [sflag:$0x2] =	stream.indirect.gather [hbm4b:s3+s17], $0x10, s7, s17, $0xb8;
	[tilespmem:$0x16180] =	vst v63  }
0x201: {  	s9 =	simm.s32 $0xD00  }
0x202: {  	[tilespmem:s24], [sflag:$0x1] =	stream.indirect.gather [hbm4b:s3+s17], $0x10, s9, s17, $0xb8;
	[tilespmem:$0x16180] =	vst v63  }
0x203: {  	s5 =	simm.s32 $0x1D00  }
0x204: {  	[tilespmem:s26], [sflag:$0x2] =	stream.indirect.gather [hbm4b:s3+s17], $0x10, s5, s17, $0xb8;
	[tilespmem:$0x16180] =	vst v63  }
0x205: {  	s7 =	simm.s32 $0xD80  }
0x206: {  	[tilespmem:s29], [sflag:$0x1] =	stream.indirect.gather [hbm4b:s3+s17], $0x10, s7, s17, $0xb8;
	[tilespmem:$0x16180] =	vst v63  }
0x207: {  	s9 =	simm.s32 $0x1D80  }
0x208: {  	[tilespmem:s31], [sflag:$0x2] =	stream.indirect.gather [hbm4b:s3+s17], $0x10, s9, s17, $0xb8;
	[tilespmem:$0x16180] =	vst v63  }
0x209: {  	_ =	swait.ge [sflag:s0], $0x800  }
0x20a: {  	[sflag:s0] =	ssyncset.done $0x0  }
0x20b: {  	[sflag:s0] =	ssyncadd.s32 $0xFFFFF800  }
0x20c: {  	_ =	swait.ge [sflag:s1], $0x800  }
0x20d: {  	[sflag:s1] =	ssyncset.done $0x0  }
0x20e: {  	[sflag:s1] =	ssyncadd.s32 $0xFFFFF800  }
0x20f: {  	_ =	swait.ge [sflag:s0], $0x800  }
0x210: {  	[sflag:s0] =	ssyncset.done $0x0  }
0x211: {  	[sflag:s0] =	ssyncadd.s32 $0xFFFFF800  }
0x212: {  	_ =	swait.ge [sflag:s1], $0x800  }
0x213: {  	[sflag:s1] =	ssyncset.done $0x0  }
0x214: {  	[sflag:s1] =	ssyncadd.s32 $0xFFFFF800  }
0x215: {  	_ =	swait.ge [sflag:s0], $0x800  }
0x216: {  	[sflag:s0] =	ssyncset.done $0x0  }
0x217: {  	[sflag:s0] =	ssyncadd.s32 $0xFFFFF800  }
0x218: {  	_ =	swait.ge [sflag:s1], $0x800  }
0x219: {  	[sflag:s1] =	ssyncset.done $0x0  }
0x21a: {  	[sflag:s1] =	ssyncadd.s32 $0xFFFFF800  }
0x21b: {  	_ =	swait.ge [sflag:s0], $0x800  }
0x21c: {  	[sflag:s0] =	ssyncset.done $0x0  }
0x21d: {  	[sflag:s0] =	ssyncadd.s32 $0xFFFFF800  }
0x21e: {  	_ =	swait.ge [sflag:s1], $0x800  }
0x21f: {  	[sflag:s1] =	ssyncset.done $0x0  }
0x220: {  	s9 =	simm.s32 $0x2040;
	[sflag:s1] =	ssyncadd.s32 $0xFFFFF800  }
0x221: {  	s4 =	simm.s32 $0x4040;
	v2 =	vld [tilespmem:s9+$0x30]  }
0x222: {  	v3 =	vld [tilespmem:s4+$0x30]  }
0x223: {  	v1 =	vld [tilespmem:s4+$0xFFFFFFC0]  }
0x224: {  	v4 =	vld [tilespmem:s9+$0xFFFFFFD0]  }
0x225: {  	v5 =	vld [tilespmem:s4+$0xFFFFFFD0]  }
0x226: {  	v6 =	vld [tilespmem:s9+$0xFFFFFFE0]  }
0x227: {  	v7 =	vld [tilespmem:s4+$0xFFFFFFE0]  }
0x228: {  	v8 =	vld [tilespmem:s9+$0xFFFFFFF0]  }
0x229: {  	v9 =	vld [tilespmem:s4+$0xFFFFFFF0]  }
0x22a: {  	v10 =	vld [tilespmem:s9+$0x0]  }
0x22b: {  	v11 =	vld [tilespmem:s4+$0x0];
	v3 =	vmul.f32 v3, v2  }
0x22c: {  	s5 =	simm.s32 $0x6260;
	v5 =	vmul.f32 v5, v4;
	v2 =	vld [tilespmem:s9+$0x10]  }
0x22d: {  	v6 =	vmul.f32 v7, v6;
	v4 =	vld [tilespmem:s4+$0x10];
	[tilespmem:s5+$0x180] =	vst v3  }
0x22e: {  	v7 =	vmul.f32 v9, v8;
	[tilespmem:s5+$0xFFFFFE80] =	vst v5;
	v3 =	vld [tilespmem:s9+$0x20]  }
0x22f: {  	[tilespmem:s5+$0xFFFFFF00] =	vst v6;
	v6 =	vld [tilespmem:s4+$0x20]  }
0x230: {  	s7 =	simm.s32 $0x0;
	v5 =	vld [tilespmem:s9+$0xFFFFFFC0];
	[tilespmem:s5+$0xFFFFFF80] =	vst v7;
	v7 =	vmul.f32 v11, v10;
	s9 =	simm.s32 $0x20C0  }
.LBB2_16:
0x231: {  	v8 =	vld [tilespmem:s9+$0x30];
	s4 =	sadd.s32 $0x80, s4  }
0x232: {  	s7 =	sadd.s32 $0x8, s7;
	v9 =	vld [tilespmem:s4+$0x30];
	[tilespmem:s5+$0x0] =	vst v7;
	v2 =	vmul.f32 v4, v2  }
0x233: {  	p0 =	slt.u32 s7, $0x1F8;
	v4 =	vld [tilespmem:s4+$0xFFFFFFC0]  }
0x234: {  	v7 =	vld [tilespmem:s9+$0xFFFFFFD0];
	[tilespmem:s5+$0x80] =	vst v2;
	v2 =	vmul.f32 v6, v3  }
0x235: {  	v3 =	vld [tilespmem:s4+$0xFFFFFFD0];
	v10 =	vmul.f32 v1, v5  }
0x236: {  	v5 =	vld [tilespmem:s9+$0xFFFFFFE0];
	[tilespmem:s5+$0x100] =	vst v2  }
0x237: {  	v2 =	vld [tilespmem:s4+$0xFFFFFFE0];
	v6 =	vmul.f32 v9, v8;
	[tilespmem:s5+$0xFFFFFE00] =	vst v10  }
0x238: {  	s5 =	sadd.s32 $0x400, s5;
	v8 =	vld [tilespmem:s9+$0xFFFFFFF0];
	v1 =	vmov v4  }
0x239: {  	v9 =	vld [tilespmem:s4+$0xFFFFFFF0];
	[tilespmem:s5+$0x180] =	vst v6  }
0x23a: {  	v3 =	vmul.f32 v3, v7;
	v7 =	vld [tilespmem:s9+$0x0]  }
0x23b: {  	v10 =	vld [tilespmem:s4+$0x0]  }
.Ltmp9:
0x23c: {  	[tilespmem:s5+$0xFFFFFE80] =	vst v3;
	v3 =	vmul.f32 v2, v5;
	v2 =	vld [tilespmem:s9+$0x10];
	(pc) =	sbr.rel @p0 .LBB2_16-.Ltmp9, $4  }
0x23d: {  	v4 =	vld [tilespmem:s4+$0x10]  }
0x23e: {  	[tilespmem:s5+$0xFFFFFF00] =	vst v3;
	v8 =	vmul.f32 v9, v8;
	v3 =	vld [tilespmem:s9+$0x20]  }
0x23f: {  	v6 =	vld [tilespmem:s4+$0x20]  }
0x240: {  	v5 =	vld [tilespmem:s9+$0xFFFFFFC0];
	[tilespmem:s5+$0xFFFFFF80] =	vst v8;
	v7 =	vmul.f32 v10, v7;
	s9 =	sadd.s32 $0x80, s9  }
0x241: {  	_ =	sdelay $0x1  }
0x242: {  	v2 =	vmul.f32 v4, v2  }
0x243: {  	[tilespmem:s5+$0x0] =	vst v7;
	v3 =	vmul.f32 v6, v3  }
0x244: {  	[tilespmem:s5+$0x80] =	vst v2;
	v1 =	vmul.f32 v1, v5  }
0x245: {  	[tilespmem:s5+$0x100] =	vst v3  }
0x246: {  	s4 =	simm.s32 $0xE00;
	[tilespmem:s5+$0xFFFFFE00] =	vst v1  }
0x247: {  	[tilespmem:s18], [sflag:$0x1] =	stream.indirect.gather [hbm4b:s3+s17], $0x10, s4, s17, $0xb8;
	[tilespmem:$0x16180] =	vst v63  }
0x248: {  	s9 =	simm.s32 $0x1E00  }
0x249: {  	[tilespmem:s19], [sflag:$0x2] =	stream.indirect.gather [hbm4b:s3+s17], $0x10, s9, s17, $0xb8;
	[tilespmem:$0x16180] =	vst v63  }
0x24a: {  	s5 =	simm.s32 $0xE80  }
0x24b: {  	[tilespmem:s20], [sflag:$0x1] =	stream.indirect.gather [hbm4b:s3+s17], $0x10, s5, s17, $0xb8;
	[tilespmem:$0x16180] =	vst v63  }
0x24c: {  	s7 =	simm.s32 $0x1E80  }
0x24d: {  	[tilespmem:s22], [sflag:$0x2] =	stream.indirect.gather [hbm4b:s3+s17], $0x10, s7, s17, $0xb8;
	[tilespmem:$0x16180] =	vst v63  }
0x24e: {  	s9 =	simm.s32 $0xF00  }
0x24f: {  	[tilespmem:s24], [sflag:$0x1] =	stream.indirect.gather [hbm4b:s3+s17], $0x10, s9, s17, $0xb8;
	[tilespmem:$0x16180] =	vst v63  }
0x250: {  	s5 =	simm.s32 $0x1F00  }
0x251: {  	[tilespmem:s26], [sflag:$0x2] =	stream.indirect.gather [hbm4b:s3+s17], $0x10, s5, s17, $0xb8;
	[tilespmem:$0x16180] =	vst v63  }
0x252: {  	s7 =	simm.s32 $0xF80  }
0x253: {  	[tilespmem:s29], [sflag:$0x1] =	stream.indirect.gather [hbm4b:s3+s17], $0x10, s7, s17, $0xb8;
	[tilespmem:$0x16180] =	vst v63  }
0x254: {  	s9 =	simm.s32 $0x1F80  }
0x255: {  	[tilespmem:s31], [sflag:$0x2] =	stream.indirect.gather [hbm4b:s3+s17], $0x10, s9, s17, $0xb8;
	[tilespmem:$0x16180] =	vst v63  }
0x256: {  	_ =	swait.ge [sflag:s0], $0x800  }
0x257: {  	[sflag:s0] =	ssyncset.done $0x0  }
0x258: {  	[sflag:s0] =	ssyncadd.s32 $0xFFFFF800  }
0x259: {  	_ =	swait.ge [sflag:s1], $0x800  }
0x25a: {  	[sflag:s1] =	ssyncset.done $0x0  }
0x25b: {  	[sflag:s1] =	ssyncadd.s32 $0xFFFFF800  }
0x25c: {  	_ =	swait.ge [sflag:s0], $0x800  }
0x25d: {  	[sflag:s0] =	ssyncset.done $0x0  }
0x25e: {  	[sflag:s0] =	ssyncadd.s32 $0xFFFFF800  }
0x25f: {  	_ =	swait.ge [sflag:s1], $0x800  }
0x260: {  	[sflag:s1] =	ssyncset.done $0x0  }
0x261: {  	[sflag:s1] =	ssyncadd.s32 $0xFFFFF800  }
0x262: {  	_ =	swait.ge [sflag:s0], $0x800  }
0x263: {  	[sflag:s0] =	ssyncset.done $0x0  }
0x264: {  	[sflag:s0] =	ssyncadd.s32 $0xFFFFF800  }
0x265: {  	_ =	swait.ge [sflag:s1], $0x800  }
0x266: {  	[sflag:s1] =	ssyncset.done $0x0  }
0x267: {  	[sflag:s1] =	ssyncadd.s32 $0xFFFFF800  }
0x268: {  	_ =	swait.ge [sflag:s0], $0x800  }
0x269: {  	[sflag:s0] =	ssyncset.done $0x0  }
0x26a: {  	[sflag:s0] =	ssyncadd.s32 $0xFFFFF800  }
0x26b: {  	_ =	swait.ge [sflag:s1], $0x800  }
0x26c: {  	[sflag:s1] =	ssyncset.done $0x0  }
0x26d: {  	s9 =	simm.s32 $0x2040;
	[sflag:s1] =	ssyncadd.s32 $0xFFFFF800  }
0x26e: {  	s4 =	simm.s32 $0x4040;
	v2 =	vld [tilespmem:s9+$0x30]  }
0x26f: {  	v3 =	vld [tilespmem:s4+$0x30]  }
0x270: {  	v1 =	vld [tilespmem:s4+$0xFFFFFFC0]  }
0x271: {  	v4 =	vld [tilespmem:s9+$0xFFFFFFD0]  }
0x272: {  	v5 =	vld [tilespmem:s4+$0xFFFFFFD0]  }
0x273: {  	v6 =	vld [tilespmem:s9+$0xFFFFFFE0]  }
0x274: {  	v7 =	vld [tilespmem:s4+$0xFFFFFFE0]  }
0x275: {  	v8 =	vld [tilespmem:s9+$0xFFFFFFF0]  }
0x276: {  	v9 =	vld [tilespmem:s4+$0xFFFFFFF0]  }
0x277: {  	v10 =	vld [tilespmem:s9+$0x0]  }
0x278: {  	v11 =	vld [tilespmem:s4+$0x0];
	v3 =	vmul.f32 v3, v2  }
0x279: {  	s5 =	simm.s32 $0x6270;
	v5 =	vmul.f32 v5, v4;
	v2 =	vld [tilespmem:s9+$0x10]  }
0x27a: {  	v6 =	vmul.f32 v7, v6;
	v4 =	vld [tilespmem:s4+$0x10];
	[tilespmem:s5+$0x180] =	vst v3  }
0x27b: {  	v7 =	vmul.f32 v9, v8;
	[tilespmem:s5+$0xFFFFFE80] =	vst v5;
	v3 =	vld [tilespmem:s9+$0x20]  }
0x27c: {  	[tilespmem:s5+$0xFFFFFF00] =	vst v6;
	v6 =	vld [tilespmem:s4+$0x20]  }
0x27d: {  	s7 =	simm.s32 $0x0;
	v5 =	vld [tilespmem:s9+$0xFFFFFFC0];
	[tilespmem:s5+$0xFFFFFF80] =	vst v7;
	v7 =	vmul.f32 v11, v10;
	s9 =	simm.s32 $0x20C0  }
.LBB2_18:
0x27e: {  	v8 =	vld [tilespmem:s9+$0x30];
	s4 =	sadd.s32 $0x80, s4  }
0x27f: {  	s7 =	sadd.s32 $0x8, s7;
	v9 =	vld [tilespmem:s4+$0x30];
	[tilespmem:s5+$0x0] =	vst v7;
	v2 =	vmul.f32 v4, v2  }
0x280: {  	p0 =	slt.u32 s7, $0x1F8;
	v4 =	vld [tilespmem:s4+$0xFFFFFFC0]  }
0x281: {  	v7 =	vld [tilespmem:s9+$0xFFFFFFD0];
	[tilespmem:s5+$0x80] =	vst v2;
	v2 =	vmul.f32 v6, v3  }
0x282: {  	v3 =	vld [tilespmem:s4+$0xFFFFFFD0];
	v10 =	vmul.f32 v1, v5  }
0x283: {  	v5 =	vld [tilespmem:s9+$0xFFFFFFE0];
	[tilespmem:s5+$0x100] =	vst v2  }
0x284: {  	v2 =	vld [tilespmem:s4+$0xFFFFFFE0];
	v6 =	vmul.f32 v9, v8;
	[tilespmem:s5+$0xFFFFFE00] =	vst v10  }
0x285: {  	s5 =	sadd.s32 $0x400, s5;
	v8 =	vld [tilespmem:s9+$0xFFFFFFF0];
	v1 =	vmov v4  }
0x286: {  	v9 =	vld [tilespmem:s4+$0xFFFFFFF0];
	[tilespmem:s5+$0x180] =	vst v6  }
0x287: {  	v3 =	vmul.f32 v3, v7;
	v7 =	vld [tilespmem:s9+$0x0]  }
0x288: {  	v10 =	vld [tilespmem:s4+$0x0]  }
.Ltmp10:
0x289: {  	[tilespmem:s5+$0xFFFFFE80] =	vst v3;
	v3 =	vmul.f32 v2, v5;
	v2 =	vld [tilespmem:s9+$0x10];
	(pc) =	sbr.rel @p0 .LBB2_18-.Ltmp10, $4  }
0x28a: {  	v4 =	vld [tilespmem:s4+$0x10]  }
0x28b: {  	[tilespmem:s5+$0xFFFFFF00] =	vst v3;
	v8 =	vmul.f32 v9, v8;
	v3 =	vld [tilespmem:s9+$0x20]  }
0x28c: {  	v6 =	vld [tilespmem:s4+$0x20]  }
0x28d: {  	v5 =	vld [tilespmem:s9+$0xFFFFFFC0];
	[tilespmem:s5+$0xFFFFFF80] =	vst v8;
	v7 =	vmul.f32 v10, v7;
	s9 =	sadd.s32 $0x80, s9  }
0x28e: {  	_ =	sdelay $0x1  }
0x28f: {  	v2 =	vmul.f32 v4, v2  }
0x290: {  	[tilespmem:s5+$0x0] =	vst v7;
	v3 =	vmul.f32 v6, v3  }
0x291: {  	[tilespmem:s5+$0x80] =	vst v2;
	v1 =	vmul.f32 v1, v5  }
0x292: {  	s4 =	sshll.u32 s12, $0xA;
	[tilespmem:s5+$0x100] =	vst v3  }
0x293: {  	s4 =	sor.u32 s10, s4;
	[tilespmem:s5+$0xFFFFFE00] =	vst v1  }
0x294: {  	s12 =	simm.s32 $0xA400;
	s4 =	sshrl.u32 s4, $0x3;
	s5 =	rddreg [dreg:$0x5]  }
.Ltmp11:
0x295: {  	s7 =	simm.s32 $0x6000;
	s4 =	sadd.s32 s5, s4;
	(pc) =	sbr.rel .LBB2_20-.Ltmp11, $4  }
0x296: {  	[hbm4b:s4+s11] =	stream.strided.scatter [tilespmem:s7], [sflag:$0x4], $0x10000, s12, s11, $0x38;
	[tilespmem:$0x16180] =	vst v63  }
0x297: {  	_ =	swait.ge [sflag:s21], $0x10000  }
0x298: {  	[sflag:s21] =	ssyncset.done $0x0  }
0x299: {  	[sflag:s21] =	ssyncadd.s32 $0xFFFF0000  }
.LBB2_21:
0x29a: {  	[tilespmem:$0x16100] =	vst v0  }
0x29b: {  	[tilespmem:$0x16110] =	vst v0  }
0x29c: {  	[tilespmem:$0x16120] =	vst v0  }
0x29d: {  	[tilespmem:$0x16130] =	vst v0  }
0x29e: {  	[tilespmem:$0x16140] =	vst v0  }
0x29f: {  	[tilespmem:$0x16150] =	vst v0  }
0x2a0: {  	[tilespmem:$0x16160] =	vst v0  }
0x2a1: {  	[tilespmem:$0x16170] =	vst v0;
	s4 =	sadd.s32 $0x0, s13  }
0x2a2: {  	[tilespmem:s23], [sflag:$0x4] =	stream.linear.gather [hbm4b:s4+s2], $0x80, $0x38;
	[tilespmem:$0x16180] =	vst v63  }
0x2a3: {  	_ =	swait.ge [sflag:s21], $0x80  }
0x2a4: {  	[sflag:s21] =	ssyncset.done $0x0  }
0x2a5: {  	[sflag:s21] =	ssyncadd.s32 $0xFFFFFF80  }
0x2a6: {  	[tilespmem:s25], [sflag:$0x3] =	stream.indirect.gather [hbm4b:s6+s17], $0x1, s23, s17, $0xb8;
	[tilespmem:$0x16180] =	vst v63  }
0x2a7: {  	_ =	swait.ge [sflag:s28], $0x80  }
0x2a8: {  	[sflag:s28] =	ssyncset.done $0x0  }
0x2a9: {  	[sflag:s28] =	ssyncadd.s32 $0xFFFFFF80  }
0x2aa: {  	v4 =	vld [tilespmem:$0x160F0]  }
0x2ab: {  	v3 =	vld [tilespmem:$0x160E0]  }
0x2ac: {  	v1 =	vld [tilespmem:$0x160D0]  }
0x2ad: {  	v6 =	vld [tilespmem:$0x160B0]  }
0x2ae: {  	v5 =	vld [tilespmem:$0x160A0]  }
0x2af: {  	s4 =	simm.s32 $0x200;
	v2 =	vld [tilespmem:$0x160C0]  }
.LBB2_22:
0x2b0: {  	p0 =	sne.s32 s4, $0x3200;
	v7 =	vld [tilespmem:$0x16090];
	s5 =	smov.u32 s4;
	s4 =	sadd.s32 $0x200, s4  }
0x2b1: {  	v8 =	vld [tilespmem:$0x16080]  }
0x2b2: {  	v9 =	vld [tilespmem:$0x16130]  }
0x2b3: {  	v10 =	vld [tilespmem:$0x16120]  }
0x2b4: {  	v11 =	vld [tilespmem:$0x16170]  }
0x2b5: {  	v12 =	vld [tilespmem:$0x16110]  }
0x2b6: {  	v13 =	vld [tilespmem:$0x16160]  }
0x2b7: {  	v6 =	vadd.f32 v6, v9;
	v9 =	vld [tilespmem:$0x16150]  }
0x2b8: {  	v14 =	vld [tilespmem:$0x16100];
	v5 =	vadd.f32 v5, v10  }
0x2b9: {  	[tilespmem:$0x16130] =	vst v6;
	v6 =	vld [tilespmem:$0x16140];
	v4 =	vadd.f32 v4, v11  }
0x2ba: {  	v7 =	vadd.f32 v7, v12;
	[tilespmem:$0x16120] =	vst v5  }
0x2bb: {  	v3 =	vadd.f32 v3, v13;
	[tilespmem:$0x16170] =	vst v4  }
0x2bc: {  	[tilespmem:$0x16110] =	vst v7;
	v1 =	vadd.f32 v1, v9  }
0x2bd: {  	v4 =	vadd.f32 v8, v14;
	[tilespmem:$0x16160] =	vst v3  }
0x2be: {  	v2 =	vadd.f32 v2, v6;
	[tilespmem:$0x16150] =	vst v1  }
0x2bf: {  	s5 =	sadd.s32 s5, s13;
	[tilespmem:$0x16100] =	vst v4  }
0x2c0: {  	[tilespmem:$0x16140] =	vst v2  }
0x2c1: {  	[tilespmem:s23], [sflag:$0x4] =	stream.linear.gather [hbm4b:s5+s2], $0x80, $0x38;
	[tilespmem:$0x16180] =	vst v63  }
0x2c2: {  	_ =	swait.ge [sflag:s21], $0x80  }
0x2c3: {  	[sflag:s21] =	ssyncset.done $0x0  }
0x2c4: {  	[sflag:s21] =	ssyncadd.s32 $0xFFFFFF80  }
0x2c5: {  	[tilespmem:s25], [sflag:$0x3] =	stream.indirect.gather [hbm4b:s6+s17], $0x1, s23, s17, $0xb8;
	[tilespmem:$0x16180] =	vst v63  }
0x2c6: {  	_ =	swait.ge [sflag:s28], $0x80  }
0x2c7: {  	[sflag:s28] =	ssyncset.done $0x0  }
0x2c8: {  	[sflag:s28] =	ssyncadd.s32 $0xFFFFFF80  }
0x2c9: {  	v4 =	vld [tilespmem:$0x160F0]  }
.Ltmp12:
0x2ca: {  	v3 =	vld [tilespmem:$0x160E0];
	(pc) =	sbr.rel @p0 .LBB2_22-.Ltmp12, $4  }
0x2cb: {  	v1 =	vld [tilespmem:$0x160D0]  }
0x2cc: {  	v6 =	vld [tilespmem:$0x160B0]  }
0x2cd: {  	v5 =	vld [tilespmem:$0x160A0]  }
0x2ce: {  	v2 =	vld [tilespmem:$0x160C0]  }
0x2cf: {  	v7 =	vld [tilespmem:$0x16090]  }
0x2d0: {  	v8 =	vld [tilespmem:$0x16080]  }
0x2d1: {  	v9 =	vld [tilespmem:$0x16130]  }
0x2d2: {  	v10 =	vld [tilespmem:$0x16120]  }
0x2d3: {  	v11 =	vld [tilespmem:$0x16170]  }
0x2d4: {  	v12 =	vld [tilespmem:$0x16110]  }
0x2d5: {  	v13 =	vld [tilespmem:$0x16160]  }
0x2d6: {  	v61 =	vld [tilespmem:$0x16150];
	v6 =	vadd.f32 v6, v9  }
0x2d7: {  	v14 =	vld [tilespmem:$0x16100];
	v5 =	vadd.f32 v5, v10  }
0x2d8: {  	v62 =	vld [tilespmem:$0x16140];
	v4 =	vadd.f32 v4, v11;
	[tilespmem:$0x16130] =	vst v6  }
0x2d9: {  	v7 =	vadd.f32 v7, v12;
	[tilespmem:$0x16120] =	vst v5  }
0x2da: {  	v3 =	vadd.f32 v3, v13;
	[tilespmem:$0x16170] =	vst v4  }
0x2db: {  	v1 =	vadd.f32 v1, v61;
	[tilespmem:$0x16110] =	vst v7  }
0x2dc: {  	v63 =	vadd.f32 v8, v14;
	[tilespmem:$0x16160] =	vst v3  }
0x2dd: {  	v2 =	vadd.f32 v2, v62;
	[tilespmem:$0x16150] =	vst v1  }
0x2de: {  	[tilespmem:$0x16100] =	vst v63  }
0x2df: {  	s4 =	rddreg [dreg:$0x7];
	s5 =	simm.s32 $0x16100;
	[tilespmem:$0x16140] =	vst v2  }
0x2e0: {  	[hbm4b:s4+s2] =	stream.linear.scatter [tilespmem:s5], [sflag:$0x4], $0x80, $0x38;
	[tilespmem:$0x16180] =	vst v63  }
0x2e1: {  	_ =	swait.ge [sflag:s21], $0x80  }
0x2e2: {  	s12 =	rddreg [dreg:$0x9]  }
0x2e3: {  	s30 =	rddreg [dreg:$0x8];
	s5 =	sadd.s32 $0x1, s12  }
0x2e4: {  	p0 =	sne.s32 s5, s30  }
.Ltmp13:
0x2e5: {  	_ = 	snop;
	(pc) =	sbr.rel @p0 .LBB2_1-.Ltmp13, $3  }
0x2e6: {  	_ =	sdelay $0x1  }
0x2e7: {  	[sflag:s21] =	ssyncset.done $0x0  }
0x2e8: {  	[sflag:s21] =	ssyncadd.s32 $0xFFFFFF80  }
0x2e9: {  	_ =	sfence.sel $0x180000  }
0x2ea: {  	[bflag:$0x0] =	sbarrier.arrive $0xFFFF  }
0x2eb: {  	_ =	strace $0x90000047  }
0x2ec: {  	s0 =	stileid.u32;
	[bflag:$0x2] =	sbarrier.arrive $0xFFFF  }
0x2ed: {  	p0 =	sne.s32 s0, $0x0;
	s0 =	rddreg [dreg:$0x2]  }
0x2ee: {  	s0 =	sadd.s32 @!p0 $0x100000, s0  }
0x2ef: {  	[sflag:s0] =	ssyncadd.tile.s32 @!p0 $0x1;
	_ =	shalt  }
.Lfunc_end2:
_tile_overlayer_lowered:
.L_overlay_start_2:
0x2f0: {  	(tag) =	ssettag $0x2  }
0x2f1: {  	s0 =	rddreg [dreg:$0x0];
	s2 =	stileid.u32  }
0x2f2: {  	s1 =	rddreg [dreg:$0x1];
	p0 =	sne.s32 s2, $0x0  }
0x2f3: {  	s3 =	rddreg [dreg:$0x2];
	[bflag:$0x3] =	sbarrier.arrive $0xFFFF;
	s2 =	simm.s32 @!p0 $0x1C04  }
0x2f4: {  	[timem:s3], [sflag:s2] =	dma.local @!p0 [hbm:s0], s1  }
0x2f5: {  	s0 =	simm.s32 @!p0 $0x4  }
0x2f6: {  	_ =	swait.ge @!p0 [sflag:s0], s1  }
0x2f7: {  	s1 =	ssub.s32 @!p0 $0x0, s1;
	[sflag:s0] =	ssyncset.done @!p0 $0x0  }
0x2f8: {  	[sflag:s0] =	ssyncadd.s32 @!p0 s1  }
0x2f9: {  	[bflag:$0x3] =	sbarrier.arrive $0xFFFF  }
0x2fa: {  	_ =	shalt  }

</sc_bundles>
